<compile_context>
chip_gen: v7x
topology: tpu7x:2x2x1
jax: 0.10.2.dev20260603
libtpu: 0.0.44.dev20260713+nightly
codegen_flags: <defaults>
</compile_context>

<pallas_src>
import functools
import math

import numpy as np
import jax
import jax.numpy as jnp
from jax import lax
from jax.experimental import pallas as pl
from jax.experimental.pallas import tpu as pltpu
from jax.experimental.pallas import tpu_sc as plsc

_VSZ = 1000000
_DSZ = 64
_B = 1024
_T = 200
_ROWS = _B * _T
_NW = 32
_PER_W = _ROWS // _NW
_CHUNK = 128
_NCHUNK = _PER_W // _CHUNK
_SCALE = math.sqrt(_DSZ)
_PEROWS = 320


def _build_pe_pairs() -> np.ndarray:
    log_timescale_increment = math.log(10000.0) / float(_DSZ)
    inv_timescales = np.exp(
        np.arange(0, _DSZ, 2, dtype=np.float32) * -log_timescale_increment)
    pe = np.zeros((_T, _DSZ), dtype=np.float32)
    position = np.arange(0, _T, dtype=np.float32)[:, None]
    pe[:, 0::2] = np.sin(position * inv_timescales)
    pe[:, 1::2] = np.cos(position * inv_timescales)
    big = pe[np.arange(_PEROWS) % _T]
    return big.reshape(_PEROWS // 2, 2 * _DSZ)


_PE_PAIRS = _build_pe_pairs()

_mesh = plsc.VectorSubcoreMesh(core_axis_name="c", subcore_axis_name="s")


@functools.partial(
    pl.kernel,
    mesh=_mesh,
    compiler_params=pltpu.CompilerParams(use_tc_tiling_on_sc=True),
    out_type=jax.ShapeDtypeStruct((_ROWS, _DSZ), jnp.float32),
    scratch_types=[
        pltpu.VMEM((_NCHUNK, 128), jnp.int32),
        pltpu.VMEM((_NCHUNK, 128), jnp.int32),
        pltpu.VMEM((_CHUNK, 128), jnp.float32),
        pltpu.VMEM((_CHUNK, 128), jnp.float32),
        pltpu.VMEM((_CHUNK, _DSZ), jnp.float32),
        pltpu.VMEM((_CHUNK, _DSZ), jnp.float32),
        pltpu.VMEM((_PEROWS // 2, 2 * _DSZ), jnp.float32),
        pltpu.SemaphoreType.DMA,
        pltpu.SemaphoreType.DMA,
        pltpu.SemaphoreType.DMA,
        pltpu.SemaphoreType.DMA,
    ],
)
def _sc_embed(w_hbm, idx_hbm, idxp_hbm, pe_hbm, out_hbm, idx_v, idxp_v,
              rows_a, rows_b, out_a, out_b, pe_v, sem_ga, sem_gb, sem_wa,
              sem_wb):
    wid = lax.axis_index("s") * 2 + lax.axis_index("c")
    pltpu.sync_copy(pe_hbm, pe_v)
    pltpu.sync_copy(idx_hbm.at[wid], idx_v)
    pltpu.sync_copy(idxp_hbm.at[wid], idxp_v)

    def gstart(c, slot, buf, sem):
        pltpu.async_copy(w_hbm.at[idxp_v.at[c]], buf, sem)

    def gwait(buf, sem):
        pltpu.make_async_copy(w_hbm.at[idxp_v.at[0]], buf, sem).wait()

    def wstart(c, buf, sem):
        base = pl.multiple_of(wid * _PER_W + c * _CHUNK, _CHUNK)
        pltpu.async_copy(buf, out_hbm.at[pl.ds(base, _CHUNK)], sem)

    def wwait(buf, sem):
        pltpu.make_async_copy(buf, out_hbm.at[pl.ds(0, _CHUNK)], sem).wait()

    def compute(c, rows_v, out_v):
        base = wid * _PER_W + c * _CHUNK
        off0 = base % _T

        def grp_body(g, carry):
            iv = idx_v[c, pl.ds(g * 16, 16)]
            sv = jnp.where(iv == 0, 0.0, _SCALE).astype(jnp.float32)
            hv = (iv & 1) * _DSZ
            for rl in range(16):
                r = g * 16 + rl
                s_r = sv[rl]
                h_r = hv[rl]
                half = (rl % 2) * _DSZ
                pj = (off0 + r) // 2
                for q in range(_DSZ // 16):
                    out_v[r, pl.ds(q * 16, 16)] = (
                        rows_v[r, pl.ds(h_r + q * 16, 16)] * s_r
                        + pe_v[pj, pl.ds(half + q * 16, 16)]
                    )
            return carry

        lax.fori_loop(0, _CHUNK // 16, grp_body, 0)

    gstart(0, 0, rows_a, sem_ga)

    def body(k, carry):
        c0 = 2 * k
        c1 = 2 * k + 1
        gstart(c1, 1, rows_b, sem_gb)
        gwait(rows_a, sem_ga)

        @pl.when(k > 0)
        def _():
            wwait(out_a, sem_wa)

        compute(c0, rows_a, out_a)
        wstart(c0, out_a, sem_wa)

        @pl.when(k < _NCHUNK // 2 - 1)
        def _():
            gstart(c0 + 2, 0, rows_a, sem_ga)

        gwait(rows_b, sem_gb)

        @pl.when(k > 0)
        def _():
            wwait(out_b, sem_wb)

        compute(c1, rows_b, out_b)
        wstart(c1, out_b, sem_wb)
        return carry

    lax.fori_loop(0, _NCHUNK // 2, body, 0)
    wwait(out_a, sem_wa)
    wwait(out_b, sem_wb)


def kernel(x, W):
    B, T = x.shape
    assert (B, T) == (_B, _T) and W.shape == (_VSZ, _DSZ)
    xf = x.reshape(_NW, _NCHUNK, 128).astype(jnp.int32)
    xp = lax.shift_right_logical(xf, 1)
    w2 = W.astype(jnp.float32).reshape(_VSZ // 2, 2 * _DSZ)
    out = _sc_embed(w2, xf, xp, jnp.asarray(_PE_PAIRS))
    return out.reshape(B, T, _DSZ)

# --- scband reference (transcript-rebuilt; emitter-appended) ---
"""Pipeline reference for scband-positional-lookup-table-embeddings-2078764172172 (READ-ONLY COPY).

The authoritative reference and input builder live on the scoring server;
editing this copy changes nothing except your own understanding.
"""

import math
import jax, jax.numpy as jnp
import numpy as np

VSZ = 1000000
DSZ = 64
MXLEN = 10000
MAX_TIMESCALE = 10000.0
PAD = 0  # Offsets.PAD in baseline


def _build_pe(mxlen=MXLEN, dsz=DSZ, max_timescale=MAX_TIMESCALE):
    log_timescale_increment = math.log(max_timescale) / float(dsz)
    inv_timescales = np.exp(np.arange(0, dsz, 2, dtype=np.float32) * -log_timescale_increment)
    pe = np.zeros((mxlen, dsz), dtype=np.float32)
    position = np.expand_dims(np.arange(0, mxlen, dtype=np.float32), 1)
    pe[:, 0::2] = np.sin(position * inv_timescales)
    pe[:, 1::2] = np.cos(position * inv_timescales)
    return jnp.asarray(pe)[None, :, :]  # [1, mxlen, dsz]


def setup_inputs(seed: int = 0) -> dict:
    key = jax.random.key(seed)
    k_x, k_w = jax.random.split(key)
    x = jax.random.randint(k_x, (1024, 200), 0, VSZ, dtype=jnp.int64 if jax.config.jax_enable_x64 else jnp.int32)
    # embedding table initialized uniform(-0.1, 0.1) as in the module
    W = jax.random.uniform(k_w, (VSZ, DSZ), dtype=jnp.float32, minval=-0.1, maxval=0.1)
    return {"x": x, "W": W}


def reference(x, W):
    # LookupTableEmbeddings.encode: zero out the PAD row, then embedding lookup
    W0 = W.at[PAD].set(jnp.zeros((DSZ,), dtype=W.dtype))
    word_embeddings = jnp.take(W0, x, axis=0)  # [B, T, dsz]
    # PositionalLookupTableEmbeddings.encode: scale then add sinusoidal positional encoding
    scale = jnp.asarray(math.sqrt(DSZ), dtype=W.dtype)
    xe = word_embeddings * scale
    T = x.shape[1]
    pe = _build_pe()  # [1, mxlen, dsz]
    pos = pe[:, :T]
    # dropout rate 0.0 / eval mode -> identity
    return xe + pos

if __name__ == "__main__":
    import jax
    _d = setup_inputs()
    print(jax.jit(kernel)(*tuple(_d.values())))

</pallas_src>

<mosaic_0001>
#map = affine_map<(d0, d1) -> (0, 0)>
#map1 = affine_map<(d0, d1) -> (0, 0, 0)>
module attributes {stable_mosaic.version = 14 : i64} {
  func.func @_sc_embed(%arg0: i32, %arg1: i32, %arg2: memref<500000x128xf32, #tpu.memory_space<hbm>>, %arg3: memref<32x50x128xi32, #tpu.memory_space<hbm>>, %arg4: memref<32x50x128xi32, #tpu.memory_space<hbm>>, %arg5: memref<160x128xf32, #tpu.memory_space<hbm>>, %arg6: memref<204800x64xf32, #tpu.memory_space<hbm>>, %arg7: memref<50x128xi32, #tpu.memory_space<vmem>>, %arg8: memref<50x128xi32, #tpu.memory_space<vmem>>, %arg9: memref<128x128xf32, #tpu.memory_space<vmem>>, %arg10: memref<128x128xf32, #tpu.memory_space<vmem>>, %arg11: memref<128x64xf32, #tpu.memory_space<vmem>>, %arg12: memref<128x64xf32, #tpu.memory_space<vmem>>, %arg13: memref<160x128xf32, #tpu.memory_space<vmem>>, %arg14: memref<!tpu.dma_semaphore, #tpu.memory_space<semaphore_mem>>, %arg15: memref<!tpu.dma_semaphore, #tpu.memory_space<semaphore_mem>>, %arg16: memref<!tpu.dma_semaphore, #tpu.memory_space<semaphore_mem>>, %arg17: memref<!tpu.dma_semaphore, #tpu.memory_space<semaphore_mem>>) attributes {dimension_semantics = [#tpu.dimension_semantics<core_parallel>, #tpu.dimension_semantics<subcore_parallel>], iteration_bounds = array<i64: 2, 16>, scalar_prefetch = 0 : i64, scratch_operands = 11 : i64, tpu.core_type = #tpu.core_type<sc_vector_subcore>, window_params = [{transform_indices = #map}, {transform_indices = #map1}, {transform_indices = #map1}, {transform_indices = #map}, {transform_indices = #map}]} {
    %mul3A = arith.constant 2 : i32
    %mul3A_0 = arith.muli %arg1, %mul3A : i32
    %add3A = arith.addi %mul3A_0, %arg0 : i32
    "tpu.region"() ({
      %run_scoped3A = tpu.sem_alloc : memref<!tpu.dma_semaphore, #tpu.memory_space<semaphore_mem>>
      tpu.enqueue_dma source(%arg5 : memref<160x128xf32, #tpu.memory_space<hbm>>) target(%arg13 : memref<160x128xf32, #tpu.memory_space<vmem>>) target_semaphore(%run_scoped3A : memref<!tpu.dma_semaphore, #tpu.memory_space<semaphore_mem>>)
      tpu.wait_dma2 semaphore(%run_scoped3A : memref<!tpu.dma_semaphore, #tpu.memory_space<semaphore_mem>>) src(%arg5 : memref<160x128xf32, #tpu.memory_space<hbm>>) dst(%arg13 : memref<160x128xf32, #tpu.memory_space<vmem>>)
      tpu.yield
    }) : () -> ()
    "tpu.region"() ({
      %run_scoped3A = tpu.sem_alloc : memref<!tpu.dma_semaphore, #tpu.memory_space<semaphore_mem>>
      %dma_start3A_23 = arith.constant 0 : i32
      %dma_start3A_24 = arith.constant 0 : i32
      %dma_start3A_25 = tpu.memref_slice %arg3[%add3A, %dma_start3A_23, %dma_start3A_24] : memref<32x50x128xi32, #tpu.memory_space<hbm>> -> memref<1x50x128xi32, #tpu.memory_space<hbm>>
      %dma_start3A_26 = tpu.memref_squeeze %dma_start3A_25 : memref<1x50x128xi32, #tpu.memory_space<hbm>> -> memref<50x128xi32, #tpu.memory_space<hbm>>
      %dma_start3A_27 = arith.constant 0 : i32
      %dma_start3A_28 = arith.constant 0 : i32
      %dma_start3A_29 = tpu.memref_slice %arg3[%add3A, %dma_start3A_27, %dma_start3A_28] : memref<32x50x128xi32, #tpu.memory_space<hbm>> -> memref<1x50x128xi32, #tpu.memory_space<hbm>>
      %dma_start3A_30 = tpu.memref_squeeze %dma_start3A_29 : memref<1x50x128xi32, #tpu.memory_space<hbm>> -> memref<50x128xi32, #tpu.memory_space<hbm>>
      tpu.enqueue_dma source(%dma_start3A_30 : memref<50x128xi32, #tpu.memory_space<hbm>>) target(%arg7 : memref<50x128xi32, #tpu.memory_space<vmem>>) target_semaphore(%run_scoped3A : memref<!tpu.dma_semaphore, #tpu.memory_space<semaphore_mem>>)
      %dma_wait3A_31 = arith.constant 0 : i32
      %dma_wait3A_32 = arith.constant 0 : i32
      %dma_wait3A_33 = tpu.memref_slice %arg3[%add3A, %dma_wait3A_31, %dma_wait3A_32] : memref<32x50x128xi32, #tpu.memory_space<hbm>> -> memref<1x50x128xi32, #tpu.memory_space<hbm>>
      %dma_wait3A_34 = tpu.memref_squeeze %dma_wait3A_33 : memref<1x50x128xi32, #tpu.memory_space<hbm>> -> memref<50x128xi32, #tpu.memory_space<hbm>>
      %dma_wait3A_35 = arith.constant 0 : i32
      %dma_wait3A_36 = arith.constant 0 : i32
      %dma_wait3A_37 = tpu.memref_slice %arg3[%add3A, %dma_wait3A_35, %dma_wait3A_36] : memref<32x50x128xi32, #tpu.memory_space<hbm>> -> memref<1x50x128xi32, #tpu.memory_space<hbm>>
      %dma_wait3A_38 = tpu.memref_squeeze %dma_wait3A_37 : memref<1x50x128xi32, #tpu.memory_space<hbm>> -> memref<50x128xi32, #tpu.memory_space<hbm>>
      tpu.wait_dma2 semaphore(%run_scoped3A : memref<!tpu.dma_semaphore, #tpu.memory_space<semaphore_mem>>) src(%dma_wait3A_38 : memref<50x128xi32, #tpu.memory_space<hbm>>) dst(%arg7 : memref<50x128xi32, #tpu.memory_space<vmem>>)
      tpu.yield
    }) : () -> ()
    "tpu.region"() ({
      %run_scoped3A = tpu.sem_alloc : memref<!tpu.dma_semaphore, #tpu.memory_space<semaphore_mem>>
      %dma_start3A_23 = arith.constant 0 : i32
      %dma_start3A_24 = arith.constant 0 : i32
      %dma_start3A_25 = tpu.memref_slice %arg4[%add3A, %dma_start3A_23, %dma_start3A_24] : memref<32x50x128xi32, #tpu.memory_space<hbm>> -> memref<1x50x128xi32, #tpu.memory_space<hbm>>
      %dma_start3A_26 = tpu.memref_squeeze %dma_start3A_25 : memref<1x50x128xi32, #tpu.memory_space<hbm>> -> memref<50x128xi32, #tpu.memory_space<hbm>>
      %dma_start3A_27 = arith.constant 0 : i32
      %dma_start3A_28 = arith.constant 0 : i32
      %dma_start3A_29 = tpu.memref_slice %arg4[%add3A, %dma_start3A_27, %dma_start3A_28] : memref<32x50x128xi32, #tpu.memory_space<hbm>> -> memref<1x50x128xi32, #tpu.memory_space<hbm>>
      %dma_start3A_30 = tpu.memref_squeeze %dma_start3A_29 : memref<1x50x128xi32, #tpu.memory_space<hbm>> -> memref<50x128xi32, #tpu.memory_space<hbm>>
      tpu.enqueue_dma source(%dma_start3A_30 : memref<50x128xi32, #tpu.memory_space<hbm>>) target(%arg8 : memref<50x128xi32, #tpu.memory_space<vmem>>) target_semaphore(%run_scoped3A : memref<!tpu.dma_semaphore, #tpu.memory_space<semaphore_mem>>)
      %dma_wait3A_31 = arith.constant 0 : i32
      %dma_wait3A_32 = arith.constant 0 : i32
      %dma_wait3A_33 = tpu.memref_slice %arg4[%add3A, %dma_wait3A_31, %dma_wait3A_32] : memref<32x50x128xi32, #tpu.memory_space<hbm>> -> memref<1x50x128xi32, #tpu.memory_space<hbm>>
      %dma_wait3A_34 = tpu.memref_squeeze %dma_wait3A_33 : memref<1x50x128xi32, #tpu.memory_space<hbm>> -> memref<50x128xi32, #tpu.memory_space<hbm>>
      %dma_wait3A_35 = arith.constant 0 : i32
      %dma_wait3A_36 = arith.constant 0 : i32
      %dma_wait3A_37 = tpu.memref_slice %arg4[%add3A, %dma_wait3A_35, %dma_wait3A_36] : memref<32x50x128xi32, #tpu.memory_space<hbm>> -> memref<1x50x128xi32, #tpu.memory_space<hbm>>
      %dma_wait3A_38 = tpu.memref_squeeze %dma_wait3A_37 : memref<1x50x128xi32, #tpu.memory_space<hbm>> -> memref<50x128xi32, #tpu.memory_space<hbm>>
      tpu.wait_dma2 semaphore(%run_scoped3A : memref<!tpu.dma_semaphore, #tpu.memory_space<semaphore_mem>>) src(%dma_wait3A_38 : memref<50x128xi32, #tpu.memory_space<hbm>>) dst(%arg8 : memref<50x128xi32, #tpu.memory_space<vmem>>)
      tpu.yield
    }) : () -> ()
    %dma_start3A = arith.constant 0 : i32
    %dma_start3A_1 = arith.constant 0 : i32
    %dma_start3A_2 = tpu.memref_slice %arg8[%dma_start3A, %dma_start3A_1] : memref<50x128xi32, #tpu.memory_space<vmem>> -> memref<1x128xi32, #tpu.memory_space<vmem>>
    %dma_start3A_3 = tpu.memref_squeeze %dma_start3A_2 : memref<1x128xi32, #tpu.memory_space<vmem>> -> memref<128xi32, #tpu.memory_space<vmem>>
    %dma_start3A_4 = arith.constant 0 : i32
    %dma_start3A_5 = arith.constant 0 : i32
    %dma_start3A_6 = tpu.memref_slice %arg2[%dma_start3A_4, %dma_start3A_5] : memref<500000x128xf32, #tpu.memory_space<hbm>> -> memref<500000x128xf32, #tpu.memory_space<hbm>>
    tpu.enqueue_indirect_dma source(%dma_start3A_6 : memref<500000x128xf32, #tpu.memory_space<hbm>>) target(%arg9 : memref<128x128xf32, #tpu.memory_space<vmem>>) offsets(%dma_start3A_3 : memref<128xi32, #tpu.memory_space<vmem>>) semaphore(%arg14 : memref<!tpu.dma_semaphore, #tpu.memory_space<semaphore_mem>>)
    %scan3A = arith.constant 0 : i32
    %scan3A_7 = arith.constant 0 : i32
    %scan3A_8 = arith.constant 25 : i32
    %scan3A_9 = arith.addi %scan3A_7, %scan3A_8 : i32
    %scan3A_10 = arith.constant 1 : i32
    scf.for %scan3A_23 = %scan3A_7 to %scan3A_9 step %scan3A_10  : i32 {
      %mul3A_24 = arith.constant 2 : i32
      %mul3A_25 = arith.muli %mul3A_24, %scan3A_23 : i32
      %mul3A_26 = arith.constant 2 : i32
      %mul3A_27 = arith.muli %mul3A_26, %scan3A_23 : i32
      %add3A_28 = arith.constant 1 : i32
      %add3A_29 = arith.addi %mul3A_27, %add3A_28 : i32
      %dma_start3A_30 = arith.constant 0 : i32
      %dma_start3A_31 = tpu.memref_slice %arg8[%add3A_29, %dma_start3A_30] : memref<50x128xi32, #tpu.memory_space<vmem>> -> memref<1x128xi32, #tpu.memory_space<vmem>>
      %dma_start3A_32 = tpu.memref_squeeze %dma_start3A_31 : memref<1x128xi32, #tpu.memory_space<vmem>> -> memref<128xi32, #tpu.memory_space<vmem>>
      %dma_start3A_33 = arith.constant 0 : i32
      %dma_start3A_34 = arith.constant 0 : i32
      %dma_start3A_35 = tpu.memref_slice %arg2[%dma_start3A_33, %dma_start3A_34] : memref<500000x128xf32, #tpu.memory_space<hbm>> -> memref<500000x128xf32, #tpu.memory_space<hbm>>
      tpu.enqueue_indirect_dma source(%dma_start3A_35 : memref<500000x128xf32, #tpu.memory_space<hbm>>) target(%arg10 : memref<128x128xf32, #tpu.memory_space<vmem>>) offsets(%dma_start3A_32 : memref<128xi32, #tpu.memory_space<vmem>>) semaphore(%arg15 : memref<!tpu.dma_semaphore, #tpu.memory_space<semaphore_mem>>)
      %dma_wait3A_36 = arith.constant 0 : i32
      %dma_wait3A_37 = arith.constant 0 : i32
      %dma_wait3A_38 = tpu.memref_slice %arg8[%dma_wait3A_36, %dma_wait3A_37] : memref<50x128xi32, #tpu.memory_space<vmem>> -> memref<1x128xi32, #tpu.memory_space<vmem>>
      %dma_wait3A_39 = tpu.memref_squeeze %dma_wait3A_38 : memref<1x128xi32, #tpu.memory_space<vmem>> -> memref<128xi32, #tpu.memory_space<vmem>>
      %dma_wait3A_40 = arith.constant 0 : i32
      %dma_wait3A_41 = arith.constant 0 : i32
      %dma_wait3A_42 = tpu.memref_slice %arg2[%dma_wait3A_40, %dma_wait3A_41] : memref<500000x128xf32, #tpu.memory_space<hbm>> -> memref<500000x128xf32, #tpu.memory_space<hbm>>
      tpu.wait_indirect_dma semaphore(%arg14 : memref<!tpu.dma_semaphore, #tpu.memory_space<semaphore_mem>>) src(%dma_wait3A_42 : memref<500000x128xf32, #tpu.memory_space<hbm>>) dst(%arg9 : memref<128x128xf32, #tpu.memory_space<vmem>>)
      %gt3A = arith.constant 0 : i32
      %gt3A_43 = arith.cmpi sgt, %scan3A_23, %gt3A : i32
      %convert_element_type3A = arith.extui %gt3A_43 : i1 to i32
      %cond3A = arith.constant 0 : i32
      %cond3A_44 = arith.cmpi ne, %convert_element_type3A, %cond3A : i32
      scf.if %cond3A_44 {
        %dma_wait3A_128 = arith.constant 0 : i32
        %dma_wait3A_129 = arith.constant 0 : i32
        %dma_wait3A_130 = tpu.memref_slice %arg6[%dma_wait3A_128, %dma_wait3A_129] : memref<204800x64xf32, #tpu.memory_space<hbm>> -> memref<128x64xf32, #tpu.memory_space<hbm>>
        %dma_wait3A_131 = arith.constant 0 : i32
        %dma_wait3A_132 = arith.constant 0 : i32
        %dma_wait3A_133 = tpu.memref_slice %arg6[%dma_wait3A_131, %dma_wait3A_132] : memref<204800x64xf32, #tpu.memory_space<hbm>> -> memref<128x64xf32, #tpu.memory_space<hbm>>
        tpu.wait_dma2 semaphore(%arg16 : memref<!tpu.dma_semaphore, #tpu.memory_space<semaphore_mem>>) src(%arg11 : memref<128x64xf32, #tpu.memory_space<vmem>>) dst(%dma_wait3A_133 : memref<128x64xf32, #tpu.memory_space<hbm>>)
      } else {
      }
      %mul3A_45 = arith.constant 6400 : i32
      %mul3A_46 = arith.muli %add3A, %mul3A_45 : i32
      %mul3A_47 = arith.constant 128 : i32
      %mul3A_48 = arith.muli %mul3A_25, %mul3A_47 : i32
      %add3A_49 = arith.addi %mul3A_46, %mul3A_48 : i32
      %jit3A = arith.constant 200 : i32
      %eq3A = arith.constant 0 : i32
      %eq3A_50 = arith.cmpi eq, %jit3A, %eq3A : i32
      %jit3A_51 = arith.constant 1 : i32
      %select_n3A = arith.select %eq3A_50, %jit3A_51, %jit3A : i32
      %rem3A = arith.remsi %add3A_49, %select_n3A : i32
      %ne3A = arith.constant 0 : i32
      %ne3A_52 = arith.cmpi ne, %rem3A, %ne3A : i32
      %lt3A = arith.constant 0 : i32
      %lt3A_53 = arith.cmpi slt, %rem3A, %lt3A : i32
      %lt3A_54 = arith.constant 0 : i32
      %lt3A_55 = arith.cmpi slt, %select_n3A, %lt3A_54 : i32
      %ne3A_56 = arith.xori %lt3A_53, %lt3A_55 : i1
      %and3A = arith.andi %ne3A_56, %ne3A_52 : i1
      %add3A_57 = arith.addi %rem3A, %select_n3A : i32
      %select_n3A_58 = arith.select %and3A, %add3A_57, %rem3A : i32
      %scan3A_59 = arith.constant 0 : i32
      %scan3A_60 = arith.constant 0 : i32
      %scan3A_61 = arith.constant 8 : i32
      %scan3A_62 = arith.addi %scan3A_60, %scan3A_61 : i32
      %scan3A_63 = arith.constant 1 : i32
      scf.for %scan3A_128 = %scan3A_60 to %scan3A_62 step %scan3A_63  : i32 {
        %mul3A_129 = arith.constant 16 : i32
        %mul3A_130 = arith.muli %scan3A_128, %mul3A_129 : i32
        %get3A = arith.index_cast %mul3A_25 : i32 to index
        %get3A_131 = arith.index_cast %mul3A_130 : i32 to index
        %get3A_132 = tpu.vector_load %arg7[%get3A, %get3A_131] {strides = array<i32>} : memref<50x128xi32, #tpu.memory_space<vmem>>, vector<1x16xi32>,
        %get3A_133 = vector.shape_cast %get3A_132 : vector<1x16xi32> to vector<16xi32>
        %eq3A_134 = arith.constant 0 : i32
        %eq3A_135 = vector.broadcast %eq3A_134 : i32 to vector<16xi32>
        %eq3A_136 = arith.cmpi eq, %get3A_133, %eq3A_135 : vector<16xi32>
        %jit3A_137 = arith.constant 0.000000e+00 : f32
        %jit3A_138 = arith.constant 8.000000e+00 : f32
        %broadcast_in_dim3A = vector.broadcast %jit3A_137 : f32 to vector<16xf32>
        %broadcast_in_dim3A_139 = vector.broadcast %jit3A_138 : f32 to vector<16xf32>
        %select_n3A_140 = arith.select %eq3A_136, %broadcast_in_dim3A, %broadcast_in_dim3A_139 : vector<16xi1>, vector<16xf32>
        %and3A_141 = arith.constant 1 : i32
        %and3A_142 = vector.broadcast %and3A_141 : i32 to vector<16xi32>
        %and3A_143 = arith.andi %get3A_133, %and3A_142 : vector<16xi32>
        %mul3A_144 = arith.constant 64 : i32
        %mul3A_145 = vector.broadcast %mul3A_144 : i32 to vector<16xi32>
        %mul3A_146 = arith.muli %and3A_143, %mul3A_145 : vector<16xi32>
        %mul3A_147 = arith.constant 16 : i32
        %mul3A_148 = arith.muli %scan3A_128, %mul3A_147 : i32
        %add3A_149 = arith.constant 0 : i32
        %add3A_150 = arith.addi %mul3A_148, %add3A_149 : i32
        %slice3A = vector.extract_strided_slice %select_n3A_140 {offsets = [0], sizes = [1], strides = [1]} : vector<16xf32> to vector<1xf32>
        %squeeze3A = vector.extract %slice3A[0] : f32 from vector<1xf32>
        %slice3A_151 = vector.extract_strided_slice %mul3A_146 {offsets = [0], sizes = [1], strides = [1]} : vector<16xi32> to vector<1xi32>
        %squeeze3A_152 = vector.extract %slice3A_151[0] : i32 from vector<1xi32>
        %add3A_153 = arith.addi %select_n3A_58, %add3A_150 : i32
        %jit3A_154 = arith.constant 2 : i32
        %div3A = arith.divsi %add3A_153, %jit3A_154 : i32
        %sign3A = arith.constant 0 : i32
        %sign3A_155 = arith.cmpi sgt, %add3A_153, %sign3A : i32
        %sign3A_156 = arith.extui %sign3A_155 : i1 to i32
        %sign3A_157 = arith.constant 0 : i32
        %sign3A_158 = arith.cmpi slt, %add3A_153, %sign3A_157 : i32
        %sign3A_159 = arith.extui %sign3A_158 : i1 to i32
        %sign3A_160 = arith.subi %sign3A_156, %sign3A_159 : i32
        %sign3A_161 = arith.constant 0 : i32
        %sign3A_162 = arith.cmpi sgt, %jit3A_154, %sign3A_161 : i32
        %sign3A_163 = arith.extui %sign3A_162 : i1 to i32
        %sign3A_164 = arith.constant 0 : i32
        %sign3A_165 = arith.cmpi slt, %jit3A_154, %sign3A_164 : i32
        %sign3A_166 = arith.extui %sign3A_165 : i1 to i32
        %sign3A_167 = arith.subi %sign3A_163, %sign3A_166 : i32
        %ne3A_168 = arith.cmpi ne, %sign3A_160, %sign3A_167 : i32
        %rem3A_169 = arith.remsi %add3A_153, %jit3A_154 : i32
        %ne3A_170 = arith.constant 0 : i32
        %ne3A_171 = arith.cmpi ne, %rem3A_169, %ne3A_170 : i32
        %and3A_172 = arith.andi %ne3A_168, %ne3A_171 : i1
        %sub3A = arith.constant 1 : i32
        %sub3A_173 = arith.subi %div3A, %sub3A : i32
        %select_n3A_174 = arith.select %and3A_172, %sub3A_173, %div3A : i32
        %add3A_175 = arith.constant 0 : i32
        %add3A_176 = arith.addi %squeeze3A_152, %add3A_175 : i32
        %get3A_177 = arith.index_cast %add3A_150 : i32 to index
        %get3A_178 = arith.index_cast %add3A_176 : i32 to index
        %get3A_179 = tpu.vector_load %arg9[%get3A_177, %get3A_178] {strides = array<i32>} : memref<128x128xf32, #tpu.memory_space<vmem>>, vector<1x16xf32>,
        %get3A_180 = vector.shape_cast %get3A_179 : vector<1x16xf32> to vector<16xf32>
        %mul3A_181 = vector.broadcast %squeeze3A : f32 to vector<16xf32>
        %mul3A_182 = arith.mulf %get3A_180, %mul3A_181 : vector<16xf32>
        %get3A_183 = arith.index_cast %select_n3A_174 : i32 to index
        %get3A_184 = arith.constant 0 : index
        %get3A_185 = tpu.vector_load %arg13[%get3A_183, %get3A_184] {strides = array<i32>} : memref<160x128xf32, #tpu.memory_space<vmem>>, vector<1x16xf32>,
        %get3A_186 = vector.shape_cast %get3A_185 : vector<1x16xf32> to vector<16xf32>
        %add3A_187 = arith.addf %mul3A_182, %get3A_186 : vector<16xf32>
        %swap3A = arith.index_cast %add3A_150 : i32 to index
        %swap3A_188 = arith.constant 0 : index
        %swap3A_189 = tpu.vector_load %arg11[%swap3A, %swap3A_188] {strides = array<i32>} : memref<128x64xf32, #tpu.memory_space<vmem>>, vector<1x16xf32>,
        %swap3A_190 = vector.shape_cast %swap3A_189 : vector<1x16xf32> to vector<16xf32>
        %swap3A_191 = vector.shape_cast %add3A_187 : vector<16xf32> to vector<1x16xf32>
        tpu.vector_store %arg11[%swap3A, %swap3A_188], %swap3A_191 {strides = array<i32>} : memref<128x64xf32, #tpu.memory_space<vmem>>, vector<1x16xf32>,
        %add3A_192 = arith.constant 16 : i32
        %add3A_193 = arith.addi %squeeze3A_152, %add3A_192 : i32
        %get3A_194 = arith.index_cast %add3A_150 : i32 to index
        %get3A_195 = arith.index_cast %add3A_193 : i32 to index
        %get3A_196 = tpu.vector_load %arg9[%get3A_194, %get3A_195] {strides = array<i32>} : memref<128x128xf32, #tpu.memory_space<vmem>>, vector<1x16xf32>,
        %get3A_197 = vector.shape_cast %get3A_196 : vector<1x16xf32> to vector<16xf32>
        %mul3A_198 = vector.broadcast %squeeze3A : f32 to vector<16xf32>
        %mul3A_199 = arith.mulf %get3A_197, %mul3A_198 : vector<16xf32>
        %get3A_200 = arith.index_cast %select_n3A_174 : i32 to index
        %get3A_201 = arith.constant 16 : index
        %get3A_202 = tpu.vector_load %arg13[%get3A_200, %get3A_201] {strides = array<i32>} : memref<160x128xf32, #tpu.memory_space<vmem>>, vector<1x16xf32>,
        %get3A_203 = vector.shape_cast %get3A_202 : vector<1x16xf32> to vector<16xf32>
        %add3A_204 = arith.addf %mul3A_199, %get3A_203 : vector<16xf32>
        %swap3A_205 = arith.index_cast %add3A_150 : i32 to index
        %swap3A_206 = arith.constant 16 : index
        %swap3A_207 = tpu.vector_load %arg11[%swap3A_205, %swap3A_206] {strides = array<i32>} : memref<128x64xf32, #tpu.memory_space<vmem>>, vector<1x16xf32>,
        %swap3A_208 = vector.shape_cast %swap3A_207 : vector<1x16xf32> to vector<16xf32>
        %swap3A_209 = vector.shape_cast %add3A_204 : vector<16xf32> to vector<1x16xf32>
        tpu.vector_store %arg11[%swap3A_205, %swap3A_206], %swap3A_209 {strides = array<i32>} : memref<128x64xf32, #tpu.memory_space<vmem>>, vector<1x16xf32>,
        %add3A_210 = arith.constant 32 : i32
        %add3A_211 = arith.addi %squeeze3A_152, %add3A_210 : i32
        %get3A_212 = arith.index_cast %add3A_150 : i32 to index
        %get3A_213 = arith.index_cast %add3A_211 : i32 to index
        %get3A_214 = tpu.vector_load %arg9[%get3A_212, %get3A_213] {strides = array<i32>} : memref<128x128xf32, #tpu.memory_space<vmem>>, vector<1x16xf32>,
        %get3A_215 = vector.shape_cast %get3A_214 : vector<1x16xf32> to vector<16xf32>
        %mul3A_216 = vector.broadcast %squeeze3A : f32 to vector<16xf32>
        %mul3A_217 = arith.mulf %get3A_215, %mul3A_216 : vector<16xf32>
        %get3A_218 = arith.index_cast %select_n3A_174 : i32 to index
        %get3A_219 = arith.constant 32 : index
        %get3A_220 = tpu.vector_load %arg13[%get3A_218, %get3A_219] {strides = array<i32>} : memref<160x128xf32, #tpu.memory_space<vmem>>, vector<1x16xf32>,
        %get3A_221 = vector.shape_cast %get3A_220 : vector<1x16xf32> to vector<16xf32>
        %add3A_222 = arith.addf %mul3A_217, %get3A_221 : vector<16xf32>
        %swap3A_223 = arith.index_cast %add3A_150 : i32 to index
        %swap3A_224 = arith.constant 32 : index
        %swap3A_225 = tpu.vector_load %arg11[%swap3A_223, %swap3A_224] {strides = array<i32>} : memref<128x64xf32, #tpu.memory_space<vmem>>, vector<1x16xf32>,
        %swap3A_226 = vector.shape_cast %swap3A_225 : vector<1x16xf32> to vector<16xf32>
        %swap3A_227 = vector.shape_cast %add3A_222 : vector<16xf32> to vector<1x16xf32>
        tpu.vector_store %arg11[%swap3A_223, %swap3A_224], %swap3A_227 {strides = array<i32>} : memref<128x64xf32, #tpu.memory_space<vmem>>, vector<1x16xf32>,
        %add3A_228 = arith.constant 48 : i32
        %add3A_229 = arith.addi %squeeze3A_152, %add3A_228 : i32
        %get3A_230 = arith.index_cast %add3A_150 : i32 to index
        %get3A_231 = arith.index_cast %add3A_229 : i32 to index
        %get3A_232 = tpu.vector_load %arg9[%get3A_230, %get3A_231] {strides = array<i32>} : memref<128x128xf32, #tpu.memory_space<vmem>>, vector<1x16xf32>,
        %get3A_233 = vector.shape_cast %get3A_232 : vector<1x16xf32> to vector<16xf32>
        %mul3A_234 = vector.broadcast %squeeze3A : f32 to vector<16xf32>
        %mul3A_235 = arith.mulf %get3A_233, %mul3A_234 : vector<16xf32>
        %get3A_236 = arith.index_cast %select_n3A_174 : i32 to index
        %get3A_237 = arith.constant 48 : index
        %get3A_238 = tpu.vector_load %arg13[%get3A_236, %get3A_237] {strides = array<i32>} : memref<160x128xf32, #tpu.memory_space<vmem>>, vector<1x16xf32>,
        %get3A_239 = vector.shape_cast %get3A_238 : vector<1x16xf32> to vector<16xf32>
        %add3A_240 = arith.addf %mul3A_235, %get3A_239 : vector<16xf32>
        %swap3A_241 = arith.index_cast %add3A_150 : i32 to index
        %swap3A_242 = arith.constant 48 : index
        %swap3A_243 = tpu.vector_load %arg11[%swap3A_241, %swap3A_242] {strides = array<i32>} : memref<128x64xf32, #tpu.memory_space<vmem>>, vector<1x16xf32>,
        %swap3A_244 = vector.shape_cast %swap3A_243 : vector<1x16xf32> to vector<16xf32>
        %swap3A_245 = vector.shape_cast %add3A_240 : vector<16xf32> to vector<1x16xf32>
        tpu.vector_store %arg11[%swap3A_241, %swap3A_242], %swap3A_245 {strides = array<i32>} : memref<128x64xf32, #tpu.memory_space<vmem>>, vector<1x16xf32>,
        %mul3A_246 = arith.constant 16 : i32
        %mul3A_247 = arith.muli %scan3A_128, %mul3A_246 : i32
        %add3A_248 = arith.constant 1 : i32
        %add3A_249 = arith.addi %mul3A_247, %add3A_248 : i32
        %slice3A_250 = vector.extract_strided_slice %select_n3A_140 {offsets = [1], sizes = [1], strides = [1]} : vector<16xf32> to vector<1xf32>
        %squeeze3A_251 = vector.extract %slice3A_250[0] : f32 from vector<1xf32>
        %slice3A_252 = vector.extract_strided_slice %mul3A_146 {offsets = [1], sizes = [1], strides = [1]} : vector<16xi32> to vector<1xi32>
        %squeeze3A_253 = vector.extract %slice3A_252[0] : i32 from vector<1xi32>
        %add3A_254 = arith.addi %select_n3A_58, %add3A_249 : i32
        %jit3A_255 = arith.constant 2 : i32
        %div3A_256 = arith.divsi %add3A_254, %jit3A_255 : i32
        %sign3A_257 = arith.constant 0 : i32
        %sign3A_258 = arith.cmpi sgt, %add3A_254, %sign3A_257 : i32
        %sign3A_259 = arith.extui %sign3A_258 : i1 to i32
        %sign3A_260 = arith.constant 0 : i32
        %sign3A_261 = arith.cmpi slt, %add3A_254, %sign3A_260 : i32
        %sign3A_262 = arith.extui %sign3A_261 : i1 to i32
        %sign3A_263 = arith.subi %sign3A_259, %sign3A_262 : i32
        %sign3A_264 = arith.constant 0 : i32
        %sign3A_265 = arith.cmpi sgt, %jit3A_255, %sign3A_264 : i32
        %sign3A_266 = arith.extui %sign3A_265 : i1 to i32
        %sign3A_267 = arith.constant 0 : i32
        %sign3A_268 = arith.cmpi slt, %jit3A_255, %sign3A_267 : i32
        %sign3A_269 = arith.extui %sign3A_268 : i1 to i32
        %sign3A_270 = arith.subi %sign3A_266, %sign3A_269 : i32
        %ne3A_271 = arith.cmpi ne, %sign3A_263, %sign3A_270 : i32
        %rem3A_272 = arith.remsi %add3A_254, %jit3A_255 : i32
        %ne3A_273 = arith.constant 0 : i32
        %ne3A_274 = arith.cmpi ne, %rem3A_272, %ne3A_273 : i32
        %and3A_275 = arith.andi %ne3A_271, %ne3A_274 : i1
        %sub3A_276 = arith.constant 1 : i32
        %sub3A_277 = arith.subi %div3A_256, %sub3A_276 : i32
        %select_n3A_278 = arith.select %and3A_275, %sub3A_277, %div3A_256 : i32
        %add3A_279 = arith.constant 0 : i32
        %add3A_280 = arith.addi %squeeze3A_253, %add3A_279 : i32
        %get3A_281 = arith.index_cast %add3A_249 : i32 to index
        %get3A_282 = arith.index_cast %add3A_280 : i32 to index
        %get3A_283 = tpu.vector_load %arg9[%get3A_281, %get3A_282] {strides = array<i32>} : memref<128x128xf32, #tpu.memory_space<vmem>>, vector<1x16xf32>,
        %get3A_284 = vector.shape_cast %get3A_283 : vector<1x16xf32> to vector<16xf32>
        %mul3A_285 = vector.broadcast %squeeze3A_251 : f32 to vector<16xf32>
        %mul3A_286 = arith.mulf %get3A_284, %mul3A_285 : vector<16xf32>
        %get3A_287 = arith.index_cast %select_n3A_278 : i32 to index
        %get3A_288 = arith.constant 64 : index
        %get3A_289 = tpu.vector_load %arg13[%get3A_287, %get3A_288] {strides = array<i32>} : memref<160x128xf32, #tpu.memory_space<vmem>>, vector<1x16xf32>,
        %get3A_290 = vector.shape_cast %get3A_289 : vector<1x16xf32> to vector<16xf32>
        %add3A_291 = arith.addf %mul3A_286, %get3A_290 : vector<16xf32>
        %swap3A_292 = arith.index_cast %add3A_249 : i32 to index
        %swap3A_293 = arith.constant 0 : index
        %swap3A_294 = tpu.vector_load %arg11[%swap3A_292, %swap3A_293] {strides = array<i32>} : memref<128x64xf32, #tpu.memory_space<vmem>>, vector<1x16xf32>,
        %swap3A_295 = vector.shape_cast %swap3A_294 : vector<1x16xf32> to vector<16xf32>
        %swap3A_296 = vector.shape_cast %add3A_291 : vector<16xf32> to vector<1x16xf32>
        tpu.vector_store %arg11[%swap3A_292, %swap3A_293], %swap3A_296 {strides = array<i32>} : memref<128x64xf32, #tpu.memory_space<vmem>>, vector<1x16xf32>,
        %add3A_297 = arith.constant 16 : i32
        %add3A_298 = arith.addi %squeeze3A_253, %add3A_297 : i32
        %get3A_299 = arith.index_cast %add3A_249 : i32 to index
        %get3A_300 = arith.index_cast %add3A_298 : i32 to index
        %get3A_301 = tpu.vector_load %arg9[%get3A_299, %get3A_300] {strides = array<i32>} : memref<128x128xf32, #tpu.memory_space<vmem>>, vector<1x16xf32>,
        %get3A_302 = vector.shape_cast %get3A_301 : vector<1x16xf32> to vector<16xf32>
        %mul3A_303 = vector.broadcast %squeeze3A_251 : f32 to vector<16xf32>
        %mul3A_304 = arith.mulf %get3A_302, %mul3A_303 : vector<16xf32>
        %get3A_305 = arith.index_cast %select_n3A_278 : i32 to index
        %get3A_306 = arith.constant 80 : index
        %get3A_307 = tpu.vector_load %arg13[%get3A_305, %get3A_306] {strides = array<i32>} : memref<160x128xf32, #tpu.memory_space<vmem>>, vector<1x16xf32>,
        %get3A_308 = vector.shape_cast %get3A_307 : vector<1x16xf32> to vector<16xf32>
        %add3A_309 = arith.addf %mul3A_304, %get3A_308 : vector<16xf32>
        %swap3A_310 = arith.index_cast %add3A_249 : i32 to index
        %swap3A_311 = arith.constant 16 : index
        %swap3A_312 = tpu.vector_load %arg11[%swap3A_310, %swap3A_311] {strides = array<i32>} : memref<128x64xf32, #tpu.memory_space<vmem>>, vector<1x16xf32>,
        %swap3A_313 = vector.shape_cast %swap3A_312 : vector<1x16xf32> to vector<16xf32>
        %swap3A_314 = vector.shape_cast %add3A_309 : vector<16xf32> to vector<1x16xf32>
        tpu.vector_store %arg11[%swap3A_310, %swap3A_311], %swap3A_314 {strides = array<i32>} : memref<128x64xf32, #tpu.memory_space<vmem>>, vector<1x16xf32>,
        %add3A_315 = arith.constant 32 : i32
        %add3A_316 = arith.addi %squeeze3A_253, %add3A_315 : i32
        %get3A_317 = arith.index_cast %add3A_249 : i32 to index
        %get3A_318 = arith.index_cast %add3A_316 : i32 to index
        %get3A_319 = tpu.vector_load %arg9[%get3A_317, %get3A_318] {strides = array<i32>} : memref<128x128xf32, #tpu.memory_space<vmem>>, vector<1x16xf32>,
        %get3A_320 = vector.shape_cast %get3A_319 : vector<1x16xf32> to vector<16xf32>
        %mul3A_321 = vector.broadcast %squeeze3A_251 : f32 to vector<16xf32>
        %mul3A_322 = arith.mulf %get3A_320, %mul3A_321 : vector<16xf32>
        %get3A_323 = arith.index_cast %select_n3A_278 : i32 to index
        %get3A_324 = arith.constant 96 : index
        %get3A_325 = tpu.vector_load %arg13[%get3A_323, %get3A_324] {strides = array<i32>} : memref<160x128xf32, #tpu.memory_space<vmem>>, vector<1x16xf32>,
        %get3A_326 = vector.shape_cast %get3A_325 : vector<1x16xf32> to vector<16xf32>
        %add3A_327 = arith.addf %mul3A_322, %get3A_326 : vector<16xf32>
        %swap3A_328 = arith.index_cast %add3A_249 : i32 to index
        %swap3A_329 = arith.constant 32 : index
        %swap3A_330 = tpu.vector_load %arg11[%swap3A_328, %swap3A_329] {strides = array<i32>} : memref<128x64xf32, #tpu.memory_space<vmem>>, vector<1x16xf32>,
        %swap3A_331 = vector.shape_cast %swap3A_330 : vector<1x16xf32> to vector<16xf32>
        %swap3A_332 = vector.shape_cast %add3A_327 : vector<16xf32> to vector<1x16xf32>
        tpu.vector_store %arg11[%swap3A_328, %swap3A_329], %swap3A_332 {strides = array<i32>} : memref<128x64xf32, #tpu.memory_space<vmem>>, vector<1x16xf32>,
        %add3A_333 = arith.constant 48 : i32
        %add3A_334 = arith.addi %squeeze3A_253, %add3A_333 : i32
        %get3A_335 = arith.index_cast %add3A_249 : i32 to index
        %get3A_336 = arith.index_cast %add3A_334 : i32 to index
        %get3A_337 = tpu.vector_load %arg9[%get3A_335, %get3A_336] {strides = array<i32>} : memref<128x128xf32, #tpu.memory_space<vmem>>, vector<1x16xf32>,
        %get3A_338 = vector.shape_cast %get3A_337 : vector<1x16xf32> to vector<16xf32>
        %mul3A_339 = vector.broadcast %squeeze3A_251 : f32 to vector<16xf32>
        %mul3A_340 = arith.mulf %get3A_338, %mul3A_339 : vector<16xf32>
        %get3A_341 = arith.index_cast %select_n3A_278 : i32 to index
        %get3A_342 = arith.constant 112 : index
        %get3A_343 = tpu.vector_load %arg13[%get3A_341, %get3A_342] {strides = array<i32>} : memref<160x128xf32, #tpu.memory_space<vmem>>, vector<1x16xf32>,
        %get3A_344 = vector.shape_cast %get3A_343 : vector<1x16xf32> to vector<16xf32>
        %add3A_345 = arith.addf %mul3A_340, %get3A_344 : vector<16xf32>
        %swap3A_346 = arith.index_cast %add3A_249 : i32 to index
        %swap3A_347 = arith.constant 48 : index
        %swap3A_348 = tpu.vector_load %arg11[%swap3A_346, %swap3A_347] {strides = array<i32>} : memref<128x64xf32, #tpu.memory_space<vmem>>, vector<1x16xf32>,
        %swap3A_349 = vector.shape_cast %swap3A_348 : vector<1x16xf32> to vector<16xf32>
        %swap3A_350 = vector.shape_cast %add3A_345 : vector<16xf32> to vector<1x16xf32>
        tpu.vector_store %arg11[%swap3A_346, %swap3A_347], %swap3A_350 {strides = array<i32>} : memref<128x64xf32, #tpu.memory_space<vmem>>, vector<1x16xf32>,
        %mul3A_351 = arith.constant 16 : i32
        %mul3A_352 = arith.muli %scan3A_128, %mul3A_351 : i32
        %add3A_353 = arith.constant 2 : i32
        %add3A_354 = arith.addi %mul3A_352, %add3A_353 : i32
        %slice3A_355 = vector.extract_strided_slice %select_n3A_140 {offsets = [2], sizes = [1], strides = [1]} : vector<16xf32> to vector<1xf32>
        %squeeze3A_356 = vector.extract %slice3A_355[0] : f32 from vector<1xf32>
        %slice3A_357 = vector.extract_strided_slice %mul3A_146 {offsets = [2], sizes = [1], strides = [1]} : vector<16xi32> to vector<1xi32>
        %squeeze3A_358 = vector.extract %slice3A_357[0] : i32 from vector<1xi32>
        %add3A_359 = arith.addi %select_n3A_58, %add3A_354 : i32
        %jit3A_360 = arith.constant 2 : i32
        %div3A_361 = arith.divsi %add3A_359, %jit3A_360 : i32
        %sign3A_362 = arith.constant 0 : i32
        %sign3A_363 = arith.cmpi sgt, %add3A_359, %sign3A_362 : i32
        %sign3A_364 = arith.extui %sign3A_363 : i1 to i32
        %sign3A_365 = arith.constant 0 : i32
        %sign3A_366 = arith.cmpi slt, %add3A_359, %sign3A_365 : i32
        %sign3A_367 = arith.extui %sign3A_366 : i1 to i32
        %sign3A_368 = arith.subi %sign3A_364, %sign3A_367 : i32
        %sign3A_369 = arith.constant 0 : i32
        %sign3A_370 = arith.cmpi sgt, %jit3A_360, %sign3A_369 : i32
        %sign3A_371 = arith.extui %sign3A_370 : i1 to i32
        %sign3A_372 = arith.constant 0 : i32
        %sign3A_373 = arith.cmpi slt, %jit3A_360, %sign3A_372 : i32
        %sign3A_374 = arith.extui %sign3A_373 : i1 to i32
        %sign3A_375 = arith.subi %sign3A_371, %sign3A_374 : i32
        %ne3A_376 = arith.cmpi ne, %sign3A_368, %sign3A_375 : i32
        %rem3A_377 = arith.remsi %add3A_359, %jit3A_360 : i32
        %ne3A_378 = arith.constant 0 : i32
        %ne3A_379 = arith.cmpi ne, %rem3A_377, %ne3A_378 : i32
        %and3A_380 = arith.andi %ne3A_376, %ne3A_379 : i1
        %sub3A_381 = arith.constant 1 : i32
        %sub3A_382 = arith.subi %div3A_361, %sub3A_381 : i32
        %select_n3A_383 = arith.select %and3A_380, %sub3A_382, %div3A_361 : i32
        %add3A_384 = arith.constant 0 : i32
        %add3A_385 = arith.addi %squeeze3A_358, %add3A_384 : i32
        %get3A_386 = arith.index_cast %add3A_354 : i32 to index
        %get3A_387 = arith.index_cast %add3A_385 : i32 to index
        %get3A_388 = tpu.vector_load %arg9[%get3A_386, %get3A_387] {strides = array<i32>} : memref<128x128xf32, #tpu.memory_space<vmem>>, vector<1x16xf32>,
        %get3A_389 = vector.shape_cast %get3A_388 : vector<1x16xf32> to vector<16xf32>
        %mul3A_390 = vector.broadcast %squeeze3A_356 : f32 to vector<16xf32>
        %mul3A_391 = arith.mulf %get3A_389, %mul3A_390 : vector<16xf32>
        %get3A_392 = arith.index_cast %select_n3A_383 : i32 to index
        %get3A_393 = arith.constant 0 : index
        %get3A_394 = tpu.vector_load %arg13[%get3A_392, %get3A_393] {strides = array<i32>} : memref<160x128xf32, #tpu.memory_space<vmem>>, vector<1x16xf32>,
        %get3A_395 = vector.shape_cast %get3A_394 : vector<1x16xf32> to vector<16xf32>
        %add3A_396 = arith.addf %mul3A_391, %get3A_395 : vector<16xf32>
        %swap3A_397 = arith.index_cast %add3A_354 : i32 to index
        %swap3A_398 = arith.constant 0 : index
        %swap3A_399 = tpu.vector_load %arg11[%swap3A_397, %swap3A_398] {strides = array<i32>} : memref<128x64xf32, #tpu.memory_space<vmem>>, vector<1x16xf32>,
        %swap3A_400 = vector.shape_cast %swap3A_399 : vector<1x16xf32> to vector<16xf32>
        %swap3A_401 = vector.shape_cast %add3A_396 : vector<16xf32> to vector<1x16xf32>
        tpu.vector_store %arg11[%swap3A_397, %swap3A_398], %swap3A_401 {strides = array<i32>} : memref<128x64xf32, #tpu.memory_space<vmem>>, vector<1x16xf32>,
        %add3A_402 = arith.constant 16 : i32
        %add3A_403 = arith.addi %squeeze3A_358, %add3A_402 : i32
        %get3A_404 = arith.index_cast %add3A_354 : i32 to index
        %get3A_405 = arith.index_cast %add3A_403 : i32 to index
        %get3A_406 = tpu.vector_load %arg9[%get3A_404, %get3A_405] {strides = array<i32>} : memref<128x128xf32, #tpu.memory_space<vmem>>, vector<1x16xf32>,
        %get3A_407 = vector.shape_cast %get3A_406 : vector<1x16xf32> to vector<16xf32>
        %mul3A_408 = vector.broadcast %squeeze3A_356 : f32 to vector<16xf32>
        %mul3A_409 = arith.mulf %get3A_407, %mul3A_408 : vector<16xf32>
        %get3A_410 = arith.index_cast %select_n3A_383 : i32 to index
        %get3A_411 = arith.constant 16 : index
        %get3A_412 = tpu.vector_load %arg13[%get3A_410, %get3A_411] {strides = array<i32>} : memref<160x128xf32, #tpu.memory_space<vmem>>, vector<1x16xf32>,
        %get3A_413 = vector.shape_cast %get3A_412 : vector<1x16xf32> to vector<16xf32>
        %add3A_414 = arith.addf %mul3A_409, %get3A_413 : vector<16xf32>
        %swap3A_415 = arith.index_cast %add3A_354 : i32 to index
        %swap3A_416 = arith.constant 16 : index
        %swap3A_417 = tpu.vector_load %arg11[%swap3A_415, %swap3A_416] {strides = array<i32>} : memref<128x64xf32, #tpu.memory_space<vmem>>, vector<1x16xf32>,
        %swap3A_418 = vector.shape_cast %swap3A_417 : vector<1x16xf32> to vector<16xf32>
        %swap3A_419 = vector.shape_cast %add3A_414 : vector<16xf32> to vector<1x16xf32>
        tpu.vector_store %arg11[%swap3A_415, %swap3A_416], %swap3A_419 {strides = array<i32>} : memref<128x64xf32, #tpu.memory_space<vmem>>, vector<1x16xf32>,
        %add3A_420 = arith.constant 32 : i32
        %add3A_421 = arith.addi %squeeze3A_358, %add3A_420 : i32
        %get3A_422 = arith.index_cast %add3A_354 : i32 to index
        %get3A_423 = arith.index_cast %add3A_421 : i32 to index
        %get3A_424 = tpu.vector_load %arg9[%get3A_422, %get3A_423] {strides = array<i32>} : memref<128x128xf32, #tpu.memory_space<vmem>>, vector<1x16xf32>,
        %get3A_425 = vector.shape_cast %get3A_424 : vector<1x16xf32> to vector<16xf32>
        %mul3A_426 = vector.broadcast %squeeze3A_356 : f32 to vector<16xf32>
        %mul3A_427 = arith.mulf %get3A_425, %mul3A_426 : vector<16xf32>
        %get3A_428 = arith.index_cast %select_n3A_383 : i32 to index
        %get3A_429 = arith.constant 32 : index
        %get3A_430 = tpu.vector_load %arg13[%get3A_428, %get3A_429] {strides = array<i32>} : memref<160x128xf32, #tpu.memory_space<vmem>>, vector<1x16xf32>,
        %get3A_431 = vector.shape_cast %get3A_430 : vector<1x16xf32> to vector<16xf32>
        %add3A_432 = arith.addf %mul3A_427, %get3A_431 : vector<16xf32>
        %swap3A_433 = arith.index_cast %add3A_354 : i32 to index
        %swap3A_434 = arith.constant 32 : index
        %swap3A_435 = tpu.vector_load %arg11[%swap3A_433, %swap3A_434] {strides = array<i32>} : memref<128x64xf32, #tpu.memory_space<vmem>>, vector<1x16xf32>,
        %swap3A_436 = vector.shape_cast %swap3A_435 : vector<1x16xf32> to vector<16xf32>
        %swap3A_437 = vector.shape_cast %add3A_432 : vector<16xf32> to vector<1x16xf32>
        tpu.vector_store %arg11[%swap3A_433, %swap3A_434], %swap3A_437 {strides = array<i32>} : memref<128x64xf32, #tpu.memory_space<vmem>>, vector<1x16xf32>,
        %add3A_438 = arith.constant 48 : i32
        %add3A_439 = arith.addi %squeeze3A_358, %add3A_438 : i32
        %get3A_440 = arith.index_cast %add3A_354 : i32 to index
        %get3A_441 = arith.index_cast %add3A_439 : i32 to index
        %get3A_442 = tpu.vector_load %arg9[%get3A_440, %get3A_441] {strides = array<i32>} : memref<128x128xf32, #tpu.memory_space<vmem>>, vector<1x16xf32>,
        %get3A_443 = vector.shape_cast %get3A_442 : vector<1x16xf32> to vector<16xf32>
        %mul3A_444 = vector.broadcast %squeeze3A_356 : f32 to vector<16xf32>
        %mul3A_445 = arith.mulf %get3A_443, %mul3A_444 : vector<16xf32>
        %get3A_446 = arith.index_cast %select_n3A_383 : i32 to index
        %get3A_447 = arith.constant 48 : index
        %get3A_448 = tpu.vector_load %arg13[%get3A_446, %get3A_447] {strides = array<i32>} : memref<160x128xf32, #tpu.memory_space<vmem>>, vector<1x16xf32>,
        %get3A_449 = vector.shape_cast %get3A_448 : vector<1x16xf32> to vector<16xf32>
        %add3A_450 = arith.addf %mul3A_445, %get3A_449 : vector<16xf32>
        %swap3A_451 = arith.index_cast %add3A_354 : i32 to index
        %swap3A_452 = arith.constant 48 : index
        %swap3A_453 = tpu.vector_load %arg11[%swap3A_451, %swap3A_452] {strides = array<i32>} : memref<128x64xf32, #tpu.memory_space<vmem>>, vector<1x16xf32>,
        %swap3A_454 = vector.shape_cast %swap3A_453 : vector<1x16xf32> to vector<16xf32>
        %swap3A_455 = vector.shape_cast %add3A_450 : vector<16xf32> to vector<1x16xf32>
        tpu.vector_store %arg11[%swap3A_451, %swap3A_452], %swap3A_455 {strides = array<i32>} : memref<128x64xf32, #tpu.memory_space<vmem>>, vector<1x16xf32>,
        %mul3A_456 = arith.constant 16 : i32
        %mul3A_457 = arith.muli %scan3A_128, %mul3A_456 : i32
        %add3A_458 = arith.constant 3 : i32
        %add3A_459 = arith.addi %mul3A_457, %add3A_458 : i32
        %slice3A_460 = vector.extract_strided_slice %select_n3A_140 {offsets = [3], sizes = [1], strides = [1]} : vector<16xf32> to vector<1xf32>
        %squeeze3A_461 = vector.extract %slice3A_460[0] : f32 from vector<1xf32>
        %slice3A_462 = vector.extract_strided_slice %mul3A_146 {offsets = [3], sizes = [1], strides = [1]} : vector<16xi32> to vector<1xi32>
        %squeeze3A_463 = vector.extract %slice3A_462[0] : i32 from vector<1xi32>
        %add3A_464 = arith.addi %select_n3A_58, %add3A_459 : i32
        %jit3A_465 = arith.constant 2 : i32
        %div3A_466 = arith.divsi %add3A_464, %jit3A_465 : i32
        %sign3A_467 = arith.constant 0 : i32
        %sign3A_468 = arith.cmpi sgt, %add3A_464, %sign3A_467 : i32
        %sign3A_469 = arith.extui %sign3A_468 : i1 to i32
        %sign3A_470 = arith.constant 0 : i32
        %sign3A_471 = arith.cmpi slt, %add3A_464, %sign3A_470 : i32
        %sign3A_472 = arith.extui %sign3A_471 : i1 to i32
        %sign3A_473 = arith.subi %sign3A_469, %sign3A_472 : i32
        %sign3A_474 = arith.constant 0 : i32
        %sign3A_475 = arith.cmpi sgt, %jit3A_465, %sign3A_474 : i32
        %sign3A_476 = arith.extui %sign3A_475 : i1 to i32
        %sign3A_477 = arith.constant 0 : i32
        %sign3A_478 = arith.cmpi slt, %jit3A_465, %sign3A_477 : i32
        %sign3A_479 = arith.extui %sign3A_478 : i1 to i32
        %sign3A_480 = arith.subi %sign3A_476, %sign3A_479 : i32
        %ne3A_481 = arith.cmpi ne, %sign3A_473, %sign3A_480 : i32
        %rem3A_482 = arith.remsi %add3A_464, %jit3A_465 : i32
        %ne3A_483 = arith.constant 0 : i32
        %ne3A_484 = arith.cmpi ne, %rem3A_482, %ne3A_483 : i32
        %and3A_485 = arith.andi %ne3A_481, %ne3A_484 : i1
        %sub3A_486 = arith.constant 1 : i32
        %sub3A_487 = arith.subi %div3A_466, %sub3A_486 : i32
        %select_n3A_488 = arith.select %and3A_485, %sub3A_487, %div3A_466 : i32
        %add3A_489 = arith.constant 0 : i32
        %add3A_490 = arith.addi %squeeze3A_463, %add3A_489 : i32
        %get3A_491 = arith.index_cast %add3A_459 : i32 to index
        %get3A_492 = arith.index_cast %add3A_490 : i32 to index
        %get3A_493 = tpu.vector_load %arg9[%get3A_491, %get3A_492] {strides = array<i32>} : memref<128x128xf32, #tpu.memory_space<vmem>>, vector<1x16xf32>,
        %get3A_494 = vector.shape_cast %get3A_493 : vector<1x16xf32> to vector<16xf32>
        %mul3A_495 = vector.broadcast %squeeze3A_461 : f32 to vector<16xf32>
        %mul3A_496 = arith.mulf %get3A_494, %mul3A_495 : vector<16xf32>
        %get3A_497 = arith.index_cast %select_n3A_488 : i32 to index
        %get3A_498 = arith.constant 64 : index
        %get3A_499 = tpu.vector_load %arg13[%get3A_497, %get3A_498] {strides = array<i32>} : memref<160x128xf32, #tpu.memory_space<vmem>>, vector<1x16xf32>,
        %get3A_500 = vector.shape_cast %get3A_499 : vector<1x16xf32> to vector<16xf32>
        %add3A_501 = arith.addf %mul3A_496, %get3A_500 : vector<16xf32>
        %swap3A_502 = arith.index_cast %add3A_459 : i32 to index
        %swap3A_503 = arith.constant 0 : index
        %swap3A_504 = tpu.vector_load %arg11[%swap3A_502, %swap3A_503] {strides = array<i32>} : memref<128x64xf32, #tpu.memory_space<vmem>>, vector<1x16xf32>,
        %swap3A_505 = vector.shape_cast %swap3A_504 : vector<1x16xf32> to vector<16xf32>
        %swap3A_506 = vector.shape_cast %add3A_501 : vector<16xf32> to vector<1x16xf32>
        tpu.vector_store %arg11[%swap3A_502, %swap3A_503], %swap3A_506 {strides = array<i32>} : memref<128x64xf32, #tpu.memory_space<vmem>>, vector<1x16xf32>,
        %add3A_507 = arith.constant 16 : i32
        %add3A_508 = arith.addi %squeeze3A_463, %add3A_507 : i32
        %get3A_509 = arith.index_cast %add3A_459 : i32 to index
        %get3A_510 = arith.index_cast %add3A_508 : i32 to index
        %get3A_511 = tpu.vector_load %arg9[%get3A_509, %get3A_510] {strides = array<i32>} : memref<128x128xf32, #tpu.memory_space<vmem>>, vector<1x16xf32>,
        %get3A_512 = vector.shape_cast %get3A_511 : vector<1x16xf32> to vector<16xf32>
        %mul3A_513 = vector.broadcast %squeeze3A_461 : f32 to vector<16xf32>
        %mul3A_514 = arith.mulf %get3A_512, %mul3A_513 : vector<16xf32>
        %get3A_515 = arith.index_cast %select_n3A_488 : i32 to index
        %get3A_516 = arith.constant 80 : index
        %get3A_517 = tpu.vector_load %arg13[%get3A_515, %get3A_516] {strides = array<i32>} : memref<160x128xf32, #tpu.memory_space<vmem>>, vector<1x16xf32>,
        %get3A_518 = vector.shape_cast %get3A_517 : vector<1x16xf32> to vector<16xf32>
        %add3A_519 = arith.addf %mul3A_514, %get3A_518 : vector<16xf32>
        %swap3A_520 = arith.index_cast %add3A_459 : i32 to index
        %swap3A_521 = arith.constant 16 : index
        %swap3A_522 = tpu.vector_load %arg11[%swap3A_520, %swap3A_521] {strides = array<i32>} : memref<128x64xf32, #tpu.memory_space<vmem>>, vector<1x16xf32>,
        %swap3A_523 = vector.shape_cast %swap3A_522 : vector<1x16xf32> to vector<16xf32>
        %swap3A_524 = vector.shape_cast %add3A_519 : vector<16xf32> to vector<1x16xf32>
        tpu.vector_store %arg11[%swap3A_520, %swap3A_521], %swap3A_524 {strides = array<i32>} : memref<128x64xf32, #tpu.memory_space<vmem>>, vector<1x16xf32>,
        %add3A_525 = arith.constant 32 : i32
        %add3A_526 = arith.addi %squeeze3A_463, %add3A_525 : i32
        %get3A_527 = arith.index_cast %add3A_459 : i32 to index
        %get3A_528 = arith.index_cast %add3A_526 : i32 to index
        %get3A_529 = tpu.vector_load %arg9[%get3A_527, %get3A_528] {strides = array<i32>} : memref<128x128xf32, #tpu.memory_space<vmem>>, vector<1x16xf32>,
        %get3A_530 = vector.shape_cast %get3A_529 : vector<1x16xf32> to vector<16xf32>
        %mul3A_531 = vector.broadcast %squeeze3A_461 : f32 to vector<16xf32>
        %mul3A_532 = arith.mulf %get3A_530, %mul3A_531 : vector<16xf32>
        %get3A_533 = arith.index_cast %select_n3A_488 : i32 to index
        %get3A_534 = arith.constant 96 : index
        %get3A_535 = tpu.vector_load %arg13[%get3A_533, %get3A_534] {strides = array<i32>} : memref<160x128xf32, #tpu.memory_space<vmem>>, vector<1x16xf32>,
        %get3A_536 = vector.shape_cast %get3A_535 : vector<1x16xf32> to vector<16xf32>
        %add3A_537 = arith.addf %mul3A_532, %get3A_536 : vector<16xf32>
        %swap3A_538 = arith.index_cast %add3A_459 : i32 to index
        %swap3A_539 = arith.constant 32 : index
        %swap3A_540 = tpu.vector_load %arg11[%swap3A_538, %swap3A_539] {strides = array<i32>} : memref<128x64xf32, #tpu.memory_space<vmem>>, vector<1x16xf32>,
        %swap3A_541 = vector.shape_cast %swap3A_540 : vector<1x16xf32> to vector<16xf32>
        %swap3A_542 = vector.shape_cast %add3A_537 : vector<16xf32> to vector<1x16xf32>
        tpu.vector_store %arg11[%swap3A_538, %swap3A_539], %swap3A_542 {strides = array<i32>} : memref<128x64xf32, #tpu.memory_space<vmem>>, vector<1x16xf32>,
        %add3A_543 = arith.constant 48 : i32
        %add3A_544 = arith.addi %squeeze3A_463, %add3A_543 : i32
        %get3A_545 = arith.index_cast %add3A_459 : i32 to index
        %get3A_546 = arith.index_cast %add3A_544 : i32 to index
        %get3A_547 = tpu.vector_load %arg9[%get3A_545, %get3A_546] {strides = array<i32>} : memref<128x128xf32, #tpu.memory_space<vmem>>, vector<1x16xf32>,
        %get3A_548 = vector.shape_cast %get3A_547 : vector<1x16xf32> to vector<16xf32>
        %mul3A_549 = vector.broadcast %squeeze3A_461 : f32 to vector<16xf32>
        %mul3A_550 = arith.mulf %get3A_548, %mul3A_549 : vector<16xf32>
        %get3A_551 = arith.index_cast %select_n3A_488 : i32 to index
        %get3A_552 = arith.constant 112 : index
        %get3A_553 = tpu.vector_load %arg13[%get3A_551, %get3A_552] {strides = array<i32>} : memref<160x128xf32, #tpu.memory_space<vmem>>, vector<1x16xf32>,
        %get3A_554 = vector.shape_cast %get3A_553 : vector<1x16xf32> to vector<16xf32>
        %add3A_555 = arith.addf %mul3A_550, %get3A_554 : vector<16xf32>
        %swap3A_556 = arith.index_cast %add3A_459 : i32 to index
        %swap3A_557 = arith.constant 48 : index
        %swap3A_558 = tpu.vector_load %arg11[%swap3A_556, %swap3A_557] {strides = array<i32>} : memref<128x64xf32, #tpu.memory_space<vmem>>, vector<1x16xf32>,
        %swap3A_559 = vector.shape_cast %swap3A_558 : vector<1x16xf32> to vector<16xf32>
        %swap3A_560 = vector.shape_cast %add3A_555 : vector<16xf32> to vector<1x16xf32>
        tpu.vector_store %arg11[%swap3A_556, %swap3A_557], %swap3A_560 {strides = array<i32>} : memref<128x64xf32, #tpu.memory_space<vmem>>, vector<1x16xf32>,
        %mul3A_561 = arith.constant 16 : i32
        %mul3A_562 = arith.muli %scan3A_128, %mul3A_561 : i32
        %add3A_563 = arith.constant 4 : i32
        %add3A_564 = arith.addi %mul3A_562, %add3A_563 : i32
        %slice3A_565 = vector.extract_strided_slice %select_n3A_140 {offsets = [4], sizes = [1], strides = [1]} : vector<16xf32> to vector<1xf32>
        %squeeze3A_566 = vector.extract %slice3A_565[0] : f32 from vector<1xf32>
        %slice3A_567 = vector.extract_strided_slice %mul3A_146 {offsets = [4], sizes = [1], strides = [1]} : vector<16xi32> to vector<1xi32>
        %squeeze3A_568 = vector.extract %slice3A_567[0] : i32 from vector<1xi32>
        %add3A_569 = arith.addi %select_n3A_58, %add3A_564 : i32
        %jit3A_570 = arith.constant 2 : i32
        %div3A_571 = arith.divsi %add3A_569, %jit3A_570 : i32
        %sign3A_572 = arith.constant 0 : i32
        %sign3A_573 = arith.cmpi sgt, %add3A_569, %sign3A_572 : i32
        %sign3A_574 = arith.extui %sign3A_573 : i1 to i32
        %sign3A_575 = arith.constant 0 : i32
        %sign3A_576 = arith.cmpi slt, %add3A_569, %sign3A_575 : i32
        %sign3A_577 = arith.extui %sign3A_576 : i1 to i32
        %sign3A_578 = arith.subi %sign3A_574, %sign3A_577 : i32
        %sign3A_579 = arith.constant 0 : i32
        %sign3A_580 = arith.cmpi sgt, %jit3A_570, %sign3A_579 : i32
        %sign3A_581 = arith.extui %sign3A_580 : i1 to i32
        %sign3A_582 = arith.constant 0 : i32
        %sign3A_583 = arith.cmpi slt, %jit3A_570, %sign3A_582 : i32
        %sign3A_584 = arith.extui %sign3A_583 : i1 to i32
        %sign3A_585 = arith.subi %sign3A_581, %sign3A_584 : i32
        %ne3A_586 = arith.cmpi ne, %sign3A_578, %sign3A_585 : i32
        %rem3A_587 = arith.remsi %add3A_569, %jit3A_570 : i32
        %ne3A_588 = arith.constant 0 : i32
        %ne3A_589 = arith.cmpi ne, %rem3A_587, %ne3A_588 : i32
        %and3A_590 = arith.andi %ne3A_586, %ne3A_589 : i1
        %sub3A_591 = arith.constant 1 : i32
        %sub3A_592 = arith.subi %div3A_571, %sub3A_591 : i32
        %select_n3A_593 = arith.select %and3A_590, %sub3A_592, %div3A_571 : i32
        %add3A_594 = arith.constant 0 : i32
        %add3A_595 = arith.addi %squeeze3A_568, %add3A_594 : i32
        %get3A_596 = arith.index_cast %add3A_564 : i32 to index
        %get3A_597 = arith.index_cast %add3A_595 : i32 to index
        %get3A_598 = tpu.vector_load %arg9[%get3A_596, %get3A_597] {strides = array<i32>} : memref<128x128xf32, #tpu.memory_space<vmem>>, vector<1x16xf32>,
        %get3A_599 = vector.shape_cast %get3A_598 : vector<1x16xf32> to vector<16xf32>
        %mul3A_600 = vector.broadcast %squeeze3A_566 : f32 to vector<16xf32>
        %mul3A_601 = arith.mulf %get3A_599, %mul3A_600 : vector<16xf32>
        %get3A_602 = arith.index_cast %select_n3A_593 : i32 to index
        %get3A_603 = arith.constant 0 : index
        %get3A_604 = tpu.vector_load %arg13[%get3A_602, %get3A_603] {strides = array<i32>} : memref<160x128xf32, #tpu.memory_space<vmem>>, vector<1x16xf32>,
        %get3A_605 = vector.shape_cast %get3A_604 : vector<1x16xf32> to vector<16xf32>
        %add3A_606 = arith.addf %mul3A_601, %get3A_605 : vector<16xf32>
        %swap3A_607 = arith.index_cast %add3A_564 : i32 to index
        %swap3A_608 = arith.constant 0 : index
        %swap3A_609 = tpu.vector_load %arg11[%swap3A_607, %swap3A_608] {strides = array<i32>} : memref<128x64xf32, #tpu.memory_space<vmem>>, vector<1x16xf32>,
        %swap3A_610 = vector.shape_cast %swap3A_609 : vector<1x16xf32> to vector<16xf32>
        %swap3A_611 = vector.shape_cast %add3A_606 : vector<16xf32> to vector<1x16xf32>
        tpu.vector_store %arg11[%swap3A_607, %swap3A_608], %swap3A_611 {strides = array<i32>} : memref<128x64xf32, #tpu.memory_space<vmem>>, vector<1x16xf32>,
        %add3A_612 = arith.constant 16 : i32
        %add3A_613 = arith.addi %squeeze3A_568, %add3A_612 : i32
        %get3A_614 = arith.index_cast %add3A_564 : i32 to index
        %get3A_615 = arith.index_cast %add3A_613 : i32 to index
        %get3A_616 = tpu.vector_load %arg9[%get3A_614, %get3A_615] {strides = array<i32>} : memref<128x128xf32, #tpu.memory_space<vmem>>, vector<1x16xf32>,
        %get3A_617 = vector.shape_cast %get3A_616 : vector<1x16xf32> to vector<16xf32>
        %mul3A_618 = vector.broadcast %squeeze3A_566 : f32 to vector<16xf32>
        %mul3A_619 = arith.mulf %get3A_617, %mul3A_618 : vector<16xf32>
        %get3A_620 = arith.index_cast %select_n3A_593 : i32 to index
        %get3A_621 = arith.constant 16 : index
        %get3A_622 = tpu.vector_load %arg13[%get3A_620, %get3A_621] {strides = array<i32>} : memref<160x128xf32, #tpu.memory_space<vmem>>, vector<1x16xf32>,
        %get3A_623 = vector.shape_cast %get3A_622 : vector<1x16xf32> to vector<16xf32>
        %add3A_624 = arith.addf %mul3A_619, %get3A_623 : vector<16xf32>
        %swap3A_625 = arith.index_cast %add3A_564 : i32 to index
        %swap3A_626 = arith.constant 16 : index
        %swap3A_627 = tpu.vector_load %arg11[%swap3A_625, %swap3A_626] {strides = array<i32>} : memref<128x64xf32, #tpu.memory_space<vmem>>, vector<1x16xf32>,
        %swap3A_628 = vector.shape_cast %swap3A_627 : vector<1x16xf32> to vector<16xf32>
        %swap3A_629 = vector.shape_cast %add3A_624 : vector<16xf32> to vector<1x16xf32>
        tpu.vector_store %arg11[%swap3A_625, %swap3A_626], %swap3A_629 {strides = array<i32>} : memref<128x64xf32, #tpu.memory_space<vmem>>, vector<1x16xf32>,
        %add3A_630 = arith.constant 32 : i32
        %add3A_631 = arith.addi %squeeze3A_568, %add3A_630 : i32
        %get3A_632 = arith.index_cast %add3A_564 : i32 to index
        %get3A_633 = arith.index_cast %add3A_631 : i32 to index
        %get3A_634 = tpu.vector_load %arg9[%get3A_632, %get3A_633] {strides = array<i32>} : memref<128x128xf32, #tpu.memory_space<vmem>>, vector<1x16xf32>,
        %get3A_635 = vector.shape_cast %get3A_634 : vector<1x16xf32> to vector<16xf32>
        %mul3A_636 = vector.broadcast %squeeze3A_566 : f32 to vector<16xf32>
        %mul3A_637 = arith.mulf %get3A_635, %mul3A_636 : vector<16xf32>
        %get3A_638 = arith.index_cast %select_n3A_593 : i32 to index
        %get3A_639 = arith.constant 32 : index
        %get3A_640 = tpu.vector_load %arg13[%get3A_638, %get3A_639] {strides = array<i32>} : memref<160x128xf32, #tpu.memory_space<vmem>>, vector<1x16xf32>,
        %get3A_641 = vector.shape_cast %get3A_640 : vector<1x16xf32> to vector<16xf32>
        %add3A_642 = arith.addf %mul3A_637, %get3A_641 : vector<16xf32>
        %swap3A_643 = arith.index_cast %add3A_564 : i32 to index
        %swap3A_644 = arith.constant 32 : index
        %swap3A_645 = tpu.vector_load %arg11[%swap3A_643, %swap3A_644] {strides = array<i32>} : memref<128x64xf32, #tpu.memory_space<vmem>>, vector<1x16xf32>,
        %swap3A_646 = vector.shape_cast %swap3A_645 : vector<1x16xf32> to vector<16xf32>
        %swap3A_647 = vector.shape_cast %add3A_642 : vector<16xf32> to vector<1x16xf32>
        tpu.vector_store %arg11[%swap3A_643, %swap3A_644], %swap3A_647 {strides = array<i32>} : memref<128x64xf32, #tpu.memory_space<vmem>>, vector<1x16xf32>,
        %add3A_648 = arith.constant 48 : i32
        %add3A_649 = arith.addi %squeeze3A_568, %add3A_648 : i32
        %get3A_650 = arith.index_cast %add3A_564 : i32 to index
        %get3A_651 = arith.index_cast %add3A_649 : i32 to index
        %get3A_652 = tpu.vector_load %arg9[%get3A_650, %get3A_651] {strides = array<i32>} : memref<128x128xf32, #tpu.memory_space<vmem>>, vector<1x16xf32>,
        %get3A_653 = vector.shape_cast %get3A_652 : vector<1x16xf32> to vector<16xf32>
        %mul3A_654 = vector.broadcast %squeeze3A_566 : f32 to vector<16xf32>
        %mul3A_655 = arith.mulf %get3A_653, %mul3A_654 : vector<16xf32>
        %get3A_656 = arith.index_cast %select_n3A_593 : i32 to index
        %get3A_657 = arith.constant 48 : index
        %get3A_658 = tpu.vector_load %arg13[%get3A_656, %get3A_657] {strides = array<i32>} : memref<160x128xf32, #tpu.memory_space<vmem>>, vector<1x16xf32>,
        %get3A_659 = vector.shape_cast %get3A_658 : vector<1x16xf32> to vector<16xf32>
        %add3A_660 = arith.addf %mul3A_655, %get3A_659 : vector<16xf32>
        %swap3A_661 = arith.index_cast %add3A_564 : i32 to index
        %swap3A_662 = arith.constant 48 : index
        %swap3A_663 = tpu.vector_load %arg11[%swap3A_661, %swap3A_662] {strides = array<i32>} : memref<128x64xf32, #tpu.memory_space<vmem>>, vector<1x16xf32>,
        %swap3A_664 = vector.shape_cast %swap3A_663 : vector<1x16xf32> to vector<16xf32>
        %swap3A_665 = vector.shape_cast %add3A_660 : vector<16xf32> to vector<1x16xf32>
        tpu.vector_store %arg11[%swap3A_661, %swap3A_662], %swap3A_665 {strides = array<i32>} : memref<128x64xf32, #tpu.memory_space<vmem>>, vector<1x16xf32>,
        %mul3A_666 = arith.constant 16 : i32
        %mul3A_667 = arith.muli %scan3A_128, %mul3A_666 : i32
        %add3A_668 = arith.constant 5 : i32
        %add3A_669 = arith.addi %mul3A_667, %add3A_668 : i32
        %slice3A_670 = vector.extract_strided_slice %select_n3A_140 {offsets = [5], sizes = [1], strides = [1]} : vector<16xf32> to vector<1xf32>
        %squeeze3A_671 = vector.extract %slice3A_670[0] : f32 from vector<1xf32>
        %slice3A_672 = vector.extract_strided_slice %mul3A_146 {offsets = [5], sizes = [1], strides = [1]} : vector<16xi32> to vector<1xi32>
        %squeeze3A_673 = vector.extract %slice3A_672[0] : i32 from vector<1xi32>
        %add3A_674 = arith.addi %select_n3A_58, %add3A_669 : i32
        %jit3A_675 = arith.constant 2 : i32
        %div3A_676 = arith.divsi %add3A_674, %jit3A_675 : i32
        %sign3A_677 = arith.constant 0 : i32
        %sign3A_678 = arith.cmpi sgt, %add3A_674, %sign3A_677 : i32
        %sign3A_679 = arith.extui %sign3A_678 : i1 to i32
        %sign3A_680 = arith.constant 0 : i32
        %sign3A_681 = arith.cmpi slt, %add3A_674, %sign3A_680 : i32
        %sign3A_682 = arith.extui %sign3A_681 : i1 to i32
        %sign3A_683 = arith.subi %sign3A_679, %sign3A_682 : i32
        %sign3A_684 = arith.constant 0 : i32
        %sign3A_685 = arith.cmpi sgt, %jit3A_675, %sign3A_684 : i32
        %sign3A_686 = arith.extui %sign3A_685 : i1 to i32
        %sign3A_687 = arith.constant 0 : i32
        %sign3A_688 = arith.cmpi slt, %jit3A_675, %sign3A_687 : i32
        %sign3A_689 = arith.extui %sign3A_688 : i1 to i32
        %sign3A_690 = arith.subi %sign3A_686, %sign3A_689 : i32
        %ne3A_691 = arith.cmpi ne, %sign3A_683, %sign3A_690 : i32
        %rem3A_692 = arith.remsi %add3A_674, %jit3A_675 : i32
        %ne3A_693 = arith.constant 0 : i32
        %ne3A_694 = arith.cmpi ne, %rem3A_692, %ne3A_693 : i32
        %and3A_695 = arith.andi %ne3A_691, %ne3A_694 : i1
        %sub3A_696 = arith.constant 1 : i32
        %sub3A_697 = arith.subi %div3A_676, %sub3A_696 : i32
        %select_n3A_698 = arith.select %and3A_695, %sub3A_697, %div3A_676 : i32
        %add3A_699 = arith.constant 0 : i32
        %add3A_700 = arith.addi %squeeze3A_673, %add3A_699 : i32
        %get3A_701 = arith.index_cast %add3A_669 : i32 to index
        %get3A_702 = arith.index_cast %add3A_700 : i32 to index
        %get3A_703 = tpu.vector_load %arg9[%get3A_701, %get3A_702] {strides = array<i32>} : memref<128x128xf32, #tpu.memory_space<vmem>>, vector<1x16xf32>,
        %get3A_704 = vector.shape_cast %get3A_703 : vector<1x16xf32> to vector<16xf32>
        %mul3A_705 = vector.broadcast %squeeze3A_671 : f32 to vector<16xf32>
        %mul3A_706 = arith.mulf %get3A_704, %mul3A_705 : vector<16xf32>
        %get3A_707 = arith.index_cast %select_n3A_698 : i32 to index
        %get3A_708 = arith.constant 64 : index
        %get3A_709 = tpu.vector_load %arg13[%get3A_707, %get3A_708] {strides = array<i32>} : memref<160x128xf32, #tpu.memory_space<vmem>>, vector<1x16xf32>,
        %get3A_710 = vector.shape_cast %get3A_709 : vector<1x16xf32> to vector<16xf32>
        %add3A_711 = arith.addf %mul3A_706, %get3A_710 : vector<16xf32>
        %swap3A_712 = arith.index_cast %add3A_669 : i32 to index
        %swap3A_713 = arith.constant 0 : index
        %swap3A_714 = tpu.vector_load %arg11[%swap3A_712, %swap3A_713] {strides = array<i32>} : memref<128x64xf32, #tpu.memory_space<vmem>>, vector<1x16xf32>,
        %swap3A_715 = vector.shape_cast %swap3A_714 : vector<1x16xf32> to vector<16xf32>
        %swap3A_716 = vector.shape_cast %add3A_711 : vector<16xf32> to vector<1x16xf32>
        tpu.vector_store %arg11[%swap3A_712, %swap3A_713], %swap3A_716 {strides = array<i32>} : memref<128x64xf32, #tpu.memory_space<vmem>>, vector<1x16xf32>,
        %add3A_717 = arith.constant 16 : i32
        %add3A_718 = arith.addi %squeeze3A_673, %add3A_717 : i32
        %get3A_719 = arith.index_cast %add3A_669 : i32 to index
        %get3A_720 = arith.index_cast %add3A_718 : i32 to index
        %get3A_721 = tpu.vector_load %arg9[%get3A_719, %get3A_720] {strides = array<i32>} : memref<128x128xf32, #tpu.memory_space<vmem>>, vector<1x16xf32>,
        %get3A_722 = vector.shape_cast %get3A_721 : vector<1x16xf32> to vector<16xf32>
        %mul3A_723 = vector.broadcast %squeeze3A_671 : f32 to vector<16xf32>
        %mul3A_724 = arith.mulf %get3A_722, %mul3A_723 : vector<16xf32>
        %get3A_725 = arith.index_cast %select_n3A_698 : i32 to index
        %get3A_726 = arith.constant 80 : index
        %get3A_727 = tpu.vector_load %arg13[%get3A_725, %get3A_726] {strides = array<i32>} : memref<160x128xf32, #tpu.memory_space<vmem>>, vector<1x16xf32>,
        %get3A_728 = vector.shape_cast %get3A_727 : vector<1x16xf32> to vector<16xf32>
        %add3A_729 = arith.addf %mul3A_724, %get3A_728 : vector<16xf32>
        %swap3A_730 = arith.index_cast %add3A_669 : i32 to index
        %swap3A_731 = arith.constant 16 : index
        %swap3A_732 = tpu.vector_load %arg11[%swap3A_730, %swap3A_731] {strides = array<i32>} : memref<128x64xf32, #tpu.memory_space<vmem>>, vector<1x16xf32>,
        %swap3A_733 = vector.shape_cast %swap3A_732 : vector<1x16xf32> to vector<16xf32>
        %swap3A_734 = vector.shape_cast %add3A_729 : vector<16xf32> to vector<1x16xf32>
        tpu.vector_store %arg11[%swap3A_730, %swap3A_731], %swap3A_734 {strides = array<i32>} : memref<128x64xf32, #tpu.memory_space<vmem>>, vector<1x16xf32>,
        %add3A_735 = arith.constant 32 : i32
        %add3A_736 = arith.addi %squeeze3A_673, %add3A_735 : i32
        %get3A_737 = arith.index_cast %add3A_669 : i32 to index
        %get3A_738 = arith.index_cast %add3A_736 : i32 to index
        %get3A_739 = tpu.vector_load %arg9[%get3A_737, %get3A_738] {strides = array<i32>} : memref<128x128xf32, #tpu.memory_space<vmem>>, vector<1x16xf32>,
        %get3A_740 = vector.shape_cast %get3A_739 : vector<1x16xf32> to vector<16xf32>
        %mul3A_741 = vector.broadcast %squeeze3A_671 : f32 to vector<16xf32>
        %mul3A_742 = arith.mulf %get3A_740, %mul3A_741 : vector<16xf32>
        %get3A_743 = arith.index_cast %select_n3A_698 : i32 to index
        %get3A_744 = arith.constant 96 : index
        %get3A_745 = tpu.vector_load %arg13[%get3A_743, %get3A_744] {strides = array<i32>} : memref<160x128xf32, #tpu.memory_space<vmem>>, vector<1x16xf32>,
        %get3A_746 = vector.shape_cast %get3A_745 : vector<1x16xf32> to vector<16xf32>
        %add3A_747 = arith.addf %mul3A_742, %get3A_746 : vector<16xf32>
        %swap3A_748 = arith.index_cast %add3A_669 : i32 to index
        %swap3A_749 = arith.constant 32 : index
        %swap3A_750 = tpu.vector_load %arg11[%swap3A_748, %swap3A_749] {strides = array<i32>} : memref<128x64xf32, #tpu.memory_space<vmem>>, vector<1x16xf32>,
        %swap3A_751 = vector.shape_cast %swap3A_750 : vector<1x16xf32> to vector<16xf32>
        %swap3A_752 = vector.shape_cast %add3A_747 : vector<16xf32> to vector<1x16xf32>
        tpu.vector_store %arg11[%swap3A_748, %swap3A_749], %swap3A_752 {strides = array<i32>} : memref<128x64xf32, #tpu.memory_space<vmem>>, vector<1x16xf32>,
        %add3A_753 = arith.constant 48 : i32
        %add3A_754 = arith.addi %squeeze3A_673, %add3A_753 : i32
        %get3A_755 = arith.index_cast %add3A_669 : i32 to index
        %get3A_756 = arith.index_cast %add3A_754 : i32 to index
        %get3A_757 = tpu.vector_load %arg9[%get3A_755, %get3A_756] {strides = array<i32>} : memref<128x128xf32, #tpu.memory_space<vmem>>, vector<1x16xf32>,
        %get3A_758 = vector.shape_cast %get3A_757 : vector<1x16xf32> to vector<16xf32>
        %mul3A_759 = vector.broadcast %squeeze3A_671 : f32 to vector<16xf32>
        %mul3A_760 = arith.mulf %get3A_758, %mul3A_759 : vector<16xf32>
        %get3A_761 = arith.index_cast %select_n3A_698 : i32 to index
        %get3A_762 = arith.constant 112 : index
        %get3A_763 = tpu.vector_load %arg13[%get3A_761, %get3A_762] {strides = array<i32>} : memref<160x128xf32, #tpu.memory_space<vmem>>, vector<1x16xf32>,
        %get3A_764 = vector.shape_cast %get3A_763 : vector<1x16xf32> to vector<16xf32>
        %add3A_765 = arith.addf %mul3A_760, %get3A_764 : vector<16xf32>
        %swap3A_766 = arith.index_cast %add3A_669 : i32 to index
        %swap3A_767 = arith.constant 48 : index
        %swap3A_768 = tpu.vector_load %arg11[%swap3A_766, %swap3A_767] {strides = array<i32>} : memref<128x64xf32, #tpu.memory_space<vmem>>, vector<1x16xf32>,
        %swap3A_769 = vector.shape_cast %swap3A_768 : vector<1x16xf32> to vector<16xf32>
        %swap3A_770 = vector.shape_cast %add3A_765 : vector<16xf32> to vector<1x16xf32>
        tpu.vector_store %arg11[%swap3A_766, %swap3A_767], %swap3A_770 {strides = array<i32>} : memref<128x64xf32, #tpu.memory_space<vmem>>, vector<1x16xf32>,
        %mul3A_771 = arith.constant 16 : i32
        %mul3A_772 = arith.muli %scan3A_128, %mul3A_771 : i32
        %add3A_773 = arith.constant 6 : i32
        %add3A_774 = arith.addi %mul3A_772, %add3A_773 : i32
        %slice3A_775 = vector.extract_strided_slice %select_n3A_140 {offsets = [6], sizes = [1], strides = [1]} : vector<16xf32> to vector<1xf32>
        %squeeze3A_776 = vector.extract %slice3A_775[0] : f32 from vector<1xf32>
        %slice3A_777 = vector.extract_strided_slice %mul3A_146 {offsets = [6], sizes = [1], strides = [1]} : vector<16xi32> to vector<1xi32>
        %squeeze3A_778 = vector.extract %slice3A_777[0] : i32 from vector<1xi32>
        %add3A_779 = arith.addi %select_n3A_58, %add3A_774 : i32
        %jit3A_780 = arith.constant 2 : i32
        %div3A_781 = arith.divsi %add3A_779, %jit3A_780 : i32
        %sign3A_782 = arith.constant 0 : i32
        %sign3A_783 = arith.cmpi sgt, %add3A_779, %sign3A_782 : i32
        %sign3A_784 = arith.extui %sign3A_783 : i1 to i32
        %sign3A_785 = arith.constant 0 : i32
        %sign3A_786 = arith.cmpi slt, %add3A_779, %sign3A_785 : i32
        %sign3A_787 = arith.extui %sign3A_786 : i1 to i32
        %sign3A_788 = arith.subi %sign3A_784, %sign3A_787 : i32
        %sign3A_789 = arith.constant 0 : i32
        %sign3A_790 = arith.cmpi sgt, %jit3A_780, %sign3A_789 : i32
        %sign3A_791 = arith.extui %sign3A_790 : i1 to i32
        %sign3A_792 = arith.constant 0 : i32
        %sign3A_793 = arith.cmpi slt, %jit3A_780, %sign3A_792 : i32
        %sign3A_794 = arith.extui %sign3A_793 : i1 to i32
        %sign3A_795 = arith.subi %sign3A_791, %sign3A_794 : i32
        %ne3A_796 = arith.cmpi ne, %sign3A_788, %sign3A_795 : i32
        %rem3A_797 = arith.remsi %add3A_779, %jit3A_780 : i32
        %ne3A_798 = arith.constant 0 : i32
        %ne3A_799 = arith.cmpi ne, %rem3A_797, %ne3A_798 : i32
        %and3A_800 = arith.andi %ne3A_796, %ne3A_799 : i1
        %sub3A_801 = arith.constant 1 : i32
        %sub3A_802 = arith.subi %div3A_781, %sub3A_801 : i32
        %select_n3A_803 = arith.select %and3A_800, %sub3A_802, %div3A_781 : i32
        %add3A_804 = arith.constant 0 : i32
        %add3A_805 = arith.addi %squeeze3A_778, %add3A_804 : i32
        %get3A_806 = arith.index_cast %add3A_774 : i32 to index
        %get3A_807 = arith.index_cast %add3A_805 : i32 to index
        %get3A_808 = tpu.vector_load %arg9[%get3A_806, %get3A_807] {strides = array<i32>} : memref<128x128xf32, #tpu.memory_space<vmem>>, vector<1x16xf32>,
        %get3A_809 = vector.shape_cast %get3A_808 : vector<1x16xf32> to vector<16xf32>
        %mul3A_810 = vector.broadcast %squeeze3A_776 : f32 to vector<16xf32>
        %mul3A_811 = arith.mulf %get3A_809, %mul3A_810 : vector<16xf32>
        %get3A_812 = arith.index_cast %select_n3A_803 : i32 to index
        %get3A_813 = arith.constant 0 : index
        %get3A_814 = tpu.vector_load %arg13[%get3A_812, %get3A_813] {strides = array<i32>} : memref<160x128xf32, #tpu.memory_space<vmem>>, vector<1x16xf32>,
        %get3A_815 = vector.shape_cast %get3A_814 : vector<1x16xf32> to vector<16xf32>
        %add3A_816 = arith.addf %mul3A_811, %get3A_815 : vector<16xf32>
        %swap3A_817 = arith.index_cast %add3A_774 : i32 to index
        %swap3A_818 = arith.constant 0 : index
        %swap3A_819 = tpu.vector_load %arg11[%swap3A_817, %swap3A_818] {strides = array<i32>} : memref<128x64xf32, #tpu.memory_space<vmem>>, vector<1x16xf32>,
        %swap3A_820 = vector.shape_cast %swap3A_819 : vector<1x16xf32> to vector<16xf32>
        %swap3A_821 = vector.shape_cast %add3A_816 : vector<16xf32> to vector<1x16xf32>
        tpu.vector_store %arg11[%swap3A_817, %swap3A_818], %swap3A_821 {strides = array<i32>} : memref<128x64xf32, #tpu.memory_space<vmem>>, vector<1x16xf32>,
        %add3A_822 = arith.constant 16 : i32
        %add3A_823 = arith.addi %squeeze3A_778, %add3A_822 : i32
        %get3A_824 = arith.index_cast %add3A_774 : i32 to index
        %get3A_825 = arith.index_cast %add3A_823 : i32 to index
        %get3A_826 = tpu.vector_load %arg9[%get3A_824, %get3A_825] {strides = array<i32>} : memref<128x128xf32, #tpu.memory_space<vmem>>, vector<1x16xf32>,
        %get3A_827 = vector.shape_cast %get3A_826 : vector<1x16xf32> to vector<16xf32>
        %mul3A_828 = vector.broadcast %squeeze3A_776 : f32 to vector<16xf32>
        %mul3A_829 = arith.mulf %get3A_827, %mul3A_828 : vector<16xf32>
        %get3A_830 = arith.index_cast %select_n3A_803 : i32 to index
        %get3A_831 = arith.constant 16 : index
        %get3A_832 = tpu.vector_load %arg13[%get3A_830, %get3A_831] {strides = array<i32>} : memref<160x128xf32, #tpu.memory_space<vmem>>, vector<1x16xf32>,
        %get3A_833 = vector.shape_cast %get3A_832 : vector<1x16xf32> to vector<16xf32>
        %add3A_834 = arith.addf %mul3A_829, %get3A_833 : vector<16xf32>
        %swap3A_835 = arith.index_cast %add3A_774 : i32 to index
        %swap3A_836 = arith.constant 16 : index
        %swap3A_837 = tpu.vector_load %arg11[%swap3A_835, %swap3A_836] {strides = array<i32>} : memref<128x64xf32, #tpu.memory_space<vmem>>, vector<1x16xf32>,
        %swap3A_838 = vector.shape_cast %swap3A_837 : vector<1x16xf32> to vector<16xf32>
        %swap3A_839 = vector.shape_cast %add3A_834 : vector<16xf32> to vector<1x16xf32>
        tpu.vector_store %arg11[%swap3A_835, %swap3A_836], %swap3A_839 {strides = array<i32>} : memref<128x64xf32, #tpu.memory_space<vmem>>, vector<1x16xf32>,
        %add3A_840 = arith.constant 32 : i32
        %add3A_841 = arith.addi %squeeze3A_778, %add3A_840 : i32
        %get3A_842 = arith.index_cast %add3A_774 : i32 to index
        %get3A_843 = arith.index_cast %add3A_841 : i32 to index
        %get3A_844 = tpu.vector_load %arg9[%get3A_842, %get3A_843] {strides = array<i32>} : memref<128x128xf32, #tpu.memory_space<vmem>>, vector<1x16xf32>,
        %get3A_845 = vector.shape_cast %get3A_844 : vector<1x16xf32> to vector<16xf32>
        %mul3A_846 = vector.broadcast %squeeze3A_776 : f32 to vector<16xf32>
        %mul3A_847 = arith.mulf %get3A_845, %mul3A_846 : vector<16xf32>
        %get3A_848 = arith.index_cast %select_n3A_803 : i32 to index
        %get3A_849 = arith.constant 32 : index
        %get3A_850 = tpu.vector_load %arg13[%get3A_848, %get3A_849] {strides = array<i32>} : memref<160x128xf32, #tpu.memory_space<vmem>>, vector<1x16xf32>,
        %get3A_851 = vector.shape_cast %get3A_850 : vector<1x16xf32> to vector<16xf32>
        %add3A_852 = arith.addf %mul3A_847, %get3A_851 : vector<16xf32>
        %swap3A_853 = arith.index_cast %add3A_774 : i32 to index
        %swap3A_854 = arith.constant 32 : index
        %swap3A_855 = tpu.vector_load %arg11[%swap3A_853, %swap3A_854] {strides = array<i32>} : memref<128x64xf32, #tpu.memory_space<vmem>>, vector<1x16xf32>,
        %swap3A_856 = vector.shape_cast %swap3A_855 : vector<1x16xf32> to vector<16xf32>
        %swap3A_857 = vector.shape_cast %add3A_852 : vector<16xf32> to vector<1x16xf32>
        tpu.vector_store %arg11[%swap3A_853, %swap3A_854], %swap3A_857 {strides = array<i32>} : memref<128x64xf32, #tpu.memory_space<vmem>>, vector<1x16xf32>,
        %add3A_858 = arith.constant 48 : i32
        %add3A_859 = arith.addi %squeeze3A_778, %add3A_858 : i32
        %get3A_860 = arith.index_cast %add3A_774 : i32 to index
        %get3A_861 = arith.index_cast %add3A_859 : i32 to index
        %get3A_862 = tpu.vector_load %arg9[%get3A_860, %get3A_861] {strides = array<i32>} : memref<128x128xf32, #tpu.memory_space<vmem>>, vector<1x16xf32>,
        %get3A_863 = vector.shape_cast %get3A_862 : vector<1x16xf32> to vector<16xf32>
        %mul3A_864 = vector.broadcast %squeeze3A_776 : f32 to vector<16xf32>
        %mul3A_865 = arith.mulf %get3A_863, %mul3A_864 : vector<16xf32>
        %get3A_866 = arith.index_cast %select_n3A_803 : i32 to index
        %get3A_867 = arith.constant 48 : index
        %get3A_868 = tpu.vector_load %arg13[%get3A_866, %get3A_867] {strides = array<i32>} : memref<160x128xf32, #tpu.memory_space<vmem>>, vector<1x16xf32>,
        %get3A_869 = vector.shape_cast %get3A_868 : vector<1x16xf32> to vector<16xf32>
        %add3A_870 = arith.addf %mul3A_865, %get3A_869 : vector<16xf32>
        %swap3A_871 = arith.index_cast %add3A_774 : i32 to index
        %swap3A_872 = arith.constant 48 : index
        %swap3A_873 = tpu.vector_load %arg11[%swap3A_871, %swap3A_872] {strides = array<i32>} : memref<128x64xf32, #tpu.memory_space<vmem>>, vector<1x16xf32>,
        %swap3A_874 = vector.shape_cast %swap3A_873 : vector<1x16xf32> to vector<16xf32>
        %swap3A_875 = vector.shape_cast %add3A_870 : vector<16xf32> to vector<1x16xf32>
        tpu.vector_store %arg11[%swap3A_871, %swap3A_872], %swap3A_875 {strides = array<i32>} : memref<128x64xf32, #tpu.memory_space<vmem>>, vector<1x16xf32>,
        %mul3A_876 = arith.constant 16 : i32
        %mul3A_877 = arith.muli %scan3A_128, %mul3A_876 : i32
        %add3A_878 = arith.constant 7 : i32
        %add3A_879 = arith.addi %mul3A_877, %add3A_878 : i32
        %slice3A_880 = vector.extract_strided_slice %select_n3A_140 {offsets = [7], sizes = [1], strides = [1]} : vector<16xf32> to vector<1xf32>
        %squeeze3A_881 = vector.extract %slice3A_880[0] : f32 from vector<1xf32>
        %slice3A_882 = vector.extract_strided_slice %mul3A_146 {offsets = [7], sizes = [1], strides = [1]} : vector<16xi32> to vector<1xi32>
        %squeeze3A_883 = vector.extract %slice3A_882[0] : i32 from vector<1xi32>
        %add3A_884 = arith.addi %select_n3A_58, %add3A_879 : i32
        %jit3A_885 = arith.constant 2 : i32
        %div3A_886 = arith.divsi %add3A_884, %jit3A_885 : i32
        %sign3A_887 = arith.constant 0 : i32
        %sign3A_888 = arith.cmpi sgt, %add3A_884, %sign3A_887 : i32
        %sign3A_889 = arith.extui %sign3A_888 : i1 to i32
        %sign3A_890 = arith.constant 0 : i32
        %sign3A_891 = arith.cmpi slt, %add3A_884, %sign3A_890 : i32
        %sign3A_892 = arith.extui %sign3A_891 : i1 to i32
        %sign3A_893 = arith.subi %sign3A_889, %sign3A_892 : i32
        %sign3A_894 = arith.constant 0 : i32
        %sign3A_895 = arith.cmpi sgt, %jit3A_885, %sign3A_894 : i32
        %sign3A_896 = arith.extui %sign3A_895 : i1 to i32
        %sign3A_897 = arith.constant 0 : i32
        %sign3A_898 = arith.cmpi slt, %jit3A_885, %sign3A_897 : i32
        %sign3A_899 = arith.extui %sign3A_898 : i1 to i32
        %sign3A_900 = arith.subi %sign3A_896, %sign3A_899 : i32
        %ne3A_901 = arith.cmpi ne, %sign3A_893, %sign3A_900 : i32
        %rem3A_902 = arith.remsi %add3A_884, %jit3A_885 : i32
        %ne3A_903 = arith.constant 0 : i32
        %ne3A_904 = arith.cmpi ne, %rem3A_902, %ne3A_903 : i32
        %and3A_905 = arith.andi %ne3A_901, %ne3A_904 : i1
        %sub3A_906 = arith.constant 1 : i32
        %sub3A_907 = arith.subi %div3A_886, %sub3A_906 : i32
        %select_n3A_908 = arith.select %and3A_905, %sub3A_907, %div3A_886 : i32
        %add3A_909 = arith.constant 0 : i32
        %add3A_910 = arith.addi %squeeze3A_883, %add3A_909 : i32
        %get3A_911 = arith.index_cast %add3A_879 : i32 to index
        %get3A_912 = arith.index_cast %add3A_910 : i32 to index
        %get3A_913 = tpu.vector_load %arg9[%get3A_911, %get3A_912] {strides = array<i32>} : memref<128x128xf32, #tpu.memory_space<vmem>>, vector<1x16xf32>,
        %get3A_914 = vector.shape_cast %get3A_913 : vector<1x16xf32> to vector<16xf32>
        %mul3A_915 = vector.broadcast %squeeze3A_881 : f32 to vector<16xf32>
        %mul3A_916 = arith.mulf %get3A_914, %mul3A_915 : vector<16xf32>
        %get3A_917 = arith.index_cast %select_n3A_908 : i32 to index
        %get3A_918 = arith.constant 64 : index
        %get3A_919 = tpu.vector_load %arg13[%get3A_917, %get3A_918] {strides = array<i32>} : memref<160x128xf32, #tpu.memory_space<vmem>>, vector<1x16xf32>,
        %get3A_920 = vector.shape_cast %get3A_919 : vector<1x16xf32> to vector<16xf32>
        %add3A_921 = arith.addf %mul3A_916, %get3A_920 : vector<16xf32>
        %swap3A_922 = arith.index_cast %add3A_879 : i32 to index
        %swap3A_923 = arith.constant 0 : index
        %swap3A_924 = tpu.vector_load %arg11[%swap3A_922, %swap3A_923] {strides = array<i32>} : memref<128x64xf32, #tpu.memory_space<vmem>>, vector<1x16xf32>,
        %swap3A_925 = vector.shape_cast %swap3A_924 : vector<1x16xf32> to vector<16xf32>
        %swap3A_926 = vector.shape_cast %add3A_921 : vector<16xf32> to vector<1x16xf32>
        tpu.vector_store %arg11[%swap3A_922, %swap3A_923], %swap3A_926 {strides = array<i32>} : memref<128x64xf32, #tpu.memory_space<vmem>>, vector<1x16xf32>,
        %add3A_927 = arith.constant 16 : i32
        %add3A_928 = arith.addi %squeeze3A_883, %add3A_927 : i32
        %get3A_929 = arith.index_cast %add3A_879 : i32 to index
        %get3A_930 = arith.index_cast %add3A_928 : i32 to index
        %get3A_931 = tpu.vector_load %arg9[%get3A_929, %get3A_930] {strides = array<i32>} : memref<128x128xf32, #tpu.memory_space<vmem>>, vector<1x16xf32>,
        %get3A_932 = vector.shape_cast %get3A_931 : vector<1x16xf32> to vector<16xf32>
        %mul3A_933 = vector.broadcast %squeeze3A_881 : f32 to vector<16xf32>
        %mul3A_934 = arith.mulf %get3A_932, %mul3A_933 : vector<16xf32>
        %get3A_935 = arith.index_cast %select_n3A_908 : i32 to index
        %get3A_936 = arith.constant 80 : index
        %get3A_937 = tpu.vector_load %arg13[%get3A_935, %get3A_936] {strides = array<i32>} : memref<160x128xf32, #tpu.memory_space<vmem>>, vector<1x16xf32>,
        %get3A_938 = vector.shape_cast %get3A_937 : vector<1x16xf32> to vector<16xf32>
        %add3A_939 = arith.addf %mul3A_934, %get3A_938 : vector<16xf32>
        %swap3A_940 = arith.index_cast %add3A_879 : i32 to index
        %swap3A_941 = arith.constant 16 : index
        %swap3A_942 = tpu.vector_load %arg11[%swap3A_940, %swap3A_941] {strides = array<i32>} : memref<128x64xf32, #tpu.memory_space<vmem>>, vector<1x16xf32>,
        %swap3A_943 = vector.shape_cast %swap3A_942 : vector<1x16xf32> to vector<16xf32>
        %swap3A_944 = vector.shape_cast %add3A_939 : vector<16xf32> to vector<1x16xf32>
        tpu.vector_store %arg11[%swap3A_940, %swap3A_941], %swap3A_944 {strides = array<i32>} : memref<128x64xf32, #tpu.memory_space<vmem>>, vector<1x16xf32>,
        %add3A_945 = arith.constant 32 : i32
        %add3A_946 = arith.addi %squeeze3A_883, %add3A_945 : i32
        %get3A_947 = arith.index_cast %add3A_879 : i32 to index
        %get3A_948 = arith.index_cast %add3A_946 : i32 to index
        %get3A_949 = tpu.vector_load %arg9[%get3A_947, %get3A_948] {strides = array<i32>} : memref<128x128xf32, #tpu.memory_space<vmem>>, vector<1x16xf32>,
        %get3A_950 = vector.shape_cast %get3A_949 : vector<1x16xf32> to vector<16xf32>
        %mul3A_951 = vector.broadcast %squeeze3A_881 : f32 to vector<16xf32>
        %mul3A_952 = arith.mulf %get3A_950, %mul3A_951 : vector<16xf32>
        %get3A_953 = arith.index_cast %select_n3A_908 : i32 to index
        %get3A_954 = arith.constant 96 : index
        %get3A_955 = tpu.vector_load %arg13[%get3A_953, %get3A_954] {strides = array<i32>} : memref<160x128xf32, #tpu.memory_space<vmem>>, vector<1x16xf32>,
        %get3A_956 = vector.shape_cast %get3A_955 : vector<1x16xf32> to vector<16xf32>
        %add3A_957 = arith.addf %mul3A_952, %get3A_956 : vector<16xf32>
        %swap3A_958 = arith.index_cast %add3A_879 : i32 to index
        %swap3A_959 = arith.constant 32 : index
        %swap3A_960 = tpu.vector_load %arg11[%swap3A_958, %swap3A_959] {strides = array<i32>} : memref<128x64xf32, #tpu.memory_space<vmem>>, vector<1x16xf32>,
        %swap3A_961 = vector.shape_cast %swap3A_960 : vector<1x16xf32> to vector<16xf32>
        %swap3A_962 = vector.shape_cast %add3A_957 : vector<16xf32> to vector<1x16xf32>
        tpu.vector_store %arg11[%swap3A_958, %swap3A_959], %swap3A_962 {strides = array<i32>} : memref<128x64xf32, #tpu.memory_space<vmem>>, vector<1x16xf32>,
        %add3A_963 = arith.constant 48 : i32
        %add3A_964 = arith.addi %squeeze3A_883, %add3A_963 : i32
        %get3A_965 = arith.index_cast %add3A_879 : i32 to index
        %get3A_966 = arith.index_cast %add3A_964 : i32 to index
        %get3A_967 = tpu.vector_load %arg9[%get3A_965, %get3A_966] {strides = array<i32>} : memref<128x128xf32, #tpu.memory_space<vmem>>, vector<1x16xf32>,
        %get3A_968 = vector.shape_cast %get3A_967 : vector<1x16xf32> to vector<16xf32>
        %mul3A_969 = vector.broadcast %squeeze3A_881 : f32 to vector<16xf32>
        %mul3A_970 = arith.mulf %get3A_968, %mul3A_969 : vector<16xf32>
        %get3A_971 = arith.index_cast %select_n3A_908 : i32 to index
        %get3A_972 = arith.constant 112 : index
        %get3A_973 = tpu.vector_load %arg13[%get3A_971, %get3A_972] {strides = array<i32>} : memref<160x128xf32, #tpu.memory_space<vmem>>, vector<1x16xf32>,
        %get3A_974 = vector.shape_cast %get3A_973 : vector<1x16xf32> to vector<16xf32>
        %add3A_975 = arith.addf %mul3A_970, %get3A_974 : vector<16xf32>
        %swap3A_976 = arith.index_cast %add3A_879 : i32 to index
        %swap3A_977 = arith.constant 48 : index
        %swap3A_978 = tpu.vector_load %arg11[%swap3A_976, %swap3A_977] {strides = array<i32>} : memref<128x64xf32, #tpu.memory_space<vmem>>, vector<1x16xf32>,
        %swap3A_979 = vector.shape_cast %swap3A_978 : vector<1x16xf32> to vector<16xf32>
        %swap3A_980 = vector.shape_cast %add3A_975 : vector<16xf32> to vector<1x16xf32>
        tpu.vector_store %arg11[%swap3A_976, %swap3A_977], %swap3A_980 {strides = array<i32>} : memref<128x64xf32, #tpu.memory_space<vmem>>, vector<1x16xf32>,
        %mul3A_981 = arith.constant 16 : i32
        %mul3A_982 = arith.muli %scan3A_128, %mul3A_981 : i32
        %add3A_983 = arith.constant 8 : i32
        %add3A_984 = arith.addi %mul3A_982, %add3A_983 : i32
        %slice3A_985 = vector.extract_strided_slice %select_n3A_140 {offsets = [8], sizes = [1], strides = [1]} : vector<16xf32> to vector<1xf32>
        %squeeze3A_986 = vector.extract %slice3A_985[0] : f32 from vector<1xf32>
        %slice3A_987 = vector.extract_strided_slice %mul3A_146 {offsets = [8], sizes = [1], strides = [1]} : vector<16xi32> to vector<1xi32>
        %squeeze3A_988 = vector.extract %slice3A_987[0] : i32 from vector<1xi32>
        %add3A_989 = arith.addi %select_n3A_58, %add3A_984 : i32
        %jit3A_990 = arith.constant 2 : i32
        %div3A_991 = arith.divsi %add3A_989, %jit3A_990 : i32
        %sign3A_992 = arith.constant 0 : i32
        %sign3A_993 = arith.cmpi sgt, %add3A_989, %sign3A_992 : i32
        %sign3A_994 = arith.extui %sign3A_993 : i1 to i32
        %sign3A_995 = arith.constant 0 : i32
        %sign3A_996 = arith.cmpi slt, %add3A_989, %sign3A_995 : i32
        %sign3A_997 = arith.extui %sign3A_996 : i1 to i32
        %sign3A_998 = arith.subi %sign3A_994, %sign3A_997 : i32
        %sign3A_999 = arith.constant 0 : i32
        %sign3A_1000 = arith.cmpi sgt, %jit3A_990, %sign3A_999 : i32
        %sign3A_1001 = arith.extui %sign3A_1000 : i1 to i32
        %sign3A_1002 = arith.constant 0 : i32
        %sign3A_1003 = arith.cmpi slt, %jit3A_990, %sign3A_1002 : i32
        %sign3A_1004 = arith.extui %sign3A_1003 : i1 to i32
        %sign3A_1005 = arith.subi %sign3A_1001, %sign3A_1004 : i32
        %ne3A_1006 = arith.cmpi ne, %sign3A_998, %sign3A_1005 : i32
        %rem3A_1007 = arith.remsi %add3A_989, %jit3A_990 : i32
        %ne3A_1008 = arith.constant 0 : i32
        %ne3A_1009 = arith.cmpi ne, %rem3A_1007, %ne3A_1008 : i32
        %and3A_1010 = arith.andi %ne3A_1006, %ne3A_1009 : i1
        %sub3A_1011 = arith.constant 1 : i32
        %sub3A_1012 = arith.subi %div3A_991, %sub3A_1011 : i32
        %select_n3A_1013 = arith.select %and3A_1010, %sub3A_1012, %div3A_991 : i32
        %add3A_1014 = arith.constant 0 : i32
        %add3A_1015 = arith.addi %squeeze3A_988, %add3A_1014 : i32
        %get3A_1016 = arith.index_cast %add3A_984 : i32 to index
        %get3A_1017 = arith.index_cast %add3A_1015 : i32 to index
        %get3A_1018 = tpu.vector_load %arg9[%get3A_1016, %get3A_1017] {strides = array<i32>} : memref<128x128xf32, #tpu.memory_space<vmem>>, vector<1x16xf32>,
        %get3A_1019 = vector.shape_cast %get3A_1018 : vector<1x16xf32> to vector<16xf32>
        %mul3A_1020 = vector.broadcast %squeeze3A_986 : f32 to vector<16xf32>
        %mul3A_1021 = arith.mulf %get3A_1019, %mul3A_1020 : vector<16xf32>
        %get3A_1022 = arith.index_cast %select_n3A_1013 : i32 to index
        %get3A_1023 = arith.constant 0 : index
        %get3A_1024 = tpu.vector_load %arg13[%get3A_1022, %get3A_1023] {strides = array<i32>} : memref<160x128xf32, #tpu.memory_space<vmem>>, vector<1x16xf32>,
        %get3A_1025 = vector.shape_cast %get3A_1024 : vector<1x16xf32> to vector<16xf32>
        %add3A_1026 = arith.addf %mul3A_1021, %get3A_1025 : vector<16xf32>
        %swap3A_1027 = arith.index_cast %add3A_984 : i32 to index
        %swap3A_1028 = arith.constant 0 : index
        %swap3A_1029 = tpu.vector_load %arg11[%swap3A_1027, %swap3A_1028] {strides = array<i32>} : memref<128x64xf32, #tpu.memory_space<vmem>>, vector<1x16xf32>,
        %swap3A_1030 = vector.shape_cast %swap3A_1029 : vector<1x16xf32> to vector<16xf32>
        %swap3A_1031 = vector.shape_cast %add3A_1026 : vector<16xf32> to vector<1x16xf32>
        tpu.vector_store %arg11[%swap3A_1027, %swap3A_1028], %swap3A_1031 {strides = array<i32>} : memref<128x64xf32, #tpu.memory_space<vmem>>, vector<1x16xf32>,
        %add3A_1032 = arith.constant 16 : i32
        %add3A_1033 = arith.addi %squeeze3A_988, %add3A_1032 : i32
        %get3A_1034 = arith.index_cast %add3A_984 : i32 to index
        %get3A_1035 = arith.index_cast %add3A_1033 : i32 to index
        %get3A_1036 = tpu.vector_load %arg9[%get3A_1034, %get3A_1035] {strides = array<i32>} : memref<128x128xf32, #tpu.memory_space<vmem>>, vector<1x16xf32>,
        %get3A_1037 = vector.shape_cast %get3A_1036 : vector<1x16xf32> to vector<16xf32>
        %mul3A_1038 = vector.broadcast %squeeze3A_986 : f32 to vector<16xf32>
        %mul3A_1039 = arith.mulf %get3A_1037, %mul3A_1038 : vector<16xf32>
        %get3A_1040 = arith.index_cast %select_n3A_1013 : i32 to index
        %get3A_1041 = arith.constant 16 : index
        %get3A_1042 = tpu.vector_load %arg13[%get3A_1040, %get3A_1041] {strides = array<i32>} : memref<160x128xf32, #tpu.memory_space<vmem>>, vector<1x16xf32>,
        %get3A_1043 = vector.shape_cast %get3A_1042 : vector<1x16xf32> to vector<16xf32>
        %add3A_1044 = arith.addf %mul3A_1039, %get3A_1043 : vector<16xf32>
        %swap3A_1045 = arith.index_cast %add3A_984 : i32 to index
        %swap3A_1046 = arith.constant 16 : index
        %swap3A_1047 = tpu.vector_load %arg11[%swap3A_1045, %swap3A_1046] {strides = array<i32>} : memref<128x64xf32, #tpu.memory_space<vmem>>, vector<1x16xf32>,
        %swap3A_1048 = vector.shape_cast %swap3A_1047 : vector<1x16xf32> to vector<16xf32>
        %swap3A_1049 = vector.shape_cast %add3A_1044 : vector<16xf32> to vector<1x16xf32>
        tpu.vector_store %arg11[%swap3A_1045, %swap3A_1046], %swap3A_1049 {strides = array<i32>} : memref<128x64xf32, #tpu.memory_space<vmem>>, vector<1x16xf32>,
        %add3A_1050 = arith.constant 32 : i32
        %add3A_1051 = arith.addi %squeeze3A_988, %add3A_1050 : i32
        %get3A_1052 = arith.index_cast %add3A_984 : i32 to index
        %get3A_1053 = arith.index_cast %add3A_1051 : i32 to index
        %get3A_1054 = tpu.vector_load %arg9[%get3A_1052, %get3A_1053] {strides = array<i32>} : memref<128x128xf32, #tpu.memory_space<vmem>>, vector<1x16xf32>,
        %get3A_1055 = vector.shape_cast %get3A_1054 : vector<1x16xf32> to vector<16xf32>
        %mul3A_1056 = vector.broadcast %squeeze3A_986 : f32 to vector<16xf32>
        %mul3A_1057 = arith.mulf %get3A_1055, %mul3A_1056 : vector<16xf32>
        %get3A_1058 = arith.index_cast %select_n3A_1013 : i32 to index
        %get3A_1059 = arith.constant 32 : index
        %get3A_1060 = tpu.vector_load %arg13[%get3A_1058, %get3A_1059] {strides = array<i32>} : memref<160x128xf32, #tpu.memory_space<vmem>>, vector<1x16xf32>,
        %get3A_1061 = vector.shape_cast %get3A_1060 : vector<1x16xf32> to vector<16xf32>
        %add3A_1062 = arith.addf %mul3A_1057, %get3A_1061 : vector<16xf32>
        %swap3A_1063 = arith.index_cast %add3A_984 : i32 to index
        %swap3A_1064 = arith.constant 32 : index
        %swap3A_1065 = tpu.vector_load %arg11[%swap3A_1063, %swap3A_1064] {strides = array<i32>} : memref<128x64xf32, #tpu.memory_space<vmem>>, vector<1x16xf32>,
        %swap3A_1066 = vector.shape_cast %swap3A_1065 : vector<1x16xf32> to vector<16xf32>
        %swap3A_1067 = vector.shape_cast %add3A_1062 : vector<16xf32> to vector<1x16xf32>
        tpu.vector_store %arg11[%swap3A_1063, %swap3A_1064], %swap3A_1067 {strides = array<i32>} : memref<128x64xf32, #tpu.memory_space<vmem>>, vector<1x16xf32>,
        %add3A_1068 = arith.constant 48 : i32
        %add3A_1069 = arith.addi %squeeze3A_988, %add3A_1068 : i32
        %get3A_1070 = arith.index_cast %add3A_984 : i32 to index
        %get3A_1071 = arith.index_cast %add3A_1069 : i32 to index
        %get3A_1072 = tpu.vector_load %arg9[%get3A_1070, %get3A_1071] {strides = array<i32>} : memref<128x128xf32, #tpu.memory_space<vmem>>, vector<1x16xf32>,
        %get3A_1073 = vector.shape_cast %get3A_1072 : vector<1x16xf32> to vector<16xf32>
        %mul3A_1074 = vector.broadcast %squeeze3A_986 : f32 to vector<16xf32>
        %mul3A_1075 = arith.mulf %get3A_1073, %mul3A_1074 : vector<16xf32>
        %get3A_1076 = arith.index_cast %select_n3A_1013 : i32 to index
        %get3A_1077 = arith.constant 48 : index
        %get3A_1078 = tpu.vector_load %arg13[%get3A_1076, %get3A_1077] {strides = array<i32>} : memref<160x128xf32, #tpu.memory_space<vmem>>, vector<1x16xf32>,
        %get3A_1079 = vector.shape_cast %get3A_1078 : vector<1x16xf32> to vector<16xf32>
        %add3A_1080 = arith.addf %mul3A_1075, %get3A_1079 : vector<16xf32>
        %swap3A_1081 = arith.index_cast %add3A_984 : i32 to index
        %swap3A_1082 = arith.constant 48 : index
        %swap3A_1083 = tpu.vector_load %arg11[%swap3A_1081, %swap3A_1082] {strides = array<i32>} : memref<128x64xf32, #tpu.memory_space<vmem>>, vector<1x16xf32>,
        %swap3A_1084 = vector.shape_cast %swap3A_1083 : vector<1x16xf32> to vector<16xf32>
        %swap3A_1085 = vector.shape_cast %add3A_1080 : vector<16xf32> to vector<1x16xf32>
        tpu.vector_store %arg11[%swap3A_1081, %swap3A_1082], %swap3A_1085 {strides = array<i32>} : memref<128x64xf32, #tpu.memory_space<vmem>>, vector<1x16xf32>,
        %mul3A_1086 = arith.constant 16 : i32
        %mul3A_1087 = arith.muli %scan3A_128, %mul3A_1086 : i32
        %add3A_1088 = arith.constant 9 : i32
        %add3A_1089 = arith.addi %mul3A_1087, %add3A_1088 : i32
        %slice3A_1090 = vector.extract_strided_slice %select_n3A_140 {offsets = [9], sizes = [1], strides = [1]} : vector<16xf32> to vector<1xf32>
        %squeeze3A_1091 = vector.extract %slice3A_1090[0] : f32 from vector<1xf32>
        %slice3A_1092 = vector.extract_strided_slice %mul3A_146 {offsets = [9], sizes = [1], strides = [1]} : vector<16xi32> to vector<1xi32>
        %squeeze3A_1093 = vector.extract %slice3A_1092[0] : i32 from vector<1xi32>
        %add3A_1094 = arith.addi %select_n3A_58, %add3A_1089 : i32
        %jit3A_1095 = arith.constant 2 : i32
        %div3A_1096 = arith.divsi %add3A_1094, %jit3A_1095 : i32
        %sign3A_1097 = arith.constant 0 : i32
        %sign3A_1098 = arith.cmpi sgt, %add3A_1094, %sign3A_1097 : i32
        %sign3A_1099 = arith.extui %sign3A_1098 : i1 to i32
        %sign3A_1100 = arith.constant 0 : i32
        %sign3A_1101 = arith.cmpi slt, %add3A_1094, %sign3A_1100 : i32
        %sign3A_1102 = arith.extui %sign3A_1101 : i1 to i32
        %sign3A_1103 = arith.subi %sign3A_1099, %sign3A_1102 : i32
        %sign3A_1104 = arith.constant 0 : i32
        %sign3A_1105 = arith.cmpi sgt, %jit3A_1095, %sign3A_1104 : i32
        %sign3A_1106 = arith.extui %sign3A_1105 : i1 to i32
        %sign3A_1107 = arith.constant 0 : i32
        %sign3A_1108 = arith.cmpi slt, %jit3A_1095, %sign3A_1107 : i32
        %sign3A_1109 = arith.extui %sign3A_1108 : i1 to i32
        %sign3A_1110 = arith.subi %sign3A_1106, %sign3A_1109 : i32
        %ne3A_1111 = arith.cmpi ne, %sign3A_1103, %sign3A_1110 : i32
        %rem3A_1112 = arith.remsi %add3A_1094, %jit3A_1095 : i32
        %ne3A_1113 = arith.constant 0 : i32
        %ne3A_1114 = arith.cmpi ne, %rem3A_1112, %ne3A_1113 : i32
        %and3A_1115 = arith.andi %ne3A_1111, %ne3A_1114 : i1
        %sub3A_1116 = arith.constant 1 : i32
        %sub3A_1117 = arith.subi %div3A_1096, %sub3A_1116 : i32
        %select_n3A_1118 = arith.select %and3A_1115, %sub3A_1117, %div3A_1096 : i32
        %add3A_1119 = arith.constant 0 : i32
        %add3A_1120 = arith.addi %squeeze3A_1093, %add3A_1119 : i32
        %get3A_1121 = arith.index_cast %add3A_1089 : i32 to index
        %get3A_1122 = arith.index_cast %add3A_1120 : i32 to index
        %get3A_1123 = tpu.vector_load %arg9[%get3A_1121, %get3A_1122] {strides = array<i32>} : memref<128x128xf32, #tpu.memory_space<vmem>>, vector<1x16xf32>,
        %get3A_1124 = vector.shape_cast %get3A_1123 : vector<1x16xf32> to vector<16xf32>
        %mul3A_1125 = vector.broadcast %squeeze3A_1091 : f32 to vector<16xf32>
        %mul3A_1126 = arith.mulf %get3A_1124, %mul3A_1125 : vector<16xf32>
        %get3A_1127 = arith.index_cast %select_n3A_1118 : i32 to index
        %get3A_1128 = arith.constant 64 : index
        %get3A_1129 = tpu.vector_load %arg13[%get3A_1127, %get3A_1128] {strides = array<i32>} : memref<160x128xf32, #tpu.memory_space<vmem>>, vector<1x16xf32>,
        %get3A_1130 = vector.shape_cast %get3A_1129 : vector<1x16xf32> to vector<16xf32>
        %add3A_1131 = arith.addf %mul3A_1126, %get3A_1130 : vector<16xf32>
        %swap3A_1132 = arith.index_cast %add3A_1089 : i32 to index
        %swap3A_1133 = arith.constant 0 : index
        %swap3A_1134 = tpu.vector_load %arg11[%swap3A_1132, %swap3A_1133] {strides = array<i32>} : memref<128x64xf32, #tpu.memory_space<vmem>>, vector<1x16xf32>,
        %swap3A_1135 = vector.shape_cast %swap3A_1134 : vector<1x16xf32> to vector<16xf32>
        %swap3A_1136 = vector.shape_cast %add3A_1131 : vector<16xf32> to vector<1x16xf32>
        tpu.vector_store %arg11[%swap3A_1132, %swap3A_1133], %swap3A_1136 {strides = array<i32>} : memref<128x64xf32, #tpu.memory_space<vmem>>, vector<1x16xf32>,
        %add3A_1137 = arith.constant 16 : i32
        %add3A_1138 = arith.addi %squeeze3A_1093, %add3A_1137 : i32
        %get3A_1139 = arith.index_cast %add3A_1089 : i32 to index
        %get3A_1140 = arith.index_cast %add3A_1138 : i32 to index
        %get3A_1141 = tpu.vector_load %arg9[%get3A_1139, %get3A_1140] {strides = array<i32>} : memref<128x128xf32, #tpu.memory_space<vmem>>, vector<1x16xf32>,
        %get3A_1142 = vector.shape_cast %get3A_1141 : vector<1x16xf32> to vector<16xf32>
        %mul3A_1143 = vector.broadcast %squeeze3A_1091 : f32 to vector<16xf32>
        %mul3A_1144 = arith.mulf %get3A_1142, %mul3A_1143 : vector<16xf32>
        %get3A_1145 = arith.index_cast %select_n3A_1118 : i32 to index
        %get3A_1146 = arith.constant 80 : index
        %get3A_1147 = tpu.vector_load %arg13[%get3A_1145, %get3A_1146] {strides = array<i32>} : memref<160x128xf32, #tpu.memory_space<vmem>>, vector<1x16xf32>,
        %get3A_1148 = vector.shape_cast %get3A_1147 : vector<1x16xf32> to vector<16xf32>
        %add3A_1149 = arith.addf %mul3A_1144, %get3A_1148 : vector<16xf32>
        %swap3A_1150 = arith.index_cast %add3A_1089 : i32 to index
        %swap3A_1151 = arith.constant 16 : index
        %swap3A_1152 = tpu.vector_load %arg11[%swap3A_1150, %swap3A_1151] {strides = array<i32>} : memref<128x64xf32, #tpu.memory_space<vmem>>, vector<1x16xf32>,
        %swap3A_1153 = vector.shape_cast %swap3A_1152 : vector<1x16xf32> to vector<16xf32>
        %swap3A_1154 = vector.shape_cast %add3A_1149 : vector<16xf32> to vector<1x16xf32>
        tpu.vector_store %arg11[%swap3A_1150, %swap3A_1151], %swap3A_1154 {strides = array<i32>} : memref<128x64xf32, #tpu.memory_space<vmem>>, vector<1x16xf32>,
        %add3A_1155 = arith.constant 32 : i32
        %add3A_1156 = arith.addi %squeeze3A_1093, %add3A_1155 : i32
        %get3A_1157 = arith.index_cast %add3A_1089 : i32 to index
        %get3A_1158 = arith.index_cast %add3A_1156 : i32 to index
        %get3A_1159 = tpu.vector_load %arg9[%get3A_1157, %get3A_1158] {strides = array<i32>} : memref<128x128xf32, #tpu.memory_space<vmem>>, vector<1x16xf32>,
        %get3A_1160 = vector.shape_cast %get3A_1159 : vector<1x16xf32> to vector<16xf32>
        %mul3A_1161 = vector.broadcast %squeeze3A_1091 : f32 to vector<16xf32>
        %mul3A_1162 = arith.mulf %get3A_1160, %mul3A_1161 : vector<16xf32>
        %get3A_1163 = arith.index_cast %select_n3A_1118 : i32 to index
        %get3A_1164 = arith.constant 96 : index
        %get3A_1165 = tpu.vector_load %arg13[%get3A_1163, %get3A_1164] {strides = array<i32>} : memref<160x128xf32, #tpu.memory_space<vmem>>, vector<1x16xf32>,
        %get3A_1166 = vector.shape_cast %get3A_1165 : vector<1x16xf32> to vector<16xf32>
        %add3A_1167 = arith.addf %mul3A_1162, %get3A_1166 : vector<16xf32>
        %swap3A_1168 = arith.index_cast %add3A_1089 : i32 to index
        %swap3A_1169 = arith.constant 32 : index
        %swap3A_1170 = tpu.vector_load %arg11[%swap3A_1168, %swap3A_1169] {strides = array<i32>} : memref<128x64xf32, #tpu.memory_space<vmem>>, vector<1x16xf32>,
        %swap3A_1171 = vector.shape_cast %swap3A_1170 : vector<1x16xf32> to vector<16xf32>
        %swap3A_1172 = vector.shape_cast %add3A_1167 : vector<16xf32> to vector<1x16xf32>
        tpu.vector_store %arg11[%swap3A_1168, %swap3A_1169], %swap3A_1172 {strides = array<i32>} : memref<128x64xf32, #tpu.memory_space<vmem>>, vector<1x16xf32>,
        %add3A_1173 = arith.constant 48 : i32
        %add3A_1174 = arith.addi %squeeze3A_1093, %add3A_1173 : i32
        %get3A_1175 = arith.index_cast %add3A_1089 : i32 to index
        %get3A_1176 = arith.index_cast %add3A_1174 : i32 to index
        %get3A_1177 = tpu.vector_load %arg9[%get3A_1175, %get3A_1176] {strides = array<i32>} : memref<128x128xf32, #tpu.memory_space<vmem>>, vector<1x16xf32>,
        %get3A_1178 = vector.shape_cast %get3A_1177 : vector<1x16xf32> to vector<16xf32>
        %mul3A_1179 = vector.broadcast %squeeze3A_1091 : f32 to vector<16xf32>
        %mul3A_1180 = arith.mulf %get3A_1178, %mul3A_1179 : vector<16xf32>
        %get3A_1181 = arith.index_cast %select_n3A_1118 : i32 to index
        %get3A_1182 = arith.constant 112 : index
        %get3A_1183 = tpu.vector_load %arg13[%get3A_1181, %get3A_1182] {strides = array<i32>} : memref<160x128xf32, #tpu.memory_space<vmem>>, vector<1x16xf32>,
        %get3A_1184 = vector.shape_cast %get3A_1183 : vector<1x16xf32> to vector<16xf32>
        %add3A_1185 = arith.addf %mul3A_1180, %get3A_1184 : vector<16xf32>
        %swap3A_1186 = arith.index_cast %add3A_1089 : i32 to index
        %swap3A_1187 = arith.constant 48 : index
        %swap3A_1188 = tpu.vector_load %arg11[%swap3A_1186, %swap3A_1187] {strides = array<i32>} : memref<128x64xf32, #tpu.memory_space<vmem>>, vector<1x16xf32>,
        %swap3A_1189 = vector.shape_cast %swap3A_1188 : vector<1x16xf32> to vector<16xf32>
        %swap3A_1190 = vector.shape_cast %add3A_1185 : vector<16xf32> to vector<1x16xf32>
        tpu.vector_store %arg11[%swap3A_1186, %swap3A_1187], %swap3A_1190 {strides = array<i32>} : memref<128x64xf32, #tpu.memory_space<vmem>>, vector<1x16xf32>,
        %mul3A_1191 = arith.constant 16 : i32
        %mul3A_1192 = arith.muli %scan3A_128, %mul3A_1191 : i32
        %add3A_1193 = arith.constant 10 : i32
        %add3A_1194 = arith.addi %mul3A_1192, %add3A_1193 : i32
        %slice3A_1195 = vector.extract_strided_slice %select_n3A_140 {offsets = [10], sizes = [1], strides = [1]} : vector<16xf32> to vector<1xf32>
        %squeeze3A_1196 = vector.extract %slice3A_1195[0] : f32 from vector<1xf32>
        %slice3A_1197 = vector.extract_strided_slice %mul3A_146 {offsets = [10], sizes = [1], strides = [1]} : vector<16xi32> to vector<1xi32>
        %squeeze3A_1198 = vector.extract %slice3A_1197[0] : i32 from vector<1xi32>
        %add3A_1199 = arith.addi %select_n3A_58, %add3A_1194 : i32
        %jit3A_1200 = arith.constant 2 : i32
        %div3A_1201 = arith.divsi %add3A_1199, %jit3A_1200 : i32
        %sign3A_1202 = arith.constant 0 : i32
        %sign3A_1203 = arith.cmpi sgt, %add3A_1199, %sign3A_1202 : i32
        %sign3A_1204 = arith.extui %sign3A_1203 : i1 to i32
        %sign3A_1205 = arith.constant 0 : i32
        %sign3A_1206 = arith.cmpi slt, %add3A_1199, %sign3A_1205 : i32
        %sign3A_1207 = arith.extui %sign3A_1206 : i1 to i32
        %sign3A_1208 = arith.subi %sign3A_1204, %sign3A_1207 : i32
        %sign3A_1209 = arith.constant 0 : i32
        %sign3A_1210 = arith.cmpi sgt, %jit3A_1200, %sign3A_1209 : i32
        %sign3A_1211 = arith.extui %sign3A_1210 : i1 to i32
        %sign3A_1212 = arith.constant 0 : i32
        %sign3A_1213 = arith.cmpi slt, %jit3A_1200, %sign3A_1212 : i32
        %sign3A_1214 = arith.extui %sign3A_1213 : i1 to i32
        %sign3A_1215 = arith.subi %sign3A_1211, %sign3A_1214 : i32
        %ne3A_1216 = arith.cmpi ne, %sign3A_1208, %sign3A_1215 : i32
        %rem3A_1217 = arith.remsi %add3A_1199, %jit3A_1200 : i32
        %ne3A_1218 = arith.constant 0 : i32
        %ne3A_1219 = arith.cmpi ne, %rem3A_1217, %ne3A_1218 : i32
        %and3A_1220 = arith.andi %ne3A_1216, %ne3A_1219 : i1
        %sub3A_1221 = arith.constant 1 : i32
        %sub3A_1222 = arith.subi %div3A_1201, %sub3A_1221 : i32
        %select_n3A_1223 = arith.select %and3A_1220, %sub3A_1222, %div3A_1201 : i32
        %add3A_1224 = arith.constant 0 : i32
        %add3A_1225 = arith.addi %squeeze3A_1198, %add3A_1224 : i32
        %get3A_1226 = arith.index_cast %add3A_1194 : i32 to index
        %get3A_1227 = arith.index_cast %add3A_1225 : i32 to index
        %get3A_1228 = tpu.vector_load %arg9[%get3A_1226, %get3A_1227] {strides = array<i32>} : memref<128x128xf32, #tpu.memory_space<vmem>>, vector<1x16xf32>,
        %get3A_1229 = vector.shape_cast %get3A_1228 : vector<1x16xf32> to vector<16xf32>
        %mul3A_1230 = vector.broadcast %squeeze3A_1196 : f32 to vector<16xf32>
        %mul3A_1231 = arith.mulf %get3A_1229, %mul3A_1230 : vector<16xf32>
        %get3A_1232 = arith.index_cast %select_n3A_1223 : i32 to index
        %get3A_1233 = arith.constant 0 : index
        %get3A_1234 = tpu.vector_load %arg13[%get3A_1232, %get3A_1233] {strides = array<i32>} : memref<160x128xf32, #tpu.memory_space<vmem>>, vector<1x16xf32>,
        %get3A_1235 = vector.shape_cast %get3A_1234 : vector<1x16xf32> to vector<16xf32>
        %add3A_1236 = arith.addf %mul3A_1231, %get3A_1235 : vector<16xf32>
        %swap3A_1237 = arith.index_cast %add3A_1194 : i32 to index
        %swap3A_1238 = arith.constant 0 : index
        %swap3A_1239 = tpu.vector_load %arg11[%swap3A_1237, %swap3A_1238] {strides = array<i32>} : memref<128x64xf32, #tpu.memory_space<vmem>>, vector<1x16xf32>,
        %swap3A_1240 = vector.shape_cast %swap3A_1239 : vector<1x16xf32> to vector<16xf32>
        %swap3A_1241 = vector.shape_cast %add3A_1236 : vector<16xf32> to vector<1x16xf32>
        tpu.vector_store %arg11[%swap3A_1237, %swap3A_1238], %swap3A_1241 {strides = array<i32>} : memref<128x64xf32, #tpu.memory_space<vmem>>, vector<1x16xf32>,
        %add3A_1242 = arith.constant 16 : i32
        %add3A_1243 = arith.addi %squeeze3A_1198, %add3A_1242 : i32
        %get3A_1244 = arith.index_cast %add3A_1194 : i32 to index
        %get3A_1245 = arith.index_cast %add3A_1243 : i32 to index
        %get3A_1246 = tpu.vector_load %arg9[%get3A_1244, %get3A_1245] {strides = array<i32>} : memref<128x128xf32, #tpu.memory_space<vmem>>, vector<1x16xf32>,
        %get3A_1247 = vector.shape_cast %get3A_1246 : vector<1x16xf32> to vector<16xf32>
        %mul3A_1248 = vector.broadcast %squeeze3A_1196 : f32 to vector<16xf32>
        %mul3A_1249 = arith.mulf %get3A_1247, %mul3A_1248 : vector<16xf32>
        %get3A_1250 = arith.index_cast %select_n3A_1223 : i32 to index
        %get3A_1251 = arith.constant 16 : index
        %get3A_1252 = tpu.vector_load %arg13[%get3A_1250, %get3A_1251] {strides = array<i32>} : memref<160x128xf32, #tpu.memory_space<vmem>>, vector<1x16xf32>,
        %get3A_1253 = vector.shape_cast %get3A_1252 : vector<1x16xf32> to vector<16xf32>
        %add3A_1254 = arith.addf %mul3A_1249, %get3A_1253 : vector<16xf32>
        %swap3A_1255 = arith.index_cast %add3A_1194 : i32 to index
        %swap3A_1256 = arith.constant 16 : index
        %swap3A_1257 = tpu.vector_load %arg11[%swap3A_1255, %swap3A_1256] {strides = array<i32>} : memref<128x64xf32, #tpu.memory_space<vmem>>, vector<1x16xf32>,
        %swap3A_1258 = vector.shape_cast %swap3A_1257 : vector<1x16xf32> to vector<16xf32>
        %swap3A_1259 = vector.shape_cast %add3A_1254 : vector<16xf32> to vector<1x16xf32>
        tpu.vector_store %arg11[%swap3A_1255, %swap3A_1256], %swap3A_1259 {strides = array<i32>} : memref<128x64xf32, #tpu.memory_space<vmem>>, vector<1x16xf32>,
        %add3A_1260 = arith.constant 32 : i32
        %add3A_1261 = arith.addi %squeeze3A_1198, %add3A_1260 : i32
        %get3A_1262 = arith.index_cast %add3A_1194 : i32 to index
        %get3A_1263 = arith.index_cast %add3A_1261 : i32 to index
        %get3A_1264 = tpu.vector_load %arg9[%get3A_1262, %get3A_1263] {strides = array<i32>} : memref<128x128xf32, #tpu.memory_space<vmem>>, vector<1x16xf32>,
        %get3A_1265 = vector.shape_cast %get3A_1264 : vector<1x16xf32> to vector<16xf32>
        %mul3A_1266 = vector.broadcast %squeeze3A_1196 : f32 to vector<16xf32>
        %mul3A_1267 = arith.mulf %get3A_1265, %mul3A_1266 : vector<16xf32>
        %get3A_1268 = arith.index_cast %select_n3A_1223 : i32 to index
        %get3A_1269 = arith.constant 32 : index
        %get3A_1270 = tpu.vector_load %arg13[%get3A_1268, %get3A_1269] {strides = array<i32>} : memref<160x128xf32, #tpu.memory_space<vmem>>, vector<1x16xf32>,
        %get3A_1271 = vector.shape_cast %get3A_1270 : vector<1x16xf32> to vector<16xf32>
        %add3A_1272 = arith.addf %mul3A_1267, %get3A_1271 : vector<16xf32>
        %swap3A_1273 = arith.index_cast %add3A_1194 : i32 to index
        %swap3A_1274 = arith.constant 32 : index
        %swap3A_1275 = tpu.vector_load %arg11[%swap3A_1273, %swap3A_1274] {strides = array<i32>} : memref<128x64xf32, #tpu.memory_space<vmem>>, vector<1x16xf32>,
        %swap3A_1276 = vector.shape_cast %swap3A_1275 : vector<1x16xf32> to vector<16xf32>
        %swap3A_1277 = vector.shape_cast %add3A_1272 : vector<16xf32> to vector<1x16xf32>
        tpu.vector_store %arg11[%swap3A_1273, %swap3A_1274], %swap3A_1277 {strides = array<i32>} : memref<128x64xf32, #tpu.memory_space<vmem>>, vector<1x16xf32>,
        %add3A_1278 = arith.constant 48 : i32
        %add3A_1279 = arith.addi %squeeze3A_1198, %add3A_1278 : i32
        %get3A_1280 = arith.index_cast %add3A_1194 : i32 to index
        %get3A_1281 = arith.index_cast %add3A_1279 : i32 to index
        %get3A_1282 = tpu.vector_load %arg9[%get3A_1280, %get3A_1281] {strides = array<i32>} : memref<128x128xf32, #tpu.memory_space<vmem>>, vector<1x16xf32>,
        %get3A_1283 = vector.shape_cast %get3A_1282 : vector<1x16xf32> to vector<16xf32>
        %mul3A_1284 = vector.broadcast %squeeze3A_1196 : f32 to vector<16xf32>
        %mul3A_1285 = arith.mulf %get3A_1283, %mul3A_1284 : vector<16xf32>
        %get3A_1286 = arith.index_cast %select_n3A_1223 : i32 to index
        %get3A_1287 = arith.constant 48 : index
        %get3A_1288 = tpu.vector_load %arg13[%get3A_1286, %get3A_1287] {strides = array<i32>} : memref<160x128xf32, #tpu.memory_space<vmem>>, vector<1x16xf32>,
        %get3A_1289 = vector.shape_cast %get3A_1288 : vector<1x16xf32> to vector<16xf32>
        %add3A_1290 = arith.addf %mul3A_1285, %get3A_1289 : vector<16xf32>
        %swap3A_1291 = arith.index_cast %add3A_1194 : i32 to index
        %swap3A_1292 = arith.constant 48 : index
        %swap3A_1293 = tpu.vector_load %arg11[%swap3A_1291, %swap3A_1292] {strides = array<i32>} : memref<128x64xf32, #tpu.memory_space<vmem>>, vector<1x16xf32>,
        %swap3A_1294 = vector.shape_cast %swap3A_1293 : vector<1x16xf32> to vector<16xf32>
        %swap3A_1295 = vector.shape_cast %add3A_1290 : vector<16xf32> to vector<1x16xf32>
        tpu.vector_store %arg11[%swap3A_1291, %swap3A_1292], %swap3A_1295 {strides = array<i32>} : memref<128x64xf32, #tpu.memory_space<vmem>>, vector<1x16xf32>,
        %mul3A_1296 = arith.constant 16 : i32
        %mul3A_1297 = arith.muli %scan3A_128, %mul3A_1296 : i32
        %add3A_1298 = arith.constant 11 : i32
        %add3A_1299 = arith.addi %mul3A_1297, %add3A_1298 : i32
        %slice3A_1300 = vector.extract_strided_slice %select_n3A_140 {offsets = [11], sizes = [1], strides = [1]} : vector<16xf32> to vector<1xf32>
        %squeeze3A_1301 = vector.extract %slice3A_1300[0] : f32 from vector<1xf32>
        %slice3A_1302 = vector.extract_strided_slice %mul3A_146 {offsets = [11], sizes = [1], strides = [1]} : vector<16xi32> to vector<1xi32>
        %squeeze3A_1303 = vector.extract %slice3A_1302[0] : i32 from vector<1xi32>
        %add3A_1304 = arith.addi %select_n3A_58, %add3A_1299 : i32
        %jit3A_1305 = arith.constant 2 : i32
        %div3A_1306 = arith.divsi %add3A_1304, %jit3A_1305 : i32
        %sign3A_1307 = arith.constant 0 : i32
        %sign3A_1308 = arith.cmpi sgt, %add3A_1304, %sign3A_1307 : i32
        %sign3A_1309 = arith.extui %sign3A_1308 : i1 to i32
        %sign3A_1310 = arith.constant 0 : i32
        %sign3A_1311 = arith.cmpi slt, %add3A_1304, %sign3A_1310 : i32
        %sign3A_1312 = arith.extui %sign3A_1311 : i1 to i32
        %sign3A_1313 = arith.subi %sign3A_1309, %sign3A_1312 : i32
        %sign3A_1314 = arith.constant 0 : i32
        %sign3A_1315 = arith.cmpi sgt, %jit3A_1305, %sign3A_1314 : i32
        %sign3A_1316 = arith.extui %sign3A_1315 : i1 to i32
        %sign3A_1317 = arith.constant 0 : i32
        %sign3A_1318 = arith.cmpi slt, %jit3A_1305, %sign3A_1317 : i32
        %sign3A_1319 = arith.extui %sign3A_1318 : i1 to i32
        %sign3A_1320 = arith.subi %sign3A_1316, %sign3A_1319 : i32
        %ne3A_1321 = arith.cmpi ne, %sign3A_1313, %sign3A_1320 : i32
        %rem3A_1322 = arith.remsi %add3A_1304, %jit3A_1305 : i32
        %ne3A_1323 = arith.constant 0 : i32
        %ne3A_1324 = arith.cmpi ne, %rem3A_1322, %ne3A_1323 : i32
        %and3A_1325 = arith.andi %ne3A_1321, %ne3A_1324 : i1
        %sub3A_1326 = arith.constant 1 : i32
        %sub3A_1327 = arith.subi %div3A_1306, %sub3A_1326 : i32
        %select_n3A_1328 = arith.select %and3A_1325, %sub3A_1327, %div3A_1306 : i32
        %add3A_1329 = arith.constant 0 : i32
        %add3A_1330 = arith.addi %squeeze3A_1303, %add3A_1329 : i32
        %get3A_1331 = arith.index_cast %add3A_1299 : i32 to index
        %get3A_1332 = arith.index_cast %add3A_1330 : i32 to index
        %get3A_1333 = tpu.vector_load %arg9[%get3A_1331, %get3A_1332] {strides = array<i32>} : memref<128x128xf32, #tpu.memory_space<vmem>>, vector<1x16xf32>,
        %get3A_1334 = vector.shape_cast %get3A_1333 : vector<1x16xf32> to vector<16xf32>
        %mul3A_1335 = vector.broadcast %squeeze3A_1301 : f32 to vector<16xf32>
        %mul3A_1336 = arith.mulf %get3A_1334, %mul3A_1335 : vector<16xf32>
        %get3A_1337 = arith.index_cast %select_n3A_1328 : i32 to index
        %get3A_1338 = arith.constant 64 : index
        %get3A_1339 = tpu.vector_load %arg13[%get3A_1337, %get3A_1338] {strides = array<i32>} : memref<160x128xf32, #tpu.memory_space<vmem>>, vector<1x16xf32>,
        %get3A_1340 = vector.shape_cast %get3A_1339 : vector<1x16xf32> to vector<16xf32>
        %add3A_1341 = arith.addf %mul3A_1336, %get3A_1340 : vector<16xf32>
        %swap3A_1342 = arith.index_cast %add3A_1299 : i32 to index
        %swap3A_1343 = arith.constant 0 : index
        %swap3A_1344 = tpu.vector_load %arg11[%swap3A_1342, %swap3A_1343] {strides = array<i32>} : memref<128x64xf32, #tpu.memory_space<vmem>>, vector<1x16xf32>,
        %swap3A_1345 = vector.shape_cast %swap3A_1344 : vector<1x16xf32> to vector<16xf32>
        %swap3A_1346 = vector.shape_cast %add3A_1341 : vector<16xf32> to vector<1x16xf32>
        tpu.vector_store %arg11[%swap3A_1342, %swap3A_1343], %swap3A_1346 {strides = array<i32>} : memref<128x64xf32, #tpu.memory_space<vmem>>, vector<1x16xf32>,
        %add3A_1347 = arith.constant 16 : i32
        %add3A_1348 = arith.addi %squeeze3A_1303, %add3A_1347 : i32
        %get3A_1349 = arith.index_cast %add3A_1299 : i32 to index
        %get3A_1350 = arith.index_cast %add3A_1348 : i32 to index
        %get3A_1351 = tpu.vector_load %arg9[%get3A_1349, %get3A_1350] {strides = array<i32>} : memref<128x128xf32, #tpu.memory_space<vmem>>, vector<1x16xf32>,
        %get3A_1352 = vector.shape_cast %get3A_1351 : vector<1x16xf32> to vector<16xf32>
        %mul3A_1353 = vector.broadcast %squeeze3A_1301 : f32 to vector<16xf32>
        %mul3A_1354 = arith.mulf %get3A_1352, %mul3A_1353 : vector<16xf32>
        %get3A_1355 = arith.index_cast %select_n3A_1328 : i32 to index
        %get3A_1356 = arith.constant 80 : index
        %get3A_1357 = tpu.vector_load %arg13[%get3A_1355, %get3A_1356] {strides = array<i32>} : memref<160x128xf32, #tpu.memory_space<vmem>>, vector<1x16xf32>,
        %get3A_1358 = vector.shape_cast %get3A_1357 : vector<1x16xf32> to vector<16xf32>
        %add3A_1359 = arith.addf %mul3A_1354, %get3A_1358 : vector<16xf32>
        %swap3A_1360 = arith.index_cast %add3A_1299 : i32 to index
        %swap3A_1361 = arith.constant 16 : index
        %swap3A_1362 = tpu.vector_load %arg11[%swap3A_1360, %swap3A_1361] {strides = array<i32>} : memref<128x64xf32, #tpu.memory_space<vmem>>, vector<1x16xf32>,
        %swap3A_1363 = vector.shape_cast %swap3A_1362 : vector<1x16xf32> to vector<16xf32>
        %swap3A_1364 = vector.shape_cast %add3A_1359 : vector<16xf32> to vector<1x16xf32>
        tpu.vector_store %arg11[%swap3A_1360, %swap3A_1361], %swap3A_1364 {strides = array<i32>} : memref<128x64xf32, #tpu.memory_space<vmem>>, vector<1x16xf32>,
        %add3A_1365 = arith.constant 32 : i32
        %add3A_1366 = arith.addi %squeeze3A_1303, %add3A_1365 : i32
        %get3A_1367 = arith.index_cast %add3A_1299 : i32 to index
        %get3A_1368 = arith.index_cast %add3A_1366 : i32 to index
        %get3A_1369 = tpu.vector_load %arg9[%get3A_1367, %get3A_1368] {strides = array<i32>} : memref<128x128xf32, #tpu.memory_space<vmem>>, vector<1x16xf32>,
        %get3A_1370 = vector.shape_cast %get3A_1369 : vector<1x16xf32> to vector<16xf32>
        %mul3A_1371 = vector.broadcast %squeeze3A_1301 : f32 to vector<16xf32>
        %mul3A_1372 = arith.mulf %get3A_1370, %mul3A_1371 : vector<16xf32>
        %get3A_1373 = arith.index_cast %select_n3A_1328 : i32 to index
        %get3A_1374 = arith.constant 96 : index
        %get3A_1375 = tpu.vector_load %arg13[%get3A_1373, %get3A_1374] {strides = array<i32>} : memref<160x128xf32, #tpu.memory_space<vmem>>, vector<1x16xf32>,
        %get3A_1376 = vector.shape_cast %get3A_1375 : vector<1x16xf32> to vector<16xf32>
        %add3A_1377 = arith.addf %mul3A_1372, %get3A_1376 : vector<16xf32>
        %swap3A_1378 = arith.index_cast %add3A_1299 : i32 to index
        %swap3A_1379 = arith.constant 32 : index
        %swap3A_1380 = tpu.vector_load %arg11[%swap3A_1378, %swap3A_1379] {strides = array<i32>} : memref<128x64xf32, #tpu.memory_space<vmem>>, vector<1x16xf32>,
        %swap3A_1381 = vector.shape_cast %swap3A_1380 : vector<1x16xf32> to vector<16xf32>
        %swap3A_1382 = vector.shape_cast %add3A_1377 : vector<16xf32> to vector<1x16xf32>
        tpu.vector_store %arg11[%swap3A_1378, %swap3A_1379], %swap3A_1382 {strides = array<i32>} : memref<128x64xf32, #tpu.memory_space<vmem>>, vector<1x16xf32>,
        %add3A_1383 = arith.constant 48 : i32
        %add3A_1384 = arith.addi %squeeze3A_1303, %add3A_1383 : i32
        %get3A_1385 = arith.index_cast %add3A_1299 : i32 to index
        %get3A_1386 = arith.index_cast %add3A_1384 : i32 to index
        %get3A_1387 = tpu.vector_load %arg9[%get3A_1385, %get3A_1386] {strides = array<i32>} : memref<128x128xf32, #tpu.memory_space<vmem>>, vector<1x16xf32>,
        %get3A_1388 = vector.shape_cast %get3A_1387 : vector<1x16xf32> to vector<16xf32>
        %mul3A_1389 = vector.broadcast %squeeze3A_1301 : f32 to vector<16xf32>
        %mul3A_1390 = arith.mulf %get3A_1388, %mul3A_1389 : vector<16xf32>
        %get3A_1391 = arith.index_cast %select_n3A_1328 : i32 to index
        %get3A_1392 = arith.constant 112 : index
        %get3A_1393 = tpu.vector_load %arg13[%get3A_1391, %get3A_1392] {strides = array<i32>} : memref<160x128xf32, #tpu.memory_space<vmem>>, vector<1x16xf32>,
        %get3A_1394 = vector.shape_cast %get3A_1393 : vector<1x16xf32> to vector<16xf32>
        %add3A_1395 = arith.addf %mul3A_1390, %get3A_1394 : vector<16xf32>
        %swap3A_1396 = arith.index_cast %add3A_1299 : i32 to index
        %swap3A_1397 = arith.constant 48 : index
        %swap3A_1398 = tpu.vector_load %arg11[%swap3A_1396, %swap3A_1397] {strides = array<i32>} : memref<128x64xf32, #tpu.memory_space<vmem>>, vector<1x16xf32>,
        %swap3A_1399 = vector.shape_cast %swap3A_1398 : vector<1x16xf32> to vector<16xf32>
        %swap3A_1400 = vector.shape_cast %add3A_1395 : vector<16xf32> to vector<1x16xf32>
        tpu.vector_store %arg11[%swap3A_1396, %swap3A_1397], %swap3A_1400 {strides = array<i32>} : memref<128x64xf32, #tpu.memory_space<vmem>>, vector<1x16xf32>,
        %mul3A_1401 = arith.constant 16 : i32
        %mul3A_1402 = arith.muli %scan3A_128, %mul3A_1401 : i32
        %add3A_1403 = arith.constant 12 : i32
        %add3A_1404 = arith.addi %mul3A_1402, %add3A_1403 : i32
        %slice3A_1405 = vector.extract_strided_slice %select_n3A_140 {offsets = [12], sizes = [1], strides = [1]} : vector<16xf32> to vector<1xf32>
        %squeeze3A_1406 = vector.extract %slice3A_1405[0] : f32 from vector<1xf32>
        %slice3A_1407 = vector.extract_strided_slice %mul3A_146 {offsets = [12], sizes = [1], strides = [1]} : vector<16xi32> to vector<1xi32>
        %squeeze3A_1408 = vector.extract %slice3A_1407[0] : i32 from vector<1xi32>
        %add3A_1409 = arith.addi %select_n3A_58, %add3A_1404 : i32
        %jit3A_1410 = arith.constant 2 : i32
        %div3A_1411 = arith.divsi %add3A_1409, %jit3A_1410 : i32
        %sign3A_1412 = arith.constant 0 : i32
        %sign3A_1413 = arith.cmpi sgt, %add3A_1409, %sign3A_1412 : i32
        %sign3A_1414 = arith.extui %sign3A_1413 : i1 to i32
        %sign3A_1415 = arith.constant 0 : i32
        %sign3A_1416 = arith.cmpi slt, %add3A_1409, %sign3A_1415 : i32
        %sign3A_1417 = arith.extui %sign3A_1416 : i1 to i32
        %sign3A_1418 = arith.subi %sign3A_1414, %sign3A_1417 : i32
        %sign3A_1419 = arith.constant 0 : i32
        %sign3A_1420 = arith.cmpi sgt, %jit3A_1410, %sign3A_1419 : i32
        %sign3A_1421 = arith.extui %sign3A_1420 : i1 to i32
        %sign3A_1422 = arith.constant 0 : i32
        %sign3A_1423 = arith.cmpi slt, %jit3A_1410, %sign3A_1422 : i32
        %sign3A_1424 = arith.extui %sign3A_1423 : i1 to i32
        %sign3A_1425 = arith.subi %sign3A_1421, %sign3A_1424 : i32
        %ne3A_1426 = arith.cmpi ne, %sign3A_1418, %sign3A_1425 : i32
        %rem3A_1427 = arith.remsi %add3A_1409, %jit3A_1410 : i32
        %ne3A_1428 = arith.constant 0 : i32
        %ne3A_1429 = arith.cmpi ne, %rem3A_1427, %ne3A_1428 : i32
        %and3A_1430 = arith.andi %ne3A_1426, %ne3A_1429 : i1
        %sub3A_1431 = arith.constant 1 : i32
        %sub3A_1432 = arith.subi %div3A_1411, %sub3A_1431 : i32
        %select_n3A_1433 = arith.select %and3A_1430, %sub3A_1432, %div3A_1411 : i32
        %add3A_1434 = arith.constant 0 : i32
        %add3A_1435 = arith.addi %squeeze3A_1408, %add3A_1434 : i32
        %get3A_1436 = arith.index_cast %add3A_1404 : i32 to index
        %get3A_1437 = arith.index_cast %add3A_1435 : i32 to index
        %get3A_1438 = tpu.vector_load %arg9[%get3A_1436, %get3A_1437] {strides = array<i32>} : memref<128x128xf32, #tpu.memory_space<vmem>>, vector<1x16xf32>,
        %get3A_1439 = vector.shape_cast %get3A_1438 : vector<1x16xf32> to vector<16xf32>
        %mul3A_1440 = vector.broadcast %squeeze3A_1406 : f32 to vector<16xf32>
        %mul3A_1441 = arith.mulf %get3A_1439, %mul3A_1440 : vector<16xf32>
        %get3A_1442 = arith.index_cast %select_n3A_1433 : i32 to index
        %get3A_1443 = arith.constant 0 : index
        %get3A_1444 = tpu.vector_load %arg13[%get3A_1442, %get3A_1443] {strides = array<i32>} : memref<160x128xf32, #tpu.memory_space<vmem>>, vector<1x16xf32>,
        %get3A_1445 = vector.shape_cast %get3A_1444 : vector<1x16xf32> to vector<16xf32>
        %add3A_1446 = arith.addf %mul3A_1441, %get3A_1445 : vector<16xf32>
        %swap3A_1447 = arith.index_cast %add3A_1404 : i32 to index
        %swap3A_1448 = arith.constant 0 : index
        %swap3A_1449 = tpu.vector_load %arg11[%swap3A_1447, %swap3A_1448] {strides = array<i32>} : memref<128x64xf32, #tpu.memory_space<vmem>>, vector<1x16xf32>,
        %swap3A_1450 = vector.shape_cast %swap3A_1449 : vector<1x16xf32> to vector<16xf32>
        %swap3A_1451 = vector.shape_cast %add3A_1446 : vector<16xf32> to vector<1x16xf32>
        tpu.vector_store %arg11[%swap3A_1447, %swap3A_1448], %swap3A_1451 {strides = array<i32>} : memref<128x64xf32, #tpu.memory_space<vmem>>, vector<1x16xf32>,
        %add3A_1452 = arith.constant 16 : i32
        %add3A_1453 = arith.addi %squeeze3A_1408, %add3A_1452 : i32
        %get3A_1454 = arith.index_cast %add3A_1404 : i32 to index
        %get3A_1455 = arith.index_cast %add3A_1453 : i32 to index
        %get3A_1456 = tpu.vector_load %arg9[%get3A_1454, %get3A_1455] {strides = array<i32>} : memref<128x128xf32, #tpu.memory_space<vmem>>, vector<1x16xf32>,
        %get3A_1457 = vector.shape_cast %get3A_1456 : vector<1x16xf32> to vector<16xf32>
        %mul3A_1458 = vector.broadcast %squeeze3A_1406 : f32 to vector<16xf32>
        %mul3A_1459 = arith.mulf %get3A_1457, %mul3A_1458 : vector<16xf32>
        %get3A_1460 = arith.index_cast %select_n3A_1433 : i32 to index
        %get3A_1461 = arith.constant 16 : index
        %get3A_1462 = tpu.vector_load %arg13[%get3A_1460, %get3A_1461] {strides = array<i32>} : memref<160x128xf32, #tpu.memory_space<vmem>>, vector<1x16xf32>,
        %get3A_1463 = vector.shape_cast %get3A_1462 : vector<1x16xf32> to vector<16xf32>
        %add3A_1464 = arith.addf %mul3A_1459, %get3A_1463 : vector<16xf32>
        %swap3A_1465 = arith.index_cast %add3A_1404 : i32 to index
        %swap3A_1466 = arith.constant 16 : index
        %swap3A_1467 = tpu.vector_load %arg11[%swap3A_1465, %swap3A_1466] {strides = array<i32>} : memref<128x64xf32, #tpu.memory_space<vmem>>, vector<1x16xf32>,
        %swap3A_1468 = vector.shape_cast %swap3A_1467 : vector<1x16xf32> to vector<16xf32>
        %swap3A_1469 = vector.shape_cast %add3A_1464 : vector<16xf32> to vector<1x16xf32>
        tpu.vector_store %arg11[%swap3A_1465, %swap3A_1466], %swap3A_1469 {strides = array<i32>} : memref<128x64xf32, #tpu.memory_space<vmem>>, vector<1x16xf32>,
        %add3A_1470 = arith.constant 32 : i32
        %add3A_1471 = arith.addi %squeeze3A_1408, %add3A_1470 : i32
        %get3A_1472 = arith.index_cast %add3A_1404 : i32 to index
        %get3A_1473 = arith.index_cast %add3A_1471 : i32 to index
        %get3A_1474 = tpu.vector_load %arg9[%get3A_1472, %get3A_1473] {strides = array<i32>} : memref<128x128xf32, #tpu.memory_space<vmem>>, vector<1x16xf32>,
        %get3A_1475 = vector.shape_cast %get3A_1474 : vector<1x16xf32> to vector<16xf32>
        %mul3A_1476 = vector.broadcast %squeeze3A_1406 : f32 to vector<16xf32>
        %mul3A_1477 = arith.mulf %get3A_1475, %mul3A_1476 : vector<16xf32>
        %get3A_1478 = arith.index_cast %select_n3A_1433 : i32 to index
        %get3A_1479 = arith.constant 32 : index
        %get3A_1480 = tpu.vector_load %arg13[%get3A_1478, %get3A_1479] {strides = array<i32>} : memref<160x128xf32, #tpu.memory_space<vmem>>, vector<1x16xf32>,
        %get3A_1481 = vector.shape_cast %get3A_1480 : vector<1x16xf32> to vector<16xf32>
        %add3A_1482 = arith.addf %mul3A_1477, %get3A_1481 : vector<16xf32>
        %swap3A_1483 = arith.index_cast %add3A_1404 : i32 to index
        %swap3A_1484 = arith.constant 32 : index
        %swap3A_1485 = tpu.vector_load %arg11[%swap3A_1483, %swap3A_1484] {strides = array<i32>} : memref<128x64xf32, #tpu.memory_space<vmem>>, vector<1x16xf32>,
        %swap3A_1486 = vector.shape_cast %swap3A_1485 : vector<1x16xf32> to vector<16xf32>
        %swap3A_1487 = vector.shape_cast %add3A_1482 : vector<16xf32> to vector<1x16xf32>
        tpu.vector_store %arg11[%swap3A_1483, %swap3A_1484], %swap3A_1487 {strides = array<i32>} : memref<128x64xf32, #tpu.memory_space<vmem>>, vector<1x16xf32>,
        %add3A_1488 = arith.constant 48 : i32
        %add3A_1489 = arith.addi %squeeze3A_1408, %add3A_1488 : i32
        %get3A_1490 = arith.index_cast %add3A_1404 : i32 to index
        %get3A_1491 = arith.index_cast %add3A_1489 : i32 to index
        %get3A_1492 = tpu.vector_load %arg9[%get3A_1490, %get3A_1491] {strides = array<i32>} : memref<128x128xf32, #tpu.memory_space<vmem>>, vector<1x16xf32>,
        %get3A_1493 = vector.shape_cast %get3A_1492 : vector<1x16xf32> to vector<16xf32>
        %mul3A_1494 = vector.broadcast %squeeze3A_1406 : f32 to vector<16xf32>
        %mul3A_1495 = arith.mulf %get3A_1493, %mul3A_1494 : vector<16xf32>
        %get3A_1496 = arith.index_cast %select_n3A_1433 : i32 to index
        %get3A_1497 = arith.constant 48 : index
        %get3A_1498 = tpu.vector_load %arg13[%get3A_1496, %get3A_1497] {strides = array<i32>} : memref<160x128xf32, #tpu.memory_space<vmem>>, vector<1x16xf32>,
        %get3A_1499 = vector.shape_cast %get3A_1498 : vector<1x16xf32> to vector<16xf32>
        %add3A_1500 = arith.addf %mul3A_1495, %get3A_1499 : vector<16xf32>
        %swap3A_1501 = arith.index_cast %add3A_1404 : i32 to index
        %swap3A_1502 = arith.constant 48 : index
        %swap3A_1503 = tpu.vector_load %arg11[%swap3A_1501, %swap3A_1502] {strides = array<i32>} : memref<128x64xf32, #tpu.memory_space<vmem>>, vector<1x16xf32>,
        %swap3A_1504 = vector.shape_cast %swap3A_1503 : vector<1x16xf32> to vector<16xf32>
        %swap3A_1505 = vector.shape_cast %add3A_1500 : vector<16xf32> to vector<1x16xf32>
        tpu.vector_store %arg11[%swap3A_1501, %swap3A_1502], %swap3A_1505 {strides = array<i32>} : memref<128x64xf32, #tpu.memory_space<vmem>>, vector<1x16xf32>,
        %mul3A_1506 = arith.constant 16 : i32
        %mul3A_1507 = arith.muli %scan3A_128, %mul3A_1506 : i32
        %add3A_1508 = arith.constant 13 : i32
        %add3A_1509 = arith.addi %mul3A_1507, %add3A_1508 : i32
        %slice3A_1510 = vector.extract_strided_slice %select_n3A_140 {offsets = [13], sizes = [1], strides = [1]} : vector<16xf32> to vector<1xf32>
        %squeeze3A_1511 = vector.extract %slice3A_1510[0] : f32 from vector<1xf32>
        %slice3A_1512 = vector.extract_strided_slice %mul3A_146 {offsets = [13], sizes = [1], strides = [1]} : vector<16xi32> to vector<1xi32>
        %squeeze3A_1513 = vector.extract %slice3A_1512[0] : i32 from vector<1xi32>
        %add3A_1514 = arith.addi %select_n3A_58, %add3A_1509 : i32
        %jit3A_1515 = arith.constant 2 : i32
        %div3A_1516 = arith.divsi %add3A_1514, %jit3A_1515 : i32
        %sign3A_1517 = arith.constant 0 : i32
        %sign3A_1518 = arith.cmpi sgt, %add3A_1514, %sign3A_1517 : i32
        %sign3A_1519 = arith.extui %sign3A_1518 : i1 to i32
        %sign3A_1520 = arith.constant 0 : i32
        %sign3A_1521 = arith.cmpi slt, %add3A_1514, %sign3A_1520 : i32
        %sign3A_1522 = arith.extui %sign3A_1521 : i1 to i32
        %sign3A_1523 = arith.subi %sign3A_1519, %sign3A_1522 : i32
        %sign3A_1524 = arith.constant 0 : i32
        %sign3A_1525 = arith.cmpi sgt, %jit3A_1515, %sign3A_1524 : i32
        %sign3A_1526 = arith.extui %sign3A_1525 : i1 to i32
        %sign3A_1527 = arith.constant 0 : i32
        %sign3A_1528 = arith.cmpi slt, %jit3A_1515, %sign3A_1527 : i32
        %sign3A_1529 = arith.extui %sign3A_1528 : i1 to i32
        %sign3A_1530 = arith.subi %sign3A_1526, %sign3A_1529 : i32
        %ne3A_1531 = arith.cmpi ne, %sign3A_1523, %sign3A_1530 : i32
        %rem3A_1532 = arith.remsi %add3A_1514, %jit3A_1515 : i32
        %ne3A_1533 = arith.constant 0 : i32
        %ne3A_1534 = arith.cmpi ne, %rem3A_1532, %ne3A_1533 : i32
        %and3A_1535 = arith.andi %ne3A_1531, %ne3A_1534 : i1
        %sub3A_1536 = arith.constant 1 : i32
        %sub3A_1537 = arith.subi %div3A_1516, %sub3A_1536 : i32
        %select_n3A_1538 = arith.select %and3A_1535, %sub3A_1537, %div3A_1516 : i32
        %add3A_1539 = arith.constant 0 : i32
        %add3A_1540 = arith.addi %squeeze3A_1513, %add3A_1539 : i32
        %get3A_1541 = arith.index_cast %add3A_1509 : i32 to index
        %get3A_1542 = arith.index_cast %add3A_1540 : i32 to index
        %get3A_1543 = tpu.vector_load %arg9[%get3A_1541, %get3A_1542] {strides = array<i32>} : memref<128x128xf32, #tpu.memory_space<vmem>>, vector<1x16xf32>,
        %get3A_1544 = vector.shape_cast %get3A_1543 : vector<1x16xf32> to vector<16xf32>
        %mul3A_1545 = vector.broadcast %squeeze3A_1511 : f32 to vector<16xf32>
        %mul3A_1546 = arith.mulf %get3A_1544, %mul3A_1545 : vector<16xf32>
        %get3A_1547 = arith.index_cast %select_n3A_1538 : i32 to index
        %get3A_1548 = arith.constant 64 : index
        %get3A_1549 = tpu.vector_load %arg13[%get3A_1547, %get3A_1548] {strides = array<i32>} : memref<160x128xf32, #tpu.memory_space<vmem>>, vector<1x16xf32>,
        %get3A_1550 = vector.shape_cast %get3A_1549 : vector<1x16xf32> to vector<16xf32>
        %add3A_1551 = arith.addf %mul3A_1546, %get3A_1550 : vector<16xf32>
        %swap3A_1552 = arith.index_cast %add3A_1509 : i32 to index
        %swap3A_1553 = arith.constant 0 : index
        %swap3A_1554 = tpu.vector_load %arg11[%swap3A_1552, %swap3A_1553] {strides = array<i32>} : memref<128x64xf32, #tpu.memory_space<vmem>>, vector<1x16xf32>,
        %swap3A_1555 = vector.shape_cast %swap3A_1554 : vector<1x16xf32> to vector<16xf32>
        %swap3A_1556 = vector.shape_cast %add3A_1551 : vector<16xf32> to vector<1x16xf32>
        tpu.vector_store %arg11[%swap3A_1552, %swap3A_1553], %swap3A_1556 {strides = array<i32>} : memref<128x64xf32, #tpu.memory_space<vmem>>, vector<1x16xf32>,
        %add3A_1557 = arith.constant 16 : i32
        %add3A_1558 = arith.addi %squeeze3A_1513, %add3A_1557 : i32
        %get3A_1559 = arith.index_cast %add3A_1509 : i32 to index
        %get3A_1560 = arith.index_cast %add3A_1558 : i32 to index
        %get3A_1561 = tpu.vector_load %arg9[%get3A_1559, %get3A_1560] {strides = array<i32>} : memref<128x128xf32, #tpu.memory_space<vmem>>, vector<1x16xf32>,
        %get3A_1562 = vector.shape_cast %get3A_1561 : vector<1x16xf32> to vector<16xf32>
        %mul3A_1563 = vector.broadcast %squeeze3A_1511 : f32 to vector<16xf32>
        %mul3A_1564 = arith.mulf %get3A_1562, %mul3A_1563 : vector<16xf32>
        %get3A_1565 = arith.index_cast %select_n3A_1538 : i32 to index
        %get3A_1566 = arith.constant 80 : index
        %get3A_1567 = tpu.vector_load %arg13[%get3A_1565, %get3A_1566] {strides = array<i32>} : memref<160x128xf32, #tpu.memory_space<vmem>>, vector<1x16xf32>,
        %get3A_1568 = vector.shape_cast %get3A_1567 : vector<1x16xf32> to vector<16xf32>
        %add3A_1569 = arith.addf %mul3A_1564, %get3A_1568 : vector<16xf32>
        %swap3A_1570 = arith.index_cast %add3A_1509 : i32 to index
        %swap3A_1571 = arith.constant 16 : index
        %swap3A_1572 = tpu.vector_load %arg11[%swap3A_1570, %swap3A_1571] {strides = array<i32>} : memref<128x64xf32, #tpu.memory_space<vmem>>, vector<1x16xf32>,
        %swap3A_1573 = vector.shape_cast %swap3A_1572 : vector<1x16xf32> to vector<16xf32>
        %swap3A_1574 = vector.shape_cast %add3A_1569 : vector<16xf32> to vector<1x16xf32>
        tpu.vector_store %arg11[%swap3A_1570, %swap3A_1571], %swap3A_1574 {strides = array<i32>} : memref<128x64xf32, #tpu.memory_space<vmem>>, vector<1x16xf32>,
        %add3A_1575 = arith.constant 32 : i32
        %add3A_1576 = arith.addi %squeeze3A_1513, %add3A_1575 : i32
        %get3A_1577 = arith.index_cast %add3A_1509 : i32 to index
        %get3A_1578 = arith.index_cast %add3A_1576 : i32 to index
        %get3A_1579 = tpu.vector_load %arg9[%get3A_1577, %get3A_1578] {strides = array<i32>} : memref<128x128xf32, #tpu.memory_space<vmem>>, vector<1x16xf32>,
        %get3A_1580 = vector.shape_cast %get3A_1579 : vector<1x16xf32> to vector<16xf32>
        %mul3A_1581 = vector.broadcast %squeeze3A_1511 : f32 to vector<16xf32>
        %mul3A_1582 = arith.mulf %get3A_1580, %mul3A_1581 : vector<16xf32>
        %get3A_1583 = arith.index_cast %select_n3A_1538 : i32 to index
        %get3A_1584 = arith.constant 96 : index
        %get3A_1585 = tpu.vector_load %arg13[%get3A_1583, %get3A_1584] {strides = array<i32>} : memref<160x128xf32, #tpu.memory_space<vmem>>, vector<1x16xf32>,
        %get3A_1586 = vector.shape_cast %get3A_1585 : vector<1x16xf32> to vector<16xf32>
        %add3A_1587 = arith.addf %mul3A_1582, %get3A_1586 : vector<16xf32>
        %swap3A_1588 = arith.index_cast %add3A_1509 : i32 to index
        %swap3A_1589 = arith.constant 32 : index
        %swap3A_1590 = tpu.vector_load %arg11[%swap3A_1588, %swap3A_1589] {strides = array<i32>} : memref<128x64xf32, #tpu.memory_space<vmem>>, vector<1x16xf32>,
        %swap3A_1591 = vector.shape_cast %swap3A_1590 : vector<1x16xf32> to vector<16xf32>
        %swap3A_1592 = vector.shape_cast %add3A_1587 : vector<16xf32> to vector<1x16xf32>
        tpu.vector_store %arg11[%swap3A_1588, %swap3A_1589], %swap3A_1592 {strides = array<i32>} : memref<128x64xf32, #tpu.memory_space<vmem>>, vector<1x16xf32>,
        %add3A_1593 = arith.constant 48 : i32
        %add3A_1594 = arith.addi %squeeze3A_1513, %add3A_1593 : i32
        %get3A_1595 = arith.index_cast %add3A_1509 : i32 to index
        %get3A_1596 = arith.index_cast %add3A_1594 : i32 to index
        %get3A_1597 = tpu.vector_load %arg9[%get3A_1595, %get3A_1596] {strides = array<i32>} : memref<128x128xf32, #tpu.memory_space<vmem>>, vector<1x16xf32>,
        %get3A_1598 = vector.shape_cast %get3A_1597 : vector<1x16xf32> to vector<16xf32>
        %mul3A_1599 = vector.broadcast %squeeze3A_1511 : f32 to vector<16xf32>
        %mul3A_1600 = arith.mulf %get3A_1598, %mul3A_1599 : vector<16xf32>
        %get3A_1601 = arith.index_cast %select_n3A_1538 : i32 to index
        %get3A_1602 = arith.constant 112 : index
        %get3A_1603 = tpu.vector_load %arg13[%get3A_1601, %get3A_1602] {strides = array<i32>} : memref<160x128xf32, #tpu.memory_space<vmem>>, vector<1x16xf32>,
        %get3A_1604 = vector.shape_cast %get3A_1603 : vector<1x16xf32> to vector<16xf32>
        %add3A_1605 = arith.addf %mul3A_1600, %get3A_1604 : vector<16xf32>
        %swap3A_1606 = arith.index_cast %add3A_1509 : i32 to index
        %swap3A_1607 = arith.constant 48 : index
        %swap3A_1608 = tpu.vector_load %arg11[%swap3A_1606, %swap3A_1607] {strides = array<i32>} : memref<128x64xf32, #tpu.memory_space<vmem>>, vector<1x16xf32>,
        %swap3A_1609 = vector.shape_cast %swap3A_1608 : vector<1x16xf32> to vector<16xf32>
        %swap3A_1610 = vector.shape_cast %add3A_1605 : vector<16xf32> to vector<1x16xf32>
        tpu.vector_store %arg11[%swap3A_1606, %swap3A_1607], %swap3A_1610 {strides = array<i32>} : memref<128x64xf32, #tpu.memory_space<vmem>>, vector<1x16xf32>,
        %mul3A_1611 = arith.constant 16 : i32
        %mul3A_1612 = arith.muli %scan3A_128, %mul3A_1611 : i32
        %add3A_1613 = arith.constant 14 : i32
        %add3A_1614 = arith.addi %mul3A_1612, %add3A_1613 : i32
        %slice3A_1615 = vector.extract_strided_slice %select_n3A_140 {offsets = [14], sizes = [1], strides = [1]} : vector<16xf32> to vector<1xf32>
        %squeeze3A_1616 = vector.extract %slice3A_1615[0] : f32 from vector<1xf32>
        %slice3A_1617 = vector.extract_strided_slice %mul3A_146 {offsets = [14], sizes = [1], strides = [1]} : vector<16xi32> to vector<1xi32>
        %squeeze3A_1618 = vector.extract %slice3A_1617[0] : i32 from vector<1xi32>
        %add3A_1619 = arith.addi %select_n3A_58, %add3A_1614 : i32
        %jit3A_1620 = arith.constant 2 : i32
        %div3A_1621 = arith.divsi %add3A_1619, %jit3A_1620 : i32
        %sign3A_1622 = arith.constant 0 : i32
        %sign3A_1623 = arith.cmpi sgt, %add3A_1619, %sign3A_1622 : i32
        %sign3A_1624 = arith.extui %sign3A_1623 : i1 to i32
        %sign3A_1625 = arith.constant 0 : i32
        %sign3A_1626 = arith.cmpi slt, %add3A_1619, %sign3A_1625 : i32
        %sign3A_1627 = arith.extui %sign3A_1626 : i1 to i32
        %sign3A_1628 = arith.subi %sign3A_1624, %sign3A_1627 : i32
        %sign3A_1629 = arith.constant 0 : i32
        %sign3A_1630 = arith.cmpi sgt, %jit3A_1620, %sign3A_1629 : i32
        %sign3A_1631 = arith.extui %sign3A_1630 : i1 to i32
        %sign3A_1632 = arith.constant 0 : i32
        %sign3A_1633 = arith.cmpi slt, %jit3A_1620, %sign3A_1632 : i32
        %sign3A_1634 = arith.extui %sign3A_1633 : i1 to i32
        %sign3A_1635 = arith.subi %sign3A_1631, %sign3A_1634 : i32
        %ne3A_1636 = arith.cmpi ne, %sign3A_1628, %sign3A_1635 : i32
        %rem3A_1637 = arith.remsi %add3A_1619, %jit3A_1620 : i32
        %ne3A_1638 = arith.constant 0 : i32
        %ne3A_1639 = arith.cmpi ne, %rem3A_1637, %ne3A_1638 : i32
        %and3A_1640 = arith.andi %ne3A_1636, %ne3A_1639 : i1
        %sub3A_1641 = arith.constant 1 : i32
        %sub3A_1642 = arith.subi %div3A_1621, %sub3A_1641 : i32
        %select_n3A_1643 = arith.select %and3A_1640, %sub3A_1642, %div3A_1621 : i32
        %add3A_1644 = arith.constant 0 : i32
        %add3A_1645 = arith.addi %squeeze3A_1618, %add3A_1644 : i32
        %get3A_1646 = arith.index_cast %add3A_1614 : i32 to index
        %get3A_1647 = arith.index_cast %add3A_1645 : i32 to index
        %get3A_1648 = tpu.vector_load %arg9[%get3A_1646, %get3A_1647] {strides = array<i32>} : memref<128x128xf32, #tpu.memory_space<vmem>>, vector<1x16xf32>,
        %get3A_1649 = vector.shape_cast %get3A_1648 : vector<1x16xf32> to vector<16xf32>
        %mul3A_1650 = vector.broadcast %squeeze3A_1616 : f32 to vector<16xf32>
        %mul3A_1651 = arith.mulf %get3A_1649, %mul3A_1650 : vector<16xf32>
        %get3A_1652 = arith.index_cast %select_n3A_1643 : i32 to index
        %get3A_1653 = arith.constant 0 : index
        %get3A_1654 = tpu.vector_load %arg13[%get3A_1652, %get3A_1653] {strides = array<i32>} : memref<160x128xf32, #tpu.memory_space<vmem>>, vector<1x16xf32>,
        %get3A_1655 = vector.shape_cast %get3A_1654 : vector<1x16xf32> to vector<16xf32>
        %add3A_1656 = arith.addf %mul3A_1651, %get3A_1655 : vector<16xf32>
        %swap3A_1657 = arith.index_cast %add3A_1614 : i32 to index
        %swap3A_1658 = arith.constant 0 : index
        %swap3A_1659 = tpu.vector_load %arg11[%swap3A_1657, %swap3A_1658] {strides = array<i32>} : memref<128x64xf32, #tpu.memory_space<vmem>>, vector<1x16xf32>,
        %swap3A_1660 = vector.shape_cast %swap3A_1659 : vector<1x16xf32> to vector<16xf32>
        %swap3A_1661 = vector.shape_cast %add3A_1656 : vector<16xf32> to vector<1x16xf32>
        tpu.vector_store %arg11[%swap3A_1657, %swap3A_1658], %swap3A_1661 {strides = array<i32>} : memref<128x64xf32, #tpu.memory_space<vmem>>, vector<1x16xf32>,
        %add3A_1662 = arith.constant 16 : i32
        %add3A_1663 = arith.addi %squeeze3A_1618, %add3A_1662 : i32
        %get3A_1664 = arith.index_cast %add3A_1614 : i32 to index
        %get3A_1665 = arith.index_cast %add3A_1663 : i32 to index
        %get3A_1666 = tpu.vector_load %arg9[%get3A_1664, %get3A_1665] {strides = array<i32>} : memref<128x128xf32, #tpu.memory_space<vmem>>, vector<1x16xf32>,
        %get3A_1667 = vector.shape_cast %get3A_1666 : vector<1x16xf32> to vector<16xf32>
        %mul3A_1668 = vector.broadcast %squeeze3A_1616 : f32 to vector<16xf32>
        %mul3A_1669 = arith.mulf %get3A_1667, %mul3A_1668 : vector<16xf32>
        %get3A_1670 = arith.index_cast %select_n3A_1643 : i32 to index
        %get3A_1671 = arith.constant 16 : index
        %get3A_1672 = tpu.vector_load %arg13[%get3A_1670, %get3A_1671] {strides = array<i32>} : memref<160x128xf32, #tpu.memory_space<vmem>>, vector<1x16xf32>,
        %get3A_1673 = vector.shape_cast %get3A_1672 : vector<1x16xf32> to vector<16xf32>
        %add3A_1674 = arith.addf %mul3A_1669, %get3A_1673 : vector<16xf32>
        %swap3A_1675 = arith.index_cast %add3A_1614 : i32 to index
        %swap3A_1676 = arith.constant 16 : index
        %swap3A_1677 = tpu.vector_load %arg11[%swap3A_1675, %swap3A_1676] {strides = array<i32>} : memref<128x64xf32, #tpu.memory_space<vmem>>, vector<1x16xf32>,
        %swap3A_1678 = vector.shape_cast %swap3A_1677 : vector<1x16xf32> to vector<16xf32>
        %swap3A_1679 = vector.shape_cast %add3A_1674 : vector<16xf32> to vector<1x16xf32>
        tpu.vector_store %arg11[%swap3A_1675, %swap3A_1676], %swap3A_1679 {strides = array<i32>} : memref<128x64xf32, #tpu.memory_space<vmem>>, vector<1x16xf32>,
        %add3A_1680 = arith.constant 32 : i32
        %add3A_1681 = arith.addi %squeeze3A_1618, %add3A_1680 : i32
        %get3A_1682 = arith.index_cast %add3A_1614 : i32 to index
        %get3A_1683 = arith.index_cast %add3A_1681 : i32 to index
        %get3A_1684 = tpu.vector_load %arg9[%get3A_1682, %get3A_1683] {strides = array<i32>} : memref<128x128xf32, #tpu.memory_space<vmem>>, vector<1x16xf32>,
        %get3A_1685 = vector.shape_cast %get3A_1684 : vector<1x16xf32> to vector<16xf32>
        %mul3A_1686 = vector.broadcast %squeeze3A_1616 : f32 to vector<16xf32>
        %mul3A_1687 = arith.mulf %get3A_1685, %mul3A_1686 : vector<16xf32>
        %get3A_1688 = arith.index_cast %select_n3A_1643 : i32 to index
        %get3A_1689 = arith.constant 32 : index
        %get3A_1690 = tpu.vector_load %arg13[%get3A_1688, %get3A_1689] {strides = array<i32>} : memref<160x128xf32, #tpu.memory_space<vmem>>, vector<1x16xf32>,
        %get3A_1691 = vector.shape_cast %get3A_1690 : vector<1x16xf32> to vector<16xf32>
        %add3A_1692 = arith.addf %mul3A_1687, %get3A_1691 : vector<16xf32>
        %swap3A_1693 = arith.index_cast %add3A_1614 : i32 to index
        %swap3A_1694 = arith.constant 32 : index
        %swap3A_1695 = tpu.vector_load %arg11[%swap3A_1693, %swap3A_1694] {strides = array<i32>} : memref<128x64xf32, #tpu.memory_space<vmem>>, vector<1x16xf32>,
        %swap3A_1696 = vector.shape_cast %swap3A_1695 : vector<1x16xf32> to vector<16xf32>
        %swap3A_1697 = vector.shape_cast %add3A_1692 : vector<16xf32> to vector<1x16xf32>
        tpu.vector_store %arg11[%swap3A_1693, %swap3A_1694], %swap3A_1697 {strides = array<i32>} : memref<128x64xf32, #tpu.memory_space<vmem>>, vector<1x16xf32>,
        %add3A_1698 = arith.constant 48 : i32
        %add3A_1699 = arith.addi %squeeze3A_1618, %add3A_1698 : i32
        %get3A_1700 = arith.index_cast %add3A_1614 : i32 to index
        %get3A_1701 = arith.index_cast %add3A_1699 : i32 to index
        %get3A_1702 = tpu.vector_load %arg9[%get3A_1700, %get3A_1701] {strides = array<i32>} : memref<128x128xf32, #tpu.memory_space<vmem>>, vector<1x16xf32>,
        %get3A_1703 = vector.shape_cast %get3A_1702 : vector<1x16xf32> to vector<16xf32>
        %mul3A_1704 = vector.broadcast %squeeze3A_1616 : f32 to vector<16xf32>
        %mul3A_1705 = arith.mulf %get3A_1703, %mul3A_1704 : vector<16xf32>
        %get3A_1706 = arith.index_cast %select_n3A_1643 : i32 to index
        %get3A_1707 = arith.constant 48 : index
        %get3A_1708 = tpu.vector_load %arg13[%get3A_1706, %get3A_1707] {strides = array<i32>} : memref<160x128xf32, #tpu.memory_space<vmem>>, vector<1x16xf32>,
        %get3A_1709 = vector.shape_cast %get3A_1708 : vector<1x16xf32> to vector<16xf32>
        %add3A_1710 = arith.addf %mul3A_1705, %get3A_1709 : vector<16xf32>
        %swap3A_1711 = arith.index_cast %add3A_1614 : i32 to index
        %swap3A_1712 = arith.constant 48 : index
        %swap3A_1713 = tpu.vector_load %arg11[%swap3A_1711, %swap3A_1712] {strides = array<i32>} : memref<128x64xf32, #tpu.memory_space<vmem>>, vector<1x16xf32>,
        %swap3A_1714 = vector.shape_cast %swap3A_1713 : vector<1x16xf32> to vector<16xf32>
        %swap3A_1715 = vector.shape_cast %add3A_1710 : vector<16xf32> to vector<1x16xf32>
        tpu.vector_store %arg11[%swap3A_1711, %swap3A_1712], %swap3A_1715 {strides = array<i32>} : memref<128x64xf32, #tpu.memory_space<vmem>>, vector<1x16xf32>,
        %mul3A_1716 = arith.constant 16 : i32
        %mul3A_1717 = arith.muli %scan3A_128, %mul3A_1716 : i32
        %add3A_1718 = arith.constant 15 : i32
        %add3A_1719 = arith.addi %mul3A_1717, %add3A_1718 : i32
        %slice3A_1720 = vector.extract_strided_slice %select_n3A_140 {offsets = [15], sizes = [1], strides = [1]} : vector<16xf32> to vector<1xf32>
        %squeeze3A_1721 = vector.extract %slice3A_1720[0] : f32 from vector<1xf32>
        %slice3A_1722 = vector.extract_strided_slice %mul3A_146 {offsets = [15], sizes = [1], strides = [1]} : vector<16xi32> to vector<1xi32>
        %squeeze3A_1723 = vector.extract %slice3A_1722[0] : i32 from vector<1xi32>
        %add3A_1724 = arith.addi %select_n3A_58, %add3A_1719 : i32
        %jit3A_1725 = arith.constant 2 : i32
        %div3A_1726 = arith.divsi %add3A_1724, %jit3A_1725 : i32
        %sign3A_1727 = arith.constant 0 : i32
        %sign3A_1728 = arith.cmpi sgt, %add3A_1724, %sign3A_1727 : i32
        %sign3A_1729 = arith.extui %sign3A_1728 : i1 to i32
        %sign3A_1730 = arith.constant 0 : i32
        %sign3A_1731 = arith.cmpi slt, %add3A_1724, %sign3A_1730 : i32
        %sign3A_1732 = arith.extui %sign3A_1731 : i1 to i32
        %sign3A_1733 = arith.subi %sign3A_1729, %sign3A_1732 : i32
        %sign3A_1734 = arith.constant 0 : i32
        %sign3A_1735 = arith.cmpi sgt, %jit3A_1725, %sign3A_1734 : i32
        %sign3A_1736 = arith.extui %sign3A_1735 : i1 to i32
        %sign3A_1737 = arith.constant 0 : i32
        %sign3A_1738 = arith.cmpi slt, %jit3A_1725, %sign3A_1737 : i32
        %sign3A_1739 = arith.extui %sign3A_1738 : i1 to i32
        %sign3A_1740 = arith.subi %sign3A_1736, %sign3A_1739 : i32
        %ne3A_1741 = arith.cmpi ne, %sign3A_1733, %sign3A_1740 : i32
        %rem3A_1742 = arith.remsi %add3A_1724, %jit3A_1725 : i32
        %ne3A_1743 = arith.constant 0 : i32
        %ne3A_1744 = arith.cmpi ne, %rem3A_1742, %ne3A_1743 : i32
        %and3A_1745 = arith.andi %ne3A_1741, %ne3A_1744 : i1
        %sub3A_1746 = arith.constant 1 : i32
        %sub3A_1747 = arith.subi %div3A_1726, %sub3A_1746 : i32
        %select_n3A_1748 = arith.select %and3A_1745, %sub3A_1747, %div3A_1726 : i32
        %add3A_1749 = arith.constant 0 : i32
        %add3A_1750 = arith.addi %squeeze3A_1723, %add3A_1749 : i32
        %get3A_1751 = arith.index_cast %add3A_1719 : i32 to index
        %get3A_1752 = arith.index_cast %add3A_1750 : i32 to index
        %get3A_1753 = tpu.vector_load %arg9[%get3A_1751, %get3A_1752] {strides = array<i32>} : memref<128x128xf32, #tpu.memory_space<vmem>>, vector<1x16xf32>,
        %get3A_1754 = vector.shape_cast %get3A_1753 : vector<1x16xf32> to vector<16xf32>
        %mul3A_1755 = vector.broadcast %squeeze3A_1721 : f32 to vector<16xf32>
        %mul3A_1756 = arith.mulf %get3A_1754, %mul3A_1755 : vector<16xf32>
        %get3A_1757 = arith.index_cast %select_n3A_1748 : i32 to index
        %get3A_1758 = arith.constant 64 : index
        %get3A_1759 = tpu.vector_load %arg13[%get3A_1757, %get3A_1758] {strides = array<i32>} : memref<160x128xf32, #tpu.memory_space<vmem>>, vector<1x16xf32>,
        %get3A_1760 = vector.shape_cast %get3A_1759 : vector<1x16xf32> to vector<16xf32>
        %add3A_1761 = arith.addf %mul3A_1756, %get3A_1760 : vector<16xf32>
        %swap3A_1762 = arith.index_cast %add3A_1719 : i32 to index
        %swap3A_1763 = arith.constant 0 : index
        %swap3A_1764 = tpu.vector_load %arg11[%swap3A_1762, %swap3A_1763] {strides = array<i32>} : memref<128x64xf32, #tpu.memory_space<vmem>>, vector<1x16xf32>,
        %swap3A_1765 = vector.shape_cast %swap3A_1764 : vector<1x16xf32> to vector<16xf32>
        %swap3A_1766 = vector.shape_cast %add3A_1761 : vector<16xf32> to vector<1x16xf32>
        tpu.vector_store %arg11[%swap3A_1762, %swap3A_1763], %swap3A_1766 {strides = array<i32>} : memref<128x64xf32, #tpu.memory_space<vmem>>, vector<1x16xf32>,
        %add3A_1767 = arith.constant 16 : i32
        %add3A_1768 = arith.addi %squeeze3A_1723, %add3A_1767 : i32
        %get3A_1769 = arith.index_cast %add3A_1719 : i32 to index
        %get3A_1770 = arith.index_cast %add3A_1768 : i32 to index
        %get3A_1771 = tpu.vector_load %arg9[%get3A_1769, %get3A_1770] {strides = array<i32>} : memref<128x128xf32, #tpu.memory_space<vmem>>, vector<1x16xf32>,
        %get3A_1772 = vector.shape_cast %get3A_1771 : vector<1x16xf32> to vector<16xf32>
        %mul3A_1773 = vector.broadcast %squeeze3A_1721 : f32 to vector<16xf32>
        %mul3A_1774 = arith.mulf %get3A_1772, %mul3A_1773 : vector<16xf32>
        %get3A_1775 = arith.index_cast %select_n3A_1748 : i32 to index
        %get3A_1776 = arith.constant 80 : index
        %get3A_1777 = tpu.vector_load %arg13[%get3A_1775, %get3A_1776] {strides = array<i32>} : memref<160x128xf32, #tpu.memory_space<vmem>>, vector<1x16xf32>,
        %get3A_1778 = vector.shape_cast %get3A_1777 : vector<1x16xf32> to vector<16xf32>
        %add3A_1779 = arith.addf %mul3A_1774, %get3A_1778 : vector<16xf32>
        %swap3A_1780 = arith.index_cast %add3A_1719 : i32 to index
        %swap3A_1781 = arith.constant 16 : index
        %swap3A_1782 = tpu.vector_load %arg11[%swap3A_1780, %swap3A_1781] {strides = array<i32>} : memref<128x64xf32, #tpu.memory_space<vmem>>, vector<1x16xf32>,
        %swap3A_1783 = vector.shape_cast %swap3A_1782 : vector<1x16xf32> to vector<16xf32>
        %swap3A_1784 = vector.shape_cast %add3A_1779 : vector<16xf32> to vector<1x16xf32>
        tpu.vector_store %arg11[%swap3A_1780, %swap3A_1781], %swap3A_1784 {strides = array<i32>} : memref<128x64xf32, #tpu.memory_space<vmem>>, vector<1x16xf32>,
        %add3A_1785 = arith.constant 32 : i32
        %add3A_1786 = arith.addi %squeeze3A_1723, %add3A_1785 : i32
        %get3A_1787 = arith.index_cast %add3A_1719 : i32 to index
        %get3A_1788 = arith.index_cast %add3A_1786 : i32 to index
        %get3A_1789 = tpu.vector_load %arg9[%get3A_1787, %get3A_1788] {strides = array<i32>} : memref<128x128xf32, #tpu.memory_space<vmem>>, vector<1x16xf32>,
        %get3A_1790 = vector.shape_cast %get3A_1789 : vector<1x16xf32> to vector<16xf32>
        %mul3A_1791 = vector.broadcast %squeeze3A_1721 : f32 to vector<16xf32>
        %mul3A_1792 = arith.mulf %get3A_1790, %mul3A_1791 : vector<16xf32>
        %get3A_1793 = arith.index_cast %select_n3A_1748 : i32 to index
        %get3A_1794 = arith.constant 96 : index
        %get3A_1795 = tpu.vector_load %arg13[%get3A_1793, %get3A_1794] {strides = array<i32>} : memref<160x128xf32, #tpu.memory_space<vmem>>, vector<1x16xf32>,
        %get3A_1796 = vector.shape_cast %get3A_1795 : vector<1x16xf32> to vector<16xf32>
        %add3A_1797 = arith.addf %mul3A_1792, %get3A_1796 : vector<16xf32>
        %swap3A_1798 = arith.index_cast %add3A_1719 : i32 to index
        %swap3A_1799 = arith.constant 32 : index
        %swap3A_1800 = tpu.vector_load %arg11[%swap3A_1798, %swap3A_1799] {strides = array<i32>} : memref<128x64xf32, #tpu.memory_space<vmem>>, vector<1x16xf32>,
        %swap3A_1801 = vector.shape_cast %swap3A_1800 : vector<1x16xf32> to vector<16xf32>
        %swap3A_1802 = vector.shape_cast %add3A_1797 : vector<16xf32> to vector<1x16xf32>
        tpu.vector_store %arg11[%swap3A_1798, %swap3A_1799], %swap3A_1802 {strides = array<i32>} : memref<128x64xf32, #tpu.memory_space<vmem>>, vector<1x16xf32>,
        %add3A_1803 = arith.constant 48 : i32
        %add3A_1804 = arith.addi %squeeze3A_1723, %add3A_1803 : i32
        %get3A_1805 = arith.index_cast %add3A_1719 : i32 to index
        %get3A_1806 = arith.index_cast %add3A_1804 : i32 to index
        %get3A_1807 = tpu.vector_load %arg9[%get3A_1805, %get3A_1806] {strides = array<i32>} : memref<128x128xf32, #tpu.memory_space<vmem>>, vector<1x16xf32>,
        %get3A_1808 = vector.shape_cast %get3A_1807 : vector<1x16xf32> to vector<16xf32>
        %mul3A_1809 = vector.broadcast %squeeze3A_1721 : f32 to vector<16xf32>
        %mul3A_1810 = arith.mulf %get3A_1808, %mul3A_1809 : vector<16xf32>
        %get3A_1811 = arith.index_cast %select_n3A_1748 : i32 to index
        %get3A_1812 = arith.constant 112 : index
        %get3A_1813 = tpu.vector_load %arg13[%get3A_1811, %get3A_1812] {strides = array<i32>} : memref<160x128xf32, #tpu.memory_space<vmem>>, vector<1x16xf32>,
        %get3A_1814 = vector.shape_cast %get3A_1813 : vector<1x16xf32> to vector<16xf32>
        %add3A_1815 = arith.addf %mul3A_1810, %get3A_1814 : vector<16xf32>
        %swap3A_1816 = arith.index_cast %add3A_1719 : i32 to index
        %swap3A_1817 = arith.constant 48 : index
        %swap3A_1818 = tpu.vector_load %arg11[%swap3A_1816, %swap3A_1817] {strides = array<i32>} : memref<128x64xf32, #tpu.memory_space<vmem>>, vector<1x16xf32>,
        %swap3A_1819 = vector.shape_cast %swap3A_1818 : vector<1x16xf32> to vector<16xf32>
        %swap3A_1820 = vector.shape_cast %add3A_1815 : vector<16xf32> to vector<1x16xf32>
        tpu.vector_store %arg11[%swap3A_1816, %swap3A_1817], %swap3A_1820 {strides = array<i32>} : memref<128x64xf32, #tpu.memory_space<vmem>>, vector<1x16xf32>,
      }
      %scan3A_64 = arith.constant 8 : i32
      %mul3A_65 = arith.constant 6400 : i32
      %mul3A_66 = arith.muli %add3A, %mul3A_65 : i32
      %mul3A_67 = arith.constant 128 : i32
      %mul3A_68 = arith.muli %mul3A_25, %mul3A_67 : i32
      %add3A_69 = arith.addi %mul3A_66, %mul3A_68 : i32
      %multiple_of3A = tpu.assume_multiple %add3A_69, 128 : i32
      %dma_start3A_70 = arith.constant 0 : i32
      %dma_start3A_71 = tpu.memref_slice %arg6[%multiple_of3A, %dma_start3A_70] : memref<204800x64xf32, #tpu.memory_space<hbm>> -> memref<128x64xf32, #tpu.memory_space<hbm>>
      %dma_start3A_72 = arith.constant 0 : i32
      %dma_start3A_73 = tpu.memref_slice %arg6[%multiple_of3A, %dma_start3A_72] : memref<204800x64xf32, #tpu.memory_space<hbm>> -> memref<128x64xf32, #tpu.memory_space<hbm>>
      tpu.enqueue_dma source(%arg11 : memref<128x64xf32, #tpu.memory_space<vmem>>) target(%dma_start3A_73 : memref<128x64xf32, #tpu.memory_space<hbm>>) target_semaphore(%arg16 : memref<!tpu.dma_semaphore, #tpu.memory_space<semaphore_mem>>)
      %lt3A_74 = arith.constant 24 : i32
      %lt3A_75 = arith.cmpi slt, %scan3A_23, %lt3A_74 : i32
      %convert_element_type3A_76 = arith.extui %lt3A_75 : i1 to i32
      %cond3A_77 = arith.constant 0 : i32
      %cond3A_78 = arith.cmpi ne, %convert_element_type3A_76, %cond3A_77 : i32
      scf.if %cond3A_78 {
        %add3A_128 = arith.constant 2 : i32
        %add3A_129 = arith.addi %mul3A_25, %add3A_128 : i32
        %dma_start3A_130 = arith.constant 0 : i32
        %dma_start3A_131 = tpu.memref_slice %arg8[%add3A_129, %dma_start3A_130] : memref<50x128xi32, #tpu.memory_space<vmem>> -> memref<1x128xi32, #tpu.memory_space<vmem>>
        %dma_start3A_132 = tpu.memref_squeeze %dma_start3A_131 : memref<1x128xi32, #tpu.memory_space<vmem>> -> memref<128xi32, #tpu.memory_space<vmem>>
        %dma_start3A_133 = arith.constant 0 : i32
        %dma_start3A_134 = arith.constant 0 : i32
        %dma_start3A_135 = tpu.memref_slice %arg2[%dma_start3A_133, %dma_start3A_134] : memref<500000x128xf32, #tpu.memory_space<hbm>> -> memref<500000x128xf32, #tpu.memory_space<hbm>>
        tpu.enqueue_indirect_dma source(%dma_start3A_135 : memref<500000x128xf32, #tpu.memory_space<hbm>>) target(%arg9 : memref<128x128xf32, #tpu.memory_space<vmem>>) offsets(%dma_start3A_132 : memref<128xi32, #tpu.memory_space<vmem>>) semaphore(%arg14 : memref<!tpu.dma_semaphore, #tpu.memory_space<semaphore_mem>>)
      } else {
      }
      %dma_wait3A_79 = arith.constant 0 : i32
      %dma_wait3A_80 = arith.constant 0 : i32
      %dma_wait3A_81 = tpu.memref_slice %arg8[%dma_wait3A_79, %dma_wait3A_80] : memref<50x128xi32, #tpu.memory_space<vmem>> -> memref<1x128xi32, #tpu.memory_space<vmem>>
      %dma_wait3A_82 = tpu.memref_squeeze %dma_wait3A_81 : memref<1x128xi32, #tpu.memory_space<vmem>> -> memref<128xi32, #tpu.memory_space<vmem>>
      %dma_wait3A_83 = arith.constant 0 : i32
      %dma_wait3A_84 = arith.constant 0 : i32
      %dma_wait3A_85 = tpu.memref_slice %arg2[%dma_wait3A_83, %dma_wait3A_84] : memref<500000x128xf32, #tpu.memory_space<hbm>> -> memref<500000x128xf32, #tpu.memory_space<hbm>>
      tpu.wait_indirect_dma semaphore(%arg15 : memref<!tpu.dma_semaphore, #tpu.memory_space<semaphore_mem>>) src(%dma_wait3A_85 : memref<500000x128xf32, #tpu.memory_space<hbm>>) dst(%arg10 : memref<128x128xf32, #tpu.memory_space<vmem>>)
      %gt3A_86 = arith.constant 0 : i32
      %gt3A_87 = arith.cmpi sgt, %scan3A_23, %gt3A_86 : i32
      %convert_element_type3A_88 = arith.extui %gt3A_87 : i1 to i32
      %cond3A_89 = arith.constant 0 : i32
      %cond3A_90 = arith.cmpi ne, %convert_element_type3A_88, %cond3A_89 : i32
      scf.if %cond3A_90 {
        %dma_wait3A_128 = arith.constant 0 : i32
        %dma_wait3A_129 = arith.constant 0 : i32
        %dma_wait3A_130 = tpu.memref_slice %arg6[%dma_wait3A_128, %dma_wait3A_129] : memref<204800x64xf32, #tpu.memory_space<hbm>> -> memref<128x64xf32, #tpu.memory_space<hbm>>
        %dma_wait3A_131 = arith.constant 0 : i32
        %dma_wait3A_132 = arith.constant 0 : i32
        %dma_wait3A_133 = tpu.memref_slice %arg6[%dma_wait3A_131, %dma_wait3A_132] : memref<204800x64xf32, #tpu.memory_space<hbm>> -> memref<128x64xf32, #tpu.memory_space<hbm>>
        tpu.wait_dma2 semaphore(%arg17 : memref<!tpu.dma_semaphore, #tpu.memory_space<semaphore_mem>>) src(%arg12 : memref<128x64xf32, #tpu.memory_space<vmem>>) dst(%dma_wait3A_133 : memref<128x64xf32, #tpu.memory_space<hbm>>)
      } else {
      }
      %mul3A_91 = arith.constant 6400 : i32
      %mul3A_92 = arith.muli %add3A, %mul3A_91 : i32
      %mul3A_93 = arith.constant 128 : i32
      %mul3A_94 = arith.muli %add3A_29, %mul3A_93 : i32
      %add3A_95 = arith.addi %mul3A_92, %mul3A_94 : i32
      %jit3A_96 = arith.constant 200 : i32
      %eq3A_97 = arith.constant 0 : i32
      %eq3A_98 = arith.cmpi eq, %jit3A_96, %eq3A_97 : i32
      %jit3A_99 = arith.constant 1 : i32
      %select_n3A_100 = arith.select %eq3A_98, %jit3A_99, %jit3A_96 : i32
      %rem3A_101 = arith.remsi %add3A_95, %select_n3A_100 : i32
      %ne3A_102 = arith.constant 0 : i32
      %ne3A_103 = arith.cmpi ne, %rem3A_101, %ne3A_102 : i32
      %lt3A_104 = arith.constant 0 : i32
      %lt3A_105 = arith.cmpi slt, %rem3A_101, %lt3A_104 : i32
      %lt3A_106 = arith.constant 0 : i32
      %lt3A_107 = arith.cmpi slt, %select_n3A_100, %lt3A_106 : i32
      %ne3A_108 = arith.xori %lt3A_105, %lt3A_107 : i1
      %and3A_109 = arith.andi %ne3A_108, %ne3A_103 : i1
      %add3A_110 = arith.addi %rem3A_101, %select_n3A_100 : i32
      %select_n3A_111 = arith.select %and3A_109, %add3A_110, %rem3A_101 : i32
      %scan3A_112 = arith.constant 0 : i32
      %scan3A_113 = arith.constant 0 : i32
      %scan3A_114 = arith.constant 8 : i32
      %scan3A_115 = arith.addi %scan3A_113, %scan3A_114 : i32
      %scan3A_116 = arith.constant 1 : i32
      scf.for %scan3A_128 = %scan3A_113 to %scan3A_115 step %scan3A_116  : i32 {
        %mul3A_129 = arith.constant 16 : i32
        %mul3A_130 = arith.muli %scan3A_128, %mul3A_129 : i32
        %get3A = arith.index_cast %add3A_29 : i32 to index
        %get3A_131 = arith.index_cast %mul3A_130 : i32 to index
        %get3A_132 = tpu.vector_load %arg7[%get3A, %get3A_131] {strides = array<i32>} : memref<50x128xi32, #tpu.memory_space<vmem>>, vector<1x16xi32>,
        %get3A_133 = vector.shape_cast %get3A_132 : vector<1x16xi32> to vector<16xi32>
        %eq3A_134 = arith.constant 0 : i32
        %eq3A_135 = vector.broadcast %eq3A_134 : i32 to vector<16xi32>
        %eq3A_136 = arith.cmpi eq, %get3A_133, %eq3A_135 : vector<16xi32>
        %jit3A_137 = arith.constant 0.000000e+00 : f32
        %jit3A_138 = arith.constant 8.000000e+00 : f32
        %broadcast_in_dim3A = vector.broadcast %jit3A_137 : f32 to vector<16xf32>
        %broadcast_in_dim3A_139 = vector.broadcast %jit3A_138 : f32 to vector<16xf32>
        %select_n3A_140 = arith.select %eq3A_136, %broadcast_in_dim3A, %broadcast_in_dim3A_139 : vector<16xi1>, vector<16xf32>
        %and3A_141 = arith.constant 1 : i32
        %and3A_142 = vector.broadcast %and3A_141 : i32 to vector<16xi32>
        %and3A_143 = arith.andi %get3A_133, %and3A_142 : vector<16xi32>
        %mul3A_144 = arith.constant 64 : i32
        %mul3A_145 = vector.broadcast %mul3A_144 : i32 to vector<16xi32>
        %mul3A_146 = arith.muli %and3A_143, %mul3A_145 : vector<16xi32>
        %mul3A_147 = arith.constant 16 : i32
        %mul3A_148 = arith.muli %scan3A_128, %mul3A_147 : i32
        %add3A_149 = arith.constant 0 : i32
        %add3A_150 = arith.addi %mul3A_148, %add3A_149 : i32
        %slice3A = vector.extract_strided_slice %select_n3A_140 {offsets = [0], sizes = [1], strides = [1]} : vector<16xf32> to vector<1xf32>
        %squeeze3A = vector.extract %slice3A[0] : f32 from vector<1xf32>
        %slice3A_151 = vector.extract_strided_slice %mul3A_146 {offsets = [0], sizes = [1], strides = [1]} : vector<16xi32> to vector<1xi32>
        %squeeze3A_152 = vector.extract %slice3A_151[0] : i32 from vector<1xi32>
        %add3A_153 = arith.addi %select_n3A_111, %add3A_150 : i32
        %jit3A_154 = arith.constant 2 : i32
        %div3A = arith.divsi %add3A_153, %jit3A_154 : i32
        %sign3A = arith.constant 0 : i32
        %sign3A_155 = arith.cmpi sgt, %add3A_153, %sign3A : i32
        %sign3A_156 = arith.extui %sign3A_155 : i1 to i32
        %sign3A_157 = arith.constant 0 : i32
        %sign3A_158 = arith.cmpi slt, %add3A_153, %sign3A_157 : i32
        %sign3A_159 = arith.extui %sign3A_158 : i1 to i32
        %sign3A_160 = arith.subi %sign3A_156, %sign3A_159 : i32
        %sign3A_161 = arith.constant 0 : i32
        %sign3A_162 = arith.cmpi sgt, %jit3A_154, %sign3A_161 : i32
        %sign3A_163 = arith.extui %sign3A_162 : i1 to i32
        %sign3A_164 = arith.constant 0 : i32
        %sign3A_165 = arith.cmpi slt, %jit3A_154, %sign3A_164 : i32
        %sign3A_166 = arith.extui %sign3A_165 : i1 to i32
        %sign3A_167 = arith.subi %sign3A_163, %sign3A_166 : i32
        %ne3A_168 = arith.cmpi ne, %sign3A_160, %sign3A_167 : i32
        %rem3A_169 = arith.remsi %add3A_153, %jit3A_154 : i32
        %ne3A_170 = arith.constant 0 : i32
        %ne3A_171 = arith.cmpi ne, %rem3A_169, %ne3A_170 : i32
        %and3A_172 = arith.andi %ne3A_168, %ne3A_171 : i1
        %sub3A = arith.constant 1 : i32
        %sub3A_173 = arith.subi %div3A, %sub3A : i32
        %select_n3A_174 = arith.select %and3A_172, %sub3A_173, %div3A : i32
        %add3A_175 = arith.constant 0 : i32
        %add3A_176 = arith.addi %squeeze3A_152, %add3A_175 : i32
        %get3A_177 = arith.index_cast %add3A_150 : i32 to index
        %get3A_178 = arith.index_cast %add3A_176 : i32 to index
        %get3A_179 = tpu.vector_load %arg10[%get3A_177, %get3A_178] {strides = array<i32>} : memref<128x128xf32, #tpu.memory_space<vmem>>, vector<1x16xf32>,
        %get3A_180 = vector.shape_cast %get3A_179 : vector<1x16xf32> to vector<16xf32>
        %mul3A_181 = vector.broadcast %squeeze3A : f32 to vector<16xf32>
        %mul3A_182 = arith.mulf %get3A_180, %mul3A_181 : vector<16xf32>
        %get3A_183 = arith.index_cast %select_n3A_174 : i32 to index
        %get3A_184 = arith.constant 0 : index
        %get3A_185 = tpu.vector_load %arg13[%get3A_183, %get3A_184] {strides = array<i32>} : memref<160x128xf32, #tpu.memory_space<vmem>>, vector<1x16xf32>,
        %get3A_186 = vector.shape_cast %get3A_185 : vector<1x16xf32> to vector<16xf32>
        %add3A_187 = arith.addf %mul3A_182, %get3A_186 : vector<16xf32>
        %swap3A = arith.index_cast %add3A_150 : i32 to index
        %swap3A_188 = arith.constant 0 : index
        %swap3A_189 = tpu.vector_load %arg12[%swap3A, %swap3A_188] {strides = array<i32>} : memref<128x64xf32, #tpu.memory_space<vmem>>, vector<1x16xf32>,
        %swap3A_190 = vector.shape_cast %swap3A_189 : vector<1x16xf32> to vector<16xf32>
        %swap3A_191 = vector.shape_cast %add3A_187 : vector<16xf32> to vector<1x16xf32>
        tpu.vector_store %arg12[%swap3A, %swap3A_188], %swap3A_191 {strides = array<i32>} : memref<128x64xf32, #tpu.memory_space<vmem>>, vector<1x16xf32>,
        %add3A_192 = arith.constant 16 : i32
        %add3A_193 = arith.addi %squeeze3A_152, %add3A_192 : i32
        %get3A_194 = arith.index_cast %add3A_150 : i32 to index
        %get3A_195 = arith.index_cast %add3A_193 : i32 to index
        %get3A_196 = tpu.vector_load %arg10[%get3A_194, %get3A_195] {strides = array<i32>} : memref<128x128xf32, #tpu.memory_space<vmem>>, vector<1x16xf32>,
        %get3A_197 = vector.shape_cast %get3A_196 : vector<1x16xf32> to vector<16xf32>
        %mul3A_198 = vector.broadcast %squeeze3A : f32 to vector<16xf32>
        %mul3A_199 = arith.mulf %get3A_197, %mul3A_198 : vector<16xf32>
        %get3A_200 = arith.index_cast %select_n3A_174 : i32 to index
        %get3A_201 = arith.constant 16 : index
        %get3A_202 = tpu.vector_load %arg13[%get3A_200, %get3A_201] {strides = array<i32>} : memref<160x128xf32, #tpu.memory_space<vmem>>, vector<1x16xf32>,
        %get3A_203 = vector.shape_cast %get3A_202 : vector<1x16xf32> to vector<16xf32>
        %add3A_204 = arith.addf %mul3A_199, %get3A_203 : vector<16xf32>
        %swap3A_205 = arith.index_cast %add3A_150 : i32 to index
        %swap3A_206 = arith.constant 16 : index
        %swap3A_207 = tpu.vector_load %arg12[%swap3A_205, %swap3A_206] {strides = array<i32>} : memref<128x64xf32, #tpu.memory_space<vmem>>, vector<1x16xf32>,
        %swap3A_208 = vector.shape_cast %swap3A_207 : vector<1x16xf32> to vector<16xf32>
        %swap3A_209 = vector.shape_cast %add3A_204 : vector<16xf32> to vector<1x16xf32>
        tpu.vector_store %arg12[%swap3A_205, %swap3A_206], %swap3A_209 {strides = array<i32>} : memref<128x64xf32, #tpu.memory_space<vmem>>, vector<1x16xf32>,
        %add3A_210 = arith.constant 32 : i32
        %add3A_211 = arith.addi %squeeze3A_152, %add3A_210 : i32
        %get3A_212 = arith.index_cast %add3A_150 : i32 to index
        %get3A_213 = arith.index_cast %add3A_211 : i32 to index
        %get3A_214 = tpu.vector_load %arg10[%get3A_212, %get3A_213] {strides = array<i32>} : memref<128x128xf32, #tpu.memory_space<vmem>>, vector<1x16xf32>,
        %get3A_215 = vector.shape_cast %get3A_214 : vector<1x16xf32> to vector<16xf32>
        %mul3A_216 = vector.broadcast %squeeze3A : f32 to vector<16xf32>
        %mul3A_217 = arith.mulf %get3A_215, %mul3A_216 : vector<16xf32>
        %get3A_218 = arith.index_cast %select_n3A_174 : i32 to index
        %get3A_219 = arith.constant 32 : index
        %get3A_220 = tpu.vector_load %arg13[%get3A_218, %get3A_219] {strides = array<i32>} : memref<160x128xf32, #tpu.memory_space<vmem>>, vector<1x16xf32>,
        %get3A_221 = vector.shape_cast %get3A_220 : vector<1x16xf32> to vector<16xf32>
        %add3A_222 = arith.addf %mul3A_217, %get3A_221 : vector<16xf32>
        %swap3A_223 = arith.index_cast %add3A_150 : i32 to index
        %swap3A_224 = arith.constant 32 : index
        %swap3A_225 = tpu.vector_load %arg12[%swap3A_223, %swap3A_224] {strides = array<i32>} : memref<128x64xf32, #tpu.memory_space<vmem>>, vector<1x16xf32>,
        %swap3A_226 = vector.shape_cast %swap3A_225 : vector<1x16xf32> to vector<16xf32>
        %swap3A_227 = vector.shape_cast %add3A_222 : vector<16xf32> to vector<1x16xf32>
        tpu.vector_store %arg12[%swap3A_223, %swap3A_224], %swap3A_227 {strides = array<i32>} : memref<128x64xf32, #tpu.memory_space<vmem>>, vector<1x16xf32>,
        %add3A_228 = arith.constant 48 : i32
        %add3A_229 = arith.addi %squeeze3A_152, %add3A_228 : i32
        %get3A_230 = arith.index_cast %add3A_150 : i32 to index
        %get3A_231 = arith.index_cast %add3A_229 : i32 to index
        %get3A_232 = tpu.vector_load %arg10[%get3A_230, %get3A_231] {strides = array<i32>} : memref<128x128xf32, #tpu.memory_space<vmem>>, vector<1x16xf32>,
        %get3A_233 = vector.shape_cast %get3A_232 : vector<1x16xf32> to vector<16xf32>
        %mul3A_234 = vector.broadcast %squeeze3A : f32 to vector<16xf32>
        %mul3A_235 = arith.mulf %get3A_233, %mul3A_234 : vector<16xf32>
        %get3A_236 = arith.index_cast %select_n3A_174 : i32 to index
        %get3A_237 = arith.constant 48 : index
        %get3A_238 = tpu.vector_load %arg13[%get3A_236, %get3A_237] {strides = array<i32>} : memref<160x128xf32, #tpu.memory_space<vmem>>, vector<1x16xf32>,
        %get3A_239 = vector.shape_cast %get3A_238 : vector<1x16xf32> to vector<16xf32>
        %add3A_240 = arith.addf %mul3A_235, %get3A_239 : vector<16xf32>
        %swap3A_241 = arith.index_cast %add3A_150 : i32 to index
        %swap3A_242 = arith.constant 48 : index
        %swap3A_243 = tpu.vector_load %arg12[%swap3A_241, %swap3A_242] {strides = array<i32>} : memref<128x64xf32, #tpu.memory_space<vmem>>, vector<1x16xf32>,
        %swap3A_244 = vector.shape_cast %swap3A_243 : vector<1x16xf32> to vector<16xf32>
        %swap3A_245 = vector.shape_cast %add3A_240 : vector<16xf32> to vector<1x16xf32>
        tpu.vector_store %arg12[%swap3A_241, %swap3A_242], %swap3A_245 {strides = array<i32>} : memref<128x64xf32, #tpu.memory_space<vmem>>, vector<1x16xf32>,
        %mul3A_246 = arith.constant 16 : i32
        %mul3A_247 = arith.muli %scan3A_128, %mul3A_246 : i32
        %add3A_248 = arith.constant 1 : i32
        %add3A_249 = arith.addi %mul3A_247, %add3A_248 : i32
        %slice3A_250 = vector.extract_strided_slice %select_n3A_140 {offsets = [1], sizes = [1], strides = [1]} : vector<16xf32> to vector<1xf32>
        %squeeze3A_251 = vector.extract %slice3A_250[0] : f32 from vector<1xf32>
        %slice3A_252 = vector.extract_strided_slice %mul3A_146 {offsets = [1], sizes = [1], strides = [1]} : vector<16xi32> to vector<1xi32>
        %squeeze3A_253 = vector.extract %slice3A_252[0] : i32 from vector<1xi32>
        %add3A_254 = arith.addi %select_n3A_111, %add3A_249 : i32
        %jit3A_255 = arith.constant 2 : i32
        %div3A_256 = arith.divsi %add3A_254, %jit3A_255 : i32
        %sign3A_257 = arith.constant 0 : i32
        %sign3A_258 = arith.cmpi sgt, %add3A_254, %sign3A_257 : i32
        %sign3A_259 = arith.extui %sign3A_258 : i1 to i32
        %sign3A_260 = arith.constant 0 : i32
        %sign3A_261 = arith.cmpi slt, %add3A_254, %sign3A_260 : i32
        %sign3A_262 = arith.extui %sign3A_261 : i1 to i32
        %sign3A_263 = arith.subi %sign3A_259, %sign3A_262 : i32
        %sign3A_264 = arith.constant 0 : i32
        %sign3A_265 = arith.cmpi sgt, %jit3A_255, %sign3A_264 : i32
        %sign3A_266 = arith.extui %sign3A_265 : i1 to i32
        %sign3A_267 = arith.constant 0 : i32
        %sign3A_268 = arith.cmpi slt, %jit3A_255, %sign3A_267 : i32
        %sign3A_269 = arith.extui %sign3A_268 : i1 to i32
        %sign3A_270 = arith.subi %sign3A_266, %sign3A_269 : i32
        %ne3A_271 = arith.cmpi ne, %sign3A_263, %sign3A_270 : i32
        %rem3A_272 = arith.remsi %add3A_254, %jit3A_255 : i32
        %ne3A_273 = arith.constant 0 : i32
        %ne3A_274 = arith.cmpi ne, %rem3A_272, %ne3A_273 : i32
        %and3A_275 = arith.andi %ne3A_271, %ne3A_274 : i1
        %sub3A_276 = arith.constant 1 : i32
        %sub3A_277 = arith.subi %div3A_256, %sub3A_276 : i32
        %select_n3A_278 = arith.select %and3A_275, %sub3A_277, %div3A_256 : i32
        %add3A_279 = arith.constant 0 : i32
        %add3A_280 = arith.addi %squeeze3A_253, %add3A_279 : i32
        %get3A_281 = arith.index_cast %add3A_249 : i32 to index
        %get3A_282 = arith.index_cast %add3A_280 : i32 to index
        %get3A_283 = tpu.vector_load %arg10[%get3A_281, %get3A_282] {strides = array<i32>} : memref<128x128xf32, #tpu.memory_space<vmem>>, vector<1x16xf32>,
        %get3A_284 = vector.shape_cast %get3A_283 : vector<1x16xf32> to vector<16xf32>
        %mul3A_285 = vector.broadcast %squeeze3A_251 : f32 to vector<16xf32>
        %mul3A_286 = arith.mulf %get3A_284, %mul3A_285 : vector<16xf32>
        %get3A_287 = arith.index_cast %select_n3A_278 : i32 to index
        %get3A_288 = arith.constant 64 : index
        %get3A_289 = tpu.vector_load %arg13[%get3A_287, %get3A_288] {strides = array<i32>} : memref<160x128xf32, #tpu.memory_space<vmem>>, vector<1x16xf32>,
        %get3A_290 = vector.shape_cast %get3A_289 : vector<1x16xf32> to vector<16xf32>
        %add3A_291 = arith.addf %mul3A_286, %get3A_290 : vector<16xf32>
        %swap3A_292 = arith.index_cast %add3A_249 : i32 to index
        %swap3A_293 = arith.constant 0 : index
        %swap3A_294 = tpu.vector_load %arg12[%swap3A_292, %swap3A_293] {strides = array<i32>} : memref<128x64xf32, #tpu.memory_space<vmem>>, vector<1x16xf32>,
        %swap3A_295 = vector.shape_cast %swap3A_294 : vector<1x16xf32> to vector<16xf32>
        %swap3A_296 = vector.shape_cast %add3A_291 : vector<16xf32> to vector<1x16xf32>
        tpu.vector_store %arg12[%swap3A_292, %swap3A_293], %swap3A_296 {strides = array<i32>} : memref<128x64xf32, #tpu.memory_space<vmem>>, vector<1x16xf32>,
        %add3A_297 = arith.constant 16 : i32
        %add3A_298 = arith.addi %squeeze3A_253, %add3A_297 : i32
        %get3A_299 = arith.index_cast %add3A_249 : i32 to index
        %get3A_300 = arith.index_cast %add3A_298 : i32 to index
        %get3A_301 = tpu.vector_load %arg10[%get3A_299, %get3A_300] {strides = array<i32>} : memref<128x128xf32, #tpu.memory_space<vmem>>, vector<1x16xf32>,
        %get3A_302 = vector.shape_cast %get3A_301 : vector<1x16xf32> to vector<16xf32>
        %mul3A_303 = vector.broadcast %squeeze3A_251 : f32 to vector<16xf32>
        %mul3A_304 = arith.mulf %get3A_302, %mul3A_303 : vector<16xf32>
        %get3A_305 = arith.index_cast %select_n3A_278 : i32 to index
        %get3A_306 = arith.constant 80 : index
        %get3A_307 = tpu.vector_load %arg13[%get3A_305, %get3A_306] {strides = array<i32>} : memref<160x128xf32, #tpu.memory_space<vmem>>, vector<1x16xf32>,
        %get3A_308 = vector.shape_cast %get3A_307 : vector<1x16xf32> to vector<16xf32>
        %add3A_309 = arith.addf %mul3A_304, %get3A_308 : vector<16xf32>
        %swap3A_310 = arith.index_cast %add3A_249 : i32 to index
        %swap3A_311 = arith.constant 16 : index
        %swap3A_312 = tpu.vector_load %arg12[%swap3A_310, %swap3A_311] {strides = array<i32>} : memref<128x64xf32, #tpu.memory_space<vmem>>, vector<1x16xf32>,
        %swap3A_313 = vector.shape_cast %swap3A_312 : vector<1x16xf32> to vector<16xf32>
        %swap3A_314 = vector.shape_cast %add3A_309 : vector<16xf32> to vector<1x16xf32>
        tpu.vector_store %arg12[%swap3A_310, %swap3A_311], %swap3A_314 {strides = array<i32>} : memref<128x64xf32, #tpu.memory_space<vmem>>, vector<1x16xf32>,
        %add3A_315 = arith.constant 32 : i32
        %add3A_316 = arith.addi %squeeze3A_253, %add3A_315 : i32
        %get3A_317 = arith.index_cast %add3A_249 : i32 to index
        %get3A_318 = arith.index_cast %add3A_316 : i32 to index
        %get3A_319 = tpu.vector_load %arg10[%get3A_317, %get3A_318] {strides = array<i32>} : memref<128x128xf32, #tpu.memory_space<vmem>>, vector<1x16xf32>,
        %get3A_320 = vector.shape_cast %get3A_319 : vector<1x16xf32> to vector<16xf32>
        %mul3A_321 = vector.broadcast %squeeze3A_251 : f32 to vector<16xf32>
        %mul3A_322 = arith.mulf %get3A_320, %mul3A_321 : vector<16xf32>
        %get3A_323 = arith.index_cast %select_n3A_278 : i32 to index
        %get3A_324 = arith.constant 96 : index
        %get3A_325 = tpu.vector_load %arg13[%get3A_323, %get3A_324] {strides = array<i32>} : memref<160x128xf32, #tpu.memory_space<vmem>>, vector<1x16xf32>,
        %get3A_326 = vector.shape_cast %get3A_325 : vector<1x16xf32> to vector<16xf32>
        %add3A_327 = arith.addf %mul3A_322, %get3A_326 : vector<16xf32>
        %swap3A_328 = arith.index_cast %add3A_249 : i32 to index
        %swap3A_329 = arith.constant 32 : index
        %swap3A_330 = tpu.vector_load %arg12[%swap3A_328, %swap3A_329] {strides = array<i32>} : memref<128x64xf32, #tpu.memory_space<vmem>>, vector<1x16xf32>,
        %swap3A_331 = vector.shape_cast %swap3A_330 : vector<1x16xf32> to vector<16xf32>
        %swap3A_332 = vector.shape_cast %add3A_327 : vector<16xf32> to vector<1x16xf32>
        tpu.vector_store %arg12[%swap3A_328, %swap3A_329], %swap3A_332 {strides = array<i32>} : memref<128x64xf32, #tpu.memory_space<vmem>>, vector<1x16xf32>,
        %add3A_333 = arith.constant 48 : i32
        %add3A_334 = arith.addi %squeeze3A_253, %add3A_333 : i32
        %get3A_335 = arith.index_cast %add3A_249 : i32 to index
        %get3A_336 = arith.index_cast %add3A_334 : i32 to index
        %get3A_337 = tpu.vector_load %arg10[%get3A_335, %get3A_336] {strides = array<i32>} : memref<128x128xf32, #tpu.memory_space<vmem>>, vector<1x16xf32>,
        %get3A_338 = vector.shape_cast %get3A_337 : vector<1x16xf32> to vector<16xf32>
        %mul3A_339 = vector.broadcast %squeeze3A_251 : f32 to vector<16xf32>
        %mul3A_340 = arith.mulf %get3A_338, %mul3A_339 : vector<16xf32>
        %get3A_341 = arith.index_cast %select_n3A_278 : i32 to index
        %get3A_342 = arith.constant 112 : index
        %get3A_343 = tpu.vector_load %arg13[%get3A_341, %get3A_342] {strides = array<i32>} : memref<160x128xf32, #tpu.memory_space<vmem>>, vector<1x16xf32>,
        %get3A_344 = vector.shape_cast %get3A_343 : vector<1x16xf32> to vector<16xf32>
        %add3A_345 = arith.addf %mul3A_340, %get3A_344 : vector<16xf32>
        %swap3A_346 = arith.index_cast %add3A_249 : i32 to index
        %swap3A_347 = arith.constant 48 : index
        %swap3A_348 = tpu.vector_load %arg12[%swap3A_346, %swap3A_347] {strides = array<i32>} : memref<128x64xf32, #tpu.memory_space<vmem>>, vector<1x16xf32>,
        %swap3A_349 = vector.shape_cast %swap3A_348 : vector<1x16xf32> to vector<16xf32>
        %swap3A_350 = vector.shape_cast %add3A_345 : vector<16xf32> to vector<1x16xf32>
        tpu.vector_store %arg12[%swap3A_346, %swap3A_347], %swap3A_350 {strides = array<i32>} : memref<128x64xf32, #tpu.memory_space<vmem>>, vector<1x16xf32>,
        %mul3A_351 = arith.constant 16 : i32
        %mul3A_352 = arith.muli %scan3A_128, %mul3A_351 : i32
        %add3A_353 = arith.constant 2 : i32
        %add3A_354 = arith.addi %mul3A_352, %add3A_353 : i32
        %slice3A_355 = vector.extract_strided_slice %select_n3A_140 {offsets = [2], sizes = [1], strides = [1]} : vector<16xf32> to vector<1xf32>
        %squeeze3A_356 = vector.extract %slice3A_355[0] : f32 from vector<1xf32>
        %slice3A_357 = vector.extract_strided_slice %mul3A_146 {offsets = [2], sizes = [1], strides = [1]} : vector<16xi32> to vector<1xi32>
        %squeeze3A_358 = vector.extract %slice3A_357[0] : i32 from vector<1xi32>
        %add3A_359 = arith.addi %select_n3A_111, %add3A_354 : i32
        %jit3A_360 = arith.constant 2 : i32
        %div3A_361 = arith.divsi %add3A_359, %jit3A_360 : i32
        %sign3A_362 = arith.constant 0 : i32
        %sign3A_363 = arith.cmpi sgt, %add3A_359, %sign3A_362 : i32
        %sign3A_364 = arith.extui %sign3A_363 : i1 to i32
        %sign3A_365 = arith.constant 0 : i32
        %sign3A_366 = arith.cmpi slt, %add3A_359, %sign3A_365 : i32
        %sign3A_367 = arith.extui %sign3A_366 : i1 to i32
        %sign3A_368 = arith.subi %sign3A_364, %sign3A_367 : i32
        %sign3A_369 = arith.constant 0 : i32
        %sign3A_370 = arith.cmpi sgt, %jit3A_360, %sign3A_369 : i32
        %sign3A_371 = arith.extui %sign3A_370 : i1 to i32
        %sign3A_372 = arith.constant 0 : i32
        %sign3A_373 = arith.cmpi slt, %jit3A_360, %sign3A_372 : i32
        %sign3A_374 = arith.extui %sign3A_373 : i1 to i32
        %sign3A_375 = arith.subi %sign3A_371, %sign3A_374 : i32
        %ne3A_376 = arith.cmpi ne, %sign3A_368, %sign3A_375 : i32
        %rem3A_377 = arith.remsi %add3A_359, %jit3A_360 : i32
        %ne3A_378 = arith.constant 0 : i32
        %ne3A_379 = arith.cmpi ne, %rem3A_377, %ne3A_378 : i32
        %and3A_380 = arith.andi %ne3A_376, %ne3A_379 : i1
        %sub3A_381 = arith.constant 1 : i32
        %sub3A_382 = arith.subi %div3A_361, %sub3A_381 : i32
        %select_n3A_383 = arith.select %and3A_380, %sub3A_382, %div3A_361 : i32
        %add3A_384 = arith.constant 0 : i32
        %add3A_385 = arith.addi %squeeze3A_358, %add3A_384 : i32
        %get3A_386 = arith.index_cast %add3A_354 : i32 to index
        %get3A_387 = arith.index_cast %add3A_385 : i32 to index
        %get3A_388 = tpu.vector_load %arg10[%get3A_386, %get3A_387] {strides = array<i32>} : memref<128x128xf32, #tpu.memory_space<vmem>>, vector<1x16xf32>,
        %get3A_389 = vector.shape_cast %get3A_388 : vector<1x16xf32> to vector<16xf32>
        %mul3A_390 = vector.broadcast %squeeze3A_356 : f32 to vector<16xf32>
        %mul3A_391 = arith.mulf %get3A_389, %mul3A_390 : vector<16xf32>
        %get3A_392 = arith.index_cast %select_n3A_383 : i32 to index
        %get3A_393 = arith.constant 0 : index
        %get3A_394 = tpu.vector_load %arg13[%get3A_392, %get3A_393] {strides = array<i32>} : memref<160x128xf32, #tpu.memory_space<vmem>>, vector<1x16xf32>,
        %get3A_395 = vector.shape_cast %get3A_394 : vector<1x16xf32> to vector<16xf32>
        %add3A_396 = arith.addf %mul3A_391, %get3A_395 : vector<16xf32>
        %swap3A_397 = arith.index_cast %add3A_354 : i32 to index
        %swap3A_398 = arith.constant 0 : index
        %swap3A_399 = tpu.vector_load %arg12[%swap3A_397, %swap3A_398] {strides = array<i32>} : memref<128x64xf32, #tpu.memory_space<vmem>>, vector<1x16xf32>,
        %swap3A_400 = vector.shape_cast %swap3A_399 : vector<1x16xf32> to vector<16xf32>
        %swap3A_401 = vector.shape_cast %add3A_396 : vector<16xf32> to vector<1x16xf32>
        tpu.vector_store %arg12[%swap3A_397, %swap3A_398], %swap3A_401 {strides = array<i32>} : memref<128x64xf32, #tpu.memory_space<vmem>>, vector<1x16xf32>,
        %add3A_402 = arith.constant 16 : i32
        %add3A_403 = arith.addi %squeeze3A_358, %add3A_402 : i32
        %get3A_404 = arith.index_cast %add3A_354 : i32 to index
        %get3A_405 = arith.index_cast %add3A_403 : i32 to index
        %get3A_406 = tpu.vector_load %arg10[%get3A_404, %get3A_405] {strides = array<i32>} : memref<128x128xf32, #tpu.memory_space<vmem>>, vector<1x16xf32>,
        %get3A_407 = vector.shape_cast %get3A_406 : vector<1x16xf32> to vector<16xf32>
        %mul3A_408 = vector.broadcast %squeeze3A_356 : f32 to vector<16xf32>
        %mul3A_409 = arith.mulf %get3A_407, %mul3A_408 : vector<16xf32>
        %get3A_410 = arith.index_cast %select_n3A_383 : i32 to index
        %get3A_411 = arith.constant 16 : index
        %get3A_412 = tpu.vector_load %arg13[%get3A_410, %get3A_411] {strides = array<i32>} : memref<160x128xf32, #tpu.memory_space<vmem>>, vector<1x16xf32>,
        %get3A_413 = vector.shape_cast %get3A_412 : vector<1x16xf32> to vector<16xf32>
        %add3A_414 = arith.addf %mul3A_409, %get3A_413 : vector<16xf32>
        %swap3A_415 = arith.index_cast %add3A_354 : i32 to index
        %swap3A_416 = arith.constant 16 : index
        %swap3A_417 = tpu.vector_load %arg12[%swap3A_415, %swap3A_416] {strides = array<i32>} : memref<128x64xf32, #tpu.memory_space<vmem>>, vector<1x16xf32>,
        %swap3A_418 = vector.shape_cast %swap3A_417 : vector<1x16xf32> to vector<16xf32>
        %swap3A_419 = vector.shape_cast %add3A_414 : vector<16xf32> to vector<1x16xf32>
        tpu.vector_store %arg12[%swap3A_415, %swap3A_416], %swap3A_419 {strides = array<i32>} : memref<128x64xf32, #tpu.memory_space<vmem>>, vector<1x16xf32>,
        %add3A_420 = arith.constant 32 : i32
        %add3A_421 = arith.addi %squeeze3A_358, %add3A_420 : i32
        %get3A_422 = arith.index_cast %add3A_354 : i32 to index
        %get3A_423 = arith.index_cast %add3A_421 : i32 to index
        %get3A_424 = tpu.vector_load %arg10[%get3A_422, %get3A_423] {strides = array<i32>} : memref<128x128xf32, #tpu.memory_space<vmem>>, vector<1x16xf32>,
        %get3A_425 = vector.shape_cast %get3A_424 : vector<1x16xf32> to vector<16xf32>
        %mul3A_426 = vector.broadcast %squeeze3A_356 : f32 to vector<16xf32>
        %mul3A_427 = arith.mulf %get3A_425, %mul3A_426 : vector<16xf32>
        %get3A_428 = arith.index_cast %select_n3A_383 : i32 to index
        %get3A_429 = arith.constant 32 : index
        %get3A_430 = tpu.vector_load %arg13[%get3A_428, %get3A_429] {strides = array<i32>} : memref<160x128xf32, #tpu.memory_space<vmem>>, vector<1x16xf32>,
        %get3A_431 = vector.shape_cast %get3A_430 : vector<1x16xf32> to vector<16xf32>
        %add3A_432 = arith.addf %mul3A_427, %get3A_431 : vector<16xf32>
        %swap3A_433 = arith.index_cast %add3A_354 : i32 to index
        %swap3A_434 = arith.constant 32 : index
        %swap3A_435 = tpu.vector_load %arg12[%swap3A_433, %swap3A_434] {strides = array<i32>} : memref<128x64xf32, #tpu.memory_space<vmem>>, vector<1x16xf32>,
        %swap3A_436 = vector.shape_cast %swap3A_435 : vector<1x16xf32> to vector<16xf32>
        %swap3A_437 = vector.shape_cast %add3A_432 : vector<16xf32> to vector<1x16xf32>
        tpu.vector_store %arg12[%swap3A_433, %swap3A_434], %swap3A_437 {strides = array<i32>} : memref<128x64xf32, #tpu.memory_space<vmem>>, vector<1x16xf32>,
        %add3A_438 = arith.constant 48 : i32
        %add3A_439 = arith.addi %squeeze3A_358, %add3A_438 : i32
        %get3A_440 = arith.index_cast %add3A_354 : i32 to index
        %get3A_441 = arith.index_cast %add3A_439 : i32 to index
        %get3A_442 = tpu.vector_load %arg10[%get3A_440, %get3A_441] {strides = array<i32>} : memref<128x128xf32, #tpu.memory_space<vmem>>, vector<1x16xf32>,
        %get3A_443 = vector.shape_cast %get3A_442 : vector<1x16xf32> to vector<16xf32>
        %mul3A_444 = vector.broadcast %squeeze3A_356 : f32 to vector<16xf32>
        %mul3A_445 = arith.mulf %get3A_443, %mul3A_444 : vector<16xf32>
        %get3A_446 = arith.index_cast %select_n3A_383 : i32 to index
        %get3A_447 = arith.constant 48 : index
        %get3A_448 = tpu.vector_load %arg13[%get3A_446, %get3A_447] {strides = array<i32>} : memref<160x128xf32, #tpu.memory_space<vmem>>, vector<1x16xf32>,
        %get3A_449 = vector.shape_cast %get3A_448 : vector<1x16xf32> to vector<16xf32>
        %add3A_450 = arith.addf %mul3A_445, %get3A_449 : vector<16xf32>
        %swap3A_451 = arith.index_cast %add3A_354 : i32 to index
        %swap3A_452 = arith.constant 48 : index
        %swap3A_453 = tpu.vector_load %arg12[%swap3A_451, %swap3A_452] {strides = array<i32>} : memref<128x64xf32, #tpu.memory_space<vmem>>, vector<1x16xf32>,
        %swap3A_454 = vector.shape_cast %swap3A_453 : vector<1x16xf32> to vector<16xf32>
        %swap3A_455 = vector.shape_cast %add3A_450 : vector<16xf32> to vector<1x16xf32>
        tpu.vector_store %arg12[%swap3A_451, %swap3A_452], %swap3A_455 {strides = array<i32>} : memref<128x64xf32, #tpu.memory_space<vmem>>, vector<1x16xf32>,
        %mul3A_456 = arith.constant 16 : i32
        %mul3A_457 = arith.muli %scan3A_128, %mul3A_456 : i32
        %add3A_458 = arith.constant 3 : i32
        %add3A_459 = arith.addi %mul3A_457, %add3A_458 : i32
        %slice3A_460 = vector.extract_strided_slice %select_n3A_140 {offsets = [3], sizes = [1], strides = [1]} : vector<16xf32> to vector<1xf32>
        %squeeze3A_461 = vector.extract %slice3A_460[0] : f32 from vector<1xf32>
        %slice3A_462 = vector.extract_strided_slice %mul3A_146 {offsets = [3], sizes = [1], strides = [1]} : vector<16xi32> to vector<1xi32>
        %squeeze3A_463 = vector.extract %slice3A_462[0] : i32 from vector<1xi32>
        %add3A_464 = arith.addi %select_n3A_111, %add3A_459 : i32
        %jit3A_465 = arith.constant 2 : i32
        %div3A_466 = arith.divsi %add3A_464, %jit3A_465 : i32
        %sign3A_467 = arith.constant 0 : i32
        %sign3A_468 = arith.cmpi sgt, %add3A_464, %sign3A_467 : i32
        %sign3A_469 = arith.extui %sign3A_468 : i1 to i32
        %sign3A_470 = arith.constant 0 : i32
        %sign3A_471 = arith.cmpi slt, %add3A_464, %sign3A_470 : i32
        %sign3A_472 = arith.extui %sign3A_471 : i1 to i32
        %sign3A_473 = arith.subi %sign3A_469, %sign3A_472 : i32
        %sign3A_474 = arith.constant 0 : i32
        %sign3A_475 = arith.cmpi sgt, %jit3A_465, %sign3A_474 : i32
        %sign3A_476 = arith.extui %sign3A_475 : i1 to i32
        %sign3A_477 = arith.constant 0 : i32
        %sign3A_478 = arith.cmpi slt, %jit3A_465, %sign3A_477 : i32
        %sign3A_479 = arith.extui %sign3A_478 : i1 to i32
        %sign3A_480 = arith.subi %sign3A_476, %sign3A_479 : i32
        %ne3A_481 = arith.cmpi ne, %sign3A_473, %sign3A_480 : i32
        %rem3A_482 = arith.remsi %add3A_464, %jit3A_465 : i32
        %ne3A_483 = arith.constant 0 : i32
        %ne3A_484 = arith.cmpi ne, %rem3A_482, %ne3A_483 : i32
        %and3A_485 = arith.andi %ne3A_481, %ne3A_484 : i1
        %sub3A_486 = arith.constant 1 : i32
        %sub3A_487 = arith.subi %div3A_466, %sub3A_486 : i32
        %select_n3A_488 = arith.select %and3A_485, %sub3A_487, %div3A_466 : i32
        %add3A_489 = arith.constant 0 : i32
        %add3A_490 = arith.addi %squeeze3A_463, %add3A_489 : i32
        %get3A_491 = arith.index_cast %add3A_459 : i32 to index
        %get3A_492 = arith.index_cast %add3A_490 : i32 to index
        %get3A_493 = tpu.vector_load %arg10[%get3A_491, %get3A_492] {strides = array<i32>} : memref<128x128xf32, #tpu.memory_space<vmem>>, vector<1x16xf32>,
        %get3A_494 = vector.shape_cast %get3A_493 : vector<1x16xf32> to vector<16xf32>
        %mul3A_495 = vector.broadcast %squeeze3A_461 : f32 to vector<16xf32>
        %mul3A_496 = arith.mulf %get3A_494, %mul3A_495 : vector<16xf32>
        %get3A_497 = arith.index_cast %select_n3A_488 : i32 to index
        %get3A_498 = arith.constant 64 : index
        %get3A_499 = tpu.vector_load %arg13[%get3A_497, %get3A_498] {strides = array<i32>} : memref<160x128xf32, #tpu.memory_space<vmem>>, vector<1x16xf32>,
        %get3A_500 = vector.shape_cast %get3A_499 : vector<1x16xf32> to vector<16xf32>
        %add3A_501 = arith.addf %mul3A_496, %get3A_500 : vector<16xf32>
        %swap3A_502 = arith.index_cast %add3A_459 : i32 to index
        %swap3A_503 = arith.constant 0 : index
        %swap3A_504 = tpu.vector_load %arg12[%swap3A_502, %swap3A_503] {strides = array<i32>} : memref<128x64xf32, #tpu.memory_space<vmem>>, vector<1x16xf32>,
        %swap3A_505 = vector.shape_cast %swap3A_504 : vector<1x16xf32> to vector<16xf32>
        %swap3A_506 = vector.shape_cast %add3A_501 : vector<16xf32> to vector<1x16xf32>
        tpu.vector_store %arg12[%swap3A_502, %swap3A_503], %swap3A_506 {strides = array<i32>} : memref<128x64xf32, #tpu.memory_space<vmem>>, vector<1x16xf32>,
        %add3A_507 = arith.constant 16 : i32
        %add3A_508 = arith.addi %squeeze3A_463, %add3A_507 : i32
        %get3A_509 = arith.index_cast %add3A_459 : i32 to index
        %get3A_510 = arith.index_cast %add3A_508 : i32 to index
        %get3A_511 = tpu.vector_load %arg10[%get3A_509, %get3A_510] {strides = array<i32>} : memref<128x128xf32, #tpu.memory_space<vmem>>, vector<1x16xf32>,
        %get3A_512 = vector.shape_cast %get3A_511 : vector<1x16xf32> to vector<16xf32>
        %mul3A_513 = vector.broadcast %squeeze3A_461 : f32 to vector<16xf32>
        %mul3A_514 = arith.mulf %get3A_512, %mul3A_513 : vector<16xf32>
        %get3A_515 = arith.index_cast %select_n3A_488 : i32 to index
        %get3A_516 = arith.constant 80 : index
        %get3A_517 = tpu.vector_load %arg13[%get3A_515, %get3A_516] {strides = array<i32>} : memref<160x128xf32, #tpu.memory_space<vmem>>, vector<1x16xf32>,
        %get3A_518 = vector.shape_cast %get3A_517 : vector<1x16xf32> to vector<16xf32>
        %add3A_519 = arith.addf %mul3A_514, %get3A_518 : vector<16xf32>
        %swap3A_520 = arith.index_cast %add3A_459 : i32 to index
        %swap3A_521 = arith.constant 16 : index
        %swap3A_522 = tpu.vector_load %arg12[%swap3A_520, %swap3A_521] {strides = array<i32>} : memref<128x64xf32, #tpu.memory_space<vmem>>, vector<1x16xf32>,
        %swap3A_523 = vector.shape_cast %swap3A_522 : vector<1x16xf32> to vector<16xf32>
        %swap3A_524 = vector.shape_cast %add3A_519 : vector<16xf32> to vector<1x16xf32>
        tpu.vector_store %arg12[%swap3A_520, %swap3A_521], %swap3A_524 {strides = array<i32>} : memref<128x64xf32, #tpu.memory_space<vmem>>, vector<1x16xf32>,
        %add3A_525 = arith.constant 32 : i32
        %add3A_526 = arith.addi %squeeze3A_463, %add3A_525 : i32
        %get3A_527 = arith.index_cast %add3A_459 : i32 to index
        %get3A_528 = arith.index_cast %add3A_526 : i32 to index
        %get3A_529 = tpu.vector_load %arg10[%get3A_527, %get3A_528] {strides = array<i32>} : memref<128x128xf32, #tpu.memory_space<vmem>>, vector<1x16xf32>,
        %get3A_530 = vector.shape_cast %get3A_529 : vector<1x16xf32> to vector<16xf32>
        %mul3A_531 = vector.broadcast %squeeze3A_461 : f32 to vector<16xf32>
        %mul3A_532 = arith.mulf %get3A_530, %mul3A_531 : vector<16xf32>
        %get3A_533 = arith.index_cast %select_n3A_488 : i32 to index
        %get3A_534 = arith.constant 96 : index
        %get3A_535 = tpu.vector_load %arg13[%get3A_533, %get3A_534] {strides = array<i32>} : memref<160x128xf32, #tpu.memory_space<vmem>>, vector<1x16xf32>,
        %get3A_536 = vector.shape_cast %get3A_535 : vector<1x16xf32> to vector<16xf32>
        %add3A_537 = arith.addf %mul3A_532, %get3A_536 : vector<16xf32>
        %swap3A_538 = arith.index_cast %add3A_459 : i32 to index
        %swap3A_539 = arith.constant 32 : index
        %swap3A_540 = tpu.vector_load %arg12[%swap3A_538, %swap3A_539] {strides = array<i32>} : memref<128x64xf32, #tpu.memory_space<vmem>>, vector<1x16xf32>,
        %swap3A_541 = vector.shape_cast %swap3A_540 : vector<1x16xf32> to vector<16xf32>
        %swap3A_542 = vector.shape_cast %add3A_537 : vector<16xf32> to vector<1x16xf32>
        tpu.vector_store %arg12[%swap3A_538, %swap3A_539], %swap3A_542 {strides = array<i32>} : memref<128x64xf32, #tpu.memory_space<vmem>>, vector<1x16xf32>,
        %add3A_543 = arith.constant 48 : i32
        %add3A_544 = arith.addi %squeeze3A_463, %add3A_543 : i32
        %get3A_545 = arith.index_cast %add3A_459 : i32 to index
        %get3A_546 = arith.index_cast %add3A_544 : i32 to index
        %get3A_547 = tpu.vector_load %arg10[%get3A_545, %get3A_546] {strides = array<i32>} : memref<128x128xf32, #tpu.memory_space<vmem>>, vector<1x16xf32>,
        %get3A_548 = vector.shape_cast %get3A_547 : vector<1x16xf32> to vector<16xf32>
        %mul3A_549 = vector.broadcast %squeeze3A_461 : f32 to vector<16xf32>
        %mul3A_550 = arith.mulf %get3A_548, %mul3A_549 : vector<16xf32>
        %get3A_551 = arith.index_cast %select_n3A_488 : i32 to index
        %get3A_552 = arith.constant 112 : index
        %get3A_553 = tpu.vector_load %arg13[%get3A_551, %get3A_552] {strides = array<i32>} : memref<160x128xf32, #tpu.memory_space<vmem>>, vector<1x16xf32>,
        %get3A_554 = vector.shape_cast %get3A_553 : vector<1x16xf32> to vector<16xf32>
        %add3A_555 = arith.addf %mul3A_550, %get3A_554 : vector<16xf32>
        %swap3A_556 = arith.index_cast %add3A_459 : i32 to index
        %swap3A_557 = arith.constant 48 : index
        %swap3A_558 = tpu.vector_load %arg12[%swap3A_556, %swap3A_557] {strides = array<i32>} : memref<128x64xf32, #tpu.memory_space<vmem>>, vector<1x16xf32>,
        %swap3A_559 = vector.shape_cast %swap3A_558 : vector<1x16xf32> to vector<16xf32>
        %swap3A_560 = vector.shape_cast %add3A_555 : vector<16xf32> to vector<1x16xf32>
        tpu.vector_store %arg12[%swap3A_556, %swap3A_557], %swap3A_560 {strides = array<i32>} : memref<128x64xf32, #tpu.memory_space<vmem>>, vector<1x16xf32>,
        %mul3A_561 = arith.constant 16 : i32
        %mul3A_562 = arith.muli %scan3A_128, %mul3A_561 : i32
        %add3A_563 = arith.constant 4 : i32
        %add3A_564 = arith.addi %mul3A_562, %add3A_563 : i32
        %slice3A_565 = vector.extract_strided_slice %select_n3A_140 {offsets = [4], sizes = [1], strides = [1]} : vector<16xf32> to vector<1xf32>
        %squeeze3A_566 = vector.extract %slice3A_565[0] : f32 from vector<1xf32>
        %slice3A_567 = vector.extract_strided_slice %mul3A_146 {offsets = [4], sizes = [1], strides = [1]} : vector<16xi32> to vector<1xi32>
        %squeeze3A_568 = vector.extract %slice3A_567[0] : i32 from vector<1xi32>
        %add3A_569 = arith.addi %select_n3A_111, %add3A_564 : i32
        %jit3A_570 = arith.constant 2 : i32
        %div3A_571 = arith.divsi %add3A_569, %jit3A_570 : i32
        %sign3A_572 = arith.constant 0 : i32
        %sign3A_573 = arith.cmpi sgt, %add3A_569, %sign3A_572 : i32
        %sign3A_574 = arith.extui %sign3A_573 : i1 to i32
        %sign3A_575 = arith.constant 0 : i32
        %sign3A_576 = arith.cmpi slt, %add3A_569, %sign3A_575 : i32
        %sign3A_577 = arith.extui %sign3A_576 : i1 to i32
        %sign3A_578 = arith.subi %sign3A_574, %sign3A_577 : i32
        %sign3A_579 = arith.constant 0 : i32
        %sign3A_580 = arith.cmpi sgt, %jit3A_570, %sign3A_579 : i32
        %sign3A_581 = arith.extui %sign3A_580 : i1 to i32
        %sign3A_582 = arith.constant 0 : i32
        %sign3A_583 = arith.cmpi slt, %jit3A_570, %sign3A_582 : i32
        %sign3A_584 = arith.extui %sign3A_583 : i1 to i32
        %sign3A_585 = arith.subi %sign3A_581, %sign3A_584 : i32
        %ne3A_586 = arith.cmpi ne, %sign3A_578, %sign3A_585 : i32
        %rem3A_587 = arith.remsi %add3A_569, %jit3A_570 : i32
        %ne3A_588 = arith.constant 0 : i32
        %ne3A_589 = arith.cmpi ne, %rem3A_587, %ne3A_588 : i32
        %and3A_590 = arith.andi %ne3A_586, %ne3A_589 : i1
        %sub3A_591 = arith.constant 1 : i32
        %sub3A_592 = arith.subi %div3A_571, %sub3A_591 : i32
        %select_n3A_593 = arith.select %and3A_590, %sub3A_592, %div3A_571 : i32
        %add3A_594 = arith.constant 0 : i32
        %add3A_595 = arith.addi %squeeze3A_568, %add3A_594 : i32
        %get3A_596 = arith.index_cast %add3A_564 : i32 to index
        %get3A_597 = arith.index_cast %add3A_595 : i32 to index
        %get3A_598 = tpu.vector_load %arg10[%get3A_596, %get3A_597] {strides = array<i32>} : memref<128x128xf32, #tpu.memory_space<vmem>>, vector<1x16xf32>,
        %get3A_599 = vector.shape_cast %get3A_598 : vector<1x16xf32> to vector<16xf32>
        %mul3A_600 = vector.broadcast %squeeze3A_566 : f32 to vector<16xf32>
        %mul3A_601 = arith.mulf %get3A_599, %mul3A_600 : vector<16xf32>
        %get3A_602 = arith.index_cast %select_n3A_593 : i32 to index
        %get3A_603 = arith.constant 0 : index
        %get3A_604 = tpu.vector_load %arg13[%get3A_602, %get3A_603] {strides = array<i32>} : memref<160x128xf32, #tpu.memory_space<vmem>>, vector<1x16xf32>,
        %get3A_605 = vector.shape_cast %get3A_604 : vector<1x16xf32> to vector<16xf32>
        %add3A_606 = arith.addf %mul3A_601, %get3A_605 : vector<16xf32>
        %swap3A_607 = arith.index_cast %add3A_564 : i32 to index
        %swap3A_608 = arith.constant 0 : index
        %swap3A_609 = tpu.vector_load %arg12[%swap3A_607, %swap3A_608] {strides = array<i32>} : memref<128x64xf32, #tpu.memory_space<vmem>>, vector<1x16xf32>,
        %swap3A_610 = vector.shape_cast %swap3A_609 : vector<1x16xf32> to vector<16xf32>
        %swap3A_611 = vector.shape_cast %add3A_606 : vector<16xf32> to vector<1x16xf32>
        tpu.vector_store %arg12[%swap3A_607, %swap3A_608], %swap3A_611 {strides = array<i32>} : memref<128x64xf32, #tpu.memory_space<vmem>>, vector<1x16xf32>,
        %add3A_612 = arith.constant 16 : i32
        %add3A_613 = arith.addi %squeeze3A_568, %add3A_612 : i32
        %get3A_614 = arith.index_cast %add3A_564 : i32 to index
        %get3A_615 = arith.index_cast %add3A_613 : i32 to index
        %get3A_616 = tpu.vector_load %arg10[%get3A_614, %get3A_615] {strides = array<i32>} : memref<128x128xf32, #tpu.memory_space<vmem>>, vector<1x16xf32>,
        %get3A_617 = vector.shape_cast %get3A_616 : vector<1x16xf32> to vector<16xf32>
        %mul3A_618 = vector.broadcast %squeeze3A_566 : f32 to vector<16xf32>
        %mul3A_619 = arith.mulf %get3A_617, %mul3A_618 : vector<16xf32>
        %get3A_620 = arith.index_cast %select_n3A_593 : i32 to index
        %get3A_621 = arith.constant 16 : index
        %get3A_622 = tpu.vector_load %arg13[%get3A_620, %get3A_621] {strides = array<i32>} : memref<160x128xf32, #tpu.memory_space<vmem>>, vector<1x16xf32>,
        %get3A_623 = vector.shape_cast %get3A_622 : vector<1x16xf32> to vector<16xf32>
        %add3A_624 = arith.addf %mul3A_619, %get3A_623 : vector<16xf32>
        %swap3A_625 = arith.index_cast %add3A_564 : i32 to index
        %swap3A_626 = arith.constant 16 : index
        %swap3A_627 = tpu.vector_load %arg12[%swap3A_625, %swap3A_626] {strides = array<i32>} : memref<128x64xf32, #tpu.memory_space<vmem>>, vector<1x16xf32>,
        %swap3A_628 = vector.shape_cast %swap3A_627 : vector<1x16xf32> to vector<16xf32>
        %swap3A_629 = vector.shape_cast %add3A_624 : vector<16xf32> to vector<1x16xf32>
        tpu.vector_store %arg12[%swap3A_625, %swap3A_626], %swap3A_629 {strides = array<i32>} : memref<128x64xf32, #tpu.memory_space<vmem>>, vector<1x16xf32>,
        %add3A_630 = arith.constant 32 : i32
        %add3A_631 = arith.addi %squeeze3A_568, %add3A_630 : i32
        %get3A_632 = arith.index_cast %add3A_564 : i32 to index
        %get3A_633 = arith.index_cast %add3A_631 : i32 to index
        %get3A_634 = tpu.vector_load %arg10[%get3A_632, %get3A_633] {strides = array<i32>} : memref<128x128xf32, #tpu.memory_space<vmem>>, vector<1x16xf32>,
        %get3A_635 = vector.shape_cast %get3A_634 : vector<1x16xf32> to vector<16xf32>
        %mul3A_636 = vector.broadcast %squeeze3A_566 : f32 to vector<16xf32>
        %mul3A_637 = arith.mulf %get3A_635, %mul3A_636 : vector<16xf32>
        %get3A_638 = arith.index_cast %select_n3A_593 : i32 to index
        %get3A_639 = arith.constant 32 : index
        %get3A_640 = tpu.vector_load %arg13[%get3A_638, %get3A_639] {strides = array<i32>} : memref<160x128xf32, #tpu.memory_space<vmem>>, vector<1x16xf32>,
        %get3A_641 = vector.shape_cast %get3A_640 : vector<1x16xf32> to vector<16xf32>
        %add3A_642 = arith.addf %mul3A_637, %get3A_641 : vector<16xf32>
        %swap3A_643 = arith.index_cast %add3A_564 : i32 to index
        %swap3A_644 = arith.constant 32 : index
        %swap3A_645 = tpu.vector_load %arg12[%swap3A_643, %swap3A_644] {strides = array<i32>} : memref<128x64xf32, #tpu.memory_space<vmem>>, vector<1x16xf32>,
        %swap3A_646 = vector.shape_cast %swap3A_645 : vector<1x16xf32> to vector<16xf32>
        %swap3A_647 = vector.shape_cast %add3A_642 : vector<16xf32> to vector<1x16xf32>
        tpu.vector_store %arg12[%swap3A_643, %swap3A_644], %swap3A_647 {strides = array<i32>} : memref<128x64xf32, #tpu.memory_space<vmem>>, vector<1x16xf32>,
        %add3A_648 = arith.constant 48 : i32
        %add3A_649 = arith.addi %squeeze3A_568, %add3A_648 : i32
        %get3A_650 = arith.index_cast %add3A_564 : i32 to index
        %get3A_651 = arith.index_cast %add3A_649 : i32 to index
        %get3A_652 = tpu.vector_load %arg10[%get3A_650, %get3A_651] {strides = array<i32>} : memref<128x128xf32, #tpu.memory_space<vmem>>, vector<1x16xf32>,
        %get3A_653 = vector.shape_cast %get3A_652 : vector<1x16xf32> to vector<16xf32>
        %mul3A_654 = vector.broadcast %squeeze3A_566 : f32 to vector<16xf32>
        %mul3A_655 = arith.mulf %get3A_653, %mul3A_654 : vector<16xf32>
        %get3A_656 = arith.index_cast %select_n3A_593 : i32 to index
        %get3A_657 = arith.constant 48 : index
        %get3A_658 = tpu.vector_load %arg13[%get3A_656, %get3A_657] {strides = array<i32>} : memref<160x128xf32, #tpu.memory_space<vmem>>, vector<1x16xf32>,
        %get3A_659 = vector.shape_cast %get3A_658 : vector<1x16xf32> to vector<16xf32>
        %add3A_660 = arith.addf %mul3A_655, %get3A_659 : vector<16xf32>
        %swap3A_661 = arith.index_cast %add3A_564 : i32 to index
        %swap3A_662 = arith.constant 48 : index
        %swap3A_663 = tpu.vector_load %arg12[%swap3A_661, %swap3A_662] {strides = array<i32>} : memref<128x64xf32, #tpu.memory_space<vmem>>, vector<1x16xf32>,
        %swap3A_664 = vector.shape_cast %swap3A_663 : vector<1x16xf32> to vector<16xf32>
        %swap3A_665 = vector.shape_cast %add3A_660 : vector<16xf32> to vector<1x16xf32>
        tpu.vector_store %arg12[%swap3A_661, %swap3A_662], %swap3A_665 {strides = array<i32>} : memref<128x64xf32, #tpu.memory_space<vmem>>, vector<1x16xf32>,
        %mul3A_666 = arith.constant 16 : i32
        %mul3A_667 = arith.muli %scan3A_128, %mul3A_666 : i32
        %add3A_668 = arith.constant 5 : i32
        %add3A_669 = arith.addi %mul3A_667, %add3A_668 : i32
        %slice3A_670 = vector.extract_strided_slice %select_n3A_140 {offsets = [5], sizes = [1], strides = [1]} : vector<16xf32> to vector<1xf32>
        %squeeze3A_671 = vector.extract %slice3A_670[0] : f32 from vector<1xf32>
        %slice3A_672 = vector.extract_strided_slice %mul3A_146 {offsets = [5], sizes = [1], strides = [1]} : vector<16xi32> to vector<1xi32>
        %squeeze3A_673 = vector.extract %slice3A_672[0] : i32 from vector<1xi32>
        %add3A_674 = arith.addi %select_n3A_111, %add3A_669 : i32
        %jit3A_675 = arith.constant 2 : i32
        %div3A_676 = arith.divsi %add3A_674, %jit3A_675 : i32
        %sign3A_677 = arith.constant 0 : i32
        %sign3A_678 = arith.cmpi sgt, %add3A_674, %sign3A_677 : i32
        %sign3A_679 = arith.extui %sign3A_678 : i1 to i32
        %sign3A_680 = arith.constant 0 : i32
        %sign3A_681 = arith.cmpi slt, %add3A_674, %sign3A_680 : i32
        %sign3A_682 = arith.extui %sign3A_681 : i1 to i32
        %sign3A_683 = arith.subi %sign3A_679, %sign3A_682 : i32
        %sign3A_684 = arith.constant 0 : i32
        %sign3A_685 = arith.cmpi sgt, %jit3A_675, %sign3A_684 : i32
        %sign3A_686 = arith.extui %sign3A_685 : i1 to i32
        %sign3A_687 = arith.constant 0 : i32
        %sign3A_688 = arith.cmpi slt, %jit3A_675, %sign3A_687 : i32
        %sign3A_689 = arith.extui %sign3A_688 : i1 to i32
        %sign3A_690 = arith.subi %sign3A_686, %sign3A_689 : i32
        %ne3A_691 = arith.cmpi ne, %sign3A_683, %sign3A_690 : i32
        %rem3A_692 = arith.remsi %add3A_674, %jit3A_675 : i32
        %ne3A_693 = arith.constant 0 : i32
        %ne3A_694 = arith.cmpi ne, %rem3A_692, %ne3A_693 : i32
        %and3A_695 = arith.andi %ne3A_691, %ne3A_694 : i1
        %sub3A_696 = arith.constant 1 : i32
        %sub3A_697 = arith.subi %div3A_676, %sub3A_696 : i32
        %select_n3A_698 = arith.select %and3A_695, %sub3A_697, %div3A_676 : i32
        %add3A_699 = arith.constant 0 : i32
        %add3A_700 = arith.addi %squeeze3A_673, %add3A_699 : i32
        %get3A_701 = arith.index_cast %add3A_669 : i32 to index
        %get3A_702 = arith.index_cast %add3A_700 : i32 to index
        %get3A_703 = tpu.vector_load %arg10[%get3A_701, %get3A_702] {strides = array<i32>} : memref<128x128xf32, #tpu.memory_space<vmem>>, vector<1x16xf32>,
        %get3A_704 = vector.shape_cast %get3A_703 : vector<1x16xf32> to vector<16xf32>
        %mul3A_705 = vector.broadcast %squeeze3A_671 : f32 to vector<16xf32>
        %mul3A_706 = arith.mulf %get3A_704, %mul3A_705 : vector<16xf32>
        %get3A_707 = arith.index_cast %select_n3A_698 : i32 to index
        %get3A_708 = arith.constant 64 : index
        %get3A_709 = tpu.vector_load %arg13[%get3A_707, %get3A_708] {strides = array<i32>} : memref<160x128xf32, #tpu.memory_space<vmem>>, vector<1x16xf32>,
        %get3A_710 = vector.shape_cast %get3A_709 : vector<1x16xf32> to vector<16xf32>
        %add3A_711 = arith.addf %mul3A_706, %get3A_710 : vector<16xf32>
        %swap3A_712 = arith.index_cast %add3A_669 : i32 to index
        %swap3A_713 = arith.constant 0 : index
        %swap3A_714 = tpu.vector_load %arg12[%swap3A_712, %swap3A_713] {strides = array<i32>} : memref<128x64xf32, #tpu.memory_space<vmem>>, vector<1x16xf32>,
        %swap3A_715 = vector.shape_cast %swap3A_714 : vector<1x16xf32> to vector<16xf32>
        %swap3A_716 = vector.shape_cast %add3A_711 : vector<16xf32> to vector<1x16xf32>
        tpu.vector_store %arg12[%swap3A_712, %swap3A_713], %swap3A_716 {strides = array<i32>} : memref<128x64xf32, #tpu.memory_space<vmem>>, vector<1x16xf32>,
        %add3A_717 = arith.constant 16 : i32
        %add3A_718 = arith.addi %squeeze3A_673, %add3A_717 : i32
        %get3A_719 = arith.index_cast %add3A_669 : i32 to index
        %get3A_720 = arith.index_cast %add3A_718 : i32 to index
        %get3A_721 = tpu.vector_load %arg10[%get3A_719, %get3A_720] {strides = array<i32>} : memref<128x128xf32, #tpu.memory_space<vmem>>, vector<1x16xf32>,
        %get3A_722 = vector.shape_cast %get3A_721 : vector<1x16xf32> to vector<16xf32>
        %mul3A_723 = vector.broadcast %squeeze3A_671 : f32 to vector<16xf32>
        %mul3A_724 = arith.mulf %get3A_722, %mul3A_723 : vector<16xf32>
        %get3A_725 = arith.index_cast %select_n3A_698 : i32 to index
        %get3A_726 = arith.constant 80 : index
        %get3A_727 = tpu.vector_load %arg13[%get3A_725, %get3A_726] {strides = array<i32>} : memref<160x128xf32, #tpu.memory_space<vmem>>, vector<1x16xf32>,
        %get3A_728 = vector.shape_cast %get3A_727 : vector<1x16xf32> to vector<16xf32>
        %add3A_729 = arith.addf %mul3A_724, %get3A_728 : vector<16xf32>
        %swap3A_730 = arith.index_cast %add3A_669 : i32 to index
        %swap3A_731 = arith.constant 16 : index
        %swap3A_732 = tpu.vector_load %arg12[%swap3A_730, %swap3A_731] {strides = array<i32>} : memref<128x64xf32, #tpu.memory_space<vmem>>, vector<1x16xf32>,
        %swap3A_733 = vector.shape_cast %swap3A_732 : vector<1x16xf32> to vector<16xf32>
        %swap3A_734 = vector.shape_cast %add3A_729 : vector<16xf32> to vector<1x16xf32>
        tpu.vector_store %arg12[%swap3A_730, %swap3A_731], %swap3A_734 {strides = array<i32>} : memref<128x64xf32, #tpu.memory_space<vmem>>, vector<1x16xf32>,
        %add3A_735 = arith.constant 32 : i32
        %add3A_736 = arith.addi %squeeze3A_673, %add3A_735 : i32
        %get3A_737 = arith.index_cast %add3A_669 : i32 to index
        %get3A_738 = arith.index_cast %add3A_736 : i32 to index
        %get3A_739 = tpu.vector_load %arg10[%get3A_737, %get3A_738] {strides = array<i32>} : memref<128x128xf32, #tpu.memory_space<vmem>>, vector<1x16xf32>,
        %get3A_740 = vector.shape_cast %get3A_739 : vector<1x16xf32> to vector<16xf32>
        %mul3A_741 = vector.broadcast %squeeze3A_671 : f32 to vector<16xf32>
        %mul3A_742 = arith.mulf %get3A_740, %mul3A_741 : vector<16xf32>
        %get3A_743 = arith.index_cast %select_n3A_698 : i32 to index
        %get3A_744 = arith.constant 96 : index
        %get3A_745 = tpu.vector_load %arg13[%get3A_743, %get3A_744] {strides = array<i32>} : memref<160x128xf32, #tpu.memory_space<vmem>>, vector<1x16xf32>,
        %get3A_746 = vector.shape_cast %get3A_745 : vector<1x16xf32> to vector<16xf32>
        %add3A_747 = arith.addf %mul3A_742, %get3A_746 : vector<16xf32>
        %swap3A_748 = arith.index_cast %add3A_669 : i32 to index
        %swap3A_749 = arith.constant 32 : index
        %swap3A_750 = tpu.vector_load %arg12[%swap3A_748, %swap3A_749] {strides = array<i32>} : memref<128x64xf32, #tpu.memory_space<vmem>>, vector<1x16xf32>,
        %swap3A_751 = vector.shape_cast %swap3A_750 : vector<1x16xf32> to vector<16xf32>
        %swap3A_752 = vector.shape_cast %add3A_747 : vector<16xf32> to vector<1x16xf32>
        tpu.vector_store %arg12[%swap3A_748, %swap3A_749], %swap3A_752 {strides = array<i32>} : memref<128x64xf32, #tpu.memory_space<vmem>>, vector<1x16xf32>,
        %add3A_753 = arith.constant 48 : i32
        %add3A_754 = arith.addi %squeeze3A_673, %add3A_753 : i32
        %get3A_755 = arith.index_cast %add3A_669 : i32 to index
        %get3A_756 = arith.index_cast %add3A_754 : i32 to index
        %get3A_757 = tpu.vector_load %arg10[%get3A_755, %get3A_756] {strides = array<i32>} : memref<128x128xf32, #tpu.memory_space<vmem>>, vector<1x16xf32>,
        %get3A_758 = vector.shape_cast %get3A_757 : vector<1x16xf32> to vector<16xf32>
        %mul3A_759 = vector.broadcast %squeeze3A_671 : f32 to vector<16xf32>
        %mul3A_760 = arith.mulf %get3A_758, %mul3A_759 : vector<16xf32>
        %get3A_761 = arith.index_cast %select_n3A_698 : i32 to index
        %get3A_762 = arith.constant 112 : index
        %get3A_763 = tpu.vector_load %arg13[%get3A_761, %get3A_762] {strides = array<i32>} : memref<160x128xf32, #tpu.memory_space<vmem>>, vector<1x16xf32>,
        %get3A_764 = vector.shape_cast %get3A_763 : vector<1x16xf32> to vector<16xf32>
        %add3A_765 = arith.addf %mul3A_760, %get3A_764 : vector<16xf32>
        %swap3A_766 = arith.index_cast %add3A_669 : i32 to index
        %swap3A_767 = arith.constant 48 : index
        %swap3A_768 = tpu.vector_load %arg12[%swap3A_766, %swap3A_767] {strides = array<i32>} : memref<128x64xf32, #tpu.memory_space<vmem>>, vector<1x16xf32>,
        %swap3A_769 = vector.shape_cast %swap3A_768 : vector<1x16xf32> to vector<16xf32>
        %swap3A_770 = vector.shape_cast %add3A_765 : vector<16xf32> to vector<1x16xf32>
        tpu.vector_store %arg12[%swap3A_766, %swap3A_767], %swap3A_770 {strides = array<i32>} : memref<128x64xf32, #tpu.memory_space<vmem>>, vector<1x16xf32>,
        %mul3A_771 = arith.constant 16 : i32
        %mul3A_772 = arith.muli %scan3A_128, %mul3A_771 : i32
        %add3A_773 = arith.constant 6 : i32
        %add3A_774 = arith.addi %mul3A_772, %add3A_773 : i32
        %slice3A_775 = vector.extract_strided_slice %select_n3A_140 {offsets = [6], sizes = [1], strides = [1]} : vector<16xf32> to vector<1xf32>
        %squeeze3A_776 = vector.extract %slice3A_775[0] : f32 from vector<1xf32>
        %slice3A_777 = vector.extract_strided_slice %mul3A_146 {offsets = [6], sizes = [1], strides = [1]} : vector<16xi32> to vector<1xi32>
        %squeeze3A_778 = vector.extract %slice3A_777[0] : i32 from vector<1xi32>
        %add3A_779 = arith.addi %select_n3A_111, %add3A_774 : i32
        %jit3A_780 = arith.constant 2 : i32
        %div3A_781 = arith.divsi %add3A_779, %jit3A_780 : i32
        %sign3A_782 = arith.constant 0 : i32
        %sign3A_783 = arith.cmpi sgt, %add3A_779, %sign3A_782 : i32
        %sign3A_784 = arith.extui %sign3A_783 : i1 to i32
        %sign3A_785 = arith.constant 0 : i32
        %sign3A_786 = arith.cmpi slt, %add3A_779, %sign3A_785 : i32
        %sign3A_787 = arith.extui %sign3A_786 : i1 to i32
        %sign3A_788 = arith.subi %sign3A_784, %sign3A_787 : i32
        %sign3A_789 = arith.constant 0 : i32
        %sign3A_790 = arith.cmpi sgt, %jit3A_780, %sign3A_789 : i32
        %sign3A_791 = arith.extui %sign3A_790 : i1 to i32
        %sign3A_792 = arith.constant 0 : i32
        %sign3A_793 = arith.cmpi slt, %jit3A_780, %sign3A_792 : i32
        %sign3A_794 = arith.extui %sign3A_793 : i1 to i32
        %sign3A_795 = arith.subi %sign3A_791, %sign3A_794 : i32
        %ne3A_796 = arith.cmpi ne, %sign3A_788, %sign3A_795 : i32
        %rem3A_797 = arith.remsi %add3A_779, %jit3A_780 : i32
        %ne3A_798 = arith.constant 0 : i32
        %ne3A_799 = arith.cmpi ne, %rem3A_797, %ne3A_798 : i32
        %and3A_800 = arith.andi %ne3A_796, %ne3A_799 : i1
        %sub3A_801 = arith.constant 1 : i32
        %sub3A_802 = arith.subi %div3A_781, %sub3A_801 : i32
        %select_n3A_803 = arith.select %and3A_800, %sub3A_802, %div3A_781 : i32
        %add3A_804 = arith.constant 0 : i32
        %add3A_805 = arith.addi %squeeze3A_778, %add3A_804 : i32
        %get3A_806 = arith.index_cast %add3A_774 : i32 to index
        %get3A_807 = arith.index_cast %add3A_805 : i32 to index
        %get3A_808 = tpu.vector_load %arg10[%get3A_806, %get3A_807] {strides = array<i32>} : memref<128x128xf32, #tpu.memory_space<vmem>>, vector<1x16xf32>,
        %get3A_809 = vector.shape_cast %get3A_808 : vector<1x16xf32> to vector<16xf32>
        %mul3A_810 = vector.broadcast %squeeze3A_776 : f32 to vector<16xf32>
        %mul3A_811 = arith.mulf %get3A_809, %mul3A_810 : vector<16xf32>
        %get3A_812 = arith.index_cast %select_n3A_803 : i32 to index
        %get3A_813 = arith.constant 0 : index
        %get3A_814 = tpu.vector_load %arg13[%get3A_812, %get3A_813] {strides = array<i32>} : memref<160x128xf32, #tpu.memory_space<vmem>>, vector<1x16xf32>,
        %get3A_815 = vector.shape_cast %get3A_814 : vector<1x16xf32> to vector<16xf32>
        %add3A_816 = arith.addf %mul3A_811, %get3A_815 : vector<16xf32>
        %swap3A_817 = arith.index_cast %add3A_774 : i32 to index
        %swap3A_818 = arith.constant 0 : index
        %swap3A_819 = tpu.vector_load %arg12[%swap3A_817, %swap3A_818] {strides = array<i32>} : memref<128x64xf32, #tpu.memory_space<vmem>>, vector<1x16xf32>,
        %swap3A_820 = vector.shape_cast %swap3A_819 : vector<1x16xf32> to vector<16xf32>
        %swap3A_821 = vector.shape_cast %add3A_816 : vector<16xf32> to vector<1x16xf32>
        tpu.vector_store %arg12[%swap3A_817, %swap3A_818], %swap3A_821 {strides = array<i32>} : memref<128x64xf32, #tpu.memory_space<vmem>>, vector<1x16xf32>,
        %add3A_822 = arith.constant 16 : i32
        %add3A_823 = arith.addi %squeeze3A_778, %add3A_822 : i32
        %get3A_824 = arith.index_cast %add3A_774 : i32 to index
        %get3A_825 = arith.index_cast %add3A_823 : i32 to index
        %get3A_826 = tpu.vector_load %arg10[%get3A_824, %get3A_825] {strides = array<i32>} : memref<128x128xf32, #tpu.memory_space<vmem>>, vector<1x16xf32>,
        %get3A_827 = vector.shape_cast %get3A_826 : vector<1x16xf32> to vector<16xf32>
        %mul3A_828 = vector.broadcast %squeeze3A_776 : f32 to vector<16xf32>
        %mul3A_829 = arith.mulf %get3A_827, %mul3A_828 : vector<16xf32>
        %get3A_830 = arith.index_cast %select_n3A_803 : i32 to index
        %get3A_831 = arith.constant 16 : index
        %get3A_832 = tpu.vector_load %arg13[%get3A_830, %get3A_831] {strides = array<i32>} : memref<160x128xf32, #tpu.memory_space<vmem>>, vector<1x16xf32>,
        %get3A_833 = vector.shape_cast %get3A_832 : vector<1x16xf32> to vector<16xf32>
        %add3A_834 = arith.addf %mul3A_829, %get3A_833 : vector<16xf32>
        %swap3A_835 = arith.index_cast %add3A_774 : i32 to index
        %swap3A_836 = arith.constant 16 : index
        %swap3A_837 = tpu.vector_load %arg12[%swap3A_835, %swap3A_836] {strides = array<i32>} : memref<128x64xf32, #tpu.memory_space<vmem>>, vector<1x16xf32>,
        %swap3A_838 = vector.shape_cast %swap3A_837 : vector<1x16xf32> to vector<16xf32>
        %swap3A_839 = vector.shape_cast %add3A_834 : vector<16xf32> to vector<1x16xf32>
        tpu.vector_store %arg12[%swap3A_835, %swap3A_836], %swap3A_839 {strides = array<i32>} : memref<128x64xf32, #tpu.memory_space<vmem>>, vector<1x16xf32>,
        %add3A_840 = arith.constant 32 : i32
        %add3A_841 = arith.addi %squeeze3A_778, %add3A_840 : i32
        %get3A_842 = arith.index_cast %add3A_774 : i32 to index
        %get3A_843 = arith.index_cast %add3A_841 : i32 to index
        %get3A_844 = tpu.vector_load %arg10[%get3A_842, %get3A_843] {strides = array<i32>} : memref<128x128xf32, #tpu.memory_space<vmem>>, vector<1x16xf32>,
        %get3A_845 = vector.shape_cast %get3A_844 : vector<1x16xf32> to vector<16xf32>
        %mul3A_846 = vector.broadcast %squeeze3A_776 : f32 to vector<16xf32>
        %mul3A_847 = arith.mulf %get3A_845, %mul3A_846 : vector<16xf32>
        %get3A_848 = arith.index_cast %select_n3A_803 : i32 to index
        %get3A_849 = arith.constant 32 : index
        %get3A_850 = tpu.vector_load %arg13[%get3A_848, %get3A_849] {strides = array<i32>} : memref<160x128xf32, #tpu.memory_space<vmem>>, vector<1x16xf32>,
        %get3A_851 = vector.shape_cast %get3A_850 : vector<1x16xf32> to vector<16xf32>
        %add3A_852 = arith.addf %mul3A_847, %get3A_851 : vector<16xf32>
        %swap3A_853 = arith.index_cast %add3A_774 : i32 to index
        %swap3A_854 = arith.constant 32 : index
        %swap3A_855 = tpu.vector_load %arg12[%swap3A_853, %swap3A_854] {strides = array<i32>} : memref<128x64xf32, #tpu.memory_space<vmem>>, vector<1x16xf32>,
        %swap3A_856 = vector.shape_cast %swap3A_855 : vector<1x16xf32> to vector<16xf32>
        %swap3A_857 = vector.shape_cast %add3A_852 : vector<16xf32> to vector<1x16xf32>
        tpu.vector_store %arg12[%swap3A_853, %swap3A_854], %swap3A_857 {strides = array<i32>} : memref<128x64xf32, #tpu.memory_space<vmem>>, vector<1x16xf32>,
        %add3A_858 = arith.constant 48 : i32
        %add3A_859 = arith.addi %squeeze3A_778, %add3A_858 : i32
        %get3A_860 = arith.index_cast %add3A_774 : i32 to index
        %get3A_861 = arith.index_cast %add3A_859 : i32 to index
        %get3A_862 = tpu.vector_load %arg10[%get3A_860, %get3A_861] {strides = array<i32>} : memref<128x128xf32, #tpu.memory_space<vmem>>, vector<1x16xf32>,
        %get3A_863 = vector.shape_cast %get3A_862 : vector<1x16xf32> to vector<16xf32>
        %mul3A_864 = vector.broadcast %squeeze3A_776 : f32 to vector<16xf32>
        %mul3A_865 = arith.mulf %get3A_863, %mul3A_864 : vector<16xf32>
        %get3A_866 = arith.index_cast %select_n3A_803 : i32 to index
        %get3A_867 = arith.constant 48 : index
        %get3A_868 = tpu.vector_load %arg13[%get3A_866, %get3A_867] {strides = array<i32>} : memref<160x128xf32, #tpu.memory_space<vmem>>, vector<1x16xf32>,
        %get3A_869 = vector.shape_cast %get3A_868 : vector<1x16xf32> to vector<16xf32>
        %add3A_870 = arith.addf %mul3A_865, %get3A_869 : vector<16xf32>
        %swap3A_871 = arith.index_cast %add3A_774 : i32 to index
        %swap3A_872 = arith.constant 48 : index
        %swap3A_873 = tpu.vector_load %arg12[%swap3A_871, %swap3A_872] {strides = array<i32>} : memref<128x64xf32, #tpu.memory_space<vmem>>, vector<1x16xf32>,
        %swap3A_874 = vector.shape_cast %swap3A_873 : vector<1x16xf32> to vector<16xf32>
        %swap3A_875 = vector.shape_cast %add3A_870 : vector<16xf32> to vector<1x16xf32>
        tpu.vector_store %arg12[%swap3A_871, %swap3A_872], %swap3A_875 {strides = array<i32>} : memref<128x64xf32, #tpu.memory_space<vmem>>, vector<1x16xf32>,
        %mul3A_876 = arith.constant 16 : i32
        %mul3A_877 = arith.muli %scan3A_128, %mul3A_876 : i32
        %add3A_878 = arith.constant 7 : i32
        %add3A_879 = arith.addi %mul3A_877, %add3A_878 : i32
        %slice3A_880 = vector.extract_strided_slice %select_n3A_140 {offsets = [7], sizes = [1], strides = [1]} : vector<16xf32> to vector<1xf32>
        %squeeze3A_881 = vector.extract %slice3A_880[0] : f32 from vector<1xf32>
        %slice3A_882 = vector.extract_strided_slice %mul3A_146 {offsets = [7], sizes = [1], strides = [1]} : vector<16xi32> to vector<1xi32>
        %squeeze3A_883 = vector.extract %slice3A_882[0] : i32 from vector<1xi32>
        %add3A_884 = arith.addi %select_n3A_111, %add3A_879 : i32
        %jit3A_885 = arith.constant 2 : i32
        %div3A_886 = arith.divsi %add3A_884, %jit3A_885 : i32
        %sign3A_887 = arith.constant 0 : i32
        %sign3A_888 = arith.cmpi sgt, %add3A_884, %sign3A_887 : i32
        %sign3A_889 = arith.extui %sign3A_888 : i1 to i32
        %sign3A_890 = arith.constant 0 : i32
        %sign3A_891 = arith.cmpi slt, %add3A_884, %sign3A_890 : i32
        %sign3A_892 = arith.extui %sign3A_891 : i1 to i32
        %sign3A_893 = arith.subi %sign3A_889, %sign3A_892 : i32
        %sign3A_894 = arith.constant 0 : i32
        %sign3A_895 = arith.cmpi sgt, %jit3A_885, %sign3A_894 : i32
        %sign3A_896 = arith.extui %sign3A_895 : i1 to i32
        %sign3A_897 = arith.constant 0 : i32
        %sign3A_898 = arith.cmpi slt, %jit3A_885, %sign3A_897 : i32
        %sign3A_899 = arith.extui %sign3A_898 : i1 to i32
        %sign3A_900 = arith.subi %sign3A_896, %sign3A_899 : i32
        %ne3A_901 = arith.cmpi ne, %sign3A_893, %sign3A_900 : i32
        %rem3A_902 = arith.remsi %add3A_884, %jit3A_885 : i32
        %ne3A_903 = arith.constant 0 : i32
        %ne3A_904 = arith.cmpi ne, %rem3A_902, %ne3A_903 : i32
        %and3A_905 = arith.andi %ne3A_901, %ne3A_904 : i1
        %sub3A_906 = arith.constant 1 : i32
        %sub3A_907 = arith.subi %div3A_886, %sub3A_906 : i32
        %select_n3A_908 = arith.select %and3A_905, %sub3A_907, %div3A_886 : i32
        %add3A_909 = arith.constant 0 : i32
        %add3A_910 = arith.addi %squeeze3A_883, %add3A_909 : i32
        %get3A_911 = arith.index_cast %add3A_879 : i32 to index
        %get3A_912 = arith.index_cast %add3A_910 : i32 to index
        %get3A_913 = tpu.vector_load %arg10[%get3A_911, %get3A_912] {strides = array<i32>} : memref<128x128xf32, #tpu.memory_space<vmem>>, vector<1x16xf32>,
        %get3A_914 = vector.shape_cast %get3A_913 : vector<1x16xf32> to vector<16xf32>
        %mul3A_915 = vector.broadcast %squeeze3A_881 : f32 to vector<16xf32>
        %mul3A_916 = arith.mulf %get3A_914, %mul3A_915 : vector<16xf32>
        %get3A_917 = arith.index_cast %select_n3A_908 : i32 to index
        %get3A_918 = arith.constant 64 : index
        %get3A_919 = tpu.vector_load %arg13[%get3A_917, %get3A_918] {strides = array<i32>} : memref<160x128xf32, #tpu.memory_space<vmem>>, vector<1x16xf32>,
        %get3A_920 = vector.shape_cast %get3A_919 : vector<1x16xf32> to vector<16xf32>
        %add3A_921 = arith.addf %mul3A_916, %get3A_920 : vector<16xf32>
        %swap3A_922 = arith.index_cast %add3A_879 : i32 to index
        %swap3A_923 = arith.constant 0 : index
        %swap3A_924 = tpu.vector_load %arg12[%swap3A_922, %swap3A_923] {strides = array<i32>} : memref<128x64xf32, #tpu.memory_space<vmem>>, vector<1x16xf32>,
        %swap3A_925 = vector.shape_cast %swap3A_924 : vector<1x16xf32> to vector<16xf32>
        %swap3A_926 = vector.shape_cast %add3A_921 : vector<16xf32> to vector<1x16xf32>
        tpu.vector_store %arg12[%swap3A_922, %swap3A_923], %swap3A_926 {strides = array<i32>} : memref<128x64xf32, #tpu.memory_space<vmem>>, vector<1x16xf32>,
        %add3A_927 = arith.constant 16 : i32
        %add3A_928 = arith.addi %squeeze3A_883, %add3A_927 : i32
        %get3A_929 = arith.index_cast %add3A_879 : i32 to index
        %get3A_930 = arith.index_cast %add3A_928 : i32 to index
        %get3A_931 = tpu.vector_load %arg10[%get3A_929, %get3A_930] {strides = array<i32>} : memref<128x128xf32, #tpu.memory_space<vmem>>, vector<1x16xf32>,
        %get3A_932 = vector.shape_cast %get3A_931 : vector<1x16xf32> to vector<16xf32>
        %mul3A_933 = vector.broadcast %squeeze3A_881 : f32 to vector<16xf32>
        %mul3A_934 = arith.mulf %get3A_932, %mul3A_933 : vector<16xf32>
        %get3A_935 = arith.index_cast %select_n3A_908 : i32 to index
        %get3A_936 = arith.constant 80 : index
        %get3A_937 = tpu.vector_load %arg13[%get3A_935, %get3A_936] {strides = array<i32>} : memref<160x128xf32, #tpu.memory_space<vmem>>, vector<1x16xf32>,
        %get3A_938 = vector.shape_cast %get3A_937 : vector<1x16xf32> to vector<16xf32>
        %add3A_939 = arith.addf %mul3A_934, %get3A_938 : vector<16xf32>
        %swap3A_940 = arith.index_cast %add3A_879 : i32 to index
        %swap3A_941 = arith.constant 16 : index
        %swap3A_942 = tpu.vector_load %arg12[%swap3A_940, %swap3A_941] {strides = array<i32>} : memref<128x64xf32, #tpu.memory_space<vmem>>, vector<1x16xf32>,
        %swap3A_943 = vector.shape_cast %swap3A_942 : vector<1x16xf32> to vector<16xf32>
        %swap3A_944 = vector.shape_cast %add3A_939 : vector<16xf32> to vector<1x16xf32>
        tpu.vector_store %arg12[%swap3A_940, %swap3A_941], %swap3A_944 {strides = array<i32>} : memref<128x64xf32, #tpu.memory_space<vmem>>, vector<1x16xf32>,
        %add3A_945 = arith.constant 32 : i32
        %add3A_946 = arith.addi %squeeze3A_883, %add3A_945 : i32
        %get3A_947 = arith.index_cast %add3A_879 : i32 to index
        %get3A_948 = arith.index_cast %add3A_946 : i32 to index
        %get3A_949 = tpu.vector_load %arg10[%get3A_947, %get3A_948] {strides = array<i32>} : memref<128x128xf32, #tpu.memory_space<vmem>>, vector<1x16xf32>,
        %get3A_950 = vector.shape_cast %get3A_949 : vector<1x16xf32> to vector<16xf32>
        %mul3A_951 = vector.broadcast %squeeze3A_881 : f32 to vector<16xf32>
        %mul3A_952 = arith.mulf %get3A_950, %mul3A_951 : vector<16xf32>
        %get3A_953 = arith.index_cast %select_n3A_908 : i32 to index
        %get3A_954 = arith.constant 96 : index
        %get3A_955 = tpu.vector_load %arg13[%get3A_953, %get3A_954] {strides = array<i32>} : memref<160x128xf32, #tpu.memory_space<vmem>>, vector<1x16xf32>,
        %get3A_956 = vector.shape_cast %get3A_955 : vector<1x16xf32> to vector<16xf32>
        %add3A_957 = arith.addf %mul3A_952, %get3A_956 : vector<16xf32>
        %swap3A_958 = arith.index_cast %add3A_879 : i32 to index
        %swap3A_959 = arith.constant 32 : index
        %swap3A_960 = tpu.vector_load %arg12[%swap3A_958, %swap3A_959] {strides = array<i32>} : memref<128x64xf32, #tpu.memory_space<vmem>>, vector<1x16xf32>,
        %swap3A_961 = vector.shape_cast %swap3A_960 : vector<1x16xf32> to vector<16xf32>
        %swap3A_962 = vector.shape_cast %add3A_957 : vector<16xf32> to vector<1x16xf32>
        tpu.vector_store %arg12[%swap3A_958, %swap3A_959], %swap3A_962 {strides = array<i32>} : memref<128x64xf32, #tpu.memory_space<vmem>>, vector<1x16xf32>,
        %add3A_963 = arith.constant 48 : i32
        %add3A_964 = arith.addi %squeeze3A_883, %add3A_963 : i32
        %get3A_965 = arith.index_cast %add3A_879 : i32 to index
        %get3A_966 = arith.index_cast %add3A_964 : i32 to index
        %get3A_967 = tpu.vector_load %arg10[%get3A_965, %get3A_966] {strides = array<i32>} : memref<128x128xf32, #tpu.memory_space<vmem>>, vector<1x16xf32>,
        %get3A_968 = vector.shape_cast %get3A_967 : vector<1x16xf32> to vector<16xf32>
        %mul3A_969 = vector.broadcast %squeeze3A_881 : f32 to vector<16xf32>
        %mul3A_970 = arith.mulf %get3A_968, %mul3A_969 : vector<16xf32>
        %get3A_971 = arith.index_cast %select_n3A_908 : i32 to index
        %get3A_972 = arith.constant 112 : index
        %get3A_973 = tpu.vector_load %arg13[%get3A_971, %get3A_972] {strides = array<i32>} : memref<160x128xf32, #tpu.memory_space<vmem>>, vector<1x16xf32>,
        %get3A_974 = vector.shape_cast %get3A_973 : vector<1x16xf32> to vector<16xf32>
        %add3A_975 = arith.addf %mul3A_970, %get3A_974 : vector<16xf32>
        %swap3A_976 = arith.index_cast %add3A_879 : i32 to index
        %swap3A_977 = arith.constant 48 : index
        %swap3A_978 = tpu.vector_load %arg12[%swap3A_976, %swap3A_977] {strides = array<i32>} : memref<128x64xf32, #tpu.memory_space<vmem>>, vector<1x16xf32>,
        %swap3A_979 = vector.shape_cast %swap3A_978 : vector<1x16xf32> to vector<16xf32>
        %swap3A_980 = vector.shape_cast %add3A_975 : vector<16xf32> to vector<1x16xf32>
        tpu.vector_store %arg12[%swap3A_976, %swap3A_977], %swap3A_980 {strides = array<i32>} : memref<128x64xf32, #tpu.memory_space<vmem>>, vector<1x16xf32>,
        %mul3A_981 = arith.constant 16 : i32
        %mul3A_982 = arith.muli %scan3A_128, %mul3A_981 : i32
        %add3A_983 = arith.constant 8 : i32
        %add3A_984 = arith.addi %mul3A_982, %add3A_983 : i32
        %slice3A_985 = vector.extract_strided_slice %select_n3A_140 {offsets = [8], sizes = [1], strides = [1]} : vector<16xf32> to vector<1xf32>
        %squeeze3A_986 = vector.extract %slice3A_985[0] : f32 from vector<1xf32>
        %slice3A_987 = vector.extract_strided_slice %mul3A_146 {offsets = [8], sizes = [1], strides = [1]} : vector<16xi32> to vector<1xi32>
        %squeeze3A_988 = vector.extract %slice3A_987[0] : i32 from vector<1xi32>
        %add3A_989 = arith.addi %select_n3A_111, %add3A_984 : i32
        %jit3A_990 = arith.constant 2 : i32
        %div3A_991 = arith.divsi %add3A_989, %jit3A_990 : i32
        %sign3A_992 = arith.constant 0 : i32
        %sign3A_993 = arith.cmpi sgt, %add3A_989, %sign3A_992 : i32
        %sign3A_994 = arith.extui %sign3A_993 : i1 to i32
        %sign3A_995 = arith.constant 0 : i32
        %sign3A_996 = arith.cmpi slt, %add3A_989, %sign3A_995 : i32
        %sign3A_997 = arith.extui %sign3A_996 : i1 to i32
        %sign3A_998 = arith.subi %sign3A_994, %sign3A_997 : i32
        %sign3A_999 = arith.constant 0 : i32
        %sign3A_1000 = arith.cmpi sgt, %jit3A_990, %sign3A_999 : i32
        %sign3A_1001 = arith.extui %sign3A_1000 : i1 to i32
        %sign3A_1002 = arith.constant 0 : i32
        %sign3A_1003 = arith.cmpi slt, %jit3A_990, %sign3A_1002 : i32
        %sign3A_1004 = arith.extui %sign3A_1003 : i1 to i32
        %sign3A_1005 = arith.subi %sign3A_1001, %sign3A_1004 : i32
        %ne3A_1006 = arith.cmpi ne, %sign3A_998, %sign3A_1005 : i32
        %rem3A_1007 = arith.remsi %add3A_989, %jit3A_990 : i32
        %ne3A_1008 = arith.constant 0 : i32
        %ne3A_1009 = arith.cmpi ne, %rem3A_1007, %ne3A_1008 : i32
        %and3A_1010 = arith.andi %ne3A_1006, %ne3A_1009 : i1
        %sub3A_1011 = arith.constant 1 : i32
        %sub3A_1012 = arith.subi %div3A_991, %sub3A_1011 : i32
        %select_n3A_1013 = arith.select %and3A_1010, %sub3A_1012, %div3A_991 : i32
        %add3A_1014 = arith.constant 0 : i32
        %add3A_1015 = arith.addi %squeeze3A_988, %add3A_1014 : i32
        %get3A_1016 = arith.index_cast %add3A_984 : i32 to index
        %get3A_1017 = arith.index_cast %add3A_1015 : i32 to index
        %get3A_1018 = tpu.vector_load %arg10[%get3A_1016, %get3A_1017] {strides = array<i32>} : memref<128x128xf32, #tpu.memory_space<vmem>>, vector<1x16xf32>,
        %get3A_1019 = vector.shape_cast %get3A_1018 : vector<1x16xf32> to vector<16xf32>
        %mul3A_1020 = vector.broadcast %squeeze3A_986 : f32 to vector<16xf32>
        %mul3A_1021 = arith.mulf %get3A_1019, %mul3A_1020 : vector<16xf32>
        %get3A_1022 = arith.index_cast %select_n3A_1013 : i32 to index
        %get3A_1023 = arith.constant 0 : index
        %get3A_1024 = tpu.vector_load %arg13[%get3A_1022, %get3A_1023] {strides = array<i32>} : memref<160x128xf32, #tpu.memory_space<vmem>>, vector<1x16xf32>,
        %get3A_1025 = vector.shape_cast %get3A_1024 : vector<1x16xf32> to vector<16xf32>
        %add3A_1026 = arith.addf %mul3A_1021, %get3A_1025 : vector<16xf32>
        %swap3A_1027 = arith.index_cast %add3A_984 : i32 to index
        %swap3A_1028 = arith.constant 0 : index
        %swap3A_1029 = tpu.vector_load %arg12[%swap3A_1027, %swap3A_1028] {strides = array<i32>} : memref<128x64xf32, #tpu.memory_space<vmem>>, vector<1x16xf32>,
        %swap3A_1030 = vector.shape_cast %swap3A_1029 : vector<1x16xf32> to vector<16xf32>
        %swap3A_1031 = vector.shape_cast %add3A_1026 : vector<16xf32> to vector<1x16xf32>
        tpu.vector_store %arg12[%swap3A_1027, %swap3A_1028], %swap3A_1031 {strides = array<i32>} : memref<128x64xf32, #tpu.memory_space<vmem>>, vector<1x16xf32>,
        %add3A_1032 = arith.constant 16 : i32
        %add3A_1033 = arith.addi %squeeze3A_988, %add3A_1032 : i32
        %get3A_1034 = arith.index_cast %add3A_984 : i32 to index
        %get3A_1035 = arith.index_cast %add3A_1033 : i32 to index
        %get3A_1036 = tpu.vector_load %arg10[%get3A_1034, %get3A_1035] {strides = array<i32>} : memref<128x128xf32, #tpu.memory_space<vmem>>, vector<1x16xf32>,
        %get3A_1037 = vector.shape_cast %get3A_1036 : vector<1x16xf32> to vector<16xf32>
        %mul3A_1038 = vector.broadcast %squeeze3A_986 : f32 to vector<16xf32>
        %mul3A_1039 = arith.mulf %get3A_1037, %mul3A_1038 : vector<16xf32>
        %get3A_1040 = arith.index_cast %select_n3A_1013 : i32 to index
        %get3A_1041 = arith.constant 16 : index
        %get3A_1042 = tpu.vector_load %arg13[%get3A_1040, %get3A_1041] {strides = array<i32>} : memref<160x128xf32, #tpu.memory_space<vmem>>, vector<1x16xf32>,
        %get3A_1043 = vector.shape_cast %get3A_1042 : vector<1x16xf32> to vector<16xf32>
        %add3A_1044 = arith.addf %mul3A_1039, %get3A_1043 : vector<16xf32>
        %swap3A_1045 = arith.index_cast %add3A_984 : i32 to index
        %swap3A_1046 = arith.constant 16 : index
        %swap3A_1047 = tpu.vector_load %arg12[%swap3A_1045, %swap3A_1046] {strides = array<i32>} : memref<128x64xf32, #tpu.memory_space<vmem>>, vector<1x16xf32>,
        %swap3A_1048 = vector.shape_cast %swap3A_1047 : vector<1x16xf32> to vector<16xf32>
        %swap3A_1049 = vector.shape_cast %add3A_1044 : vector<16xf32> to vector<1x16xf32>
        tpu.vector_store %arg12[%swap3A_1045, %swap3A_1046], %swap3A_1049 {strides = array<i32>} : memref<128x64xf32, #tpu.memory_space<vmem>>, vector<1x16xf32>,
        %add3A_1050 = arith.constant 32 : i32
        %add3A_1051 = arith.addi %squeeze3A_988, %add3A_1050 : i32
        %get3A_1052 = arith.index_cast %add3A_984 : i32 to index
        %get3A_1053 = arith.index_cast %add3A_1051 : i32 to index
        %get3A_1054 = tpu.vector_load %arg10[%get3A_1052, %get3A_1053] {strides = array<i32>} : memref<128x128xf32, #tpu.memory_space<vmem>>, vector<1x16xf32>,
        %get3A_1055 = vector.shape_cast %get3A_1054 : vector<1x16xf32> to vector<16xf32>
        %mul3A_1056 = vector.broadcast %squeeze3A_986 : f32 to vector<16xf32>
        %mul3A_1057 = arith.mulf %get3A_1055, %mul3A_1056 : vector<16xf32>
        %get3A_1058 = arith.index_cast %select_n3A_1013 : i32 to index
        %get3A_1059 = arith.constant 32 : index
        %get3A_1060 = tpu.vector_load %arg13[%get3A_1058, %get3A_1059] {strides = array<i32>} : memref<160x128xf32, #tpu.memory_space<vmem>>, vector<1x16xf32>,
        %get3A_1061 = vector.shape_cast %get3A_1060 : vector<1x16xf32> to vector<16xf32>
        %add3A_1062 = arith.addf %mul3A_1057, %get3A_1061 : vector<16xf32>
        %swap3A_1063 = arith.index_cast %add3A_984 : i32 to index
        %swap3A_1064 = arith.constant 32 : index
        %swap3A_1065 = tpu.vector_load %arg12[%swap3A_1063, %swap3A_1064] {strides = array<i32>} : memref<128x64xf32, #tpu.memory_space<vmem>>, vector<1x16xf32>,
        %swap3A_1066 = vector.shape_cast %swap3A_1065 : vector<1x16xf32> to vector<16xf32>
        %swap3A_1067 = vector.shape_cast %add3A_1062 : vector<16xf32> to vector<1x16xf32>
        tpu.vector_store %arg12[%swap3A_1063, %swap3A_1064], %swap3A_1067 {strides = array<i32>} : memref<128x64xf32, #tpu.memory_space<vmem>>, vector<1x16xf32>,
        %add3A_1068 = arith.constant 48 : i32
        %add3A_1069 = arith.addi %squeeze3A_988, %add3A_1068 : i32
        %get3A_1070 = arith.index_cast %add3A_984 : i32 to index
        %get3A_1071 = arith.index_cast %add3A_1069 : i32 to index
        %get3A_1072 = tpu.vector_load %arg10[%get3A_1070, %get3A_1071] {strides = array<i32>} : memref<128x128xf32, #tpu.memory_space<vmem>>, vector<1x16xf32>,
        %get3A_1073 = vector.shape_cast %get3A_1072 : vector<1x16xf32> to vector<16xf32>
        %mul3A_1074 = vector.broadcast %squeeze3A_986 : f32 to vector<16xf32>
        %mul3A_1075 = arith.mulf %get3A_1073, %mul3A_1074 : vector<16xf32>
        %get3A_1076 = arith.index_cast %select_n3A_1013 : i32 to index
        %get3A_1077 = arith.constant 48 : index
        %get3A_1078 = tpu.vector_load %arg13[%get3A_1076, %get3A_1077] {strides = array<i32>} : memref<160x128xf32, #tpu.memory_space<vmem>>, vector<1x16xf32>,
        %get3A_1079 = vector.shape_cast %get3A_1078 : vector<1x16xf32> to vector<16xf32>
        %add3A_1080 = arith.addf %mul3A_1075, %get3A_1079 : vector<16xf32>
        %swap3A_1081 = arith.index_cast %add3A_984 : i32 to index
        %swap3A_1082 = arith.constant 48 : index
        %swap3A_1083 = tpu.vector_load %arg12[%swap3A_1081, %swap3A_1082] {strides = array<i32>} : memref<128x64xf32, #tpu.memory_space<vmem>>, vector<1x16xf32>,
        %swap3A_1084 = vector.shape_cast %swap3A_1083 : vector<1x16xf32> to vector<16xf32>
        %swap3A_1085 = vector.shape_cast %add3A_1080 : vector<16xf32> to vector<1x16xf32>
        tpu.vector_store %arg12[%swap3A_1081, %swap3A_1082], %swap3A_1085 {strides = array<i32>} : memref<128x64xf32, #tpu.memory_space<vmem>>, vector<1x16xf32>,
        %mul3A_1086 = arith.constant 16 : i32
        %mul3A_1087 = arith.muli %scan3A_128, %mul3A_1086 : i32
        %add3A_1088 = arith.constant 9 : i32
        %add3A_1089 = arith.addi %mul3A_1087, %add3A_1088 : i32
        %slice3A_1090 = vector.extract_strided_slice %select_n3A_140 {offsets = [9], sizes = [1], strides = [1]} : vector<16xf32> to vector<1xf32>
        %squeeze3A_1091 = vector.extract %slice3A_1090[0] : f32 from vector<1xf32>
        %slice3A_1092 = vector.extract_strided_slice %mul3A_146 {offsets = [9], sizes = [1], strides = [1]} : vector<16xi32> to vector<1xi32>
        %squeeze3A_1093 = vector.extract %slice3A_1092[0] : i32 from vector<1xi32>
        %add3A_1094 = arith.addi %select_n3A_111, %add3A_1089 : i32
        %jit3A_1095 = arith.constant 2 : i32
        %div3A_1096 = arith.divsi %add3A_1094, %jit3A_1095 : i32
        %sign3A_1097 = arith.constant 0 : i32
        %sign3A_1098 = arith.cmpi sgt, %add3A_1094, %sign3A_1097 : i32
        %sign3A_1099 = arith.extui %sign3A_1098 : i1 to i32
        %sign3A_1100 = arith.constant 0 : i32
        %sign3A_1101 = arith.cmpi slt, %add3A_1094, %sign3A_1100 : i32
        %sign3A_1102 = arith.extui %sign3A_1101 : i1 to i32
        %sign3A_1103 = arith.subi %sign3A_1099, %sign3A_1102 : i32
        %sign3A_1104 = arith.constant 0 : i32
        %sign3A_1105 = arith.cmpi sgt, %jit3A_1095, %sign3A_1104 : i32
        %sign3A_1106 = arith.extui %sign3A_1105 : i1 to i32
        %sign3A_1107 = arith.constant 0 : i32
        %sign3A_1108 = arith.cmpi slt, %jit3A_1095, %sign3A_1107 : i32
        %sign3A_1109 = arith.extui %sign3A_1108 : i1 to i32
        %sign3A_1110 = arith.subi %sign3A_1106, %sign3A_1109 : i32
        %ne3A_1111 = arith.cmpi ne, %sign3A_1103, %sign3A_1110 : i32
        %rem3A_1112 = arith.remsi %add3A_1094, %jit3A_1095 : i32
        %ne3A_1113 = arith.constant 0 : i32
        %ne3A_1114 = arith.cmpi ne, %rem3A_1112, %ne3A_1113 : i32
        %and3A_1115 = arith.andi %ne3A_1111, %ne3A_1114 : i1
        %sub3A_1116 = arith.constant 1 : i32
        %sub3A_1117 = arith.subi %div3A_1096, %sub3A_1116 : i32
        %select_n3A_1118 = arith.select %and3A_1115, %sub3A_1117, %div3A_1096 : i32
        %add3A_1119 = arith.constant 0 : i32
        %add3A_1120 = arith.addi %squeeze3A_1093, %add3A_1119 : i32
        %get3A_1121 = arith.index_cast %add3A_1089 : i32 to index
        %get3A_1122 = arith.index_cast %add3A_1120 : i32 to index
        %get3A_1123 = tpu.vector_load %arg10[%get3A_1121, %get3A_1122] {strides = array<i32>} : memref<128x128xf32, #tpu.memory_space<vmem>>, vector<1x16xf32>,
        %get3A_1124 = vector.shape_cast %get3A_1123 : vector<1x16xf32> to vector<16xf32>
        %mul3A_1125 = vector.broadcast %squeeze3A_1091 : f32 to vector<16xf32>
        %mul3A_1126 = arith.mulf %get3A_1124, %mul3A_1125 : vector<16xf32>
        %get3A_1127 = arith.index_cast %select_n3A_1118 : i32 to index
        %get3A_1128 = arith.constant 64 : index
        %get3A_1129 = tpu.vector_load %arg13[%get3A_1127, %get3A_1128] {strides = array<i32>} : memref<160x128xf32, #tpu.memory_space<vmem>>, vector<1x16xf32>,
        %get3A_1130 = vector.shape_cast %get3A_1129 : vector<1x16xf32> to vector<16xf32>
        %add3A_1131 = arith.addf %mul3A_1126, %get3A_1130 : vector<16xf32>
        %swap3A_1132 = arith.index_cast %add3A_1089 : i32 to index
        %swap3A_1133 = arith.constant 0 : index
        %swap3A_1134 = tpu.vector_load %arg12[%swap3A_1132, %swap3A_1133] {strides = array<i32>} : memref<128x64xf32, #tpu.memory_space<vmem>>, vector<1x16xf32>,
        %swap3A_1135 = vector.shape_cast %swap3A_1134 : vector<1x16xf32> to vector<16xf32>
        %swap3A_1136 = vector.shape_cast %add3A_1131 : vector<16xf32> to vector<1x16xf32>
        tpu.vector_store %arg12[%swap3A_1132, %swap3A_1133], %swap3A_1136 {strides = array<i32>} : memref<128x64xf32, #tpu.memory_space<vmem>>, vector<1x16xf32>,
        %add3A_1137 = arith.constant 16 : i32
        %add3A_1138 = arith.addi %squeeze3A_1093, %add3A_1137 : i32
        %get3A_1139 = arith.index_cast %add3A_1089 : i32 to index
        %get3A_1140 = arith.index_cast %add3A_1138 : i32 to index
        %get3A_1141 = tpu.vector_load %arg10[%get3A_1139, %get3A_1140] {strides = array<i32>} : memref<128x128xf32, #tpu.memory_space<vmem>>, vector<1x16xf32>,
        %get3A_1142 = vector.shape_cast %get3A_1141 : vector<1x16xf32> to vector<16xf32>
        %mul3A_1143 = vector.broadcast %squeeze3A_1091 : f32 to vector<16xf32>
        %mul3A_1144 = arith.mulf %get3A_1142, %mul3A_1143 : vector<16xf32>
        %get3A_1145 = arith.index_cast %select_n3A_1118 : i32 to index
        %get3A_1146 = arith.constant 80 : index
        %get3A_1147 = tpu.vector_load %arg13[%get3A_1145, %get3A_1146] {strides = array<i32>} : memref<160x128xf32, #tpu.memory_space<vmem>>, vector<1x16xf32>,
        %get3A_1148 = vector.shape_cast %get3A_1147 : vector<1x16xf32> to vector<16xf32>
        %add3A_1149 = arith.addf %mul3A_1144, %get3A_1148 : vector<16xf32>
        %swap3A_1150 = arith.index_cast %add3A_1089 : i32 to index
        %swap3A_1151 = arith.constant 16 : index
        %swap3A_1152 = tpu.vector_load %arg12[%swap3A_1150, %swap3A_1151] {strides = array<i32>} : memref<128x64xf32, #tpu.memory_space<vmem>>, vector<1x16xf32>,
        %swap3A_1153 = vector.shape_cast %swap3A_1152 : vector<1x16xf32> to vector<16xf32>
        %swap3A_1154 = vector.shape_cast %add3A_1149 : vector<16xf32> to vector<1x16xf32>
        tpu.vector_store %arg12[%swap3A_1150, %swap3A_1151], %swap3A_1154 {strides = array<i32>} : memref<128x64xf32, #tpu.memory_space<vmem>>, vector<1x16xf32>,
        %add3A_1155 = arith.constant 32 : i32
        %add3A_1156 = arith.addi %squeeze3A_1093, %add3A_1155 : i32
        %get3A_1157 = arith.index_cast %add3A_1089 : i32 to index
        %get3A_1158 = arith.index_cast %add3A_1156 : i32 to index
        %get3A_1159 = tpu.vector_load %arg10[%get3A_1157, %get3A_1158] {strides = array<i32>} : memref<128x128xf32, #tpu.memory_space<vmem>>, vector<1x16xf32>,
        %get3A_1160 = vector.shape_cast %get3A_1159 : vector<1x16xf32> to vector<16xf32>
        %mul3A_1161 = vector.broadcast %squeeze3A_1091 : f32 to vector<16xf32>
        %mul3A_1162 = arith.mulf %get3A_1160, %mul3A_1161 : vector<16xf32>
        %get3A_1163 = arith.index_cast %select_n3A_1118 : i32 to index
        %get3A_1164 = arith.constant 96 : index
        %get3A_1165 = tpu.vector_load %arg13[%get3A_1163, %get3A_1164] {strides = array<i32>} : memref<160x128xf32, #tpu.memory_space<vmem>>, vector<1x16xf32>,
        %get3A_1166 = vector.shape_cast %get3A_1165 : vector<1x16xf32> to vector<16xf32>
        %add3A_1167 = arith.addf %mul3A_1162, %get3A_1166 : vector<16xf32>
        %swap3A_1168 = arith.index_cast %add3A_1089 : i32 to index
        %swap3A_1169 = arith.constant 32 : index
        %swap3A_1170 = tpu.vector_load %arg12[%swap3A_1168, %swap3A_1169] {strides = array<i32>} : memref<128x64xf32, #tpu.memory_space<vmem>>, vector<1x16xf32>,
        %swap3A_1171 = vector.shape_cast %swap3A_1170 : vector<1x16xf32> to vector<16xf32>
        %swap3A_1172 = vector.shape_cast %add3A_1167 : vector<16xf32> to vector<1x16xf32>
        tpu.vector_store %arg12[%swap3A_1168, %swap3A_1169], %swap3A_1172 {strides = array<i32>} : memref<128x64xf32, #tpu.memory_space<vmem>>, vector<1x16xf32>,
        %add3A_1173 = arith.constant 48 : i32
        %add3A_1174 = arith.addi %squeeze3A_1093, %add3A_1173 : i32
        %get3A_1175 = arith.index_cast %add3A_1089 : i32 to index
        %get3A_1176 = arith.index_cast %add3A_1174 : i32 to index
        %get3A_1177 = tpu.vector_load %arg10[%get3A_1175, %get3A_1176] {strides = array<i32>} : memref<128x128xf32, #tpu.memory_space<vmem>>, vector<1x16xf32>,
        %get3A_1178 = vector.shape_cast %get3A_1177 : vector<1x16xf32> to vector<16xf32>
        %mul3A_1179 = vector.broadcast %squeeze3A_1091 : f32 to vector<16xf32>
        %mul3A_1180 = arith.mulf %get3A_1178, %mul3A_1179 : vector<16xf32>
        %get3A_1181 = arith.index_cast %select_n3A_1118 : i32 to index
        %get3A_1182 = arith.constant 112 : index
        %get3A_1183 = tpu.vector_load %arg13[%get3A_1181, %get3A_1182] {strides = array<i32>} : memref<160x128xf32, #tpu.memory_space<vmem>>, vector<1x16xf32>,
        %get3A_1184 = vector.shape_cast %get3A_1183 : vector<1x16xf32> to vector<16xf32>
        %add3A_1185 = arith.addf %mul3A_1180, %get3A_1184 : vector<16xf32>
        %swap3A_1186 = arith.index_cast %add3A_1089 : i32 to index
        %swap3A_1187 = arith.constant 48 : index
        %swap3A_1188 = tpu.vector_load %arg12[%swap3A_1186, %swap3A_1187] {strides = array<i32>} : memref<128x64xf32, #tpu.memory_space<vmem>>, vector<1x16xf32>,
        %swap3A_1189 = vector.shape_cast %swap3A_1188 : vector<1x16xf32> to vector<16xf32>
        %swap3A_1190 = vector.shape_cast %add3A_1185 : vector<16xf32> to vector<1x16xf32>
        tpu.vector_store %arg12[%swap3A_1186, %swap3A_1187], %swap3A_1190 {strides = array<i32>} : memref<128x64xf32, #tpu.memory_space<vmem>>, vector<1x16xf32>,
        %mul3A_1191 = arith.constant 16 : i32
        %mul3A_1192 = arith.muli %scan3A_128, %mul3A_1191 : i32
        %add3A_1193 = arith.constant 10 : i32
        %add3A_1194 = arith.addi %mul3A_1192, %add3A_1193 : i32
        %slice3A_1195 = vector.extract_strided_slice %select_n3A_140 {offsets = [10], sizes = [1], strides = [1]} : vector<16xf32> to vector<1xf32>
        %squeeze3A_1196 = vector.extract %slice3A_1195[0] : f32 from vector<1xf32>
        %slice3A_1197 = vector.extract_strided_slice %mul3A_146 {offsets = [10], sizes = [1], strides = [1]} : vector<16xi32> to vector<1xi32>
        %squeeze3A_1198 = vector.extract %slice3A_1197[0] : i32 from vector<1xi32>
        %add3A_1199 = arith.addi %select_n3A_111, %add3A_1194 : i32
        %jit3A_1200 = arith.constant 2 : i32
        %div3A_1201 = arith.divsi %add3A_1199, %jit3A_1200 : i32
        %sign3A_1202 = arith.constant 0 : i32
        %sign3A_1203 = arith.cmpi sgt, %add3A_1199, %sign3A_1202 : i32
        %sign3A_1204 = arith.extui %sign3A_1203 : i1 to i32
        %sign3A_1205 = arith.constant 0 : i32
        %sign3A_1206 = arith.cmpi slt, %add3A_1199, %sign3A_1205 : i32
        %sign3A_1207 = arith.extui %sign3A_1206 : i1 to i32
        %sign3A_1208 = arith.subi %sign3A_1204, %sign3A_1207 : i32
        %sign3A_1209 = arith.constant 0 : i32
        %sign3A_1210 = arith.cmpi sgt, %jit3A_1200, %sign3A_1209 : i32
        %sign3A_1211 = arith.extui %sign3A_1210 : i1 to i32
        %sign3A_1212 = arith.constant 0 : i32
        %sign3A_1213 = arith.cmpi slt, %jit3A_1200, %sign3A_1212 : i32
        %sign3A_1214 = arith.extui %sign3A_1213 : i1 to i32
        %sign3A_1215 = arith.subi %sign3A_1211, %sign3A_1214 : i32
        %ne3A_1216 = arith.cmpi ne, %sign3A_1208, %sign3A_1215 : i32
        %rem3A_1217 = arith.remsi %add3A_1199, %jit3A_1200 : i32
        %ne3A_1218 = arith.constant 0 : i32
        %ne3A_1219 = arith.cmpi ne, %rem3A_1217, %ne3A_1218 : i32
        %and3A_1220 = arith.andi %ne3A_1216, %ne3A_1219 : i1
        %sub3A_1221 = arith.constant 1 : i32
        %sub3A_1222 = arith.subi %div3A_1201, %sub3A_1221 : i32
        %select_n3A_1223 = arith.select %and3A_1220, %sub3A_1222, %div3A_1201 : i32
        %add3A_1224 = arith.constant 0 : i32
        %add3A_1225 = arith.addi %squeeze3A_1198, %add3A_1224 : i32
        %get3A_1226 = arith.index_cast %add3A_1194 : i32 to index
        %get3A_1227 = arith.index_cast %add3A_1225 : i32 to index
        %get3A_1228 = tpu.vector_load %arg10[%get3A_1226, %get3A_1227] {strides = array<i32>} : memref<128x128xf32, #tpu.memory_space<vmem>>, vector<1x16xf32>,
        %get3A_1229 = vector.shape_cast %get3A_1228 : vector<1x16xf32> to vector<16xf32>
        %mul3A_1230 = vector.broadcast %squeeze3A_1196 : f32 to vector<16xf32>
        %mul3A_1231 = arith.mulf %get3A_1229, %mul3A_1230 : vector<16xf32>
        %get3A_1232 = arith.index_cast %select_n3A_1223 : i32 to index
        %get3A_1233 = arith.constant 0 : index
        %get3A_1234 = tpu.vector_load %arg13[%get3A_1232, %get3A_1233] {strides = array<i32>} : memref<160x128xf32, #tpu.memory_space<vmem>>, vector<1x16xf32>,
        %get3A_1235 = vector.shape_cast %get3A_1234 : vector<1x16xf32> to vector<16xf32>
        %add3A_1236 = arith.addf %mul3A_1231, %get3A_1235 : vector<16xf32>
        %swap3A_1237 = arith.index_cast %add3A_1194 : i32 to index
        %swap3A_1238 = arith.constant 0 : index
        %swap3A_1239 = tpu.vector_load %arg12[%swap3A_1237, %swap3A_1238] {strides = array<i32>} : memref<128x64xf32, #tpu.memory_space<vmem>>, vector<1x16xf32>,
        %swap3A_1240 = vector.shape_cast %swap3A_1239 : vector<1x16xf32> to vector<16xf32>
        %swap3A_1241 = vector.shape_cast %add3A_1236 : vector<16xf32> to vector<1x16xf32>
        tpu.vector_store %arg12[%swap3A_1237, %swap3A_1238], %swap3A_1241 {strides = array<i32>} : memref<128x64xf32, #tpu.memory_space<vmem>>, vector<1x16xf32>,
        %add3A_1242 = arith.constant 16 : i32
        %add3A_1243 = arith.addi %squeeze3A_1198, %add3A_1242 : i32
        %get3A_1244 = arith.index_cast %add3A_1194 : i32 to index
        %get3A_1245 = arith.index_cast %add3A_1243 : i32 to index
        %get3A_1246 = tpu.vector_load %arg10[%get3A_1244, %get3A_1245] {strides = array<i32>} : memref<128x128xf32, #tpu.memory_space<vmem>>, vector<1x16xf32>,
        %get3A_1247 = vector.shape_cast %get3A_1246 : vector<1x16xf32> to vector<16xf32>
        %mul3A_1248 = vector.broadcast %squeeze3A_1196 : f32 to vector<16xf32>
        %mul3A_1249 = arith.mulf %get3A_1247, %mul3A_1248 : vector<16xf32>
        %get3A_1250 = arith.index_cast %select_n3A_1223 : i32 to index
        %get3A_1251 = arith.constant 16 : index
        %get3A_1252 = tpu.vector_load %arg13[%get3A_1250, %get3A_1251] {strides = array<i32>} : memref<160x128xf32, #tpu.memory_space<vmem>>, vector<1x16xf32>,
        %get3A_1253 = vector.shape_cast %get3A_1252 : vector<1x16xf32> to vector<16xf32>
        %add3A_1254 = arith.addf %mul3A_1249, %get3A_1253 : vector<16xf32>
        %swap3A_1255 = arith.index_cast %add3A_1194 : i32 to index
        %swap3A_1256 = arith.constant 16 : index
        %swap3A_1257 = tpu.vector_load %arg12[%swap3A_1255, %swap3A_1256] {strides = array<i32>} : memref<128x64xf32, #tpu.memory_space<vmem>>, vector<1x16xf32>,
        %swap3A_1258 = vector.shape_cast %swap3A_1257 : vector<1x16xf32> to vector<16xf32>
        %swap3A_1259 = vector.shape_cast %add3A_1254 : vector<16xf32> to vector<1x16xf32>
        tpu.vector_store %arg12[%swap3A_1255, %swap3A_1256], %swap3A_1259 {strides = array<i32>} : memref<128x64xf32, #tpu.memory_space<vmem>>, vector<1x16xf32>,
        %add3A_1260 = arith.constant 32 : i32
        %add3A_1261 = arith.addi %squeeze3A_1198, %add3A_1260 : i32
        %get3A_1262 = arith.index_cast %add3A_1194 : i32 to index
        %get3A_1263 = arith.index_cast %add3A_1261 : i32 to index
        %get3A_1264 = tpu.vector_load %arg10[%get3A_1262, %get3A_1263] {strides = array<i32>} : memref<128x128xf32, #tpu.memory_space<vmem>>, vector<1x16xf32>,
        %get3A_1265 = vector.shape_cast %get3A_1264 : vector<1x16xf32> to vector<16xf32>
        %mul3A_1266 = vector.broadcast %squeeze3A_1196 : f32 to vector<16xf32>
        %mul3A_1267 = arith.mulf %get3A_1265, %mul3A_1266 : vector<16xf32>
        %get3A_1268 = arith.index_cast %select_n3A_1223 : i32 to index
        %get3A_1269 = arith.constant 32 : index
        %get3A_1270 = tpu.vector_load %arg13[%get3A_1268, %get3A_1269] {strides = array<i32>} : memref<160x128xf32, #tpu.memory_space<vmem>>, vector<1x16xf32>,
        %get3A_1271 = vector.shape_cast %get3A_1270 : vector<1x16xf32> to vector<16xf32>
        %add3A_1272 = arith.addf %mul3A_1267, %get3A_1271 : vector<16xf32>
        %swap3A_1273 = arith.index_cast %add3A_1194 : i32 to index
        %swap3A_1274 = arith.constant 32 : index
        %swap3A_1275 = tpu.vector_load %arg12[%swap3A_1273, %swap3A_1274] {strides = array<i32>} : memref<128x64xf32, #tpu.memory_space<vmem>>, vector<1x16xf32>,
        %swap3A_1276 = vector.shape_cast %swap3A_1275 : vector<1x16xf32> to vector<16xf32>
        %swap3A_1277 = vector.shape_cast %add3A_1272 : vector<16xf32> to vector<1x16xf32>
        tpu.vector_store %arg12[%swap3A_1273, %swap3A_1274], %swap3A_1277 {strides = array<i32>} : memref<128x64xf32, #tpu.memory_space<vmem>>, vector<1x16xf32>,
        %add3A_1278 = arith.constant 48 : i32
        %add3A_1279 = arith.addi %squeeze3A_1198, %add3A_1278 : i32
        %get3A_1280 = arith.index_cast %add3A_1194 : i32 to index
        %get3A_1281 = arith.index_cast %add3A_1279 : i32 to index
        %get3A_1282 = tpu.vector_load %arg10[%get3A_1280, %get3A_1281] {strides = array<i32>} : memref<128x128xf32, #tpu.memory_space<vmem>>, vector<1x16xf32>,
        %get3A_1283 = vector.shape_cast %get3A_1282 : vector<1x16xf32> to vector<16xf32>
        %mul3A_1284 = vector.broadcast %squeeze3A_1196 : f32 to vector<16xf32>
        %mul3A_1285 = arith.mulf %get3A_1283, %mul3A_1284 : vector<16xf32>
        %get3A_1286 = arith.index_cast %select_n3A_1223 : i32 to index
        %get3A_1287 = arith.constant 48 : index
        %get3A_1288 = tpu.vector_load %arg13[%get3A_1286, %get3A_1287] {strides = array<i32>} : memref<160x128xf32, #tpu.memory_space<vmem>>, vector<1x16xf32>,
        %get3A_1289 = vector.shape_cast %get3A_1288 : vector<1x16xf32> to vector<16xf32>
        %add3A_1290 = arith.addf %mul3A_1285, %get3A_1289 : vector<16xf32>
        %swap3A_1291 = arith.index_cast %add3A_1194 : i32 to index
        %swap3A_1292 = arith.constant 48 : index
        %swap3A_1293 = tpu.vector_load %arg12[%swap3A_1291, %swap3A_1292] {strides = array<i32>} : memref<128x64xf32, #tpu.memory_space<vmem>>, vector<1x16xf32>,
        %swap3A_1294 = vector.shape_cast %swap3A_1293 : vector<1x16xf32> to vector<16xf32>
        %swap3A_1295 = vector.shape_cast %add3A_1290 : vector<16xf32> to vector<1x16xf32>
        tpu.vector_store %arg12[%swap3A_1291, %swap3A_1292], %swap3A_1295 {strides = array<i32>} : memref<128x64xf32, #tpu.memory_space<vmem>>, vector<1x16xf32>,
        %mul3A_1296 = arith.constant 16 : i32
        %mul3A_1297 = arith.muli %scan3A_128, %mul3A_1296 : i32
        %add3A_1298 = arith.constant 11 : i32
        %add3A_1299 = arith.addi %mul3A_1297, %add3A_1298 : i32
        %slice3A_1300 = vector.extract_strided_slice %select_n3A_140 {offsets = [11], sizes = [1], strides = [1]} : vector<16xf32> to vector<1xf32>
        %squeeze3A_1301 = vector.extract %slice3A_1300[0] : f32 from vector<1xf32>
        %slice3A_1302 = vector.extract_strided_slice %mul3A_146 {offsets = [11], sizes = [1], strides = [1]} : vector<16xi32> to vector<1xi32>
        %squeeze3A_1303 = vector.extract %slice3A_1302[0] : i32 from vector<1xi32>
        %add3A_1304 = arith.addi %select_n3A_111, %add3A_1299 : i32
        %jit3A_1305 = arith.constant 2 : i32
        %div3A_1306 = arith.divsi %add3A_1304, %jit3A_1305 : i32
        %sign3A_1307 = arith.constant 0 : i32
        %sign3A_1308 = arith.cmpi sgt, %add3A_1304, %sign3A_1307 : i32
        %sign3A_1309 = arith.extui %sign3A_1308 : i1 to i32
        %sign3A_1310 = arith.constant 0 : i32
        %sign3A_1311 = arith.cmpi slt, %add3A_1304, %sign3A_1310 : i32
        %sign3A_1312 = arith.extui %sign3A_1311 : i1 to i32
        %sign3A_1313 = arith.subi %sign3A_1309, %sign3A_1312 : i32
        %sign3A_1314 = arith.constant 0 : i32
        %sign3A_1315 = arith.cmpi sgt, %jit3A_1305, %sign3A_1314 : i32
        %sign3A_1316 = arith.extui %sign3A_1315 : i1 to i32
        %sign3A_1317 = arith.constant 0 : i32
        %sign3A_1318 = arith.cmpi slt, %jit3A_1305, %sign3A_1317 : i32
        %sign3A_1319 = arith.extui %sign3A_1318 : i1 to i32
        %sign3A_1320 = arith.subi %sign3A_1316, %sign3A_1319 : i32
        %ne3A_1321 = arith.cmpi ne, %sign3A_1313, %sign3A_1320 : i32
        %rem3A_1322 = arith.remsi %add3A_1304, %jit3A_1305 : i32
        %ne3A_1323 = arith.constant 0 : i32
        %ne3A_1324 = arith.cmpi ne, %rem3A_1322, %ne3A_1323 : i32
        %and3A_1325 = arith.andi %ne3A_1321, %ne3A_1324 : i1
        %sub3A_1326 = arith.constant 1 : i32
        %sub3A_1327 = arith.subi %div3A_1306, %sub3A_1326 : i32
        %select_n3A_1328 = arith.select %and3A_1325, %sub3A_1327, %div3A_1306 : i32
        %add3A_1329 = arith.constant 0 : i32
        %add3A_1330 = arith.addi %squeeze3A_1303, %add3A_1329 : i32
        %get3A_1331 = arith.index_cast %add3A_1299 : i32 to index
        %get3A_1332 = arith.index_cast %add3A_1330 : i32 to index
        %get3A_1333 = tpu.vector_load %arg10[%get3A_1331, %get3A_1332] {strides = array<i32>} : memref<128x128xf32, #tpu.memory_space<vmem>>, vector<1x16xf32>,
        %get3A_1334 = vector.shape_cast %get3A_1333 : vector<1x16xf32> to vector<16xf32>
        %mul3A_1335 = vector.broadcast %squeeze3A_1301 : f32 to vector<16xf32>
        %mul3A_1336 = arith.mulf %get3A_1334, %mul3A_1335 : vector<16xf32>
        %get3A_1337 = arith.index_cast %select_n3A_1328 : i32 to index
        %get3A_1338 = arith.constant 64 : index
        %get3A_1339 = tpu.vector_load %arg13[%get3A_1337, %get3A_1338] {strides = array<i32>} : memref<160x128xf32, #tpu.memory_space<vmem>>, vector<1x16xf32>,
        %get3A_1340 = vector.shape_cast %get3A_1339 : vector<1x16xf32> to vector<16xf32>
        %add3A_1341 = arith.addf %mul3A_1336, %get3A_1340 : vector<16xf32>
        %swap3A_1342 = arith.index_cast %add3A_1299 : i32 to index
        %swap3A_1343 = arith.constant 0 : index
        %swap3A_1344 = tpu.vector_load %arg12[%swap3A_1342, %swap3A_1343] {strides = array<i32>} : memref<128x64xf32, #tpu.memory_space<vmem>>, vector<1x16xf32>,
        %swap3A_1345 = vector.shape_cast %swap3A_1344 : vector<1x16xf32> to vector<16xf32>
        %swap3A_1346 = vector.shape_cast %add3A_1341 : vector<16xf32> to vector<1x16xf32>
        tpu.vector_store %arg12[%swap3A_1342, %swap3A_1343], %swap3A_1346 {strides = array<i32>} : memref<128x64xf32, #tpu.memory_space<vmem>>, vector<1x16xf32>,
        %add3A_1347 = arith.constant 16 : i32
        %add3A_1348 = arith.addi %squeeze3A_1303, %add3A_1347 : i32
        %get3A_1349 = arith.index_cast %add3A_1299 : i32 to index
        %get3A_1350 = arith.index_cast %add3A_1348 : i32 to index
        %get3A_1351 = tpu.vector_load %arg10[%get3A_1349, %get3A_1350] {strides = array<i32>} : memref<128x128xf32, #tpu.memory_space<vmem>>, vector<1x16xf32>,
        %get3A_1352 = vector.shape_cast %get3A_1351 : vector<1x16xf32> to vector<16xf32>
        %mul3A_1353 = vector.broadcast %squeeze3A_1301 : f32 to vector<16xf32>
        %mul3A_1354 = arith.mulf %get3A_1352, %mul3A_1353 : vector<16xf32>
        %get3A_1355 = arith.index_cast %select_n3A_1328 : i32 to index
        %get3A_1356 = arith.constant 80 : index
        %get3A_1357 = tpu.vector_load %arg13[%get3A_1355, %get3A_1356] {strides = array<i32>} : memref<160x128xf32, #tpu.memory_space<vmem>>, vector<1x16xf32>,
        %get3A_1358 = vector.shape_cast %get3A_1357 : vector<1x16xf32> to vector<16xf32>
        %add3A_1359 = arith.addf %mul3A_1354, %get3A_1358 : vector<16xf32>
        %swap3A_1360 = arith.index_cast %add3A_1299 : i32 to index
        %swap3A_1361 = arith.constant 16 : index
        %swap3A_1362 = tpu.vector_load %arg12[%swap3A_1360, %swap3A_1361] {strides = array<i32>} : memref<128x64xf32, #tpu.memory_space<vmem>>, vector<1x16xf32>,
        %swap3A_1363 = vector.shape_cast %swap3A_1362 : vector<1x16xf32> to vector<16xf32>
        %swap3A_1364 = vector.shape_cast %add3A_1359 : vector<16xf32> to vector<1x16xf32>
        tpu.vector_store %arg12[%swap3A_1360, %swap3A_1361], %swap3A_1364 {strides = array<i32>} : memref<128x64xf32, #tpu.memory_space<vmem>>, vector<1x16xf32>,
        %add3A_1365 = arith.constant 32 : i32
        %add3A_1366 = arith.addi %squeeze3A_1303, %add3A_1365 : i32
        %get3A_1367 = arith.index_cast %add3A_1299 : i32 to index
        %get3A_1368 = arith.index_cast %add3A_1366 : i32 to index
        %get3A_1369 = tpu.vector_load %arg10[%get3A_1367, %get3A_1368] {strides = array<i32>} : memref<128x128xf32, #tpu.memory_space<vmem>>, vector<1x16xf32>,
        %get3A_1370 = vector.shape_cast %get3A_1369 : vector<1x16xf32> to vector<16xf32>
        %mul3A_1371 = vector.broadcast %squeeze3A_1301 : f32 to vector<16xf32>
        %mul3A_1372 = arith.mulf %get3A_1370, %mul3A_1371 : vector<16xf32>
        %get3A_1373 = arith.index_cast %select_n3A_1328 : i32 to index
        %get3A_1374 = arith.constant 96 : index
        %get3A_1375 = tpu.vector_load %arg13[%get3A_1373, %get3A_1374] {strides = array<i32>} : memref<160x128xf32, #tpu.memory_space<vmem>>, vector<1x16xf32>,
        %get3A_1376 = vector.shape_cast %get3A_1375 : vector<1x16xf32> to vector<16xf32>
        %add3A_1377 = arith.addf %mul3A_1372, %get3A_1376 : vector<16xf32>
        %swap3A_1378 = arith.index_cast %add3A_1299 : i32 to index
        %swap3A_1379 = arith.constant 32 : index
        %swap3A_1380 = tpu.vector_load %arg12[%swap3A_1378, %swap3A_1379] {strides = array<i32>} : memref<128x64xf32, #tpu.memory_space<vmem>>, vector<1x16xf32>,
        %swap3A_1381 = vector.shape_cast %swap3A_1380 : vector<1x16xf32> to vector<16xf32>
        %swap3A_1382 = vector.shape_cast %add3A_1377 : vector<16xf32> to vector<1x16xf32>
        tpu.vector_store %arg12[%swap3A_1378, %swap3A_1379], %swap3A_1382 {strides = array<i32>} : memref<128x64xf32, #tpu.memory_space<vmem>>, vector<1x16xf32>,
        %add3A_1383 = arith.constant 48 : i32
        %add3A_1384 = arith.addi %squeeze3A_1303, %add3A_1383 : i32
        %get3A_1385 = arith.index_cast %add3A_1299 : i32 to index
        %get3A_1386 = arith.index_cast %add3A_1384 : i32 to index
        %get3A_1387 = tpu.vector_load %arg10[%get3A_1385, %get3A_1386] {strides = array<i32>} : memref<128x128xf32, #tpu.memory_space<vmem>>, vector<1x16xf32>,
        %get3A_1388 = vector.shape_cast %get3A_1387 : vector<1x16xf32> to vector<16xf32>
        %mul3A_1389 = vector.broadcast %squeeze3A_1301 : f32 to vector<16xf32>
        %mul3A_1390 = arith.mulf %get3A_1388, %mul3A_1389 : vector<16xf32>
        %get3A_1391 = arith.index_cast %select_n3A_1328 : i32 to index
        %get3A_1392 = arith.constant 112 : index
        %get3A_1393 = tpu.vector_load %arg13[%get3A_1391, %get3A_1392] {strides = array<i32>} : memref<160x128xf32, #tpu.memory_space<vmem>>, vector<1x16xf32>,
        %get3A_1394 = vector.shape_cast %get3A_1393 : vector<1x16xf32> to vector<16xf32>
        %add3A_1395 = arith.addf %mul3A_1390, %get3A_1394 : vector<16xf32>
        %swap3A_1396 = arith.index_cast %add3A_1299 : i32 to index
        %swap3A_1397 = arith.constant 48 : index
        %swap3A_1398 = tpu.vector_load %arg12[%swap3A_1396, %swap3A_1397] {strides = array<i32>} : memref<128x64xf32, #tpu.memory_space<vmem>>, vector<1x16xf32>,
        %swap3A_1399 = vector.shape_cast %swap3A_1398 : vector<1x16xf32> to vector<16xf32>
        %swap3A_1400 = vector.shape_cast %add3A_1395 : vector<16xf32> to vector<1x16xf32>
        tpu.vector_store %arg12[%swap3A_1396, %swap3A_1397], %swap3A_1400 {strides = array<i32>} : memref<128x64xf32, #tpu.memory_space<vmem>>, vector<1x16xf32>,
        %mul3A_1401 = arith.constant 16 : i32
        %mul3A_1402 = arith.muli %scan3A_128, %mul3A_1401 : i32
        %add3A_1403 = arith.constant 12 : i32
        %add3A_1404 = arith.addi %mul3A_1402, %add3A_1403 : i32
        %slice3A_1405 = vector.extract_strided_slice %select_n3A_140 {offsets = [12], sizes = [1], strides = [1]} : vector<16xf32> to vector<1xf32>
        %squeeze3A_1406 = vector.extract %slice3A_1405[0] : f32 from vector<1xf32>
        %slice3A_1407 = vector.extract_strided_slice %mul3A_146 {offsets = [12], sizes = [1], strides = [1]} : vector<16xi32> to vector<1xi32>
        %squeeze3A_1408 = vector.extract %slice3A_1407[0] : i32 from vector<1xi32>
        %add3A_1409 = arith.addi %select_n3A_111, %add3A_1404 : i32
        %jit3A_1410 = arith.constant 2 : i32
        %div3A_1411 = arith.divsi %add3A_1409, %jit3A_1410 : i32
        %sign3A_1412 = arith.constant 0 : i32
        %sign3A_1413 = arith.cmpi sgt, %add3A_1409, %sign3A_1412 : i32
        %sign3A_1414 = arith.extui %sign3A_1413 : i1 to i32
        %sign3A_1415 = arith.constant 0 : i32
        %sign3A_1416 = arith.cmpi slt, %add3A_1409, %sign3A_1415 : i32
        %sign3A_1417 = arith.extui %sign3A_1416 : i1 to i32
        %sign3A_1418 = arith.subi %sign3A_1414, %sign3A_1417 : i32
        %sign3A_1419 = arith.constant 0 : i32
        %sign3A_1420 = arith.cmpi sgt, %jit3A_1410, %sign3A_1419 : i32
        %sign3A_1421 = arith.extui %sign3A_1420 : i1 to i32
        %sign3A_1422 = arith.constant 0 : i32
        %sign3A_1423 = arith.cmpi slt, %jit3A_1410, %sign3A_1422 : i32
        %sign3A_1424 = arith.extui %sign3A_1423 : i1 to i32
        %sign3A_1425 = arith.subi %sign3A_1421, %sign3A_1424 : i32
        %ne3A_1426 = arith.cmpi ne, %sign3A_1418, %sign3A_1425 : i32
        %rem3A_1427 = arith.remsi %add3A_1409, %jit3A_1410 : i32
        %ne3A_1428 = arith.constant 0 : i32
        %ne3A_1429 = arith.cmpi ne, %rem3A_1427, %ne3A_1428 : i32
        %and3A_1430 = arith.andi %ne3A_1426, %ne3A_1429 : i1
        %sub3A_1431 = arith.constant 1 : i32
        %sub3A_1432 = arith.subi %div3A_1411, %sub3A_1431 : i32
        %select_n3A_1433 = arith.select %and3A_1430, %sub3A_1432, %div3A_1411 : i32
        %add3A_1434 = arith.constant 0 : i32
        %add3A_1435 = arith.addi %squeeze3A_1408, %add3A_1434 : i32
        %get3A_1436 = arith.index_cast %add3A_1404 : i32 to index
        %get3A_1437 = arith.index_cast %add3A_1435 : i32 to index
        %get3A_1438 = tpu.vector_load %arg10[%get3A_1436, %get3A_1437] {strides = array<i32>} : memref<128x128xf32, #tpu.memory_space<vmem>>, vector<1x16xf32>,
        %get3A_1439 = vector.shape_cast %get3A_1438 : vector<1x16xf32> to vector<16xf32>
        %mul3A_1440 = vector.broadcast %squeeze3A_1406 : f32 to vector<16xf32>
        %mul3A_1441 = arith.mulf %get3A_1439, %mul3A_1440 : vector<16xf32>
        %get3A_1442 = arith.index_cast %select_n3A_1433 : i32 to index
        %get3A_1443 = arith.constant 0 : index
        %get3A_1444 = tpu.vector_load %arg13[%get3A_1442, %get3A_1443] {strides = array<i32>} : memref<160x128xf32, #tpu.memory_space<vmem>>, vector<1x16xf32>,
        %get3A_1445 = vector.shape_cast %get3A_1444 : vector<1x16xf32> to vector<16xf32>
        %add3A_1446 = arith.addf %mul3A_1441, %get3A_1445 : vector<16xf32>
        %swap3A_1447 = arith.index_cast %add3A_1404 : i32 to index
        %swap3A_1448 = arith.constant 0 : index
        %swap3A_1449 = tpu.vector_load %arg12[%swap3A_1447, %swap3A_1448] {strides = array<i32>} : memref<128x64xf32, #tpu.memory_space<vmem>>, vector<1x16xf32>,
        %swap3A_1450 = vector.shape_cast %swap3A_1449 : vector<1x16xf32> to vector<16xf32>
        %swap3A_1451 = vector.shape_cast %add3A_1446 : vector<16xf32> to vector<1x16xf32>
        tpu.vector_store %arg12[%swap3A_1447, %swap3A_1448], %swap3A_1451 {strides = array<i32>} : memref<128x64xf32, #tpu.memory_space<vmem>>, vector<1x16xf32>,
        %add3A_1452 = arith.constant 16 : i32
        %add3A_1453 = arith.addi %squeeze3A_1408, %add3A_1452 : i32
        %get3A_1454 = arith.index_cast %add3A_1404 : i32 to index
        %get3A_1455 = arith.index_cast %add3A_1453 : i32 to index
        %get3A_1456 = tpu.vector_load %arg10[%get3A_1454, %get3A_1455] {strides = array<i32>} : memref<128x128xf32, #tpu.memory_space<vmem>>, vector<1x16xf32>,
        %get3A_1457 = vector.shape_cast %get3A_1456 : vector<1x16xf32> to vector<16xf32>
        %mul3A_1458 = vector.broadcast %squeeze3A_1406 : f32 to vector<16xf32>
        %mul3A_1459 = arith.mulf %get3A_1457, %mul3A_1458 : vector<16xf32>
        %get3A_1460 = arith.index_cast %select_n3A_1433 : i32 to index
        %get3A_1461 = arith.constant 16 : index
        %get3A_1462 = tpu.vector_load %arg13[%get3A_1460, %get3A_1461] {strides = array<i32>} : memref<160x128xf32, #tpu.memory_space<vmem>>, vector<1x16xf32>,
        %get3A_1463 = vector.shape_cast %get3A_1462 : vector<1x16xf32> to vector<16xf32>
        %add3A_1464 = arith.addf %mul3A_1459, %get3A_1463 : vector<16xf32>
        %swap3A_1465 = arith.index_cast %add3A_1404 : i32 to index
        %swap3A_1466 = arith.constant 16 : index
        %swap3A_1467 = tpu.vector_load %arg12[%swap3A_1465, %swap3A_1466] {strides = array<i32>} : memref<128x64xf32, #tpu.memory_space<vmem>>, vector<1x16xf32>,
        %swap3A_1468 = vector.shape_cast %swap3A_1467 : vector<1x16xf32> to vector<16xf32>
        %swap3A_1469 = vector.shape_cast %add3A_1464 : vector<16xf32> to vector<1x16xf32>
        tpu.vector_store %arg12[%swap3A_1465, %swap3A_1466], %swap3A_1469 {strides = array<i32>} : memref<128x64xf32, #tpu.memory_space<vmem>>, vector<1x16xf32>,
        %add3A_1470 = arith.constant 32 : i32
        %add3A_1471 = arith.addi %squeeze3A_1408, %add3A_1470 : i32
        %get3A_1472 = arith.index_cast %add3A_1404 : i32 to index
        %get3A_1473 = arith.index_cast %add3A_1471 : i32 to index
        %get3A_1474 = tpu.vector_load %arg10[%get3A_1472, %get3A_1473] {strides = array<i32>} : memref<128x128xf32, #tpu.memory_space<vmem>>, vector<1x16xf32>,
        %get3A_1475 = vector.shape_cast %get3A_1474 : vector<1x16xf32> to vector<16xf32>
        %mul3A_1476 = vector.broadcast %squeeze3A_1406 : f32 to vector<16xf32>
        %mul3A_1477 = arith.mulf %get3A_1475, %mul3A_1476 : vector<16xf32>
        %get3A_1478 = arith.index_cast %select_n3A_1433 : i32 to index
        %get3A_1479 = arith.constant 32 : index
        %get3A_1480 = tpu.vector_load %arg13[%get3A_1478, %get3A_1479] {strides = array<i32>} : memref<160x128xf32, #tpu.memory_space<vmem>>, vector<1x16xf32>,
        %get3A_1481 = vector.shape_cast %get3A_1480 : vector<1x16xf32> to vector<16xf32>
        %add3A_1482 = arith.addf %mul3A_1477, %get3A_1481 : vector<16xf32>
        %swap3A_1483 = arith.index_cast %add3A_1404 : i32 to index
        %swap3A_1484 = arith.constant 32 : index
        %swap3A_1485 = tpu.vector_load %arg12[%swap3A_1483, %swap3A_1484] {strides = array<i32>} : memref<128x64xf32, #tpu.memory_space<vmem>>, vector<1x16xf32>,
        %swap3A_1486 = vector.shape_cast %swap3A_1485 : vector<1x16xf32> to vector<16xf32>
        %swap3A_1487 = vector.shape_cast %add3A_1482 : vector<16xf32> to vector<1x16xf32>
        tpu.vector_store %arg12[%swap3A_1483, %swap3A_1484], %swap3A_1487 {strides = array<i32>} : memref<128x64xf32, #tpu.memory_space<vmem>>, vector<1x16xf32>,
        %add3A_1488 = arith.constant 48 : i32
        %add3A_1489 = arith.addi %squeeze3A_1408, %add3A_1488 : i32
        %get3A_1490 = arith.index_cast %add3A_1404 : i32 to index
        %get3A_1491 = arith.index_cast %add3A_1489 : i32 to index
        %get3A_1492 = tpu.vector_load %arg10[%get3A_1490, %get3A_1491] {strides = array<i32>} : memref<128x128xf32, #tpu.memory_space<vmem>>, vector<1x16xf32>,
        %get3A_1493 = vector.shape_cast %get3A_1492 : vector<1x16xf32> to vector<16xf32>
        %mul3A_1494 = vector.broadcast %squeeze3A_1406 : f32 to vector<16xf32>
        %mul3A_1495 = arith.mulf %get3A_1493, %mul3A_1494 : vector<16xf32>
        %get3A_1496 = arith.index_cast %select_n3A_1433 : i32 to index
        %get3A_1497 = arith.constant 48 : index
        %get3A_1498 = tpu.vector_load %arg13[%get3A_1496, %get3A_1497] {strides = array<i32>} : memref<160x128xf32, #tpu.memory_space<vmem>>, vector<1x16xf32>,
        %get3A_1499 = vector.shape_cast %get3A_1498 : vector<1x16xf32> to vector<16xf32>
        %add3A_1500 = arith.addf %mul3A_1495, %get3A_1499 : vector<16xf32>
        %swap3A_1501 = arith.index_cast %add3A_1404 : i32 to index
        %swap3A_1502 = arith.constant 48 : index
        %swap3A_1503 = tpu.vector_load %arg12[%swap3A_1501, %swap3A_1502] {strides = array<i32>} : memref<128x64xf32, #tpu.memory_space<vmem>>, vector<1x16xf32>,
        %swap3A_1504 = vector.shape_cast %swap3A_1503 : vector<1x16xf32> to vector<16xf32>
        %swap3A_1505 = vector.shape_cast %add3A_1500 : vector<16xf32> to vector<1x16xf32>
        tpu.vector_store %arg12[%swap3A_1501, %swap3A_1502], %swap3A_1505 {strides = array<i32>} : memref<128x64xf32, #tpu.memory_space<vmem>>, vector<1x16xf32>,
        %mul3A_1506 = arith.constant 16 : i32
        %mul3A_1507 = arith.muli %scan3A_128, %mul3A_1506 : i32
        %add3A_1508 = arith.constant 13 : i32
        %add3A_1509 = arith.addi %mul3A_1507, %add3A_1508 : i32
        %slice3A_1510 = vector.extract_strided_slice %select_n3A_140 {offsets = [13], sizes = [1], strides = [1]} : vector<16xf32> to vector<1xf32>
        %squeeze3A_1511 = vector.extract %slice3A_1510[0] : f32 from vector<1xf32>
        %slice3A_1512 = vector.extract_strided_slice %mul3A_146 {offsets = [13], sizes = [1], strides = [1]} : vector<16xi32> to vector<1xi32>
        %squeeze3A_1513 = vector.extract %slice3A_1512[0] : i32 from vector<1xi32>
        %add3A_1514 = arith.addi %select_n3A_111, %add3A_1509 : i32
        %jit3A_1515 = arith.constant 2 : i32
        %div3A_1516 = arith.divsi %add3A_1514, %jit3A_1515 : i32
        %sign3A_1517 = arith.constant 0 : i32
        %sign3A_1518 = arith.cmpi sgt, %add3A_1514, %sign3A_1517 : i32
        %sign3A_1519 = arith.extui %sign3A_1518 : i1 to i32
        %sign3A_1520 = arith.constant 0 : i32
        %sign3A_1521 = arith.cmpi slt, %add3A_1514, %sign3A_1520 : i32
        %sign3A_1522 = arith.extui %sign3A_1521 : i1 to i32
        %sign3A_1523 = arith.subi %sign3A_1519, %sign3A_1522 : i32
        %sign3A_1524 = arith.constant 0 : i32
        %sign3A_1525 = arith.cmpi sgt, %jit3A_1515, %sign3A_1524 : i32
        %sign3A_1526 = arith.extui %sign3A_1525 : i1 to i32
        %sign3A_1527 = arith.constant 0 : i32
        %sign3A_1528 = arith.cmpi slt, %jit3A_1515, %sign3A_1527 : i32
        %sign3A_1529 = arith.extui %sign3A_1528 : i1 to i32
        %sign3A_1530 = arith.subi %sign3A_1526, %sign3A_1529 : i32
        %ne3A_1531 = arith.cmpi ne, %sign3A_1523, %sign3A_1530 : i32
        %rem3A_1532 = arith.remsi %add3A_1514, %jit3A_1515 : i32
        %ne3A_1533 = arith.constant 0 : i32
        %ne3A_1534 = arith.cmpi ne, %rem3A_1532, %ne3A_1533 : i32
        %and3A_1535 = arith.andi %ne3A_1531, %ne3A_1534 : i1
        %sub3A_1536 = arith.constant 1 : i32
        %sub3A_1537 = arith.subi %div3A_1516, %sub3A_1536 : i32
        %select_n3A_1538 = arith.select %and3A_1535, %sub3A_1537, %div3A_1516 : i32
        %add3A_1539 = arith.constant 0 : i32
        %add3A_1540 = arith.addi %squeeze3A_1513, %add3A_1539 : i32
        %get3A_1541 = arith.index_cast %add3A_1509 : i32 to index
        %get3A_1542 = arith.index_cast %add3A_1540 : i32 to index
        %get3A_1543 = tpu.vector_load %arg10[%get3A_1541, %get3A_1542] {strides = array<i32>} : memref<128x128xf32, #tpu.memory_space<vmem>>, vector<1x16xf32>,
        %get3A_1544 = vector.shape_cast %get3A_1543 : vector<1x16xf32> to vector<16xf32>
        %mul3A_1545 = vector.broadcast %squeeze3A_1511 : f32 to vector<16xf32>
        %mul3A_1546 = arith.mulf %get3A_1544, %mul3A_1545 : vector<16xf32>
        %get3A_1547 = arith.index_cast %select_n3A_1538 : i32 to index
        %get3A_1548 = arith.constant 64 : index
        %get3A_1549 = tpu.vector_load %arg13[%get3A_1547, %get3A_1548] {strides = array<i32>} : memref<160x128xf32, #tpu.memory_space<vmem>>, vector<1x16xf32>,
        %get3A_1550 = vector.shape_cast %get3A_1549 : vector<1x16xf32> to vector<16xf32>
        %add3A_1551 = arith.addf %mul3A_1546, %get3A_1550 : vector<16xf32>
        %swap3A_1552 = arith.index_cast %add3A_1509 : i32 to index
        %swap3A_1553 = arith.constant 0 : index
        %swap3A_1554 = tpu.vector_load %arg12[%swap3A_1552, %swap3A_1553] {strides = array<i32>} : memref<128x64xf32, #tpu.memory_space<vmem>>, vector<1x16xf32>,
        %swap3A_1555 = vector.shape_cast %swap3A_1554 : vector<1x16xf32> to vector<16xf32>
        %swap3A_1556 = vector.shape_cast %add3A_1551 : vector<16xf32> to vector<1x16xf32>
        tpu.vector_store %arg12[%swap3A_1552, %swap3A_1553], %swap3A_1556 {strides = array<i32>} : memref<128x64xf32, #tpu.memory_space<vmem>>, vector<1x16xf32>,
        %add3A_1557 = arith.constant 16 : i32
        %add3A_1558 = arith.addi %squeeze3A_1513, %add3A_1557 : i32
        %get3A_1559 = arith.index_cast %add3A_1509 : i32 to index
        %get3A_1560 = arith.index_cast %add3A_1558 : i32 to index
        %get3A_1561 = tpu.vector_load %arg10[%get3A_1559, %get3A_1560] {strides = array<i32>} : memref<128x128xf32, #tpu.memory_space<vmem>>, vector<1x16xf32>,
        %get3A_1562 = vector.shape_cast %get3A_1561 : vector<1x16xf32> to vector<16xf32>
        %mul3A_1563 = vector.broadcast %squeeze3A_1511 : f32 to vector<16xf32>
        %mul3A_1564 = arith.mulf %get3A_1562, %mul3A_1563 : vector<16xf32>
        %get3A_1565 = arith.index_cast %select_n3A_1538 : i32 to index
        %get3A_1566 = arith.constant 80 : index
        %get3A_1567 = tpu.vector_load %arg13[%get3A_1565, %get3A_1566] {strides = array<i32>} : memref<160x128xf32, #tpu.memory_space<vmem>>, vector<1x16xf32>,
        %get3A_1568 = vector.shape_cast %get3A_1567 : vector<1x16xf32> to vector<16xf32>
        %add3A_1569 = arith.addf %mul3A_1564, %get3A_1568 : vector<16xf32>
        %swap3A_1570 = arith.index_cast %add3A_1509 : i32 to index
        %swap3A_1571 = arith.constant 16 : index
        %swap3A_1572 = tpu.vector_load %arg12[%swap3A_1570, %swap3A_1571] {strides = array<i32>} : memref<128x64xf32, #tpu.memory_space<vmem>>, vector<1x16xf32>,
        %swap3A_1573 = vector.shape_cast %swap3A_1572 : vector<1x16xf32> to vector<16xf32>
        %swap3A_1574 = vector.shape_cast %add3A_1569 : vector<16xf32> to vector<1x16xf32>
        tpu.vector_store %arg12[%swap3A_1570, %swap3A_1571], %swap3A_1574 {strides = array<i32>} : memref<128x64xf32, #tpu.memory_space<vmem>>, vector<1x16xf32>,
        %add3A_1575 = arith.constant 32 : i32
        %add3A_1576 = arith.addi %squeeze3A_1513, %add3A_1575 : i32
        %get3A_1577 = arith.index_cast %add3A_1509 : i32 to index
        %get3A_1578 = arith.index_cast %add3A_1576 : i32 to index
        %get3A_1579 = tpu.vector_load %arg10[%get3A_1577, %get3A_1578] {strides = array<i32>} : memref<128x128xf32, #tpu.memory_space<vmem>>, vector<1x16xf32>,
        %get3A_1580 = vector.shape_cast %get3A_1579 : vector<1x16xf32> to vector<16xf32>
        %mul3A_1581 = vector.broadcast %squeeze3A_1511 : f32 to vector<16xf32>
        %mul3A_1582 = arith.mulf %get3A_1580, %mul3A_1581 : vector<16xf32>
        %get3A_1583 = arith.index_cast %select_n3A_1538 : i32 to index
        %get3A_1584 = arith.constant 96 : index
        %get3A_1585 = tpu.vector_load %arg13[%get3A_1583, %get3A_1584] {strides = array<i32>} : memref<160x128xf32, #tpu.memory_space<vmem>>, vector<1x16xf32>,
        %get3A_1586 = vector.shape_cast %get3A_1585 : vector<1x16xf32> to vector<16xf32>
        %add3A_1587 = arith.addf %mul3A_1582, %get3A_1586 : vector<16xf32>
        %swap3A_1588 = arith.index_cast %add3A_1509 : i32 to index
        %swap3A_1589 = arith.constant 32 : index
        %swap3A_1590 = tpu.vector_load %arg12[%swap3A_1588, %swap3A_1589] {strides = array<i32>} : memref<128x64xf32, #tpu.memory_space<vmem>>, vector<1x16xf32>,
        %swap3A_1591 = vector.shape_cast %swap3A_1590 : vector<1x16xf32> to vector<16xf32>
        %swap3A_1592 = vector.shape_cast %add3A_1587 : vector<16xf32> to vector<1x16xf32>
        tpu.vector_store %arg12[%swap3A_1588, %swap3A_1589], %swap3A_1592 {strides = array<i32>} : memref<128x64xf32, #tpu.memory_space<vmem>>, vector<1x16xf32>,
        %add3A_1593 = arith.constant 48 : i32
        %add3A_1594 = arith.addi %squeeze3A_1513, %add3A_1593 : i32
        %get3A_1595 = arith.index_cast %add3A_1509 : i32 to index
        %get3A_1596 = arith.index_cast %add3A_1594 : i32 to index
        %get3A_1597 = tpu.vector_load %arg10[%get3A_1595, %get3A_1596] {strides = array<i32>} : memref<128x128xf32, #tpu.memory_space<vmem>>, vector<1x16xf32>,
        %get3A_1598 = vector.shape_cast %get3A_1597 : vector<1x16xf32> to vector<16xf32>
        %mul3A_1599 = vector.broadcast %squeeze3A_1511 : f32 to vector<16xf32>
        %mul3A_1600 = arith.mulf %get3A_1598, %mul3A_1599 : vector<16xf32>
        %get3A_1601 = arith.index_cast %select_n3A_1538 : i32 to index
        %get3A_1602 = arith.constant 112 : index
        %get3A_1603 = tpu.vector_load %arg13[%get3A_1601, %get3A_1602] {strides = array<i32>} : memref<160x128xf32, #tpu.memory_space<vmem>>, vector<1x16xf32>,
        %get3A_1604 = vector.shape_cast %get3A_1603 : vector<1x16xf32> to vector<16xf32>
        %add3A_1605 = arith.addf %mul3A_1600, %get3A_1604 : vector<16xf32>
        %swap3A_1606 = arith.index_cast %add3A_1509 : i32 to index
        %swap3A_1607 = arith.constant 48 : index
        %swap3A_1608 = tpu.vector_load %arg12[%swap3A_1606, %swap3A_1607] {strides = array<i32>} : memref<128x64xf32, #tpu.memory_space<vmem>>, vector<1x16xf32>,
        %swap3A_1609 = vector.shape_cast %swap3A_1608 : vector<1x16xf32> to vector<16xf32>
        %swap3A_1610 = vector.shape_cast %add3A_1605 : vector<16xf32> to vector<1x16xf32>
        tpu.vector_store %arg12[%swap3A_1606, %swap3A_1607], %swap3A_1610 {strides = array<i32>} : memref<128x64xf32, #tpu.memory_space<vmem>>, vector<1x16xf32>,
        %mul3A_1611 = arith.constant 16 : i32
        %mul3A_1612 = arith.muli %scan3A_128, %mul3A_1611 : i32
        %add3A_1613 = arith.constant 14 : i32
        %add3A_1614 = arith.addi %mul3A_1612, %add3A_1613 : i32
        %slice3A_1615 = vector.extract_strided_slice %select_n3A_140 {offsets = [14], sizes = [1], strides = [1]} : vector<16xf32> to vector<1xf32>
        %squeeze3A_1616 = vector.extract %slice3A_1615[0] : f32 from vector<1xf32>
        %slice3A_1617 = vector.extract_strided_slice %mul3A_146 {offsets = [14], sizes = [1], strides = [1]} : vector<16xi32> to vector<1xi32>
        %squeeze3A_1618 = vector.extract %slice3A_1617[0] : i32 from vector<1xi32>
        %add3A_1619 = arith.addi %select_n3A_111, %add3A_1614 : i32
        %jit3A_1620 = arith.constant 2 : i32
        %div3A_1621 = arith.divsi %add3A_1619, %jit3A_1620 : i32
        %sign3A_1622 = arith.constant 0 : i32
        %sign3A_1623 = arith.cmpi sgt, %add3A_1619, %sign3A_1622 : i32
        %sign3A_1624 = arith.extui %sign3A_1623 : i1 to i32
        %sign3A_1625 = arith.constant 0 : i32
        %sign3A_1626 = arith.cmpi slt, %add3A_1619, %sign3A_1625 : i32
        %sign3A_1627 = arith.extui %sign3A_1626 : i1 to i32
        %sign3A_1628 = arith.subi %sign3A_1624, %sign3A_1627 : i32
        %sign3A_1629 = arith.constant 0 : i32
        %sign3A_1630 = arith.cmpi sgt, %jit3A_1620, %sign3A_1629 : i32
        %sign3A_1631 = arith.extui %sign3A_1630 : i1 to i32
        %sign3A_1632 = arith.constant 0 : i32
        %sign3A_1633 = arith.cmpi slt, %jit3A_1620, %sign3A_1632 : i32
        %sign3A_1634 = arith.extui %sign3A_1633 : i1 to i32
        %sign3A_1635 = arith.subi %sign3A_1631, %sign3A_1634 : i32
        %ne3A_1636 = arith.cmpi ne, %sign3A_1628, %sign3A_1635 : i32
        %rem3A_1637 = arith.remsi %add3A_1619, %jit3A_1620 : i32
        %ne3A_1638 = arith.constant 0 : i32
        %ne3A_1639 = arith.cmpi ne, %rem3A_1637, %ne3A_1638 : i32
        %and3A_1640 = arith.andi %ne3A_1636, %ne3A_1639 : i1
        %sub3A_1641 = arith.constant 1 : i32
        %sub3A_1642 = arith.subi %div3A_1621, %sub3A_1641 : i32
        %select_n3A_1643 = arith.select %and3A_1640, %sub3A_1642, %div3A_1621 : i32
        %add3A_1644 = arith.constant 0 : i32
        %add3A_1645 = arith.addi %squeeze3A_1618, %add3A_1644 : i32
        %get3A_1646 = arith.index_cast %add3A_1614 : i32 to index
        %get3A_1647 = arith.index_cast %add3A_1645 : i32 to index
        %get3A_1648 = tpu.vector_load %arg10[%get3A_1646, %get3A_1647] {strides = array<i32>} : memref<128x128xf32, #tpu.memory_space<vmem>>, vector<1x16xf32>,
        %get3A_1649 = vector.shape_cast %get3A_1648 : vector<1x16xf32> to vector<16xf32>
        %mul3A_1650 = vector.broadcast %squeeze3A_1616 : f32 to vector<16xf32>
        %mul3A_1651 = arith.mulf %get3A_1649, %mul3A_1650 : vector<16xf32>
        %get3A_1652 = arith.index_cast %select_n3A_1643 : i32 to index
        %get3A_1653 = arith.constant 0 : index
        %get3A_1654 = tpu.vector_load %arg13[%get3A_1652, %get3A_1653] {strides = array<i32>} : memref<160x128xf32, #tpu.memory_space<vmem>>, vector<1x16xf32>,
        %get3A_1655 = vector.shape_cast %get3A_1654 : vector<1x16xf32> to vector<16xf32>
        %add3A_1656 = arith.addf %mul3A_1651, %get3A_1655 : vector<16xf32>
        %swap3A_1657 = arith.index_cast %add3A_1614 : i32 to index
        %swap3A_1658 = arith.constant 0 : index
        %swap3A_1659 = tpu.vector_load %arg12[%swap3A_1657, %swap3A_1658] {strides = array<i32>} : memref<128x64xf32, #tpu.memory_space<vmem>>, vector<1x16xf32>,
        %swap3A_1660 = vector.shape_cast %swap3A_1659 : vector<1x16xf32> to vector<16xf32>
        %swap3A_1661 = vector.shape_cast %add3A_1656 : vector<16xf32> to vector<1x16xf32>
        tpu.vector_store %arg12[%swap3A_1657, %swap3A_1658], %swap3A_1661 {strides = array<i32>} : memref<128x64xf32, #tpu.memory_space<vmem>>, vector<1x16xf32>,
        %add3A_1662 = arith.constant 16 : i32
        %add3A_1663 = arith.addi %squeeze3A_1618, %add3A_1662 : i32
        %get3A_1664 = arith.index_cast %add3A_1614 : i32 to index
        %get3A_1665 = arith.index_cast %add3A_1663 : i32 to index
        %get3A_1666 = tpu.vector_load %arg10[%get3A_1664, %get3A_1665] {strides = array<i32>} : memref<128x128xf32, #tpu.memory_space<vmem>>, vector<1x16xf32>,
        %get3A_1667 = vector.shape_cast %get3A_1666 : vector<1x16xf32> to vector<16xf32>
        %mul3A_1668 = vector.broadcast %squeeze3A_1616 : f32 to vector<16xf32>
        %mul3A_1669 = arith.mulf %get3A_1667, %mul3A_1668 : vector<16xf32>
        %get3A_1670 = arith.index_cast %select_n3A_1643 : i32 to index
        %get3A_1671 = arith.constant 16 : index
        %get3A_1672 = tpu.vector_load %arg13[%get3A_1670, %get3A_1671] {strides = array<i32>} : memref<160x128xf32, #tpu.memory_space<vmem>>, vector<1x16xf32>,
        %get3A_1673 = vector.shape_cast %get3A_1672 : vector<1x16xf32> to vector<16xf32>
        %add3A_1674 = arith.addf %mul3A_1669, %get3A_1673 : vector<16xf32>
        %swap3A_1675 = arith.index_cast %add3A_1614 : i32 to index
        %swap3A_1676 = arith.constant 16 : index
        %swap3A_1677 = tpu.vector_load %arg12[%swap3A_1675, %swap3A_1676] {strides = array<i32>} : memref<128x64xf32, #tpu.memory_space<vmem>>, vector<1x16xf32>,
        %swap3A_1678 = vector.shape_cast %swap3A_1677 : vector<1x16xf32> to vector<16xf32>
        %swap3A_1679 = vector.shape_cast %add3A_1674 : vector<16xf32> to vector<1x16xf32>
        tpu.vector_store %arg12[%swap3A_1675, %swap3A_1676], %swap3A_1679 {strides = array<i32>} : memref<128x64xf32, #tpu.memory_space<vmem>>, vector<1x16xf32>,
        %add3A_1680 = arith.constant 32 : i32
        %add3A_1681 = arith.addi %squeeze3A_1618, %add3A_1680 : i32
        %get3A_1682 = arith.index_cast %add3A_1614 : i32 to index
        %get3A_1683 = arith.index_cast %add3A_1681 : i32 to index
        %get3A_1684 = tpu.vector_load %arg10[%get3A_1682, %get3A_1683] {strides = array<i32>} : memref<128x128xf32, #tpu.memory_space<vmem>>, vector<1x16xf32>,
        %get3A_1685 = vector.shape_cast %get3A_1684 : vector<1x16xf32> to vector<16xf32>
        %mul3A_1686 = vector.broadcast %squeeze3A_1616 : f32 to vector<16xf32>
        %mul3A_1687 = arith.mulf %get3A_1685, %mul3A_1686 : vector<16xf32>
        %get3A_1688 = arith.index_cast %select_n3A_1643 : i32 to index
        %get3A_1689 = arith.constant 32 : index
        %get3A_1690 = tpu.vector_load %arg13[%get3A_1688, %get3A_1689] {strides = array<i32>} : memref<160x128xf32, #tpu.memory_space<vmem>>, vector<1x16xf32>,
        %get3A_1691 = vector.shape_cast %get3A_1690 : vector<1x16xf32> to vector<16xf32>
        %add3A_1692 = arith.addf %mul3A_1687, %get3A_1691 : vector<16xf32>
        %swap3A_1693 = arith.index_cast %add3A_1614 : i32 to index
        %swap3A_1694 = arith.constant 32 : index
        %swap3A_1695 = tpu.vector_load %arg12[%swap3A_1693, %swap3A_1694] {strides = array<i32>} : memref<128x64xf32, #tpu.memory_space<vmem>>, vector<1x16xf32>,
        %swap3A_1696 = vector.shape_cast %swap3A_1695 : vector<1x16xf32> to vector<16xf32>
        %swap3A_1697 = vector.shape_cast %add3A_1692 : vector<16xf32> to vector<1x16xf32>
        tpu.vector_store %arg12[%swap3A_1693, %swap3A_1694], %swap3A_1697 {strides = array<i32>} : memref<128x64xf32, #tpu.memory_space<vmem>>, vector<1x16xf32>,
        %add3A_1698 = arith.constant 48 : i32
        %add3A_1699 = arith.addi %squeeze3A_1618, %add3A_1698 : i32
        %get3A_1700 = arith.index_cast %add3A_1614 : i32 to index
        %get3A_1701 = arith.index_cast %add3A_1699 : i32 to index
        %get3A_1702 = tpu.vector_load %arg10[%get3A_1700, %get3A_1701] {strides = array<i32>} : memref<128x128xf32, #tpu.memory_space<vmem>>, vector<1x16xf32>,
        %get3A_1703 = vector.shape_cast %get3A_1702 : vector<1x16xf32> to vector<16xf32>
        %mul3A_1704 = vector.broadcast %squeeze3A_1616 : f32 to vector<16xf32>
        %mul3A_1705 = arith.mulf %get3A_1703, %mul3A_1704 : vector<16xf32>
        %get3A_1706 = arith.index_cast %select_n3A_1643 : i32 to index
        %get3A_1707 = arith.constant 48 : index
        %get3A_1708 = tpu.vector_load %arg13[%get3A_1706, %get3A_1707] {strides = array<i32>} : memref<160x128xf32, #tpu.memory_space<vmem>>, vector<1x16xf32>,
        %get3A_1709 = vector.shape_cast %get3A_1708 : vector<1x16xf32> to vector<16xf32>
        %add3A_1710 = arith.addf %mul3A_1705, %get3A_1709 : vector<16xf32>
        %swap3A_1711 = arith.index_cast %add3A_1614 : i32 to index
        %swap3A_1712 = arith.constant 48 : index
        %swap3A_1713 = tpu.vector_load %arg12[%swap3A_1711, %swap3A_1712] {strides = array<i32>} : memref<128x64xf32, #tpu.memory_space<vmem>>, vector<1x16xf32>,
        %swap3A_1714 = vector.shape_cast %swap3A_1713 : vector<1x16xf32> to vector<16xf32>
        %swap3A_1715 = vector.shape_cast %add3A_1710 : vector<16xf32> to vector<1x16xf32>
        tpu.vector_store %arg12[%swap3A_1711, %swap3A_1712], %swap3A_1715 {strides = array<i32>} : memref<128x64xf32, #tpu.memory_space<vmem>>, vector<1x16xf32>,
        %mul3A_1716 = arith.constant 16 : i32
        %mul3A_1717 = arith.muli %scan3A_128, %mul3A_1716 : i32
        %add3A_1718 = arith.constant 15 : i32
        %add3A_1719 = arith.addi %mul3A_1717, %add3A_1718 : i32
        %slice3A_1720 = vector.extract_strided_slice %select_n3A_140 {offsets = [15], sizes = [1], strides = [1]} : vector<16xf32> to vector<1xf32>
        %squeeze3A_1721 = vector.extract %slice3A_1720[0] : f32 from vector<1xf32>
        %slice3A_1722 = vector.extract_strided_slice %mul3A_146 {offsets = [15], sizes = [1], strides = [1]} : vector<16xi32> to vector<1xi32>
        %squeeze3A_1723 = vector.extract %slice3A_1722[0] : i32 from vector<1xi32>
        %add3A_1724 = arith.addi %select_n3A_111, %add3A_1719 : i32
        %jit3A_1725 = arith.constant 2 : i32
        %div3A_1726 = arith.divsi %add3A_1724, %jit3A_1725 : i32
        %sign3A_1727 = arith.constant 0 : i32
        %sign3A_1728 = arith.cmpi sgt, %add3A_1724, %sign3A_1727 : i32
        %sign3A_1729 = arith.extui %sign3A_1728 : i1 to i32
        %sign3A_1730 = arith.constant 0 : i32
        %sign3A_1731 = arith.cmpi slt, %add3A_1724, %sign3A_1730 : i32
        %sign3A_1732 = arith.extui %sign3A_1731 : i1 to i32
        %sign3A_1733 = arith.subi %sign3A_1729, %sign3A_1732 : i32
        %sign3A_1734 = arith.constant 0 : i32
        %sign3A_1735 = arith.cmpi sgt, %jit3A_1725, %sign3A_1734 : i32
        %sign3A_1736 = arith.extui %sign3A_1735 : i1 to i32
        %sign3A_1737 = arith.constant 0 : i32
        %sign3A_1738 = arith.cmpi slt, %jit3A_1725, %sign3A_1737 : i32
        %sign3A_1739 = arith.extui %sign3A_1738 : i1 to i32
        %sign3A_1740 = arith.subi %sign3A_1736, %sign3A_1739 : i32
        %ne3A_1741 = arith.cmpi ne, %sign3A_1733, %sign3A_1740 : i32
        %rem3A_1742 = arith.remsi %add3A_1724, %jit3A_1725 : i32
        %ne3A_1743 = arith.constant 0 : i32
        %ne3A_1744 = arith.cmpi ne, %rem3A_1742, %ne3A_1743 : i32
        %and3A_1745 = arith.andi %ne3A_1741, %ne3A_1744 : i1
        %sub3A_1746 = arith.constant 1 : i32
        %sub3A_1747 = arith.subi %div3A_1726, %sub3A_1746 : i32
        %select_n3A_1748 = arith.select %and3A_1745, %sub3A_1747, %div3A_1726 : i32
        %add3A_1749 = arith.constant 0 : i32
        %add3A_1750 = arith.addi %squeeze3A_1723, %add3A_1749 : i32
        %get3A_1751 = arith.index_cast %add3A_1719 : i32 to index
        %get3A_1752 = arith.index_cast %add3A_1750 : i32 to index
        %get3A_1753 = tpu.vector_load %arg10[%get3A_1751, %get3A_1752] {strides = array<i32>} : memref<128x128xf32, #tpu.memory_space<vmem>>, vector<1x16xf32>,
        %get3A_1754 = vector.shape_cast %get3A_1753 : vector<1x16xf32> to vector<16xf32>
        %mul3A_1755 = vector.broadcast %squeeze3A_1721 : f32 to vector<16xf32>
        %mul3A_1756 = arith.mulf %get3A_1754, %mul3A_1755 : vector<16xf32>
        %get3A_1757 = arith.index_cast %select_n3A_1748 : i32 to index
        %get3A_1758 = arith.constant 64 : index
        %get3A_1759 = tpu.vector_load %arg13[%get3A_1757, %get3A_1758] {strides = array<i32>} : memref<160x128xf32, #tpu.memory_space<vmem>>, vector<1x16xf32>,
        %get3A_1760 = vector.shape_cast %get3A_1759 : vector<1x16xf32> to vector<16xf32>
        %add3A_1761 = arith.addf %mul3A_1756, %get3A_1760 : vector<16xf32>
        %swap3A_1762 = arith.index_cast %add3A_1719 : i32 to index
        %swap3A_1763 = arith.constant 0 : index
        %swap3A_1764 = tpu.vector_load %arg12[%swap3A_1762, %swap3A_1763] {strides = array<i32>} : memref<128x64xf32, #tpu.memory_space<vmem>>, vector<1x16xf32>,
        %swap3A_1765 = vector.shape_cast %swap3A_1764 : vector<1x16xf32> to vector<16xf32>
        %swap3A_1766 = vector.shape_cast %add3A_1761 : vector<16xf32> to vector<1x16xf32>
        tpu.vector_store %arg12[%swap3A_1762, %swap3A_1763], %swap3A_1766 {strides = array<i32>} : memref<128x64xf32, #tpu.memory_space<vmem>>, vector<1x16xf32>,
        %add3A_1767 = arith.constant 16 : i32
        %add3A_1768 = arith.addi %squeeze3A_1723, %add3A_1767 : i32
        %get3A_1769 = arith.index_cast %add3A_1719 : i32 to index
        %get3A_1770 = arith.index_cast %add3A_1768 : i32 to index
        %get3A_1771 = tpu.vector_load %arg10[%get3A_1769, %get3A_1770] {strides = array<i32>} : memref<128x128xf32, #tpu.memory_space<vmem>>, vector<1x16xf32>,
        %get3A_1772 = vector.shape_cast %get3A_1771 : vector<1x16xf32> to vector<16xf32>
        %mul3A_1773 = vector.broadcast %squeeze3A_1721 : f32 to vector<16xf32>
        %mul3A_1774 = arith.mulf %get3A_1772, %mul3A_1773 : vector<16xf32>
        %get3A_1775 = arith.index_cast %select_n3A_1748 : i32 to index
        %get3A_1776 = arith.constant 80 : index
        %get3A_1777 = tpu.vector_load %arg13[%get3A_1775, %get3A_1776] {strides = array<i32>} : memref<160x128xf32, #tpu.memory_space<vmem>>, vector<1x16xf32>,
        %get3A_1778 = vector.shape_cast %get3A_1777 : vector<1x16xf32> to vector<16xf32>
        %add3A_1779 = arith.addf %mul3A_1774, %get3A_1778 : vector<16xf32>
        %swap3A_1780 = arith.index_cast %add3A_1719 : i32 to index
        %swap3A_1781 = arith.constant 16 : index
        %swap3A_1782 = tpu.vector_load %arg12[%swap3A_1780, %swap3A_1781] {strides = array<i32>} : memref<128x64xf32, #tpu.memory_space<vmem>>, vector<1x16xf32>,
        %swap3A_1783 = vector.shape_cast %swap3A_1782 : vector<1x16xf32> to vector<16xf32>
        %swap3A_1784 = vector.shape_cast %add3A_1779 : vector<16xf32> to vector<1x16xf32>
        tpu.vector_store %arg12[%swap3A_1780, %swap3A_1781], %swap3A_1784 {strides = array<i32>} : memref<128x64xf32, #tpu.memory_space<vmem>>, vector<1x16xf32>,
        %add3A_1785 = arith.constant 32 : i32
        %add3A_1786 = arith.addi %squeeze3A_1723, %add3A_1785 : i32
        %get3A_1787 = arith.index_cast %add3A_1719 : i32 to index
        %get3A_1788 = arith.index_cast %add3A_1786 : i32 to index
        %get3A_1789 = tpu.vector_load %arg10[%get3A_1787, %get3A_1788] {strides = array<i32>} : memref<128x128xf32, #tpu.memory_space<vmem>>, vector<1x16xf32>,
        %get3A_1790 = vector.shape_cast %get3A_1789 : vector<1x16xf32> to vector<16xf32>
        %mul3A_1791 = vector.broadcast %squeeze3A_1721 : f32 to vector<16xf32>
        %mul3A_1792 = arith.mulf %get3A_1790, %mul3A_1791 : vector<16xf32>
        %get3A_1793 = arith.index_cast %select_n3A_1748 : i32 to index
        %get3A_1794 = arith.constant 96 : index
        %get3A_1795 = tpu.vector_load %arg13[%get3A_1793, %get3A_1794] {strides = array<i32>} : memref<160x128xf32, #tpu.memory_space<vmem>>, vector<1x16xf32>,
        %get3A_1796 = vector.shape_cast %get3A_1795 : vector<1x16xf32> to vector<16xf32>
        %add3A_1797 = arith.addf %mul3A_1792, %get3A_1796 : vector<16xf32>
        %swap3A_1798 = arith.index_cast %add3A_1719 : i32 to index
        %swap3A_1799 = arith.constant 32 : index
        %swap3A_1800 = tpu.vector_load %arg12[%swap3A_1798, %swap3A_1799] {strides = array<i32>} : memref<128x64xf32, #tpu.memory_space<vmem>>, vector<1x16xf32>,
        %swap3A_1801 = vector.shape_cast %swap3A_1800 : vector<1x16xf32> to vector<16xf32>
        %swap3A_1802 = vector.shape_cast %add3A_1797 : vector<16xf32> to vector<1x16xf32>
        tpu.vector_store %arg12[%swap3A_1798, %swap3A_1799], %swap3A_1802 {strides = array<i32>} : memref<128x64xf32, #tpu.memory_space<vmem>>, vector<1x16xf32>,
        %add3A_1803 = arith.constant 48 : i32
        %add3A_1804 = arith.addi %squeeze3A_1723, %add3A_1803 : i32
        %get3A_1805 = arith.index_cast %add3A_1719 : i32 to index
        %get3A_1806 = arith.index_cast %add3A_1804 : i32 to index
        %get3A_1807 = tpu.vector_load %arg10[%get3A_1805, %get3A_1806] {strides = array<i32>} : memref<128x128xf32, #tpu.memory_space<vmem>>, vector<1x16xf32>,
        %get3A_1808 = vector.shape_cast %get3A_1807 : vector<1x16xf32> to vector<16xf32>
        %mul3A_1809 = vector.broadcast %squeeze3A_1721 : f32 to vector<16xf32>
        %mul3A_1810 = arith.mulf %get3A_1808, %mul3A_1809 : vector<16xf32>
        %get3A_1811 = arith.index_cast %select_n3A_1748 : i32 to index
        %get3A_1812 = arith.constant 112 : index
        %get3A_1813 = tpu.vector_load %arg13[%get3A_1811, %get3A_1812] {strides = array<i32>} : memref<160x128xf32, #tpu.memory_space<vmem>>, vector<1x16xf32>,
        %get3A_1814 = vector.shape_cast %get3A_1813 : vector<1x16xf32> to vector<16xf32>
        %add3A_1815 = arith.addf %mul3A_1810, %get3A_1814 : vector<16xf32>
        %swap3A_1816 = arith.index_cast %add3A_1719 : i32 to index
        %swap3A_1817 = arith.constant 48 : index
        %swap3A_1818 = tpu.vector_load %arg12[%swap3A_1816, %swap3A_1817] {strides = array<i32>} : memref<128x64xf32, #tpu.memory_space<vmem>>, vector<1x16xf32>,
        %swap3A_1819 = vector.shape_cast %swap3A_1818 : vector<1x16xf32> to vector<16xf32>
        %swap3A_1820 = vector.shape_cast %add3A_1815 : vector<16xf32> to vector<1x16xf32>
        tpu.vector_store %arg12[%swap3A_1816, %swap3A_1817], %swap3A_1820 {strides = array<i32>} : memref<128x64xf32, #tpu.memory_space<vmem>>, vector<1x16xf32>,
      }
      %scan3A_117 = arith.constant 8 : i32
      %mul3A_118 = arith.constant 6400 : i32
      %mul3A_119 = arith.muli %add3A, %mul3A_118 : i32
      %mul3A_120 = arith.constant 128 : i32
      %mul3A_121 = arith.muli %add3A_29, %mul3A_120 : i32
      %add3A_122 = arith.addi %mul3A_119, %mul3A_121 : i32
      %multiple_of3A_123 = tpu.assume_multiple %add3A_122, 128 : i32
      %dma_start3A_124 = arith.constant 0 : i32
      %dma_start3A_125 = tpu.memref_slice %arg6[%multiple_of3A_123, %dma_start3A_124] : memref<204800x64xf32, #tpu.memory_space<hbm>> -> memref<128x64xf32, #tpu.memory_space<hbm>>
      %dma_start3A_126 = arith.constant 0 : i32
      %dma_start3A_127 = tpu.memref_slice %arg6[%multiple_of3A_123, %dma_start3A_126] : memref<204800x64xf32, #tpu.memory_space<hbm>> -> memref<128x64xf32, #tpu.memory_space<hbm>>
      tpu.enqueue_dma source(%arg12 : memref<128x64xf32, #tpu.memory_space<vmem>>) target(%dma_start3A_127 : memref<128x64xf32, #tpu.memory_space<hbm>>) target_semaphore(%arg17 : memref<!tpu.dma_semaphore, #tpu.memory_space<semaphore_mem>>)
    }
    %scan3A_11 = arith.constant 25 : i32
    %dma_wait3A = arith.constant 0 : i32
    %dma_wait3A_12 = arith.constant 0 : i32
    %dma_wait3A_13 = tpu.memref_slice %arg6[%dma_wait3A, %dma_wait3A_12] : memref<204800x64xf32, #tpu.memory_space<hbm>> -> memref<128x64xf32, #tpu.memory_space<hbm>>
    %dma_wait3A_14 = arith.constant 0 : i32
    %dma_wait3A_15 = arith.constant 0 : i32
    %dma_wait3A_16 = tpu.memref_slice %arg6[%dma_wait3A_14, %dma_wait3A_15] : memref<204800x64xf32, #tpu.memory_space<hbm>> -> memref<128x64xf32, #tpu.memory_space<hbm>>
    tpu.wait_dma2 semaphore(%arg16 : memref<!tpu.dma_semaphore, #tpu.memory_space<semaphore_mem>>) src(%arg11 : memref<128x64xf32, #tpu.memory_space<vmem>>) dst(%dma_wait3A_16 : memref<128x64xf32, #tpu.memory_space<hbm>>)
    %dma_wait3A_17 = arith.constant 0 : i32
    %dma_wait3A_18 = arith.constant 0 : i32
    %dma_wait3A_19 = tpu.memref_slice %arg6[%dma_wait3A_17, %dma_wait3A_18] : memref<204800x64xf32, #tpu.memory_space<hbm>> -> memref<128x64xf32, #tpu.memory_space<hbm>>
    %dma_wait3A_20 = arith.constant 0 : i32
    %dma_wait3A_21 = arith.constant 0 : i32
    %dma_wait3A_22 = tpu.memref_slice %arg6[%dma_wait3A_20, %dma_wait3A_21] : memref<204800x64xf32, #tpu.memory_space<hbm>> -> memref<128x64xf32, #tpu.memory_space<hbm>>
    tpu.wait_dma2 semaphore(%arg17 : memref<!tpu.dma_semaphore, #tpu.memory_space<semaphore_mem>>) src(%arg12 : memref<128x64xf32, #tpu.memory_space<vmem>>) dst(%dma_wait3A_22 : memref<128x64xf32, #tpu.memory_space<hbm>>)
    return
  }
}

</mosaic_0001>

<sc_bundles>
// kernel: kernel.3.cloned.1.call-start
scs
__scs_entry_jumppad:
0x0: {  	(pc) =	sbr.rel $0x88, $3  }
0x1: {  	(tag) =	ssettag $0x0;
	lr =	simm.s32 $0x1  }
0x2: {  	[smem:$0x3F9F] =	sst lr;
	_ =	strace $0xD0000000  }
0x3: {  	_ = 	snop  }
0x4: {  	_ = 	snop  }
0x5: {  	_ = 	snop  }
0x6: {  	_ = 	snop  }
0x7: {  	_ = 	snop  }
__scs_overlays_trampoline_lowered:
0x8: {  	[smem:$0x3FAE] =	sst s0  }
0x9: {  	[smem:$0x3FAF] =	sst s1  }
0xa: {  	[smem:$0x3FB0] =	sst s2  }
0xb: {  	[smem:$0x3FB1] =	sst s3  }
0xc: {  	[smem:$0x3FB2] =	sst s4  }
0xd: {  	[smem:$0x3FB3] =	sst s5  }
0xe: {  	[smem:$0x3FB4] =	sst s6  }
0xf: {  	[smem:$0x3FB5] =	sst s7  }
0x10: {  	[smem:$0x3FB6] =	sst s8  }
0x11: {  	[smem:$0x3FB7] =	sst s9;
	s0 =	simm.s32 @!p0 $0x0  }
0x12: {  	s1 =	sld [smem:$0x3F9D];
	s0 =	simm.s32 @p0 $0x1  }
0x13: {  	[smem:$0x3FB8] =	sst s0;
	s0 =	simm.s32 @!p1 $0x0  }
0x14: {  	s2 =	sld [smem:$0x3F9C];
	s0 =	simm.s32 @p1 $0x1  }
0x15: {  	[smem:$0x3FB9] =	sst s0;
	s0 =	simm.s32 @!p2 $0x0  }
0x16: {  	s3 =	sld [smem:$0x3FDB];
	s0 =	simm.s32 @p2 $0x1  }
0x17: {  	s4 =	simm.s32 $0x1BF5;
	[smem:$0x3FBB] =	sst s0  }
0x18: {  	s0 =	sld [smem:$0x3F9E];
	_ =	swait.ge [sflag:s4], $0x0  }
0x19: {  	s7 =	sld [smem:$0x3F9F]  }
0x1a: {  	s8 =	sadd.s32 $0xFFFFE003, lr  }
0x1b: {  	s9 =	sadd.s32 $0xFFFFFEF7, lr;
	s5 =	simm.s32 $0xFFFFFFFF;
	p2 =	slt.u32 s8, $0xFFFFF086  }
0x1c: {  	p1 =	slt.u32 s9, $0xF7A;
	s5 =	simm.s32 @!p2 $0x0  }
0x1d: {  	s5 =	simm.s32 @p1 $0x1;
	p0 =	seq.s32 s7, s2  }
0x1e: {  	s7 =	smul.u32 @!p0 $0xF7A, s2;
	p2 =	seq.s32 @!p0 s5, $0x0  }
0x1f: {  	s9 =	smul.u32 $0xF7A, s1;
	s8 =	simm.s32 @!p0 $0x1BF5;
	p2 =	por !p2, p0  }
0x20: {  	[sflag:s8] =	ssyncset.s32 @!p0 $0xFFFFF086;
	s6 =	sadd.s32 @!p0 s3, s7;
	s7 =	simm.s32 @!p0 $0x108  }
0x21: {  	s3 =	sadd.s32 s3, s9;
	s6 =	sadd.s32 @!p0 $0x88, s6;
	s7 =	simm.s32 @p2 $0x1082  }
0x22: {  	[simem:s7], [sflag:s8] =	dma.local @!p0 [hbm:s6], $0xF7A  }
0x23: {  	s9 =	sor.u32 $0xD0000000, s2;
	s6 =	simm.s32 $0x108;
	_ =	swait.ge @!p0 [sflag:s8], $0x0  }
0x24: {  	s3 =	sadd.s32 $0x88, s3;
	s6 =	simm.s32 @!p1 $0x1082;
	[sflag:s4] =	ssyncset.s32 $0xFFFFF086  }
0x25: {  	[simem:s6], [sflag:s4] =	dma.local [hbm:s3], $0xF7A  }
0x26: {  	[smem:$0x3F9F] =	sst s1;
	(tag) =	ssettag s2;
	_ =	strace s9  }
0x27: {  	s1 =	sld [smem:$0x3FAF]  }
0x28: {  	s2 =	sld [smem:$0x3FB0]  }
0x29: {  	s4 =	sld [smem:$0x3FB2]  }
0x2a: {  	p0 =	seq.s32 s5, $0x0;
	s5 =	sld [smem:$0x3FB3]  }
0x2b: {  	s6 =	sld [smem:$0x3FB4]  }
0x2c: {  	s7 =	sld [smem:$0x3FB5]  }
0x2d: {  	s3 =	simm.s32 $0x108;
	s8 =	sld [smem:$0x3FB6]  }
0x2e: {  	s3 =	simm.s32 @!p0 $0x1082;
	s9 =	sld [smem:$0x3FB7]  }
0x2f: {  	lr =	sadd.s32 s0, s3;
	s0 =	sld [smem:$0x3FAE]  }
0x30: {  	s3 =	sld [smem:$0x3FB1]  }
0x31: {  	[smem:$0x3FBA] =	sst s10  }
0x32: {  	s10 =	sld [smem:$0x3FB8];
	_ =	sdelay $0x3  }
0x33: {  	p0 =	seq.s32 s10, $0x1;
	s10 =	sld [smem:$0x3FBA];
	_ =	sdelay $0x3  }
0x34: {  	[smem:$0x3FBA] =	sst s10  }
0x35: {  	s10 =	sld [smem:$0x3FB9];
	_ =	sdelay $0x3  }
0x36: {  	p1 =	seq.s32 s10, $0x1;
	s10 =	sld [smem:$0x3FBA];
	_ =	sdelay $0x3  }
0x37: {  	[smem:$0x3FBA] =	sst s10  }
0x38: {  	s10 =	sld [smem:$0x3FBB]  }
0x39: {  	_ = 	snop;
	(pc) =	sbr.ind lr, $3  }
0x3a: {  	_ = 	snop  }
0x3b: {  	_ = 	snop  }
0x3c: {  	p2 =	seq.s32 s10, $0x1;
	s10 =	sld [smem:$0x3FBA]  }
0x3d: {  	_ =	shalt  }
0x3e: {  	_ =	shalt  }
0x3f: {  	_ =	shalt  }
0x40: {  	_ =	shalt  }
0x41: {  	_ =	shalt  }
0x42: {  	_ =	shalt  }
0x43: {  	_ =	shalt  }
0x44: {  	_ =	shalt  }
0x45: {  	_ =	shalt  }
0x46: {  	_ =	shalt  }
0x47: {  	_ =	shalt  }
0x48: {  	_ =	shalt  }
0x49: {  	_ =	shalt  }
0x4a: {  	_ =	shalt  }
0x4b: {  	_ =	shalt  }
0x4c: {  	_ =	shalt  }
0x4d: {  	_ =	shalt  }
0x4e: {  	_ =	shalt  }
0x4f: {  	_ =	shalt  }
0x50: {  	_ =	shalt  }
0x51: {  	_ =	shalt  }
0x52: {  	_ =	shalt  }
0x53: {  	_ =	shalt  }
0x54: {  	_ =	shalt  }
0x55: {  	_ =	shalt  }
0x56: {  	_ =	shalt  }
0x57: {  	_ =	shalt  }
0x58: {  	_ =	shalt  }
0x59: {  	_ =	shalt  }
0x5a: {  	_ =	shalt  }
0x5b: {  	_ =	shalt  }
0x5c: {  	_ =	shalt  }
0x5d: {  	_ =	shalt  }
0x5e: {  	_ =	shalt  }
0x5f: {  	_ =	shalt  }
0x60: {  	_ =	shalt  }
0x61: {  	_ =	shalt  }
0x62: {  	_ =	shalt  }
0x63: {  	_ =	shalt  }
0x64: {  	_ =	shalt  }
0x65: {  	_ =	shalt  }
0x66: {  	_ =	shalt  }
0x67: {  	_ =	shalt  }
0x68: {  	_ =	shalt  }
0x69: {  	_ =	shalt  }
0x6a: {  	_ =	shalt  }
0x6b: {  	_ =	shalt  }
0x6c: {  	_ =	shalt  }
0x6d: {  	_ =	shalt  }
0x6e: {  	_ =	shalt  }
0x6f: {  	_ =	shalt  }
0x70: {  	_ =	shalt  }
0x71: {  	_ =	shalt  }
0x72: {  	_ =	shalt  }
0x73: {  	_ =	shalt  }
0x74: {  	_ =	shalt  }
0x75: {  	_ =	shalt  }
0x76: {  	_ =	shalt  }
0x77: {  	_ =	shalt  }
0x78: {  	_ =	shalt  }
0x79: {  	_ =	shalt  }
0x7a: {  	_ =	shalt  }
0x7b: {  	_ =	shalt  }
0x7c: {  	_ =	shalt  }
0x7d: {  	_ =	shalt  }
0x7e: {  	_ =	shalt  }
0x7f: {  	_ =	shalt  }
0x80: {  	_ =	shalt  }
0x81: {  	_ =	shalt  }
0x82: {  	_ =	shalt  }
0x83: {  	_ =	shalt  }
0x84: {  	_ =	shalt  }
0x85: {  	_ =	shalt  }
0x86: {  	_ =	shalt  }
0x87: {  	_ =	shalt  }
.Lfunc_end0:
.L_simem_size_0:
called_computation.1_lowered:
.L_overlay_start_0:
0x88: {  	s2 =	sld [smem:$0x3FD9]  }
0x89: {  	s3 =	sld [smem:$0x3FFE];
	_ =	sdelay $0x1  }
0x8a: {  	s1 =	srdreg.scid  }
0x8b: {  	s0 =	sand.u32 $0x1, s1  }
0x8c: {  	s17 =	sshll.u32 s0, $0xA;
	s2 =	sadd.s32 s3, s2  }
0x8d: {  	s2 =	sadd.s32 s2, s17  }
0x8e: {  	[smem:$0x3FC6] =	sst s2  }
0x8f: {  	_ = 	snop  }
0x90: {  	s2 =	sld [smem:$0x3FD0];
	(tm) =	ssettm $0x1  }
0x91: {  	s18 =	sld [smem:$0x3FFB];
	_ =	sdelay $0x3  }
0x92: {  	_ =	strace s18  }
0x93: {  	s3 =	sld [smem:$0x3FFC];
	_ =	sdelay $0x3  }
0x94: {  	_ =	strace s3  }
0x95: {  	s3 =	sld [smem:$0x3FFD];
	_ =	sdelay $0x3  }
0x96: {  	_ =	strace s3  }
0x97: {  	_ =	strace $0x8FFFFFFF  }
0x98: {  	s19 =	sld [smem:$0x3FDB];
	_ =	sdelay $0x1  }
0x99: {  	s4 =	simm.s32 $_scs_section_size  }
0x9a: {  	s5 =	simm.s32 $_size__tile_overlayer_lowered;
	s6 =	simm.s32 $_tile_overlayer_lowered  }
0x9b: {  	s22 =	simm.s32 $0x1BFF;
	s21 =	sshll.u32 s6, $0x1;
	s3 =	sadd.s32 s4, s19  }
0x9c: {  	s7 =	simm.s32 $0x0;
	s20 =	sshll.u32 s5, $0x1;
	s5 =	sadd.s32 s21, s3  }
0x9d: {  	[timem:s7], [sflag:s22] =	dma.local [hbm:s5], s20  }
0x9e: {  	_ =	swait.ge [sflag:s22], s20  }
0x9f: {  	s4 =	ssub.s32 $0x0, s20;
	[sflag:s22] =	ssyncset.done $0x0  }
0xa0: {  	[sflag:s22] =	ssyncadd.s32 s4;
	_ =	sdelay $0x1  }
0xa1: {  	s23 =	simm.s32 $0x1B8B  }
0xa2: {  	_ =	swait.ge [sflag:s23], $0x1  }
0xa3: {  	[sflag:s23] =	ssyncset.done $0x0  }
0xa4: {  	s25 =	simm.s32 $0x1B8E;
	s24 =	sld [smem:$0x3FFE];
	[sflag:s23] =	ssyncadd.s32 $0xFFFFFFFF  }
0xa5: {  	s26 =	simm.s32 $execute0_lowered;
	[smem:$0x3FD2] =	sst s25  }
0xa6: {  	s5 =	sshll.u32 s26, $0x1;
	_ =	strace $0x80000046;
	[dreg:$0x1] =	wrdreg $0xFFFFFFFF  }
0xa7: {  	s28 =	simm.s32 $_size_execute0_lowered;
	s3 =	sadd.s32 s3, s5;
	[dreg:$0x0] =	wrdreg $0x0  }
0xa8: {  	s5 =	sshll.u32 s28, $0x1;
	[dreg:$0x2] =	wrdreg s3  }
0xa9: {  	[dreg:$0x3] =	wrdreg s5  }
0xaa: {  	[dreg:$0x4] =	wrdreg $0xC0  }
0xab: {  	_ =	task [dreg:s7], $0x5FFFF  }
0xac: {  	[dreg:$0x1] =	wrdreg $0xFFFFFFFF  }
0xad: {  	[dreg:$0x0] =	wrdreg $0x60  }
0xae: {  	[dreg:$0x2] =	wrdreg s24  }
0xaf: {  	[dreg:$0x3] =	wrdreg s2  }
0xb0: {  	[dreg:$0x4] =	wrdreg $0x9  }
0xb1: {  	_ =	task.clear_ibuf [dreg:s7], $0x5FFFF;
	_ =	strace $0x90000046  }
0xb2: {  	s29 =	simm.s32 $0x9;
	_ =	strace $0x80000048  }
0xb3: {  	_ =	swait.ge [sflag:s29], $0x1  }
0xb4: {  	[sflag:s29] =	ssyncadd.s32 $0xFFFFFFFF  }
0xb5: {  	_ =	strace $0x90000048  }
0xb6: {  	_ =	sfence  }
0xb7: {  	s30 =	sld [smem:$0x0];
	_ =	sdelay $0x2  }
0xb8: {  	s31 =	sshll.u32 s1, $0xD;
	s1 =	sshrl.u32 s1, $0x2  }
0xb9: {  	s3 =	sand.u32 $0x4000, s31;
	s1 =	sadd.s32 s1, s30  }
0xba: {  	s0 =	sor.u32 s3, s0;
	s1 =	sshll.u32 s1, $0x11  }
0xbb: {  	s0 =	sor.u32 s1, s0  }
0xbc: {  	s0 =	sadd.s32 $0x8F2B, s0  }
0xbd: {  	[sflag:s0] =	ssyncadd.remote.s32 $0x1  }
0xbe: {  	_ =	sfence.sel $0xFFFF  }
0xbf: {  	[dreg:$0x0] =	wrdreg $0xFFFFFFFF;
	(pc) =	sbr.abs _section_cstart, $3  }
0xc0: {  	[dreg:$0x1] =	wrdreg $0xFFFFFFFF  }
0xc1: {  	_ =	task.clear_ibuf [dreg:s7], $0x2FFFF;
	_ =	strace $0x9FFFFFFF  }
0xc2: {  	(tm) =	ssettm $0x7FFFFFFF  }
0xc3: {  	_ =	shalt  }
tec
execute0_lowered:
.L_overlay_start_1:
0x0: {  	(tag) =	ssettag $0x1  }
0x1: {  	s6 =	stileid.u32  }
0x2: {  	s8 =	smul.u32 $0x3200, s6  }
0x3: {  	s0 =	srdreg.scid;
	s10 =	smul.u32 $0xC8000, s6  }
0x4: {  	s1 =	rddreg [dreg:$0x0];
	s0 =	sand.u32 $0x1, s0;
	s12 =	smul.u32 $0x320000, s6  }
0x5: {  	s5 =	rddreg [dreg:$0x1];
	s2 =	sshll.u32 s6, $0x1;
	s13 =	smul.u32 $0x190000, s0  }
0x6: {  	s4 =	sadd.s32 $0xF43200, s1;
	s11 =	sadd.s32 $0x7E00, s1;
	s21 =	smul.u32 $0x64000, s0  }
0x7: {  	s3 =	sor.u32 s0, s2;
	s19 =	ssub.s32 $0x2, s0;
	s0 =	smul.u32 $0x1900, s0  }
0x8: {  	s6 =	sadd.s32 $0x8800, s1;
	s2 =	simm.s32 $0x0;
	s7 =	smul.u32 $0x380, s3  }
0x9: {  	[smem:$0x7FF] =	sst s2;
	s3 =	smul.u32 $0x1900, s3;
	s20 =	sshrl.u32 s19, $0x1  }
0xa: {  	_ =	strace $0x80000047;
	[dreg:$0x5] =	wrdreg s11;
	s23 =	sadd.s32 s13, s12  }
0xb: {  	s24 =	sadd.s32 s21, s10;
	s8 =	sadd.s32 s0, s8;
	s9 =	sadd.s32 s7, s1  }
0xc: {  	s1 =	ssub.s32 s19, s20;
	s5 =	sadd.s32 s5, s7;
	[dreg:$0x9] =	wrdreg s8  }
0xd: {  	s25 =	sor.u32 $0xF00, s23;
	s26 =	sor.u32 $0x3C0, s24;
	[dreg:$0x6] =	wrdreg s5  }
0xe: {  	s29 =	sor.u32 $0x80, s8;
	s30 =	sshrl.u32 s23, $0x2;
	[dreg:$0xa] =	wrdreg s26  }
0xf: {  	s31 =	sor.u32 $0x23C0, s24;
	s20 =	simm.s32 $0x80;
	[dreg:$0xc] =	wrdreg s29  }
0x10: {  	s24 =	simm.s32 $0x2;
	s22 =	sadd.s32 $0xE00, s9;
	[dreg:$0xe] =	wrdreg s31  }
0x11: {  	s1 =	smax.u32 s1, $0x1;
	s28 =	sshrl.u32 s25, $0x2;
	[dreg:$0x7] =	wrdreg s22  }
0x12: {  	s25 =	simm.s32 $0x4;
	[dreg:$0x8] =	wrdreg s1;
	s0 =	sadd.s32 $0x13800, s28  }
0x13: {  	s26 =	simm.s32 $0xF800;
	[dreg:$0xb] =	wrdreg s0;
	s0 =	sadd.s32 $0x13800, s30  }
0x14: {  	v0 =	vimm.f32 $8.000000000e+00;
	s22 =	simm.s32 $0x1;
	s1 =	simm.s32 $0x0;
	[dreg:$0xd] =	wrdreg s0  }
.LBB2_1:
0x15: {  	[dreg:$0xf] =	wrdreg s1  }
0x16: {  	s0 =	rddreg [dreg:$0x5];
	s18 =	simm.s32 $0x13800;
	s19 =	simm.s32 $0x5  }
0x17: {  	[tilespmem:s18], [sflag:$0x5] =	stream.linear.gather [hbm4b:s0+s2], $0x5000, $0x38;
	[tilespmem:$0x18800] =	vst v63  }
0x18: {  	_ =	swait.ge [sflag:s19], $0x5000  }
0x19: {  	[sflag:s19] =	ssyncset.done $0x0  }
0x1a: {  	s21 =	rddreg [dreg:$0x6];
	[sflag:s19] =	ssyncadd.s32 $0xFFFFB000  }
0x1b: {  	[tilespmem:s2], [sflag:$0x5] =	stream.linear.gather [hbm4b:s21+s2], $0x1900, $0x38;
	[tilespmem:$0x18800] =	vst v63  }
0x1c: {  	_ =	swait.ge [sflag:s19], $0x1900  }
0x1d: {  	[sflag:s19] =	ssyncset.done $0x0  }
0x1e: {  	s5 =	simm.s32 $0x1C00;
	s23 =	rddreg [dreg:$0x7];
	[sflag:s19] =	ssyncadd.s32 $0xFFFFE700  }
0x1f: {  	[tilespmem:s5], [sflag:$0x5] =	stream.linear.gather [hbm4b:s23+s2], $0x1900, $0x38;
	[tilespmem:$0x18800] =	vst v63  }
0x20: {  	_ =	swait.ge [sflag:s19], $0x1900  }
0x21: {  	s30 =	rddreg [dreg:$0xe]  }
0x22: {  	s14 =	rddreg [dreg:$0xd]  }
0x23: {  	s13 =	rddreg [dreg:$0xc]  }
0x24: {  	s29 =	simm.s32 $0x3800;
	s31 =	simm.s32 $0x80;
	s8 =	rddreg [dreg:$0xb]  }
0x25: {  	s15 =	simm.s32 $0x0;
	[sflag:s19] =	ssyncset.done $0x0;
	s28 =	rddreg [dreg:$0xa]  }
0x26: {  	s18 =	simm.s32 $0x0;
	s10 =	rddreg [dreg:$0x9];
	[sflag:s19] =	ssyncadd.s32 $0xFFFFE700  }
0x27: {  	[tilespmem:s29], [sflag:$0x1] =	stream.indirect.gather [hbm4b:s4+s20], $0x80, s5, s20, $0xb8;
	[tilespmem:$0x18800] =	vst v63  }
.LBB2_2:
0x28: {  	s0 =	smulhi.u32 $0x51EB851F, s13  }
0x29: {  	s1 =	smulhi.u32 $0x51EB851F, s10;
	s21 =	sshll.u32 s18, $0x8  }
0x2a: {  	s9 =	simm.s32 $0x7800;
	s23 =	sadd.s32 $0x1C80, s21;
	s0 =	sshrl.u32 s0, $0x6  }
0x2b: {  	[tilespmem:s9], [sflag:$0x2] =	stream.indirect.gather [hbm4b:s4+s20], $0x80, s23, s20, $0xb8;
	[tilespmem:$0x18800] =	vst v63  }
0x2c: {  	s1 =	sshrl.u32 s1, $0x6;
	s5 =	smul.u32 $0xFFFFCE00, s0  }
0x2d: {  	s7 =	smul.u32 $0xFFFFCE00, s1  }
0x2e: {  	[dreg:$0x4] =	wrdreg s5  }
0x2f: {  	[dreg:$0x3] =	wrdreg s7  }
0x30: {  	p0 =	seq.s32 s18, $0x0;
	s16 =	smov.u32 s15;
	_ =	swait.ge [sflag:s22], $0x4000  }
0x31: {  	s12 =	smov.u32 s8;
	s1 =	smul.u32 $0xFFFF3800, s1;
	[sflag:s22] =	ssyncset.done $0x0  }
0x32: {  	s11 =	simm.s32 @!p0 $0x3;
	s9 =	smul.u32 $0xFFFF3800, s0;
	[sflag:s22] =	ssyncadd.s32 $0xFFFFC000  }
0x33: {  	s0 =	sadd.s32 s3, s21;
	s7 =	sor.u32 $0x80, s21;
	_ =	swait.ge @!p0 [sflag:s11], $0x4000  }
0x34: {  	s29 =	sshra.s32 s1, $0x2;
	s5 =	sshll.u32 s18, $0xA;
	[sflag:s11] =	ssyncset.done @!p0 $0x0  }
0x35: {  	s1 =	simm.s32 $0x0;
	v1 =	vmov s29;
	[sflag:s11] =	ssyncadd.s32 @!p0 $0xFFFFC000;
	s11 =	smov.u32 s28  }
.LBB2_3:
0x36: {  	v2 =	vld [tilespmem:s16+$0x0];
	_ =	sdelay $0x4  }
0x37: {  	v3 =	vshll.u32 v2, $0x6  }
0x38: {  	s17 =	sshra.s32 s1, $0x2;
	v3 =	vand.u32 $0x40, v3  }
0x39: {  	v3 =	vadd.s32 s17, v3  }
0x3a: {  	(v2sf) =	vpush v3, $0x1  }
0x3b: {  	(v2sf) =	vpush v3, $0x0;
	_ =	sdelay $0xd  }
0x3c: {  	s19 =	spop (v2sf)  }
0x3d: {  	s29 =	spop (v2sf)  }
0x3e: {  	v4 =	vld [tilespmem:s29+$0x3800]  }
0x3f: {  	vm0 =	veq.s32 v2, $0x0  }
0x40: {  	v5 =	vld.idx.msk [tilespmem:v1+s12+$0xFFFFFC40 ss:$0x1], $0xffff;
	v2 =	vsel vm0, $0x0, v0  }
0x41: {  	v6 =	vbroadcast v2, $0x0;
	_ =	sdelay $0x1  }
0x42: {  	v4 =	vmul.f32 v6, v4;
	_ =	sdelay $0x1  }
0x43: {  	v4 =	vadd.f32 v4, v5;
	_ =	sdelay $0x1  }
0x44: {  	[tilespmem:s17+$0xB800] =	vst v4  }
0x45: {  	v4 =	vld [tilespmem:s29+$0x3810];
	_ =	sdelay $0x1  }
0x46: {  	v43 =	vld.idx.msk [tilespmem:v1+s12+$0xFFFFFC50 ss:$0x1], $0xffff;
	_ =	sdelay $0x2  }
0x47: {  	v4 =	vmul.f32 v4, v6;
	_ =	sdelay $0x1  }
0x48: {  	v4 =	vadd.f32 v43, v4;
	_ =	sdelay $0x1  }
0x49: {  	[tilespmem:s17+$0xB810] =	vst v4  }
0x4a: {  	v4 =	vld [tilespmem:s29+$0x3820];
	_ =	sdelay $0x1  }
0x4b: {  	v44 =	vld.idx.msk [tilespmem:v1+s12+$0xFFFFFC60 ss:$0x1], $0xffff;
	_ =	sdelay $0x2  }
0x4c: {  	v4 =	vmul.f32 v4, v6;
	_ =	sdelay $0x1  }
0x4d: {  	v4 =	vadd.f32 v44, v4;
	_ =	sdelay $0x1  }
0x4e: {  	[tilespmem:s17+$0xB820] =	vst v4  }
0x4f: {  	v4 =	vld [tilespmem:s29+$0x3830];
	_ =	sdelay $0x1  }
0x50: {  	v45 =	vld.idx.msk [tilespmem:v1+s12+$0xFFFFFC70 ss:$0x1], $0xffff;
	_ =	sdelay $0x2  }
0x51: {  	v4 =	vmul.f32 v4, v6;
	_ =	sdelay $0x1  }
0x52: {  	v4 =	vadd.f32 v45, v4;
	_ =	sdelay $0x1  }
0x53: {  	[tilespmem:s17+$0xB830] =	vst v4  }
0x54: {  	v4 =	vld [tilespmem:s19+$0x3880];
	_ =	sdelay $0x1  }
0x55: {  	v46 =	vld.idx.msk [tilespmem:v1+s12+$0xFFFFFC80 ss:$0x1], $0xffff  }
0x56: {  	v47 =	vbroadcast v2, $0x1;
	_ =	sdelay $0x1  }
0x57: {  	v4 =	vmul.f32 v4, v47;
	_ =	sdelay $0x1  }
0x58: {  	v4 =	vadd.f32 v46, v4  }
0x59: {  	s23 =	rddreg [dreg:$0x3]  }
0x5a: {  	s29 =	sadd.s32 s11, s23;
	[tilespmem:s17+$0xB880] =	vst v4  }
0x5b: {  	s21 =	sadd.s32 $0xFFFFFC80, s29;
	v4 =	vld [tilespmem:s19+$0x3890]  }
0x5c: {  	s23 =	sor.u32 $0x50, s21  }
0x5d: {  	v48 =	vld [tilespmem:s23+$0x13800];
	_ =	sdelay $0x2  }
0x5e: {  	v4 =	vmul.f32 v4, v47;
	_ =	sdelay $0x1  }
0x5f: {  	v4 =	vadd.f32 v48, v4;
	_ =	sdelay $0x1  }
0x60: {  	[tilespmem:s17+$0xB890] =	vst v4  }
0x61: {  	v4 =	vld [tilespmem:s19+$0x38A0]  }
0x62: {  	s23 =	sor.u32 $0x60, s21  }
0x63: {  	v49 =	vld [tilespmem:s23+$0x13800]  }
0x64: {  	(v2sf) =	vpush v3, $0x3  }
0x65: {  	(v2sf) =	vpush v3, $0x2  }
0x66: {  	v4 =	vmul.f32 v4, v47;
	_ =	sdelay $0x1  }
0x67: {  	v4 =	vadd.f32 v49, v4;
	_ =	sdelay $0x1  }
0x68: {  	[tilespmem:s17+$0xB8A0] =	vst v4  }
0x69: {  	v4 =	vld [tilespmem:s19+$0x38B0]  }
0x6a: {  	s21 =	sor.u32 $0x70, s21  }
0x6b: {  	v50 =	vld [tilespmem:s21+$0x13800];
	_ =	sdelay $0x2  }
0x6c: {  	v4 =	vmul.f32 v4, v47;
	_ =	sdelay $0x1  }
0x6d: {  	v4 =	vadd.f32 v50, v4  }
0x6e: {  	s19 =	spop (v2sf)  }
0x6f: {  	s23 =	spop (v2sf);
	[tilespmem:s17+$0xB8B0] =	vst v4  }
0x70: {  	v4 =	vld [tilespmem:s23+$0x3900];
	_ =	sdelay $0x1  }
0x71: {  	v51 =	vld.idx.msk [tilespmem:v1+s12+$0xFFFFFCC0 ss:$0x1], $0xffff  }
0x72: {  	v52 =	vbroadcast v2, $0x2;
	_ =	sdelay $0x1  }
0x73: {  	v4 =	vmul.f32 v4, v52;
	_ =	sdelay $0x1  }
0x74: {  	v4 =	vadd.f32 v51, v4;
	_ =	sdelay $0x1  }
0x75: {  	[tilespmem:s17+$0xB900] =	vst v4  }
0x76: {  	v4 =	vld [tilespmem:s23+$0x3910];
	_ =	sdelay $0x1  }
0x77: {  	v53 =	vld.idx.msk [tilespmem:v1+s12+$0xFFFFFCD0 ss:$0x1], $0xffff;
	_ =	sdelay $0x2  }
0x78: {  	v4 =	vmul.f32 v4, v52;
	_ =	sdelay $0x1  }
0x79: {  	v4 =	vadd.f32 v53, v4;
	_ =	sdelay $0x1  }
0x7a: {  	[tilespmem:s17+$0xB910] =	vst v4  }
0x7b: {  	v4 =	vld [tilespmem:s23+$0x3920];
	_ =	sdelay $0x1  }
0x7c: {  	v54 =	vld.idx.msk [tilespmem:v1+s12+$0xFFFFFCE0 ss:$0x1], $0xffff;
	_ =	sdelay $0x2  }
0x7d: {  	v4 =	vmul.f32 v4, v52;
	_ =	sdelay $0x1  }
0x7e: {  	v4 =	vadd.f32 v54, v4;
	_ =	sdelay $0x1  }
0x7f: {  	[tilespmem:s17+$0xB920] =	vst v4  }
0x80: {  	v4 =	vld [tilespmem:s23+$0x3930];
	_ =	sdelay $0x1  }
0x81: {  	v55 =	vld.idx.msk [tilespmem:v1+s12+$0xFFFFFCF0 ss:$0x1], $0xffff;
	_ =	sdelay $0x2  }
0x82: {  	v4 =	vmul.f32 v4, v52;
	_ =	sdelay $0x1  }
0x83: {  	v4 =	vadd.f32 v55, v4;
	_ =	sdelay $0x1  }
0x84: {  	[tilespmem:s17+$0xB930] =	vst v4  }
0x85: {  	v4 =	vld [tilespmem:s19+$0x3980];
	_ =	sdelay $0x1  }
0x86: {  	v56 =	vld.idx.msk [tilespmem:v1+s12+$0xFFFFFD00 ss:$0x1], $0xffff  }
0x87: {  	v57 =	vbroadcast v2, $0x3;
	_ =	sdelay $0x1  }
0x88: {  	v4 =	vmul.f32 v4, v57;
	_ =	sdelay $0x1  }
0x89: {  	v4 =	vadd.f32 v56, v4;
	_ =	sdelay $0x1  }
0x8a: {  	[tilespmem:s17+$0xB980] =	vst v4  }
0x8b: {  	s21 =	sadd.s32 $0xFFFFFD00, s29;
	v4 =	vld [tilespmem:s19+$0x3990]  }
0x8c: {  	s23 =	sor.u32 $0x50, s21  }
0x8d: {  	v58 =	vld [tilespmem:s23+$0x13800];
	_ =	sdelay $0x2  }
0x8e: {  	v4 =	vmul.f32 v4, v57;
	_ =	sdelay $0x1  }
0x8f: {  	v4 =	vadd.f32 v58, v4;
	_ =	sdelay $0x1  }
0x90: {  	[tilespmem:s17+$0xB990] =	vst v4  }
0x91: {  	v4 =	vld [tilespmem:s19+$0x39A0]  }
0x92: {  	s23 =	sor.u32 $0x60, s21  }
0x93: {  	v59 =	vld [tilespmem:s23+$0x13800]  }
0x94: {  	(v2sf) =	vpush v3, $0x5  }
0x95: {  	(v2sf) =	vpush v3, $0x4  }
0x96: {  	v4 =	vmul.f32 v4, v57;
	_ =	sdelay $0x1  }
0x97: {  	v4 =	vadd.f32 v59, v4;
	_ =	sdelay $0x1  }
0x98: {  	[tilespmem:s17+$0xB9A0] =	vst v4  }
0x99: {  	v4 =	vld [tilespmem:s19+$0x39B0]  }
0x9a: {  	s21 =	sor.u32 $0x70, s21  }
0x9b: {  	v60 =	vld [tilespmem:s21+$0x13800];
	_ =	sdelay $0x2  }
0x9c: {  	v4 =	vmul.f32 v4, v57;
	_ =	sdelay $0x1  }
0x9d: {  	v4 =	vadd.f32 v60, v4  }
0x9e: {  	s19 =	spop (v2sf)  }
0x9f: {  	s23 =	spop (v2sf);
	[tilespmem:s17+$0xB9B0] =	vst v4  }
0xa0: {  	v4 =	vld [tilespmem:s23+$0x3A00];
	_ =	sdelay $0x1  }
0xa1: {  	v61 =	vld.idx.msk [tilespmem:v1+s12+$0xFFFFFD40 ss:$0x1], $0xffff  }
0xa2: {  	v62 =	vbroadcast v2, $0x4;
	_ =	sdelay $0x1  }
0xa3: {  	v4 =	vmul.f32 v4, v62;
	_ =	sdelay $0x1  }
0xa4: {  	v4 =	vadd.f32 v61, v4;
	_ =	sdelay $0x1  }
0xa5: {  	[tilespmem:s17+$0xBA00] =	vst v4  }
0xa6: {  	v4 =	vld [tilespmem:s23+$0x3A10];
	_ =	sdelay $0x1  }
0xa7: {  	v63 =	vld.idx.msk [tilespmem:v1+s12+$0xFFFFFD50 ss:$0x1], $0xffff;
	_ =	sdelay $0x2  }
0xa8: {  	v4 =	vmul.f32 v4, v62;
	_ =	sdelay $0x1  }
0xa9: {  	v4 =	vadd.f32 v63, v4;
	_ =	sdelay $0x1  }
0xaa: {  	[tilespmem:s17+$0xBA10] =	vst v4  }
0xab: {  	v4 =	vld [tilespmem:s23+$0x3A20];
	_ =	sdelay $0x1  }
0xac: {  	v8 =	vld.idx.msk [tilespmem:v1+s12+$0xFFFFFD60 ss:$0x1], $0xffff;
	_ =	sdelay $0x2  }
0xad: {  	v4 =	vmul.f32 v4, v62;
	_ =	sdelay $0x1  }
0xae: {  	v4 =	vadd.f32 v8, v4;
	_ =	sdelay $0x1  }
0xaf: {  	[tilespmem:s17+$0xBA20] =	vst v4  }
0xb0: {  	v4 =	vld [tilespmem:s23+$0x3A30];
	_ =	sdelay $0x1  }
0xb1: {  	v9 =	vld.idx.msk [tilespmem:v1+s12+$0xFFFFFD70 ss:$0x1], $0xffff;
	_ =	sdelay $0x2  }
0xb2: {  	v4 =	vmul.f32 v4, v62;
	_ =	sdelay $0x1  }
0xb3: {  	v4 =	vadd.f32 v9, v4;
	_ =	sdelay $0x1  }
0xb4: {  	[tilespmem:s17+$0xBA30] =	vst v4  }
0xb5: {  	v4 =	vld [tilespmem:s19+$0x3A80];
	_ =	sdelay $0x1  }
0xb6: {  	v10 =	vld.idx.msk [tilespmem:v1+s12+$0xFFFFFD80 ss:$0x1], $0xffff  }
0xb7: {  	v11 =	vbroadcast v2, $0x5;
	_ =	sdelay $0x1  }
0xb8: {  	v4 =	vmul.f32 v4, v11;
	_ =	sdelay $0x1  }
0xb9: {  	v4 =	vadd.f32 v10, v4;
	_ =	sdelay $0x1  }
0xba: {  	[tilespmem:s17+$0xBA80] =	vst v4  }
0xbb: {  	s21 =	sadd.s32 $0xFFFFFD80, s29;
	v4 =	vld [tilespmem:s19+$0x3A90]  }
0xbc: {  	s23 =	sor.u32 $0x50, s21  }
0xbd: {  	v12 =	vld [tilespmem:s23+$0x13800];
	_ =	sdelay $0x2  }
0xbe: {  	v4 =	vmul.f32 v4, v11;
	_ =	sdelay $0x1  }
0xbf: {  	v4 =	vadd.f32 v12, v4;
	_ =	sdelay $0x1  }
0xc0: {  	[tilespmem:s17+$0xBA90] =	vst v4  }
0xc1: {  	v4 =	vld [tilespmem:s19+$0x3AA0]  }
0xc2: {  	s23 =	sor.u32 $0x60, s21  }
0xc3: {  	v13 =	vld [tilespmem:s23+$0x13800]  }
0xc4: {  	(v2sf) =	vpush v3, $0x7  }
0xc5: {  	(v2sf) =	vpush v3, $0x6  }
0xc6: {  	v4 =	vmul.f32 v4, v11;
	_ =	sdelay $0x1  }
0xc7: {  	v4 =	vadd.f32 v13, v4;
	_ =	sdelay $0x1  }
0xc8: {  	[tilespmem:s17+$0xBAA0] =	vst v4  }
0xc9: {  	v4 =	vld [tilespmem:s19+$0x3AB0]  }
0xca: {  	s21 =	sor.u32 $0x70, s21  }
0xcb: {  	v14 =	vld [tilespmem:s21+$0x13800];
	_ =	sdelay $0x2  }
0xcc: {  	v4 =	vmul.f32 v4, v11;
	_ =	sdelay $0x1  }
0xcd: {  	v4 =	vadd.f32 v14, v4  }
0xce: {  	s19 =	spop (v2sf)  }
0xcf: {  	s23 =	spop (v2sf);
	[tilespmem:s17+$0xBAB0] =	vst v4  }
0xd0: {  	v4 =	vld [tilespmem:s23+$0x3B00];
	_ =	sdelay $0x1  }
0xd1: {  	v15 =	vld.idx.msk [tilespmem:v1+s12+$0xFFFFFDC0 ss:$0x1], $0xffff  }
0xd2: {  	v16 =	vbroadcast v2, $0x6;
	_ =	sdelay $0x1  }
0xd3: {  	v4 =	vmul.f32 v4, v16;
	_ =	sdelay $0x1  }
0xd4: {  	v4 =	vadd.f32 v15, v4;
	_ =	sdelay $0x1  }
0xd5: {  	[tilespmem:s17+$0xBB00] =	vst v4  }
0xd6: {  	v4 =	vld [tilespmem:s23+$0x3B10];
	_ =	sdelay $0x1  }
0xd7: {  	v17 =	vld.idx.msk [tilespmem:v1+s12+$0xFFFFFDD0 ss:$0x1], $0xffff;
	_ =	sdelay $0x2  }
0xd8: {  	v4 =	vmul.f32 v4, v16;
	_ =	sdelay $0x1  }
0xd9: {  	v4 =	vadd.f32 v17, v4;
	_ =	sdelay $0x1  }
0xda: {  	[tilespmem:s17+$0xBB10] =	vst v4  }
0xdb: {  	v4 =	vld [tilespmem:s23+$0x3B20];
	_ =	sdelay $0x1  }
0xdc: {  	v18 =	vld.idx.msk [tilespmem:v1+s12+$0xFFFFFDE0 ss:$0x1], $0xffff;
	_ =	sdelay $0x2  }
0xdd: {  	v4 =	vmul.f32 v4, v16;
	_ =	sdelay $0x1  }
0xde: {  	v4 =	vadd.f32 v18, v4;
	_ =	sdelay $0x1  }
0xdf: {  	[tilespmem:s17+$0xBB20] =	vst v4  }
0xe0: {  	v4 =	vld [tilespmem:s23+$0x3B30];
	_ =	sdelay $0x1  }
0xe1: {  	v19 =	vld.idx.msk [tilespmem:v1+s12+$0xFFFFFDF0 ss:$0x1], $0xffff;
	_ =	sdelay $0x2  }
0xe2: {  	v4 =	vmul.f32 v4, v16;
	_ =	sdelay $0x1  }
0xe3: {  	v4 =	vadd.f32 v19, v4;
	_ =	sdelay $0x1  }
0xe4: {  	[tilespmem:s17+$0xBB30] =	vst v4  }
0xe5: {  	v4 =	vld [tilespmem:s19+$0x3B80];
	_ =	sdelay $0x1  }
0xe6: {  	v20 =	vld.idx.msk [tilespmem:v1+s12+$0xFFFFFE00 ss:$0x1], $0xffff  }
0xe7: {  	v21 =	vbroadcast v2, $0x7;
	_ =	sdelay $0x1  }
0xe8: {  	v4 =	vmul.f32 v4, v21;
	_ =	sdelay $0x1  }
0xe9: {  	v4 =	vadd.f32 v20, v4;
	_ =	sdelay $0x1  }
0xea: {  	[tilespmem:s17+$0xBB80] =	vst v4  }
0xeb: {  	s21 =	sadd.s32 $0xFFFFFE00, s29;
	v4 =	vld [tilespmem:s19+$0x3B90]  }
0xec: {  	s23 =	sor.u32 $0x50, s21  }
0xed: {  	v22 =	vld [tilespmem:s23+$0x13800];
	_ =	sdelay $0x2  }
0xee: {  	v4 =	vmul.f32 v4, v21;
	_ =	sdelay $0x1  }
0xef: {  	v4 =	vadd.f32 v22, v4;
	_ =	sdelay $0x1  }
0xf0: {  	[tilespmem:s17+$0xBB90] =	vst v4  }
0xf1: {  	v4 =	vld [tilespmem:s19+$0x3BA0]  }
0xf2: {  	s23 =	sor.u32 $0x60, s21  }
0xf3: {  	v23 =	vld [tilespmem:s23+$0x13800]  }
0xf4: {  	(v2sf) =	vpush v3, $0x9  }
0xf5: {  	(v2sf) =	vpush v3, $0x8  }
0xf6: {  	v4 =	vmul.f32 v4, v21;
	_ =	sdelay $0x1  }
0xf7: {  	v4 =	vadd.f32 v23, v4;
	_ =	sdelay $0x1  }
0xf8: {  	[tilespmem:s17+$0xBBA0] =	vst v4  }
0xf9: {  	v4 =	vld [tilespmem:s19+$0x3BB0]  }
0xfa: {  	s21 =	sor.u32 $0x70, s21  }
0xfb: {  	v24 =	vld [tilespmem:s21+$0x13800];
	_ =	sdelay $0x2  }
0xfc: {  	v4 =	vmul.f32 v4, v21;
	_ =	sdelay $0x1  }
0xfd: {  	v4 =	vadd.f32 v24, v4  }
0xfe: {  	s19 =	spop (v2sf)  }
0xff: {  	s23 =	spop (v2sf);
	[tilespmem:s17+$0xBBB0] =	vst v4  }
0x100: {  	v4 =	vld [tilespmem:s23+$0x3C00];
	_ =	sdelay $0x1  }
0x101: {  	v25 =	vld.idx.msk [tilespmem:v1+s12+$0xFFFFFE40 ss:$0x1], $0xffff  }
0x102: {  	v26 =	vbroadcast v2, $0x8;
	_ =	sdelay $0x1  }
0x103: {  	v4 =	vmul.f32 v4, v26;
	_ =	sdelay $0x1  }
0x104: {  	v4 =	vadd.f32 v25, v4;
	_ =	sdelay $0x1  }
0x105: {  	[tilespmem:s17+$0xBC00] =	vst v4  }
0x106: {  	v4 =	vld [tilespmem:s23+$0x3C10];
	_ =	sdelay $0x1  }
0x107: {  	v27 =	vld.idx.msk [tilespmem:v1+s12+$0xFFFFFE50 ss:$0x1], $0xffff;
	_ =	sdelay $0x2  }
0x108: {  	v4 =	vmul.f32 v4, v26;
	_ =	sdelay $0x1  }
0x109: {  	v4 =	vadd.f32 v27, v4;
	_ =	sdelay $0x1  }
0x10a: {  	[tilespmem:s17+$0xBC10] =	vst v4  }
0x10b: {  	v4 =	vld [tilespmem:s23+$0x3C20];
	_ =	sdelay $0x1  }
0x10c: {  	v28 =	vld.idx.msk [tilespmem:v1+s12+$0xFFFFFE60 ss:$0x1], $0xffff;
	_ =	sdelay $0x2  }
0x10d: {  	v4 =	vmul.f32 v4, v26;
	_ =	sdelay $0x1  }
0x10e: {  	v4 =	vadd.f32 v28, v4;
	_ =	sdelay $0x1  }
0x10f: {  	[tilespmem:s17+$0xBC20] =	vst v4  }
0x110: {  	v4 =	vld [tilespmem:s23+$0x3C30];
	_ =	sdelay $0x1  }
0x111: {  	v29 =	vld.idx.msk [tilespmem:v1+s12+$0xFFFFFE70 ss:$0x1], $0xffff;
	_ =	sdelay $0x2  }
0x112: {  	v4 =	vmul.f32 v4, v26;
	_ =	sdelay $0x1  }
0x113: {  	v4 =	vadd.f32 v29, v4;
	_ =	sdelay $0x1  }
0x114: {  	[tilespmem:s17+$0xBC30] =	vst v4  }
0x115: {  	v4 =	vld [tilespmem:s19+$0x3C80];
	_ =	sdelay $0x1  }
0x116: {  	v30 =	vld.idx.msk [tilespmem:v1+s12+$0xFFFFFE80 ss:$0x1], $0xffff  }
0x117: {  	v31 =	vbroadcast v2, $0x9;
	_ =	sdelay $0x1  }
0x118: {  	v4 =	vmul.f32 v4, v31;
	_ =	sdelay $0x1  }
0x119: {  	v4 =	vadd.f32 v30, v4;
	_ =	sdelay $0x1  }
0x11a: {  	[tilespmem:s17+$0xBC80] =	vst v4  }
0x11b: {  	s21 =	sadd.s32 $0xFFFFFE80, s29;
	v4 =	vld [tilespmem:s19+$0x3C90]  }
0x11c: {  	s23 =	sor.u32 $0x50, s21  }
0x11d: {  	v32 =	vld [tilespmem:s23+$0x13800];
	_ =	sdelay $0x2  }
0x11e: {  	v4 =	vmul.f32 v4, v31;
	_ =	sdelay $0x1  }
0x11f: {  	v4 =	vadd.f32 v32, v4;
	_ =	sdelay $0x1  }
0x120: {  	[tilespmem:s17+$0xBC90] =	vst v4  }
0x121: {  	v4 =	vld [tilespmem:s19+$0x3CA0]  }
0x122: {  	s23 =	sor.u32 $0x60, s21  }
0x123: {  	v33 =	vld [tilespmem:s23+$0x13800]  }
0x124: {  	(v2sf) =	vpush v3, $0xB  }
0x125: {  	(v2sf) =	vpush v3, $0xA  }
0x126: {  	v4 =	vmul.f32 v4, v31;
	_ =	sdelay $0x1  }
0x127: {  	v4 =	vadd.f32 v33, v4;
	_ =	sdelay $0x1  }
0x128: {  	[tilespmem:s17+$0xBCA0] =	vst v4  }
0x129: {  	v4 =	vld [tilespmem:s19+$0x3CB0]  }
0x12a: {  	s21 =	sor.u32 $0x70, s21  }
0x12b: {  	v34 =	vld [tilespmem:s21+$0x13800];
	_ =	sdelay $0x2  }
0x12c: {  	v4 =	vmul.f32 v4, v31;
	_ =	sdelay $0x1  }
0x12d: {  	v4 =	vadd.f32 v34, v4  }
0x12e: {  	s19 =	spop (v2sf)  }
0x12f: {  	s23 =	spop (v2sf);
	[tilespmem:s17+$0xBCB0] =	vst v4  }
0x130: {  	v4 =	vld [tilespmem:s23+$0x3D00];
	_ =	sdelay $0x1  }
0x131: {  	v35 =	vld.idx.msk [tilespmem:v1+s12+$0xFFFFFEC0 ss:$0x1], $0xffff  }
0x132: {  	v36 =	vbroadcast v2, $0xA;
	_ =	sdelay $0x1  }
0x133: {  	v4 =	vmul.f32 v4, v36;
	_ =	sdelay $0x1  }
0x134: {  	v4 =	vadd.f32 v35, v4;
	_ =	sdelay $0x1  }
0x135: {  	[tilespmem:s17+$0xBD00] =	vst v4  }
0x136: {  	v4 =	vld [tilespmem:s23+$0x3D10];
	_ =	sdelay $0x1  }
0x137: {  	v37 =	vld.idx.msk [tilespmem:v1+s12+$0xFFFFFED0 ss:$0x1], $0xffff;
	_ =	sdelay $0x2  }
0x138: {  	v4 =	vmul.f32 v4, v36;
	_ =	sdelay $0x1  }
0x139: {  	v4 =	vadd.f32 v37, v4;
	_ =	sdelay $0x1  }
0x13a: {  	[tilespmem:s17+$0xBD10] =	vst v4  }
0x13b: {  	v4 =	vld [tilespmem:s23+$0x3D20];
	_ =	sdelay $0x1  }
0x13c: {  	v38 =	vld.idx.msk [tilespmem:v1+s12+$0xFFFFFEE0 ss:$0x1], $0xffff;
	_ =	sdelay $0x2  }
0x13d: {  	v4 =	vmul.f32 v4, v36;
	_ =	sdelay $0x1  }
0x13e: {  	v4 =	vadd.f32 v38, v4;
	_ =	sdelay $0x1  }
0x13f: {  	[tilespmem:s17+$0xBD20] =	vst v4  }
0x140: {  	v4 =	vld [tilespmem:s23+$0x3D30];
	_ =	sdelay $0x1  }
0x141: {  	v39 =	vld.idx.msk [tilespmem:v1+s12+$0xFFFFFEF0 ss:$0x1], $0xffff;
	_ =	sdelay $0x2  }
0x142: {  	v4 =	vmul.f32 v4, v36;
	_ =	sdelay $0x1  }
0x143: {  	v4 =	vadd.f32 v39, v4;
	_ =	sdelay $0x1  }
0x144: {  	[tilespmem:s17+$0xBD30] =	vst v4  }
0x145: {  	v4 =	vld [tilespmem:s19+$0x3D80];
	_ =	sdelay $0x1  }
0x146: {  	v40 =	vld.idx.msk [tilespmem:v1+s12+$0xFFFFFF00 ss:$0x1], $0xffff  }
0x147: {  	v41 =	vbroadcast v2, $0xB;
	_ =	sdelay $0x1  }
0x148: {  	v4 =	vmul.f32 v4, v41;
	_ =	sdelay $0x1  }
0x149: {  	v4 =	vadd.f32 v40, v4;
	_ =	sdelay $0x1  }
0x14a: {  	[tilespmem:s17+$0xBD80] =	vst v4  }
0x14b: {  	s21 =	sadd.s32 $0xFFFFFF00, s29;
	v4 =	vld [tilespmem:s19+$0x3D90]  }
0x14c: {  	s23 =	sor.u32 $0x50, s21  }
0x14d: {  	v42 =	vld [tilespmem:s23+$0x13800];
	_ =	sdelay $0x2  }
0x14e: {  	v4 =	vmul.f32 v4, v41;
	_ =	sdelay $0x1  }
0x14f: {  	v4 =	vadd.f32 v42, v4;
	_ =	sdelay $0x1  }
0x150: {  	[tilespmem:s17+$0xBD90] =	vst v4  }
0x151: {  	v4 =	vld [tilespmem:s19+$0x3DA0]  }
0x152: {  	s23 =	sor.u32 $0x60, s21  }
0x153: {  	v43 =	vld [tilespmem:s23+$0x13800]  }
0x154: {  	(v2sf) =	vpush v3, $0xD  }
0x155: {  	(v2sf) =	vpush v3, $0xC  }
0x156: {  	v4 =	vmul.f32 v4, v41;
	_ =	sdelay $0x1  }
0x157: {  	v4 =	vadd.f32 v43, v4;
	_ =	sdelay $0x1  }
0x158: {  	[tilespmem:s17+$0xBDA0] =	vst v4  }
0x159: {  	v4 =	vld [tilespmem:s19+$0x3DB0]  }
0x15a: {  	s21 =	sor.u32 $0x70, s21  }
0x15b: {  	v44 =	vld [tilespmem:s21+$0x13800];
	_ =	sdelay $0x2  }
0x15c: {  	v4 =	vmul.f32 v4, v41;
	_ =	sdelay $0x1  }
0x15d: {  	v4 =	vadd.f32 v44, v4  }
0x15e: {  	s19 =	spop (v2sf)  }
0x15f: {  	s23 =	spop (v2sf);
	[tilespmem:s17+$0xBDB0] =	vst v4  }
0x160: {  	v4 =	vld [tilespmem:s23+$0x3E00];
	_ =	sdelay $0x1  }
0x161: {  	v45 =	vld.idx.msk [tilespmem:v1+s12+$0xFFFFFF40 ss:$0x1], $0xffff  }
0x162: {  	v46 =	vbroadcast v2, $0xC;
	_ =	sdelay $0x1  }
0x163: {  	v4 =	vmul.f32 v4, v46;
	_ =	sdelay $0x1  }
0x164: {  	v4 =	vadd.f32 v45, v4;
	_ =	sdelay $0x1  }
0x165: {  	[tilespmem:s17+$0xBE00] =	vst v4  }
0x166: {  	v4 =	vld [tilespmem:s23+$0x3E10];
	_ =	sdelay $0x1  }
0x167: {  	v47 =	vld.idx.msk [tilespmem:v1+s12+$0xFFFFFF50 ss:$0x1], $0xffff;
	_ =	sdelay $0x2  }
0x168: {  	v4 =	vmul.f32 v4, v46;
	_ =	sdelay $0x1  }
0x169: {  	v4 =	vadd.f32 v47, v4;
	_ =	sdelay $0x1  }
0x16a: {  	[tilespmem:s17+$0xBE10] =	vst v4  }
0x16b: {  	v4 =	vld [tilespmem:s23+$0x3E20];
	_ =	sdelay $0x1  }
0x16c: {  	v48 =	vld.idx.msk [tilespmem:v1+s12+$0xFFFFFF60 ss:$0x1], $0xffff;
	_ =	sdelay $0x2  }
0x16d: {  	v4 =	vmul.f32 v4, v46;
	_ =	sdelay $0x1  }
0x16e: {  	v4 =	vadd.f32 v48, v4;
	_ =	sdelay $0x1  }
0x16f: {  	[tilespmem:s17+$0xBE20] =	vst v4  }
0x170: {  	v4 =	vld [tilespmem:s23+$0x3E30];
	_ =	sdelay $0x1  }
0x171: {  	v49 =	vld.idx.msk [tilespmem:v1+s12+$0xFFFFFF70 ss:$0x1], $0xffff;
	_ =	sdelay $0x2  }
0x172: {  	v4 =	vmul.f32 v4, v46;
	_ =	sdelay $0x1  }
0x173: {  	v4 =	vadd.f32 v49, v4;
	_ =	sdelay $0x1  }
0x174: {  	[tilespmem:s17+$0xBE30] =	vst v4  }
0x175: {  	v4 =	vld [tilespmem:s19+$0x3E80];
	_ =	sdelay $0x1  }
0x176: {  	v50 =	vld.idx.msk [tilespmem:v1+s12+$0xFFFFFF80 ss:$0x1], $0xffff  }
0x177: {  	v51 =	vbroadcast v2, $0xD;
	_ =	sdelay $0x1  }
0x178: {  	v4 =	vmul.f32 v4, v51;
	_ =	sdelay $0x1  }
0x179: {  	v4 =	vadd.f32 v50, v4;
	_ =	sdelay $0x1  }
0x17a: {  	[tilespmem:s17+$0xBE80] =	vst v4  }
0x17b: {  	s21 =	sadd.s32 $0xFFFFFF80, s29;
	v4 =	vld [tilespmem:s19+$0x3E90]  }
0x17c: {  	s23 =	sor.u32 $0x50, s21  }
0x17d: {  	v52 =	vld [tilespmem:s23+$0x13800];
	_ =	sdelay $0x2  }
0x17e: {  	v4 =	vmul.f32 v4, v51;
	_ =	sdelay $0x1  }
0x17f: {  	v4 =	vadd.f32 v52, v4;
	_ =	sdelay $0x1  }
0x180: {  	[tilespmem:s17+$0xBE90] =	vst v4  }
0x181: {  	v4 =	vld [tilespmem:s19+$0x3EA0]  }
0x182: {  	s23 =	sor.u32 $0x60, s21  }
0x183: {  	v53 =	vld [tilespmem:s23+$0x13800]  }
0x184: {  	(v2sf) =	vpush v3, $0xF  }
0x185: {  	(v2sf) =	vpush v3, $0xE  }
0x186: {  	v3 =	vmul.f32 v4, v51;
	_ =	sdelay $0x1  }
0x187: {  	v3 =	vadd.f32 v53, v3;
	_ =	sdelay $0x1  }
0x188: {  	[tilespmem:s17+$0xBEA0] =	vst v3  }
0x189: {  	v3 =	vld [tilespmem:s19+$0x3EB0]  }
0x18a: {  	s21 =	sor.u32 $0x70, s21  }
0x18b: {  	v54 =	vld [tilespmem:s21+$0x13800];
	_ =	sdelay $0x2  }
0x18c: {  	v3 =	vmul.f32 v3, v51;
	_ =	sdelay $0x1  }
0x18d: {  	v3 =	vadd.f32 v54, v3  }
0x18e: {  	s19 =	spop (v2sf)  }
0x18f: {  	s23 =	spop (v2sf);
	[tilespmem:s17+$0xBEB0] =	vst v3  }
0x190: {  	v3 =	vld [tilespmem:s23+$0x3F00];
	_ =	sdelay $0x1  }
0x191: {  	v55 =	vld.idx.msk [tilespmem:v1+s12+$0xFFFFFFC0 ss:$0x1], $0xffff  }
0x192: {  	v56 =	vbroadcast v2, $0xE;
	_ =	sdelay $0x1  }
0x193: {  	v3 =	vmul.f32 v3, v56;
	_ =	sdelay $0x1  }
0x194: {  	v3 =	vadd.f32 v55, v3;
	_ =	sdelay $0x1  }
0x195: {  	[tilespmem:s17+$0xBF00] =	vst v3  }
0x196: {  	v3 =	vld [tilespmem:s23+$0x3F10];
	_ =	sdelay $0x1  }
0x197: {  	v57 =	vld.idx.msk [tilespmem:v1+s12+$0xFFFFFFD0 ss:$0x1], $0xffff;
	_ =	sdelay $0x2  }
0x198: {  	v3 =	vmul.f32 v3, v56;
	_ =	sdelay $0x1  }
0x199: {  	v3 =	vadd.f32 v57, v3;
	_ =	sdelay $0x1  }
0x19a: {  	[tilespmem:s17+$0xBF10] =	vst v3  }
0x19b: {  	v3 =	vld [tilespmem:s23+$0x3F20];
	_ =	sdelay $0x1  }
0x19c: {  	v58 =	vld.idx.msk [tilespmem:v1+s12+$0xFFFFFFE0 ss:$0x1], $0xffff;
	_ =	sdelay $0x2  }
0x19d: {  	v3 =	vmul.f32 v3, v56;
	_ =	sdelay $0x1  }
0x19e: {  	v3 =	vadd.f32 v58, v3;
	_ =	sdelay $0x1  }
0x19f: {  	[tilespmem:s17+$0xBF20] =	vst v3  }
0x1a0: {  	v3 =	vld [tilespmem:s23+$0x3F30];
	_ =	sdelay $0x1  }
0x1a1: {  	v59 =	vld.idx.msk [tilespmem:v1+s12+$0xFFFFFFF0 ss:$0x1], $0xffff;
	_ =	sdelay $0x2  }
0x1a2: {  	v3 =	vmul.f32 v3, v56;
	_ =	sdelay $0x1  }
0x1a3: {  	v3 =	vadd.f32 v59, v3;
	_ =	sdelay $0x1  }
0x1a4: {  	[tilespmem:s17+$0xBF30] =	vst v3  }
0x1a5: {  	v3 =	vld [tilespmem:s19+$0x3F80];
	_ =	sdelay $0x1  }
0x1a6: {  	v60 =	vld.idx.msk [tilespmem:v1+s12+$0x0 ss:$0x1], $0xffff  }
0x1a7: {  	v2 =	vbroadcast v2, $0xF;
	_ =	sdelay $0x1  }
0x1a8: {  	v3 =	vmul.f32 v3, v2;
	_ =	sdelay $0x1  }
0x1a9: {  	v3 =	vadd.f32 v60, v3;
	_ =	sdelay $0x1  }
0x1aa: {  	[tilespmem:s17+$0xBF80] =	vst v3  }
0x1ab: {  	v3 =	vld [tilespmem:s19+$0x3F90]  }
0x1ac: {  	s23 =	sor.u32 $0x50, s29  }
0x1ad: {  	v61 =	vld [tilespmem:s23+$0x13800];
	_ =	sdelay $0x2  }
0x1ae: {  	v3 =	vmul.f32 v3, v2;
	_ =	sdelay $0x1  }
0x1af: {  	v3 =	vadd.f32 v61, v3;
	_ =	sdelay $0x1  }
0x1b0: {  	[tilespmem:s17+$0xBF90] =	vst v3  }
0x1b1: {  	v3 =	vld [tilespmem:s19+$0x3FA0]  }
0x1b2: {  	s23 =	sor.u32 $0x60, s29  }
0x1b3: {  	v62 =	vld [tilespmem:s23+$0x13800];
	_ =	sdelay $0x2  }
0x1b4: {  	v3 =	vmul.f32 v3, v2;
	_ =	sdelay $0x1  }
0x1b5: {  	v3 =	vadd.f32 v62, v3;
	_ =	sdelay $0x1  }
0x1b6: {  	[tilespmem:s17+$0xBFA0] =	vst v3  }
0x1b7: {  	v3 =	vld [tilespmem:s19+$0x3FB0]  }
0x1b8: {  	s29 =	sor.u32 $0x70, s29  }
0x1b9: {  	v63 =	vld [tilespmem:s29+$0x13800];
	_ =	sdelay $0x1  }
0x1ba: {  	p1 =	sne.s32 s1, $0xE000  }
.Ltmp0:
0x1bb: {  	v2 =	vmul.f32 v3, v2;
	(pc) =	sbr.rel @p1 .LBB2_3-.Ltmp0, $4  }
0x1bc: {  	_ = 	snop  }
0x1bd: {  	v2 =	vadd.f32 v63, v2  }
0x1be: {  	s16 =	sadd.s32 $0x10, s16  }
0x1bf: {  	s1 =	sadd.s32 $0x2000, s1;
	s11 =	sadd.s32 $0x400, s11;
	s12 =	sadd.s32 $0x400, s12;
	[tilespmem:s17+$0xBFB0] =	vst v2  }
0x1c0: {  	p1 =	sne.s32 s18, $0x18  }
.Ltmp1:
0x1c1: {  	_ = 	snop;
	(pc) =	sbr.rel @p1 .LBB2_6-.Ltmp1, $4  }
0x1c2: {  	_ = 	snop  }
0x1c3: {  	s0 =	sshll.u32 s0, $0x4  }
0x1c4: {  	s1 =	simm.s32 $0xB800;
	s0 =	sadd.s32 s6, s0  }
0x1c5: {  	[hbm4b:s0+s2] =	stream.linear.scatter [tilespmem:s1], [sflag:$0x3], $0x4000, $0x38;
	[tilespmem:$0x18800] =	vst v63  }
.Ltmp2:
0x1c6: {  	(pc) =	sbr.rel .LBB2_7-.Ltmp2, $4  }
0x1c7: {  	_ = 	snop  }
0x1c8: {  	_ =	swait.ge [sflag:s24], $0x4000  }
0x1c9: {  	[sflag:s24] =	ssyncset.done $0x0  }
0x1ca: {  	[sflag:s24] =	ssyncadd.s32 $0xFFFFC000  }
.LBB2_6:
0x1cb: {  	s0 =	sshrl.u32 s5, $0x2  }
.Ltmp3:
0x1cc: {  	s1 =	simm.s32 $0x3800;
	s0 =	sadd.s32 $0x1D00, s0;
	(pc) =	sbr.rel @p0 .LBB2_8-.Ltmp3, $4  }
0x1cd: {  	[tilespmem:s1], [sflag:$0x1] =	stream.indirect.gather [hbm4b:s4+s20], $0x80, s0, s20, $0xb8;
	[tilespmem:$0x18800] =	vst v63  }
0x1ce: {  	_ =	swait.ge [sflag:s24], $0x4000  }
0x1cf: {  	[sflag:s24] =	ssyncset.done $0x0  }
0x1d0: {  	[sflag:s24] =	ssyncadd.s32 $0xFFFFC000  }
.LBB2_7:
0x1d1: {  	_ =	swait.ge [sflag:s25], $0x4000  }
0x1d2: {  	[sflag:s25] =	ssyncset.done $0x0  }
0x1d3: {  	[sflag:s25] =	ssyncadd.s32 $0xFFFFC000  }
.LBB2_8:
0x1d4: {  	s5 =	sshra.s32 s9, $0x2;
	s0 =	sadd.s32 s3, s7;
	s1 =	simm.s32 $0x0  }
0x1d5: {  	s7 =	smov.u32 s31;
	s9 =	smov.u32 s14;
	v1 =	vmov s5;
	s5 =	smov.u32 s30  }
.LBB2_9:
0x1d6: {  	v2 =	vld [tilespmem:s7+$0x0];
	_ =	sdelay $0x4  }
0x1d7: {  	v3 =	vshll.u32 v2, $0x6  }
0x1d8: {  	s11 =	sshra.s32 s1, $0x2;
	v3 =	vand.u32 $0x40, v3  }
0x1d9: {  	v3 =	vadd.s32 s11, v3  }
0x1da: {  	(v2sf) =	vpush v3, $0x1  }
0x1db: {  	(v2sf) =	vpush v3, $0x0;
	_ =	sdelay $0xd  }
0x1dc: {  	s16 =	spop (v2sf)  }
0x1dd: {  	s12 =	spop (v2sf)  }
0x1de: {  	v4 =	vld [tilespmem:s12+$0x7800]  }
0x1df: {  	vm0 =	veq.s32 v2, $0x0  }
0x1e0: {  	v5 =	vld.idx.msk [tilespmem:v1+s9+$0x2000 ss:$0x1], $0xffff;
	v2 =	vsel vm0, $0x0, v0  }
0x1e1: {  	v6 =	vbroadcast v2, $0x0;
	_ =	sdelay $0x1  }
0x1e2: {  	v4 =	vmul.f32 v6, v4;
	_ =	sdelay $0x1  }
0x1e3: {  	v4 =	vadd.f32 v4, v5;
	_ =	sdelay $0x1  }
0x1e4: {  	[tilespmem:s11+$0xF800] =	vst v4  }
0x1e5: {  	v4 =	vld [tilespmem:s12+$0x7810];
	_ =	sdelay $0x1  }
0x1e6: {  	v43 =	vld.idx.msk [tilespmem:v1+s9+$0x2010 ss:$0x1], $0xffff;
	_ =	sdelay $0x2  }
0x1e7: {  	v4 =	vmul.f32 v4, v6;
	_ =	sdelay $0x1  }
0x1e8: {  	v4 =	vadd.f32 v43, v4;
	_ =	sdelay $0x1  }
0x1e9: {  	[tilespmem:s11+$0xF810] =	vst v4  }
0x1ea: {  	v4 =	vld [tilespmem:s12+$0x7820];
	_ =	sdelay $0x1  }
0x1eb: {  	v44 =	vld.idx.msk [tilespmem:v1+s9+$0x2020 ss:$0x1], $0xffff;
	_ =	sdelay $0x2  }
0x1ec: {  	v4 =	vmul.f32 v4, v6;
	_ =	sdelay $0x1  }
0x1ed: {  	v4 =	vadd.f32 v44, v4;
	_ =	sdelay $0x1  }
0x1ee: {  	[tilespmem:s11+$0xF820] =	vst v4  }
0x1ef: {  	v4 =	vld [tilespmem:s12+$0x7830];
	_ =	sdelay $0x1  }
0x1f0: {  	v45 =	vld.idx.msk [tilespmem:v1+s9+$0x2030 ss:$0x1], $0xffff;
	_ =	sdelay $0x2  }
0x1f1: {  	v4 =	vmul.f32 v4, v6;
	_ =	sdelay $0x1  }
0x1f2: {  	v4 =	vadd.f32 v45, v4  }
0x1f3: {  	s17 =	rddreg [dreg:$0x4]  }
0x1f4: {  	s12 =	sadd.s32 s5, s17;
	[tilespmem:s11+$0xF830] =	vst v4  }
0x1f5: {  	s17 =	sadd.s32 $0xFFFFFC80, s12;
	v4 =	vld [tilespmem:s16+$0x7880]  }
0x1f6: {  	s17 =	sand.u32 $0x7F80, s17  }
0x1f7: {  	v46 =	vld [tilespmem:s17+$0x13840]  }
0x1f8: {  	v47 =	vbroadcast v2, $0x1;
	_ =	sdelay $0x1  }
0x1f9: {  	v4 =	vmul.f32 v4, v47;
	_ =	sdelay $0x1  }
0x1fa: {  	v4 =	vadd.f32 v46, v4;
	_ =	sdelay $0x1  }
0x1fb: {  	[tilespmem:s11+$0xF880] =	vst v4  }
0x1fc: {  	v4 =	vld [tilespmem:s16+$0x7890];
	_ =	sdelay $0x1  }
0x1fd: {  	v48 =	vld [tilespmem:s17+$0x13850];
	_ =	sdelay $0x2  }
0x1fe: {  	v4 =	vmul.f32 v4, v47;
	_ =	sdelay $0x1  }
0x1ff: {  	v4 =	vadd.f32 v48, v4;
	_ =	sdelay $0x1  }
0x200: {  	[tilespmem:s11+$0xF890] =	vst v4  }
0x201: {  	v4 =	vld [tilespmem:s16+$0x78A0];
	_ =	sdelay $0x1  }
0x202: {  	v49 =	vld [tilespmem:s17+$0x13860]  }
0x203: {  	(v2sf) =	vpush v3, $0x3  }
0x204: {  	(v2sf) =	vpush v3, $0x2  }
0x205: {  	v4 =	vmul.f32 v4, v47;
	_ =	sdelay $0x1  }
0x206: {  	v4 =	vadd.f32 v49, v4;
	_ =	sdelay $0x1  }
0x207: {  	[tilespmem:s11+$0xF8A0] =	vst v4  }
0x208: {  	v4 =	vld [tilespmem:s16+$0x78B0];
	_ =	sdelay $0x1  }
0x209: {  	v50 =	vld [tilespmem:s17+$0x13870];
	_ =	sdelay $0x2  }
0x20a: {  	v4 =	vmul.f32 v4, v47;
	_ =	sdelay $0x1  }
0x20b: {  	v4 =	vadd.f32 v50, v4  }
0x20c: {  	s19 =	spop (v2sf)  }
0x20d: {  	s21 =	spop (v2sf);
	[tilespmem:s11+$0xF8B0] =	vst v4  }
0x20e: {  	v4 =	vld [tilespmem:s21+$0x7900];
	_ =	sdelay $0x1  }
0x20f: {  	v51 =	vld.idx.msk [tilespmem:v1+s9+$0x2080 ss:$0x1], $0xffff  }
0x210: {  	v52 =	vbroadcast v2, $0x2;
	_ =	sdelay $0x1  }
0x211: {  	v4 =	vmul.f32 v4, v52;
	_ =	sdelay $0x1  }
0x212: {  	v4 =	vadd.f32 v51, v4;
	_ =	sdelay $0x1  }
0x213: {  	[tilespmem:s11+$0xF900] =	vst v4  }
0x214: {  	v4 =	vld [tilespmem:s21+$0x7910];
	_ =	sdelay $0x1  }
0x215: {  	v53 =	vld.idx.msk [tilespmem:v1+s9+$0x2090 ss:$0x1], $0xffff;
	_ =	sdelay $0x2  }
0x216: {  	v4 =	vmul.f32 v4, v52;
	_ =	sdelay $0x1  }
0x217: {  	v4 =	vadd.f32 v53, v4;
	_ =	sdelay $0x1  }
0x218: {  	[tilespmem:s11+$0xF910] =	vst v4  }
0x219: {  	v4 =	vld [tilespmem:s21+$0x7920];
	_ =	sdelay $0x1  }
0x21a: {  	v54 =	vld.idx.msk [tilespmem:v1+s9+$0x20A0 ss:$0x1], $0xffff;
	_ =	sdelay $0x2  }
0x21b: {  	v4 =	vmul.f32 v4, v52;
	_ =	sdelay $0x1  }
0x21c: {  	v4 =	vadd.f32 v54, v4;
	_ =	sdelay $0x1  }
0x21d: {  	[tilespmem:s11+$0xF920] =	vst v4  }
0x21e: {  	v4 =	vld [tilespmem:s21+$0x7930];
	_ =	sdelay $0x1  }
0x21f: {  	v55 =	vld.idx.msk [tilespmem:v1+s9+$0x20B0 ss:$0x1], $0xffff;
	_ =	sdelay $0x2  }
0x220: {  	v4 =	vmul.f32 v4, v52;
	_ =	sdelay $0x1  }
0x221: {  	v4 =	vadd.f32 v55, v4;
	_ =	sdelay $0x1  }
0x222: {  	[tilespmem:s11+$0xF930] =	vst v4  }
0x223: {  	s23 =	sadd.s32 $0xFFFFFD00, s12;
	v4 =	vld [tilespmem:s19+$0x7980]  }
0x224: {  	s17 =	sand.u32 $0x7F80, s23  }
0x225: {  	v56 =	vld [tilespmem:s17+$0x13840]  }
0x226: {  	v57 =	vbroadcast v2, $0x3;
	_ =	sdelay $0x1  }
0x227: {  	v4 =	vmul.f32 v4, v57;
	_ =	sdelay $0x1  }
0x228: {  	v4 =	vadd.f32 v56, v4;
	_ =	sdelay $0x1  }
0x229: {  	[tilespmem:s11+$0xF980] =	vst v4  }
0x22a: {  	v4 =	vld [tilespmem:s19+$0x7990];
	_ =	sdelay $0x1  }
0x22b: {  	v58 =	vld [tilespmem:s17+$0x13850];
	_ =	sdelay $0x2  }
0x22c: {  	v4 =	vmul.f32 v4, v57;
	_ =	sdelay $0x1  }
0x22d: {  	v4 =	vadd.f32 v58, v4;
	_ =	sdelay $0x1  }
0x22e: {  	[tilespmem:s11+$0xF990] =	vst v4  }
0x22f: {  	v4 =	vld [tilespmem:s19+$0x79A0];
	_ =	sdelay $0x1  }
0x230: {  	v59 =	vld [tilespmem:s17+$0x13860]  }
0x231: {  	(v2sf) =	vpush v3, $0x5  }
0x232: {  	(v2sf) =	vpush v3, $0x4  }
0x233: {  	v4 =	vmul.f32 v4, v57;
	_ =	sdelay $0x1  }
0x234: {  	v4 =	vadd.f32 v59, v4;
	_ =	sdelay $0x1  }
0x235: {  	[tilespmem:s11+$0xF9A0] =	vst v4  }
0x236: {  	v4 =	vld [tilespmem:s19+$0x79B0];
	_ =	sdelay $0x1  }
0x237: {  	v60 =	vld [tilespmem:s17+$0x13870];
	_ =	sdelay $0x2  }
0x238: {  	v4 =	vmul.f32 v4, v57;
	_ =	sdelay $0x1  }
0x239: {  	v4 =	vadd.f32 v60, v4  }
0x23a: {  	s29 =	spop (v2sf)  }
0x23b: {  	s19 =	spop (v2sf);
	[tilespmem:s11+$0xF9B0] =	vst v4  }
0x23c: {  	v4 =	vld [tilespmem:s19+$0x7A00];
	_ =	sdelay $0x1  }
0x23d: {  	v61 =	vld.idx.msk [tilespmem:v1+s9+$0x2100 ss:$0x1], $0xffff  }
0x23e: {  	v62 =	vbroadcast v2, $0x4;
	_ =	sdelay $0x1  }
0x23f: {  	v4 =	vmul.f32 v4, v62;
	_ =	sdelay $0x1  }
0x240: {  	v4 =	vadd.f32 v61, v4;
	_ =	sdelay $0x1  }
0x241: {  	[tilespmem:s11+$0xFA00] =	vst v4  }
0x242: {  	v4 =	vld [tilespmem:s19+$0x7A10];
	_ =	sdelay $0x1  }
0x243: {  	v63 =	vld.idx.msk [tilespmem:v1+s9+$0x2110 ss:$0x1], $0xffff;
	_ =	sdelay $0x2  }
0x244: {  	v4 =	vmul.f32 v4, v62;
	_ =	sdelay $0x1  }
0x245: {  	v4 =	vadd.f32 v63, v4;
	_ =	sdelay $0x1  }
0x246: {  	[tilespmem:s11+$0xFA10] =	vst v4  }
0x247: {  	v4 =	vld [tilespmem:s19+$0x7A20];
	_ =	sdelay $0x1  }
0x248: {  	v8 =	vld.idx.msk [tilespmem:v1+s9+$0x2120 ss:$0x1], $0xffff;
	_ =	sdelay $0x2  }
0x249: {  	v4 =	vmul.f32 v4, v62;
	_ =	sdelay $0x1  }
0x24a: {  	v4 =	vadd.f32 v8, v4;
	_ =	sdelay $0x1  }
0x24b: {  	[tilespmem:s11+$0xFA20] =	vst v4  }
0x24c: {  	v4 =	vld [tilespmem:s19+$0x7A30];
	_ =	sdelay $0x1  }
0x24d: {  	v9 =	vld.idx.msk [tilespmem:v1+s9+$0x2130 ss:$0x1], $0xffff;
	_ =	sdelay $0x2  }
0x24e: {  	v4 =	vmul.f32 v4, v62;
	_ =	sdelay $0x1  }
0x24f: {  	v4 =	vadd.f32 v9, v4;
	_ =	sdelay $0x1  }
0x250: {  	[tilespmem:s11+$0xFA30] =	vst v4  }
0x251: {  	s21 =	sadd.s32 $0xFFFFFD80, s12;
	v4 =	vld [tilespmem:s29+$0x7A80]  }
0x252: {  	s17 =	sand.u32 $0x7F80, s21  }
0x253: {  	v10 =	vld [tilespmem:s17+$0x13840]  }
0x254: {  	v11 =	vbroadcast v2, $0x5;
	_ =	sdelay $0x1  }
0x255: {  	v4 =	vmul.f32 v4, v11;
	_ =	sdelay $0x1  }
0x256: {  	v4 =	vadd.f32 v10, v4;
	_ =	sdelay $0x1  }
0x257: {  	[tilespmem:s11+$0xFA80] =	vst v4  }
0x258: {  	v4 =	vld [tilespmem:s29+$0x7A90];
	_ =	sdelay $0x1  }
0x259: {  	v12 =	vld [tilespmem:s17+$0x13850];
	_ =	sdelay $0x2  }
0x25a: {  	v4 =	vmul.f32 v4, v11;
	_ =	sdelay $0x1  }
0x25b: {  	v4 =	vadd.f32 v12, v4;
	_ =	sdelay $0x1  }
0x25c: {  	[tilespmem:s11+$0xFA90] =	vst v4  }
0x25d: {  	v4 =	vld [tilespmem:s29+$0x7AA0];
	_ =	sdelay $0x1  }
0x25e: {  	v13 =	vld [tilespmem:s17+$0x13860]  }
0x25f: {  	(v2sf) =	vpush v3, $0x7  }
0x260: {  	(v2sf) =	vpush v3, $0x6  }
0x261: {  	v4 =	vmul.f32 v4, v11;
	_ =	sdelay $0x1  }
0x262: {  	v4 =	vadd.f32 v13, v4;
	_ =	sdelay $0x1  }
0x263: {  	[tilespmem:s11+$0xFAA0] =	vst v4  }
0x264: {  	v4 =	vld [tilespmem:s29+$0x7AB0];
	_ =	sdelay $0x1  }
0x265: {  	v14 =	vld [tilespmem:s17+$0x13870];
	_ =	sdelay $0x2  }
0x266: {  	v4 =	vmul.f32 v4, v11;
	_ =	sdelay $0x1  }
0x267: {  	v4 =	vadd.f32 v14, v4  }
0x268: {  	s23 =	spop (v2sf)  }
0x269: {  	s29 =	spop (v2sf);
	[tilespmem:s11+$0xFAB0] =	vst v4  }
0x26a: {  	v4 =	vld [tilespmem:s29+$0x7B00];
	_ =	sdelay $0x1  }
0x26b: {  	v15 =	vld.idx.msk [tilespmem:v1+s9+$0x2180 ss:$0x1], $0xffff  }
0x26c: {  	v16 =	vbroadcast v2, $0x6;
	_ =	sdelay $0x1  }
0x26d: {  	v4 =	vmul.f32 v4, v16;
	_ =	sdelay $0x1  }
0x26e: {  	v4 =	vadd.f32 v15, v4;
	_ =	sdelay $0x1  }
0x26f: {  	[tilespmem:s11+$0xFB00] =	vst v4  }
0x270: {  	v4 =	vld [tilespmem:s29+$0x7B10];
	_ =	sdelay $0x1  }
0x271: {  	v17 =	vld.idx.msk [tilespmem:v1+s9+$0x2190 ss:$0x1], $0xffff;
	_ =	sdelay $0x2  }
0x272: {  	v4 =	vmul.f32 v4, v16;
	_ =	sdelay $0x1  }
0x273: {  	v4 =	vadd.f32 v17, v4;
	_ =	sdelay $0x1  }
0x274: {  	[tilespmem:s11+$0xFB10] =	vst v4  }
0x275: {  	v4 =	vld [tilespmem:s29+$0x7B20];
	_ =	sdelay $0x1  }
0x276: {  	v18 =	vld.idx.msk [tilespmem:v1+s9+$0x21A0 ss:$0x1], $0xffff;
	_ =	sdelay $0x2  }
0x277: {  	v4 =	vmul.f32 v4, v16;
	_ =	sdelay $0x1  }
0x278: {  	v4 =	vadd.f32 v18, v4;
	_ =	sdelay $0x1  }
0x279: {  	[tilespmem:s11+$0xFB20] =	vst v4  }
0x27a: {  	v4 =	vld [tilespmem:s29+$0x7B30];
	_ =	sdelay $0x1  }
0x27b: {  	v19 =	vld.idx.msk [tilespmem:v1+s9+$0x21B0 ss:$0x1], $0xffff;
	_ =	sdelay $0x2  }
0x27c: {  	v4 =	vmul.f32 v4, v16;
	_ =	sdelay $0x1  }
0x27d: {  	v4 =	vadd.f32 v19, v4;
	_ =	sdelay $0x1  }
0x27e: {  	[tilespmem:s11+$0xFB30] =	vst v4  }
0x27f: {  	s19 =	sadd.s32 $0xFFFFFE00, s12;
	v4 =	vld [tilespmem:s23+$0x7B80]  }
0x280: {  	s17 =	sand.u32 $0x7F80, s19  }
0x281: {  	v20 =	vld [tilespmem:s17+$0x13840]  }
0x282: {  	v21 =	vbroadcast v2, $0x7;
	_ =	sdelay $0x1  }
0x283: {  	v4 =	vmul.f32 v4, v21;
	_ =	sdelay $0x1  }
0x284: {  	v4 =	vadd.f32 v20, v4;
	_ =	sdelay $0x1  }
0x285: {  	[tilespmem:s11+$0xFB80] =	vst v4  }
0x286: {  	v4 =	vld [tilespmem:s23+$0x7B90];
	_ =	sdelay $0x1  }
0x287: {  	v22 =	vld [tilespmem:s17+$0x13850];
	_ =	sdelay $0x2  }
0x288: {  	v4 =	vmul.f32 v4, v21;
	_ =	sdelay $0x1  }
0x289: {  	v4 =	vadd.f32 v22, v4;
	_ =	sdelay $0x1  }
0x28a: {  	[tilespmem:s11+$0xFB90] =	vst v4  }
0x28b: {  	v4 =	vld [tilespmem:s23+$0x7BA0];
	_ =	sdelay $0x1  }
0x28c: {  	v23 =	vld [tilespmem:s17+$0x13860]  }
0x28d: {  	(v2sf) =	vpush v3, $0x9  }
0x28e: {  	(v2sf) =	vpush v3, $0x8  }
0x28f: {  	v4 =	vmul.f32 v4, v21;
	_ =	sdelay $0x1  }
0x290: {  	v4 =	vadd.f32 v23, v4;
	_ =	sdelay $0x1  }
0x291: {  	[tilespmem:s11+$0xFBA0] =	vst v4  }
0x292: {  	v4 =	vld [tilespmem:s23+$0x7BB0];
	_ =	sdelay $0x1  }
0x293: {  	v24 =	vld [tilespmem:s17+$0x13870];
	_ =	sdelay $0x2  }
0x294: {  	v4 =	vmul.f32 v4, v21;
	_ =	sdelay $0x1  }
0x295: {  	v4 =	vadd.f32 v24, v4  }
0x296: {  	s21 =	spop (v2sf)  }
0x297: {  	s23 =	spop (v2sf);
	[tilespmem:s11+$0xFBB0] =	vst v4  }
0x298: {  	v4 =	vld [tilespmem:s23+$0x7C00];
	_ =	sdelay $0x1  }
0x299: {  	v25 =	vld.idx.msk [tilespmem:v1+s9+$0x2200 ss:$0x1], $0xffff  }
0x29a: {  	v26 =	vbroadcast v2, $0x8;
	_ =	sdelay $0x1  }
0x29b: {  	v4 =	vmul.f32 v4, v26;
	_ =	sdelay $0x1  }
0x29c: {  	v4 =	vadd.f32 v25, v4;
	_ =	sdelay $0x1  }
0x29d: {  	[tilespmem:s11+$0xFC00] =	vst v4  }
0x29e: {  	v4 =	vld [tilespmem:s23+$0x7C10];
	_ =	sdelay $0x1  }
0x29f: {  	v27 =	vld.idx.msk [tilespmem:v1+s9+$0x2210 ss:$0x1], $0xffff;
	_ =	sdelay $0x2  }
0x2a0: {  	v4 =	vmul.f32 v4, v26;
	_ =	sdelay $0x1  }
0x2a1: {  	v4 =	vadd.f32 v27, v4;
	_ =	sdelay $0x1  }
0x2a2: {  	[tilespmem:s11+$0xFC10] =	vst v4  }
0x2a3: {  	v4 =	vld [tilespmem:s23+$0x7C20];
	_ =	sdelay $0x1  }
0x2a4: {  	v28 =	vld.idx.msk [tilespmem:v1+s9+$0x2220 ss:$0x1], $0xffff;
	_ =	sdelay $0x2  }
0x2a5: {  	v4 =	vmul.f32 v4, v26;
	_ =	sdelay $0x1  }
0x2a6: {  	v4 =	vadd.f32 v28, v4;
	_ =	sdelay $0x1  }
0x2a7: {  	[tilespmem:s11+$0xFC20] =	vst v4  }
0x2a8: {  	v4 =	vld [tilespmem:s23+$0x7C30];
	_ =	sdelay $0x1  }
0x2a9: {  	v29 =	vld.idx.msk [tilespmem:v1+s9+$0x2230 ss:$0x1], $0xffff;
	_ =	sdelay $0x2  }
0x2aa: {  	v4 =	vmul.f32 v4, v26;
	_ =	sdelay $0x1  }
0x2ab: {  	v4 =	vadd.f32 v29, v4;
	_ =	sdelay $0x1  }
0x2ac: {  	[tilespmem:s11+$0xFC30] =	vst v4  }
0x2ad: {  	s29 =	sadd.s32 $0xFFFFFE80, s12;
	v4 =	vld [tilespmem:s21+$0x7C80]  }
0x2ae: {  	s17 =	sand.u32 $0x7F80, s29  }
0x2af: {  	v30 =	vld [tilespmem:s17+$0x13840]  }
0x2b0: {  	v31 =	vbroadcast v2, $0x9;
	_ =	sdelay $0x1  }
0x2b1: {  	v4 =	vmul.f32 v4, v31;
	_ =	sdelay $0x1  }
0x2b2: {  	v4 =	vadd.f32 v30, v4;
	_ =	sdelay $0x1  }
0x2b3: {  	[tilespmem:s11+$0xFC80] =	vst v4  }
0x2b4: {  	v4 =	vld [tilespmem:s21+$0x7C90];
	_ =	sdelay $0x1  }
0x2b5: {  	v32 =	vld [tilespmem:s17+$0x13850];
	_ =	sdelay $0x2  }
0x2b6: {  	v4 =	vmul.f32 v4, v31;
	_ =	sdelay $0x1  }
0x2b7: {  	v4 =	vadd.f32 v32, v4;
	_ =	sdelay $0x1  }
0x2b8: {  	[tilespmem:s11+$0xFC90] =	vst v4  }
0x2b9: {  	v4 =	vld [tilespmem:s21+$0x7CA0];
	_ =	sdelay $0x1  }
0x2ba: {  	v33 =	vld [tilespmem:s17+$0x13860]  }
0x2bb: {  	(v2sf) =	vpush v3, $0xB  }
0x2bc: {  	(v2sf) =	vpush v3, $0xA  }
0x2bd: {  	v4 =	vmul.f32 v4, v31;
	_ =	sdelay $0x1  }
0x2be: {  	v4 =	vadd.f32 v33, v4;
	_ =	sdelay $0x1  }
0x2bf: {  	[tilespmem:s11+$0xFCA0] =	vst v4  }
0x2c0: {  	v4 =	vld [tilespmem:s21+$0x7CB0];
	_ =	sdelay $0x1  }
0x2c1: {  	v34 =	vld [tilespmem:s17+$0x13870];
	_ =	sdelay $0x2  }
0x2c2: {  	v4 =	vmul.f32 v4, v31;
	_ =	sdelay $0x1  }
0x2c3: {  	v4 =	vadd.f32 v34, v4  }
0x2c4: {  	s19 =	spop (v2sf)  }
0x2c5: {  	s21 =	spop (v2sf);
	[tilespmem:s11+$0xFCB0] =	vst v4  }
0x2c6: {  	v4 =	vld [tilespmem:s21+$0x7D00];
	_ =	sdelay $0x1  }
0x2c7: {  	v35 =	vld.idx.msk [tilespmem:v1+s9+$0x2280 ss:$0x1], $0xffff  }
0x2c8: {  	v36 =	vbroadcast v2, $0xA;
	_ =	sdelay $0x1  }
0x2c9: {  	v4 =	vmul.f32 v4, v36;
	_ =	sdelay $0x1  }
0x2ca: {  	v4 =	vadd.f32 v35, v4;
	_ =	sdelay $0x1  }
0x2cb: {  	[tilespmem:s11+$0xFD00] =	vst v4  }
0x2cc: {  	v4 =	vld [tilespmem:s21+$0x7D10];
	_ =	sdelay $0x1  }
0x2cd: {  	v37 =	vld.idx.msk [tilespmem:v1+s9+$0x2290 ss:$0x1], $0xffff;
	_ =	sdelay $0x2  }
0x2ce: {  	v4 =	vmul.f32 v4, v36;
	_ =	sdelay $0x1  }
0x2cf: {  	v4 =	vadd.f32 v37, v4;
	_ =	sdelay $0x1  }
0x2d0: {  	[tilespmem:s11+$0xFD10] =	vst v4  }
0x2d1: {  	v4 =	vld [tilespmem:s21+$0x7D20];
	_ =	sdelay $0x1  }
0x2d2: {  	v38 =	vld.idx.msk [tilespmem:v1+s9+$0x22A0 ss:$0x1], $0xffff;
	_ =	sdelay $0x2  }
0x2d3: {  	v4 =	vmul.f32 v4, v36;
	_ =	sdelay $0x1  }
0x2d4: {  	v4 =	vadd.f32 v38, v4;
	_ =	sdelay $0x1  }
0x2d5: {  	[tilespmem:s11+$0xFD20] =	vst v4  }
0x2d6: {  	v4 =	vld [tilespmem:s21+$0x7D30];
	_ =	sdelay $0x1  }
0x2d7: {  	v39 =	vld.idx.msk [tilespmem:v1+s9+$0x22B0 ss:$0x1], $0xffff;
	_ =	sdelay $0x2  }
0x2d8: {  	v4 =	vmul.f32 v4, v36;
	_ =	sdelay $0x1  }
0x2d9: {  	v4 =	vadd.f32 v39, v4;
	_ =	sdelay $0x1  }
0x2da: {  	[tilespmem:s11+$0xFD30] =	vst v4  }
0x2db: {  	s23 =	sadd.s32 $0xFFFFFF00, s12;
	v4 =	vld [tilespmem:s19+$0x7D80]  }
0x2dc: {  	s17 =	sand.u32 $0x7F80, s23  }
0x2dd: {  	v40 =	vld [tilespmem:s17+$0x13840]  }
0x2de: {  	v41 =	vbroadcast v2, $0xB;
	_ =	sdelay $0x1  }
0x2df: {  	v4 =	vmul.f32 v4, v41;
	_ =	sdelay $0x1  }
0x2e0: {  	v4 =	vadd.f32 v40, v4;
	_ =	sdelay $0x1  }
0x2e1: {  	[tilespmem:s11+$0xFD80] =	vst v4  }
0x2e2: {  	v4 =	vld [tilespmem:s19+$0x7D90];
	_ =	sdelay $0x1  }
0x2e3: {  	v42 =	vld [tilespmem:s17+$0x13850];
	_ =	sdelay $0x2  }
0x2e4: {  	v4 =	vmul.f32 v4, v41;
	_ =	sdelay $0x1  }
0x2e5: {  	v4 =	vadd.f32 v42, v4;
	_ =	sdelay $0x1  }
0x2e6: {  	[tilespmem:s11+$0xFD90] =	vst v4  }
0x2e7: {  	v4 =	vld [tilespmem:s19+$0x7DA0];
	_ =	sdelay $0x1  }
0x2e8: {  	v43 =	vld [tilespmem:s17+$0x13860]  }
0x2e9: {  	(v2sf) =	vpush v3, $0xD  }
0x2ea: {  	(v2sf) =	vpush v3, $0xC  }
0x2eb: {  	v4 =	vmul.f32 v4, v41;
	_ =	sdelay $0x1  }
0x2ec: {  	v4 =	vadd.f32 v43, v4;
	_ =	sdelay $0x1  }
0x2ed: {  	[tilespmem:s11+$0xFDA0] =	vst v4  }
0x2ee: {  	v4 =	vld [tilespmem:s19+$0x7DB0];
	_ =	sdelay $0x1  }
0x2ef: {  	v44 =	vld [tilespmem:s17+$0x13870];
	_ =	sdelay $0x2  }
0x2f0: {  	v4 =	vmul.f32 v4, v41;
	_ =	sdelay $0x1  }
0x2f1: {  	v4 =	vadd.f32 v44, v4  }
0x2f2: {  	s29 =	spop (v2sf)  }
0x2f3: {  	s19 =	spop (v2sf);
	[tilespmem:s11+$0xFDB0] =	vst v4  }
0x2f4: {  	v4 =	vld [tilespmem:s19+$0x7E00];
	_ =	sdelay $0x1  }
0x2f5: {  	v45 =	vld.idx.msk [tilespmem:v1+s9+$0x2300 ss:$0x1], $0xffff  }
0x2f6: {  	v46 =	vbroadcast v2, $0xC;
	_ =	sdelay $0x1  }
0x2f7: {  	v4 =	vmul.f32 v4, v46;
	_ =	sdelay $0x1  }
0x2f8: {  	v4 =	vadd.f32 v45, v4;
	_ =	sdelay $0x1  }
0x2f9: {  	[tilespmem:s11+$0xFE00] =	vst v4  }
0x2fa: {  	v4 =	vld [tilespmem:s19+$0x7E10];
	_ =	sdelay $0x1  }
0x2fb: {  	v47 =	vld.idx.msk [tilespmem:v1+s9+$0x2310 ss:$0x1], $0xffff;
	_ =	sdelay $0x2  }
0x2fc: {  	v4 =	vmul.f32 v4, v46;
	_ =	sdelay $0x1  }
0x2fd: {  	v4 =	vadd.f32 v47, v4;
	_ =	sdelay $0x1  }
0x2fe: {  	[tilespmem:s11+$0xFE10] =	vst v4  }
0x2ff: {  	v4 =	vld [tilespmem:s19+$0x7E20];
	_ =	sdelay $0x1  }
0x300: {  	v48 =	vld.idx.msk [tilespmem:v1+s9+$0x2320 ss:$0x1], $0xffff;
	_ =	sdelay $0x2  }
0x301: {  	v4 =	vmul.f32 v4, v46;
	_ =	sdelay $0x1  }
0x302: {  	v4 =	vadd.f32 v48, v4;
	_ =	sdelay $0x1  }
0x303: {  	[tilespmem:s11+$0xFE20] =	vst v4  }
0x304: {  	v4 =	vld [tilespmem:s19+$0x7E30];
	_ =	sdelay $0x1  }
0x305: {  	v49 =	vld.idx.msk [tilespmem:v1+s9+$0x2330 ss:$0x1], $0xffff;
	_ =	sdelay $0x2  }
0x306: {  	v4 =	vmul.f32 v4, v46;
	_ =	sdelay $0x1  }
0x307: {  	v4 =	vadd.f32 v49, v4;
	_ =	sdelay $0x1  }
0x308: {  	[tilespmem:s11+$0xFE30] =	vst v4  }
0x309: {  	s21 =	sadd.s32 $0xFFFFFF80, s12;
	v4 =	vld [tilespmem:s29+$0x7E80]  }
0x30a: {  	s17 =	sand.u32 $0x7F80, s21  }
0x30b: {  	v50 =	vld [tilespmem:s17+$0x13840]  }
0x30c: {  	v51 =	vbroadcast v2, $0xD;
	_ =	sdelay $0x1  }
0x30d: {  	v4 =	vmul.f32 v4, v51;
	_ =	sdelay $0x1  }
0x30e: {  	v4 =	vadd.f32 v50, v4;
	_ =	sdelay $0x1  }
0x30f: {  	[tilespmem:s11+$0xFE80] =	vst v4  }
0x310: {  	v4 =	vld [tilespmem:s29+$0x7E90];
	_ =	sdelay $0x1  }
0x311: {  	v52 =	vld [tilespmem:s17+$0x13850];
	_ =	sdelay $0x2  }
0x312: {  	v4 =	vmul.f32 v4, v51;
	_ =	sdelay $0x1  }
0x313: {  	v4 =	vadd.f32 v52, v4;
	_ =	sdelay $0x1  }
0x314: {  	[tilespmem:s11+$0xFE90] =	vst v4  }
0x315: {  	v4 =	vld [tilespmem:s29+$0x7EA0];
	_ =	sdelay $0x1  }
0x316: {  	v53 =	vld [tilespmem:s17+$0x13860]  }
0x317: {  	(v2sf) =	vpush v3, $0xF  }
0x318: {  	(v2sf) =	vpush v3, $0xE  }
0x319: {  	v3 =	vmul.f32 v4, v51;
	_ =	sdelay $0x1  }
0x31a: {  	v3 =	vadd.f32 v53, v3;
	_ =	sdelay $0x1  }
0x31b: {  	[tilespmem:s11+$0xFEA0] =	vst v3  }
0x31c: {  	v3 =	vld [tilespmem:s29+$0x7EB0];
	_ =	sdelay $0x1  }
0x31d: {  	v54 =	vld [tilespmem:s17+$0x13870];
	_ =	sdelay $0x2  }
0x31e: {  	v3 =	vmul.f32 v3, v51;
	_ =	sdelay $0x1  }
0x31f: {  	v3 =	vadd.f32 v54, v3  }
0x320: {  	s23 =	spop (v2sf)  }
0x321: {  	s29 =	spop (v2sf);
	[tilespmem:s11+$0xFEB0] =	vst v3  }
0x322: {  	v3 =	vld [tilespmem:s29+$0x7F00];
	_ =	sdelay $0x1  }
0x323: {  	v55 =	vld.idx.msk [tilespmem:v1+s9+$0x2380 ss:$0x1], $0xffff  }
0x324: {  	v56 =	vbroadcast v2, $0xE;
	_ =	sdelay $0x1  }
0x325: {  	v3 =	vmul.f32 v3, v56;
	_ =	sdelay $0x1  }
0x326: {  	v3 =	vadd.f32 v55, v3;
	_ =	sdelay $0x1  }
0x327: {  	[tilespmem:s11+$0xFF00] =	vst v3  }
0x328: {  	v3 =	vld [tilespmem:s29+$0x7F10];
	_ =	sdelay $0x1  }
0x329: {  	v57 =	vld.idx.msk [tilespmem:v1+s9+$0x2390 ss:$0x1], $0xffff;
	_ =	sdelay $0x2  }
0x32a: {  	v3 =	vmul.f32 v3, v56;
	_ =	sdelay $0x1  }
0x32b: {  	v3 =	vadd.f32 v57, v3;
	_ =	sdelay $0x1  }
0x32c: {  	[tilespmem:s11+$0xFF10] =	vst v3  }
0x32d: {  	v3 =	vld [tilespmem:s29+$0x7F20];
	_ =	sdelay $0x1  }
0x32e: {  	v58 =	vld.idx.msk [tilespmem:v1+s9+$0x23A0 ss:$0x1], $0xffff;
	_ =	sdelay $0x2  }
0x32f: {  	v3 =	vmul.f32 v3, v56;
	_ =	sdelay $0x1  }
0x330: {  	v3 =	vadd.f32 v58, v3;
	_ =	sdelay $0x1  }
0x331: {  	[tilespmem:s11+$0xFF20] =	vst v3  }
0x332: {  	v3 =	vld [tilespmem:s29+$0x7F30];
	_ =	sdelay $0x1  }
0x333: {  	v59 =	vld.idx.msk [tilespmem:v1+s9+$0x23B0 ss:$0x1], $0xffff;
	_ =	sdelay $0x2  }
0x334: {  	v3 =	vmul.f32 v3, v56;
	_ =	sdelay $0x1  }
0x335: {  	v3 =	vadd.f32 v59, v3;
	_ =	sdelay $0x1  }
0x336: {  	[tilespmem:s11+$0xFF30] =	vst v3  }
0x337: {  	v3 =	vld [tilespmem:s23+$0x7F80]  }
0x338: {  	s12 =	sand.u32 $0x7F80, s12  }
0x339: {  	v60 =	vld [tilespmem:s12+$0x13840]  }
0x33a: {  	v2 =	vbroadcast v2, $0xF;
	_ =	sdelay $0x1  }
0x33b: {  	v3 =	vmul.f32 v3, v2;
	_ =	sdelay $0x1  }
0x33c: {  	v3 =	vadd.f32 v60, v3;
	_ =	sdelay $0x1  }
0x33d: {  	[tilespmem:s11+$0xFF80] =	vst v3  }
0x33e: {  	v3 =	vld [tilespmem:s23+$0x7F90];
	_ =	sdelay $0x1  }
0x33f: {  	v61 =	vld [tilespmem:s12+$0x13850];
	_ =	sdelay $0x2  }
0x340: {  	v3 =	vmul.f32 v3, v2;
	_ =	sdelay $0x1  }
0x341: {  	v3 =	vadd.f32 v61, v3;
	_ =	sdelay $0x1  }
0x342: {  	[tilespmem:s11+$0xFF90] =	vst v3  }
0x343: {  	v3 =	vld [tilespmem:s23+$0x7FA0];
	_ =	sdelay $0x1  }
0x344: {  	v62 =	vld [tilespmem:s12+$0x13860];
	_ =	sdelay $0x2  }
0x345: {  	v3 =	vmul.f32 v3, v2;
	_ =	sdelay $0x1  }
0x346: {  	v3 =	vadd.f32 v62, v3;
	_ =	sdelay $0x1  }
0x347: {  	[tilespmem:s11+$0xFFA0] =	vst v3  }
0x348: {  	v3 =	vld [tilespmem:s23+$0x7FB0];
	_ =	sdelay $0x1  }
0x349: {  	v63 =	vld [tilespmem:s12+$0x13870];
	_ =	sdelay $0x1  }
0x34a: {  	p0 =	sne.s32 s1, $0xE000  }
.Ltmp4:
0x34b: {  	v2 =	vmul.f32 v3, v2;
	(pc) =	sbr.rel @p0 .LBB2_9-.Ltmp4, $4  }
0x34c: {  	_ = 	snop  }
0x34d: {  	v2 =	vadd.f32 v63, v2  }
0x34e: {  	s7 =	sadd.s32 $0x10, s7  }
0x34f: {  	s1 =	sadd.s32 $0x2000, s1;
	s5 =	sadd.s32 $0x400, s5;
	s9 =	sadd.s32 $0x400, s9;
	[tilespmem:s11+$0xFFB0] =	vst v2  }
0x350: {  	s18 =	sadd.s32 $0x1, s18  }
0x351: {  	p0 =	sne.s32 s18, $0x19  }
.Ltmp5:
0x352: {  	s0 =	sshll.u32 s0, $0x4;
	(pc) =	sbr.rel @p0 .LBB2_2-.Ltmp5, $4  }
0x353: {  	s10 =	sadd.s32 $0x100, s10;
	s28 =	sadd.s32 $0x4000, s28;
	s8 =	sadd.s32 $0x4000, s8  }
0x354: {  	s15 =	sadd.s32 $0x100, s15;
	s13 =	sadd.s32 $0x100, s13;
	s14 =	sadd.s32 $0x4000, s14  }
0x355: {  	s31 =	sadd.s32 $0x100, s31;
	s30 =	sadd.s32 $0x4000, s30;
	s0 =	sadd.s32 s6, s0  }
0x356: {  	[hbm4b:s0+s2] =	stream.linear.scatter [tilespmem:s26], [sflag:$0x4], $0x4000, $0x38;
	[tilespmem:$0x18800] =	vst v63  }
0x357: {  	s0 =	simm.s32 $0x3  }
0x358: {  	_ =	swait.ge [sflag:s0], $0x4000  }
0x359: {  	[sflag:s0] =	ssyncset.done $0x0  }
0x35a: {  	[sflag:s0] =	ssyncadd.s32 $0xFFFFC000  }
0x35b: {  	_ =	swait.ge [sflag:s25], $0x4000  }
0x35c: {  	s1 =	rddreg [dreg:$0xf]  }
0x35d: {  	s31 =	rddreg [dreg:$0x8];
	s1 =	sadd.s32 $0x1, s1  }
0x35e: {  	p0 =	sne.s32 s1, s31  }
.Ltmp6:
0x35f: {  	_ = 	snop;
	(pc) =	sbr.rel @p0 .LBB2_1-.Ltmp6, $3  }
0x360: {  	_ =	sdelay $0x1  }
0x361: {  	[sflag:s25] =	ssyncset.done $0x0  }
0x362: {  	[sflag:s25] =	ssyncadd.s32 $0xFFFFC000  }
0x363: {  	_ =	sfence.sel $0x180000  }
0x364: {  	[bflag:$0x0] =	sbarrier.arrive $0xFFFF  }
0x365: {  	_ =	strace $0x90000047  }
0x366: {  	s0 =	stileid.u32;
	[bflag:$0x2] =	sbarrier.arrive $0xFFFF  }
0x367: {  	p0 =	sne.s32 s0, $0x0;
	s0 =	rddreg [dreg:$0x2]  }
0x368: {  	s0 =	sadd.s32 @!p0 $0x100000, s0  }
0x369: {  	[sflag:s0] =	ssyncadd.tile.s32 @!p0 $0x1;
	_ =	shalt  }
.Lfunc_end2:
_tile_overlayer_lowered:
.L_overlay_start_2:
0x36a: {  	(tag) =	ssettag $0x2  }
0x36b: {  	s0 =	rddreg [dreg:$0x0];
	s2 =	stileid.u32  }
0x36c: {  	s1 =	rddreg [dreg:$0x1];
	p0 =	sne.s32 s2, $0x0  }
0x36d: {  	s3 =	rddreg [dreg:$0x2];
	[bflag:$0x3] =	sbarrier.arrive $0xFFFF;
	s2 =	simm.s32 @!p0 $0x1C05  }
0x36e: {  	[timem:s3], [sflag:s2] =	dma.local @!p0 [hbm:s0], s1  }
0x36f: {  	s0 =	simm.s32 @!p0 $0x5  }
0x370: {  	_ =	swait.ge @!p0 [sflag:s0], s1  }
0x371: {  	s1 =	ssub.s32 @!p0 $0x0, s1;
	[sflag:s0] =	ssyncset.done @!p0 $0x0  }
0x372: {  	[sflag:s0] =	ssyncadd.s32 @!p0 s1  }
0x373: {  	[bflag:$0x3] =	sbarrier.arrive $0xFFFF  }
0x374: {  	_ =	shalt  }

// kernel: sparse-core-data-format-call.cloned.1.call-start
scs
called_computation_lowered:
.L_overlay_start_0:
0x0: {  	s2 =	sld [smem:$0x3FD9]  }
0x1: {  	s3 =	sld [smem:$0x3FFE];
	_ =	sdelay $0x1  }
0x2: {  	s1 =	srdreg.scid  }
0x3: {  	s0 =	sand.u32 $0x1, s1  }
0x4: {  	s18 =	sshll.u32 s0, $0xA;
	s2 =	sadd.s32 s3, s2  }
0x5: {  	s2 =	sadd.s32 s2, s18  }
0x6: {  	[smem:$0x3FC6] =	sst s2  }
0x7: {  	_ = 	snop  }
0x8: {  	s2 =	sld [smem:$0x3FD0];
	(tm) =	ssettm $0x1  }
0x9: {  	s19 =	sld [smem:$0x3FFB];
	_ =	sdelay $0x3  }
0xa: {  	_ =	strace s19  }
0xb: {  	s3 =	sld [smem:$0x3FFC];
	_ =	sdelay $0x3  }
0xc: {  	_ =	strace s3  }
0xd: {  	s3 =	sld [smem:$0x3FFD];
	_ =	sdelay $0x3  }
0xe: {  	_ =	strace s3  }
0xf: {  	_ =	strace $0x8FFFFFFF  }
0x10: {  	s20 =	sld [smem:$0x3FDB];
	_ =	sdelay $0x1  }
0x11: {  	s4 =	simm.s32 $_scs_section_size  }
0x12: {  	s5 =	simm.s32 $_size__tile_overlayer_lowered;
	s6 =	simm.s32 $_tile_overlayer_lowered  }
0x13: {  	s23 =	simm.s32 $0x1BFF;
	s22 =	sshll.u32 s6, $0x1;
	s3 =	sadd.s32 s4, s20  }
0x14: {  	s7 =	simm.s32 $0x0;
	s21 =	sshll.u32 s5, $0x1;
	s5 =	sadd.s32 s22, s3  }
0x15: {  	[timem:s7], [sflag:s23] =	dma.local [hbm:s5], s21  }
0x16: {  	_ =	swait.ge [sflag:s23], s21  }
0x17: {  	s4 =	ssub.s32 $0x0, s21;
	[sflag:s23] =	ssyncset.done $0x0  }
0x18: {  	[sflag:s23] =	ssyncadd.s32 s4;
	_ =	sdelay $0x1  }
0x19: {  	s24 =	simm.s32 $0x1B8B  }
0x1a: {  	_ =	swait.ge [sflag:s24], $0x1  }
0x1b: {  	[sflag:s24] =	ssyncset.done $0x0  }
0x1c: {  	s26 =	simm.s32 $0x1B8E;
	s25 =	sld [smem:$0x3FFE];
	[sflag:s24] =	ssyncadd.s32 $0xFFFFFFFF  }
0x1d: {  	s27 =	simm.s32 $execute0_lowered;
	[smem:$0x3FD2] =	sst s26  }
0x1e: {  	s5 =	sshll.u32 s27, $0x1;
	_ =	strace $0x80000049;
	[dreg:$0x1] =	wrdreg $0xFFFFFFFF  }
0x1f: {  	s28 =	simm.s32 $_size_execute0_lowered;
	s3 =	sadd.s32 s3, s5;
	[dreg:$0x0] =	wrdreg $0x0  }
0x20: {  	s5 =	sshll.u32 s28, $0x1;
	[dreg:$0x2] =	wrdreg s3  }
0x21: {  	[dreg:$0x3] =	wrdreg s5  }
0x22: {  	[dreg:$0x4] =	wrdreg $0xC0  }
0x23: {  	_ =	task [dreg:s7], $0x5FFFF  }
0x24: {  	[dreg:$0x1] =	wrdreg $0xFFFFFFFF  }
0x25: {  	[dreg:$0x0] =	wrdreg $0x60  }
0x26: {  	[dreg:$0x2] =	wrdreg s25  }
0x27: {  	[dreg:$0x3] =	wrdreg s2  }
0x28: {  	[dreg:$0x4] =	wrdreg $0x9  }
0x29: {  	_ =	task.clear_ibuf [dreg:s7], $0x5FFFF;
	_ =	strace $0x90000049  }
0x2a: {  	s29 =	simm.s32 $0x9;
	_ =	strace $0x8000004B  }
0x2b: {  	_ =	swait.ge [sflag:s29], $0x1  }
0x2c: {  	[sflag:s29] =	ssyncadd.s32 $0xFFFFFFFF  }
0x2d: {  	_ =	strace $0x9000004B  }
0x2e: {  	_ =	sfence  }
0x2f: {  	s30 =	sld [smem:$0x0];
	_ =	sdelay $0x2  }
0x30: {  	s31 =	sshll.u32 s1, $0xD;
	s1 =	sshrl.u32 s1, $0x2  }
0x31: {  	s3 =	sand.u32 $0x4000, s31;
	s1 =	sadd.s32 s1, s30  }
0x32: {  	s0 =	sor.u32 s3, s0;
	s1 =	sshll.u32 s1, $0x11  }
0x33: {  	s0 =	sor.u32 s1, s0  }
0x34: {  	s0 =	sadd.s32 $0x8F2B, s0  }
0x35: {  	[sflag:s0] =	ssyncadd.remote.s32 $0x1  }
0x36: {  	_ =	sfence.sel $0xFFFF  }
0x37: {  	[dreg:$0x0] =	wrdreg $0xFFFFFFFF;
	(pc) =	sbr.abs _section_cstart, $3  }
0x38: {  	[dreg:$0x1] =	wrdreg $0xFFFFFFFF  }
0x39: {  	_ =	task.clear_ibuf [dreg:s7], $0x2FFFF;
	_ =	strace $0x9FFFFFFF  }
0x3a: {  	(tm) =	ssettm $0x7FFFFFFF  }
0x3b: {  	_ =	shalt  }
tec
execute0_lowered:
.L_overlay_start_1:
0x0: {  	(tag) =	ssettag $0x1  }
0x1: {  	s0 =	stileid.u32;
	s6 =	rddreg [dreg:$0x0]  }
0x2: {  	s2 =	rddreg [dreg:$0x1];
	s5 =	srdreg.scid  }
0x3: {  	s31 =	simm.s32 $0x2;
	s13 =	simm.s32 $0x0;
	s1 =	sshll.u32 s0, $0x7  }
0x4: {  	s14 =	simm.s32 $0x0;
	s12 =	simm.s32 $0x0;
	s3 =	sand.u32 $0x380, s1  }
0x5: {  	s5 =	sshll.u32 s5, $0x4;
	s6 =	sadd.s32 $0x8800, s6;
	s4 =	ssub.s32 $0x400, s3  }
0x6: {  	s1 =	rddreg [dreg:$0x2];
	_ =	strace $0x8000004A;
	s7 =	sand.u32 $0x380, s4  }
0x7: {  	s5 =	sand.u32 $0x10, s5;
	p0 =	sne.s32 s7, $0x0;
	s7 =	simm.s32 $0x1  }
.Ltmp0:
0x8: {  	s8 =	sshrl.u32 s4, $0xA;
	s7 =	simm.s32 @!p0 $0x0;
	(pc) =	sbr.rel .LBB1_1-.Ltmp0, $4  }
0x9: {  	s9 =	sor.u32 s0, s5;
	s4 =	simm.s32 $0x1;
	s30 =	sadd.s32 s7, s8  }
0xa: {  	s11 =	smov.u32 s3;
	[sflag:s4] =	ssyncpa.u1 $0x0;
	s5 =	smul.u32 $0x32, s30  }
0xb: {  	[sflag:s31] =	ssyncpa.u1 $0x0;
	p0 =	por $0x0, $0x0;
	s7 =	sshrl.u32 s9, $0x3  }
0xc: {  	s9 =	simm.s32 $0x2000;
	s10 =	smov.u32 s7;
	s8 =	sor.u32 $0x1, s5  }
.LBB1_4:
0xd: {  	s17 =	sand.u32 $0x1F80, s14;
	s13 =	sshll.u32 s13, $0xD  }
0xe: {  	[tilespmem:s16+$0x810 ss:$0x81] =	vst.msk $0xffff, v2;
	s18 =	sshrl.u32 s14, $0x3;
	s31 =	sand.u32 $0x7, s14;
	s17 =	sadd.s32 s2, s17  }
0xf: {  	[tilespmem:s16+$0x1020 ss:$0x81] =	vst.msk $0xffff, v0;
	s18 =	sand.u32 $0xF, s18;
	s14 =	sshll.u32 s31, $0x12;
	s13 =	sadd.s32 s13, s17  }
0x10: {  	[tilespmem:s16+$0x0 ss:$0x81] =	vst.msk $0xffff, v1;
	s14 =	sor.u32 $0x400, s14;
	s13 =	sadd.s32 s18, s13  }
0x11: {  	[hbm4b:s13+s14] =	stream.strided.scatter [tilespmem:s15], [sflag:$0x2], $0x2000, s9, s14, $0x20;
	[tilespmem:$0x8080] =	vst v63  }
.LBB1_5:
0x12: {  	s15 =	sadd.s32 $0x4, s10  }
0x13: {  	s13 =	sadd.s32 $0x400, s11;
	s17 =	smov.u32 s11;
	p2 =	sgt.s32 s15, $0xC7  }
0x14: {  	s17 =	smov.u32 @p2 s13  }
0x15: {  	s15 =	smov.u32 @p2 s7;
	p2 =	sgt.s32 s17, $0x3FF  }
0x16: {  	s17 =	smov.u32 @p2 s3;
	p2 =	sne.s32 s12, s8  }
.Ltmp1:
0x17: {  	p1 =	slt.u32 s12, $0x2;
	(pc) =	sbr.rel @!p2 .LBB1_6-.Ltmp1, $4  }
0x18: {  	s16 =	simm.s32 @!p1 $0x2  }
0x19: {  	s14 =	smov.u32 s11;
	p0 =	por !p0, !p0;
	_ =	swait.ge @!p1 [sflag:s16], $0x2000  }
0x1a: {  	s13 =	smov.u32 s10;
	[sflag:s16] =	ssyncset.done @!p1 $0x0;
	s10 =	smov.u32 s15  }
0x1b: {  	s12 =	sadd.s32 $0x1, s12;
	[sflag:s16] =	ssyncadd.s32 @!p1 $0xFFFFE000;
	s11 =	smov.u32 s17  }
.LBB1_1:
0x1c: {  	p1 =	sge.u32 s12, s5  }
0x1d: {  	s15 =	sand.u32 @!p1 $0x1FFFFFF, s10  }
0x1e: {  	s16 =	smulhi.u32 @!p1 $0x147AE15, s15;
	_ =	sdelay $0x1  }
0x1f: {  	s16 =	smul.u32 @!p1 $0xC8, s16  }
0x20: {  	s17 =	sxor.u32 @!p1 $0xFFFFFFFF, s12;
	s18 =	smul.u32 @!p1 $0xC80, s11  }
0x21: {  	s31 =	sadd.s32 $0xFFFFFFFF, s12;
	s17 =	sshll.u32 @!p1 s17, $0xD;
	s15 =	ssub.s32 @!p1 s15, s16  }
0x22: {  	s16 =	sand.u32 @!p1 $0x2000, s17;
	s17 =	sadd.s32 @!p1 s6, s18;
	s15 =	sshll.u32 @!p1 s15, $0x4  }
0x23: {  	s18 =	simm.s32 @!p1 $0x6400;
	s15 =	sadd.s32 @!p1 s15, s17;
	s17 =	simm.s32 @!p1 $0x40  }
0x24: {  	[tilespmem:s16], [sflag:$0x1] =	stream.strided.gather @!p1 [hbm4b:s15+s17], $0x2000, s18, s17, $0x38;
	[tilespmem:$0x8080] =	vst v63  }
0x25: {  	p1 =	sge.u32 s31, s5  }
.Ltmp2:
0x26: {  	_ = 	snop;
	(pc) =	sbr.rel @p1 .LBB1_5-.Ltmp2, $1  }
0x27: {  	_ =	sdelay $0x3  }
0x28: {  	s15 =	simm.s32 $0x1  }
0x29: {  	_ =	swait.ge [sflag:s4], $0x2000;
	s15 =	simm.s32 @!p0 $0x0  }
0x2a: {  	[sflag:s4] =	ssyncset.done $0x0;
	s16 =	sshll.u32 s15, $0xD  }
0x2b: {  	[sflag:s4] =	ssyncadd.s32 $0xFFFFE000;
	s19 =	sor.u32 $0x20, s16  }
0x2c: {  	s15 =	smul.u32 $0x8100, s15;
	v3 =	vld [tilespmem:s19+$0x10]  }
0x2d: {  	s30 =	sand.u32 $0x1, s12;
	v2 =	vld [tilespmem:s19+$0xFFFFFFF0]  }
0x2e: {  	s16 =	smul.u32 $0x8100, s30;
	s15 =	sshrl.u32 s15, $0x2;
	v0 =	vld [tilespmem:s19+$0x0]  }
0x2f: {  	v1 =	vld [tilespmem:s19+$0xFFFFFFE0];
	s17 =	sor.u32 $0x4000, s15  }
0x30: {  	s31 =	sshrl.u32 s16, $0x2;
	s16 =	sadd.s32 $0x0, s17  }
0x31: {  	s18 =	simm.s32 $0x4;
	s19 =	sadd.s32 $0x40, s19;
	s15 =	sor.u32 $0x4000, s31;
	[tilespmem:s16+$0x1830 ss:$0x81] =	vst.msk $0xffff, v3  }
.LBB1_3:
0x32: {  	v3 =	vld [tilespmem:s19+$0x10];
	p1 =	sne.s32 s18, $0x1FC;
	[tilespmem:s16+$0x810 ss:$0x81] =	vst.msk $0xffff, v2;
	s20 =	smov.u32 s18;
	s18 =	sadd.s32 $0x4, s18  }
.Ltmp3:
0x33: {  	v2 =	vld [tilespmem:s19+$0xFFFFFFF0];
	[tilespmem:s16+$0x1020 ss:$0x81] =	vst.msk $0xffff, v0;
	(pc) =	sbr.rel @p1 .LBB1_3-.Ltmp3, $4  }
0x34: {  	v0 =	vld [tilespmem:s19+$0x0];
	[tilespmem:s16+$0x0 ss:$0x81] =	vst.msk $0xffff, v1  }
0x35: {  	s16 =	sshra.s32 s20, $0x2;
	v1 =	vld [tilespmem:s19+$0xFFFFFFE0]  }
0x36: {  	s16 =	sadd.s32 s16, s17  }
0x37: {  	s19 =	sadd.s32 $0x40, s19;
	[tilespmem:s16+$0x1830 ss:$0x81] =	vst.msk $0xffff, v3  }
.Ltmp4:
0x38: {  	_ = 	snop;
	(pc) =	sbr.rel .LBB1_4-.Ltmp4, $1  }
0x39: {  	_ =	sdelay $0x3  }
.LBB1_6:
0x3a: {  	_ =	sfence.sel $0x180000  }
0x3b: {  	s2 =	simm.s32 $0x1;
	[bflag:$0x0] =	sbarrier.arrive $0xFFFF  }
0x3c: {  	s31 =	simm.s32 $0x2;
	[sflag:s2] =	ssyncpa.u1 $0x1  }
0x3d: {  	[sflag:s31] =	ssyncpa.u1 $0x1  }
0x3e: {  	p0 =	sne.s32 s0, $0x0;
	_ =	strace $0x9000004A  }
0x3f: {  	s0 =	sadd.s32 @!p0 $0x100000, s1;
	[bflag:$0x2] =	sbarrier.arrive $0xFFFF  }
0x40: {  	[sflag:s0] =	ssyncadd.tile.s32 @!p0 $0x1;
	_ =	shalt  }
.Lfunc_end1:
_tile_overlayer_lowered:
.L_overlay_start_2:
0x41: {  	(tag) =	ssettag $0x2  }
0x42: {  	s0 =	rddreg [dreg:$0x0];
	s2 =	stileid.u32  }
0x43: {  	s1 =	rddreg [dreg:$0x1];
	p0 =	sne.s32 s2, $0x0  }
0x44: {  	s3 =	rddreg [dreg:$0x2];
	[bflag:$0x3] =	sbarrier.arrive $0xFFFF;
	s2 =	simm.s32 @!p0 $0x1C01  }
0x45: {  	[timem:s3], [sflag:s2] =	dma.local @!p0 [hbm:s0], s1  }
0x46: {  	s0 =	simm.s32 @!p0 $0x1  }
0x47: {  	_ =	swait.ge @!p0 [sflag:s0], s1  }
0x48: {  	s1 =	ssub.s32 @!p0 $0x0, s1;
	[sflag:s0] =	ssyncset.done @!p0 $0x0  }
0x49: {  	[sflag:s0] =	ssyncadd.s32 @!p0 s1  }
0x4a: {  	[bflag:$0x3] =	sbarrier.arrive $0xFFFF  }
0x4b: {  	_ =	shalt  }

</sc_bundles>
